<compile_context>
chip_gen: v7x
topology: tpu7x:2x2x1
jax: 0.10.2.dev20260603
libtpu: 0.0.44.dev20260713+nightly
codegen_flags: <defaults>
</compile_context>

<pallas_src>
import functools

import jax
import jax.numpy as jnp
from jax import lax
from jax.experimental import pallas as pl
from jax.experimental.pallas import tpu as pltpu
from jax.experimental.pallas import tpu_sc as plsc

NC = 2
NS = 16
LANES = 16
CH = 80

_f32 = jnp.float32


def _sc_mesh():
    return plsc.VectorSubcoreMesh(core_axis_name="c", subcore_axis_name="s")


def _make_hist(n_pad, k):
    stripe = n_pad // NS
    nz = stripe // 128

    @functools.partial(
        pl.kernel,
        out_type=jax.ShapeDtypeStruct((NC * n_pad, LANES), _f32),
        mesh=_sc_mesh(),
        scratch_types=[
            pltpu.VMEM((k, CH), jnp.int32),
            pltpu.VMEM((CH, LANES), _f32),
            pltpu.VMEM((128, LANES), _f32),
            pltpu.VMEM_SHARED((n_pad, LANES), _f32),
            pltpu.SemaphoreType.DMA,
        ],
    )
    def hist(dst_hbm, out_hbm, dst_v, ones_v, z_v, acc, sem):
        cid = lax.axis_index("c")
        sid = lax.axis_index("s")
        wid = cid * NS + sid

        onehot = jnp.where(lax.iota(jnp.int32, LANES) == 0, 1.0, 0.0)
        zrow = jnp.zeros((LANES,), _f32)

        @pl.loop(0, 128)
        def _(r):
            z_v[r] = zrow

        @pl.loop(0, CH)
        def _(r):
            ones_v[r] = onehot

        for t in range(nz):
            pltpu.sync_copy(z_v, acc.at[pl.ds(sid * stripe + t * 128, 128)])
        plsc.subcore_barrier()

        pltpu.async_copy(dst_hbm.at[wid], dst_v, sem).wait()

        fire = 25
        assert k % fire == 0

        @pl.loop(0, k, step=fire)
        def _(j0):
            for t in range(fire):
                pltpu.async_copy(ones_v, acc.at[dst_v.at[j0 + t]], sem, add=True)
            for t in range(fire):
                pltpu.make_async_copy(ones_v, acc.at[dst_v.at[j0 + t]], sem).wait()

        plsc.subcore_barrier()
        pltpu.sync_copy(
            acc.at[pl.ds(sid * stripe, stripe)],
            out_hbm.at[pl.ds(cid * n_pad + sid * stripe, stripe)],
        )

    return hist


def _make_scatter(n, n_pad, d, ng):
    stripe = n_pad // NS
    assert ng % 2 == 0

    @functools.partial(
        pl.kernel,
        out_type=jax.ShapeDtypeStruct((NC * n_pad, d), _f32),
        mesh=_sc_mesh(),
        scratch_types=[
            pltpu.VMEM((3, CH), jnp.int32),
            pltpu.VMEM((3, CH), jnp.int32),
            pltpu.VMEM((3, CH), jnp.int32),
            pltpu.VMEM((3, CH), jnp.int32),
            [pltpu.VMEM((CH, d), _f32) for _ in range(3)],
            pltpu.VMEM_SHARED((n_pad, d), _f32),
            pltpu.SemaphoreType.DMA,
            pltpu.SemaphoreType.DMA,
            [pltpu.SemaphoreType.DMA for _ in range(3)],
            [pltpu.SemaphoreType.DMA for _ in range(3)],
        ],
    )
    def scatter(rows_hbm, src_hbm, dst_hbm, zeros_hbm, out_hbm,
                sba, dba, sbb, dbb, bufs, acc, isema, isemb, gsem, ssem):
        cid = lax.axis_index("c")
        sid = lax.axis_index("s")
        wid = cid * NS + sid
        mes = src_hbm.at[wid]
        med = dst_hbm.at[wid]

        pltpu.sync_copy(zeros_hbm, acc.at[pl.ds(sid * stripe, stripe)])
        plsc.subcore_barrier()

        pltpu.sync_copy(mes.at[0], sba)
        pltpu.sync_copy(med.at[0], dba)
        for t in range(3):
            pltpu.async_copy(rows_hbm.at[sba.at[t]], bufs[t], gsem[t])
        pltpu.async_copy(mes.at[1], sbb, isemb)
        pltpu.async_copy(med.at[1], dbb, isemb)

        def half(g, sb, db, isem_this, sb_next, db_next, isem_next, last):
            for t in range(3):
                pltpu.make_async_copy(rows_hbm.at[sb.at[t]],
                                      bufs[t], gsem[t]).wait()
                pltpu.async_copy(bufs[t], acc.at[db.at[t]], ssem[t],
                                 add=True)
            pltpu.make_async_copy(mes.at[g + 1], sb_next, isem_next).wait()
            pltpu.make_async_copy(med.at[g + 1], db_next, isem_next).wait()
            for t in range(3):
                pltpu.make_async_copy(bufs[t], acc.at[db.at[t]],
                                      ssem[t]).wait()
                pltpu.async_copy(rows_hbm.at[sb_next.at[t]],
                                 bufs[t], gsem[t])
            if last is None:
                pltpu.async_copy(mes.at[g + 2], sb, isem_this)
                pltpu.async_copy(med.at[g + 2], db, isem_this)
            else:
                @pl.when(last)
                def _():
                    pltpu.async_copy(mes.at[g + 2], sb, isem_this)
                    pltpu.async_copy(med.at[g + 2], db, isem_this)

        @pl.loop(0, ng, step=2)
        def _(g):
            half(g, sba, dba, isema, sbb, dbb, isemb, None)
            half(g + 1, sbb, dbb, isemb, sba, dba, isema, g + 3 <= ng)

        for t in range(3):
            pltpu.make_async_copy(rows_hbm.at[sba.at[t]],
                                  bufs[t], gsem[t]).wait()

        plsc.subcore_barrier()
        pltpu.sync_copy(
            acc.at[pl.ds(sid * stripe, stripe)],
            out_hbm.at[pl.ds(cid * n_pad + sid * stripe, stripe)],
        )

    return scatter


def _pair_spec(blk, w):
    return pl.BlockSpec((2, blk, w), lambda i: (0, i, 0))


def _cnt_spec(blk):
    return pl.BlockSpec((2, blk, LANES), lambda i: (0, i, 0))


def _mm_body(x_ref, w_ref, o_ref):
    o_ref[...] = jnp.dot(x_ref[...], w_ref[...], preferred_element_type=_f32)


def _tc_matmul(x, w, blk):
    n, din = x.shape
    dout = w.shape[1]
    return pl.pallas_call(
        _mm_body,
        grid=(n // blk,),
        in_specs=[
            pl.BlockSpec((blk, din), lambda i: (i, 0)),
            pl.BlockSpec((din, dout), lambda i: (0, 0)),
        ],
        out_specs=pl.BlockSpec((blk, dout), lambda i: (i, 0)),
        out_shape=jax.ShapeDtypeStruct((n, dout), _f32),
    )(x, w)


def _dinv_of(c3_ref):
    deg = 1.0 + c3_ref[0, :, 0:1] + c3_ref[1, :, 0:1]
    return lax.rsqrt(deg)


def _pre_body(c3_ref, g_ref, hp_ref):
    hp_ref[...] = g_ref[...] * _dinv_of(c3_ref)


def _tc_pre(cnt3, g, blk):
    n, d = g.shape
    return pl.pallas_call(
        _pre_body,
        grid=(n // blk,),
        in_specs=[
            _cnt_spec(blk),
            pl.BlockSpec((blk, d), lambda i: (i, 0)),
        ],
        out_specs=pl.BlockSpec((blk, d), lambda i: (i, 0)),
        out_shape=jax.ShapeDtypeStruct((n, d), _f32),
    )(cnt3, g)


def _mid_body(s_ref, hp_ref, c3_ref, b_ref, w_ref, h_ref, hp2_ref):
    dinv = _dinv_of(c3_ref)
    t = dinv * (s_ref[0] + s_ref[1] + hp_ref[...]) + b_ref[...]
    h = jnp.maximum(t, 0.0)
    h_ref[...] = h
    hp2_ref[...] = dinv * jnp.dot(h, w_ref[...], preferred_element_type=_f32)


def _tc_mid(s13, h1p, cnt3, b1, w2, blk):
    n, d = h1p.shape
    sds = jax.ShapeDtypeStruct((n, d), _f32)
    return pl.pallas_call(
        _mid_body,
        grid=(n // blk,),
        in_specs=[
            _pair_spec(blk, d),
            pl.BlockSpec((blk, d), lambda i: (i, 0)),
            _cnt_spec(blk),
            pl.BlockSpec((1, d), lambda i: (0, 0)),
            pl.BlockSpec((d, d), lambda i: (0, 0)),
        ],
        out_specs=[
            pl.BlockSpec((blk, d), lambda i: (i, 0)),
            pl.BlockSpec((blk, d), lambda i: (i, 0)),
        ],
        out_shape=[sds, sds],
    )(s13, h1p, cnt3, b1, w2)


def _post_body(s_ref, hp_ref, c3_ref, b_ref, o_ref):
    dinv = _dinv_of(c3_ref)
    o_ref[...] = dinv * (s_ref[0] + s_ref[1] + hp_ref[...]) + b_ref[...]


def _tc_post(s23, h2p, cnt3, b2, blk):
    n, d = h2p.shape
    return pl.pallas_call(
        _post_body,
        grid=(n // blk,),
        in_specs=[
            _pair_spec(blk, d),
            pl.BlockSpec((blk, d), lambda i: (i, 0)),
            _cnt_spec(blk),
            pl.BlockSpec((1, d), lambda i: (0, 0)),
        ],
        out_specs=pl.BlockSpec((blk, d), lambda i: (i, 0)),
        out_shape=jax.ShapeDtypeStruct((n, d), _f32),
    )(s23, h2p, cnt3, b2)


def kernel(x, edge_index, W1, b1, W2, b2):
    n, _ = x.shape
    e = edge_index.shape[1]
    d = W1.shape[1]
    nw = NC * NS
    assert e % (nw * CH) == 0
    k = e // (nw * CH)
    n_pad = ((n + 2047) // 2048) * 2048

    src3 = edge_index[0].reshape(nw, k, CH)
    dst3 = edge_index[1].reshape(nw, k, CH)
    zeros = jnp.zeros((n_pad // NS, d), _f32)

    ng = -(-k // 3)
    ng += ng % 2
    n_dummy = 3 * (ng + 1) - k
    src_d = jnp.broadcast_to((jnp.arange(CH) * 127) % n,
                             (nw, n_dummy, CH)).astype(jnp.int32)
    dst_d = jnp.broadcast_to(n + jnp.arange(CH),
                             (nw, n_dummy, CH)).astype(jnp.int32)
    src5 = jnp.concatenate([src3, src_d], axis=1).reshape(nw, ng + 1, 3, CH)
    dst5 = jnp.concatenate([dst3, dst_d], axis=1).reshape(nw, ng + 1, 3, CH)

    hist = _make_hist(n_pad, k)
    scat = _make_scatter(n, n_pad, d, ng)
    blk = 1000

    cnt3 = hist(dst3).reshape(NC, n_pad, LANES)
    g1 = _tc_matmul(x, W1, blk)

    h1p = _tc_pre(cnt3, g1, blk)
    s13 = scat(h1p, src5, dst5, zeros).reshape(NC, n_pad, d)
    h1, h2p = _tc_mid(s13, h1p, cnt3, b1.reshape(1, d), W2, blk)
    s23 = scat(h2p, src5, dst5, zeros).reshape(NC, n_pad, d)
    out = _tc_post(s23, h2p, cnt3, b2.reshape(1, d), blk)
    return (h1, out)

# --- scband reference (transcript-rebuilt; emitter-appended) ---
"""Pipeline reference for scband-gcn-24756191494784 (READ-ONLY COPY).

The authoritative reference and input builder live on the scoring server;
editing this copy changes nothing except your own understanding.
"""

import jax, jax.numpy as jnp
import numpy as np


def gcn_conv(x, edge_index, W, b):
    # GCNConv with symmetric normalization and self-loops:
    # out = D^{-1/2} (A + I) D^{-1/2} X W + b
    N = x.shape[0]
    src = edge_index[0]
    dst = edge_index[1]
    # degree including self-loop
    deg = jnp.zeros((N,), jnp.float32).at[dst].add(1.0) + 1.0
    dinv = jax.lax.rsqrt(deg)
    h = x @ W
    norm = dinv[src] * dinv[dst]
    agg = jnp.zeros_like(h).at[dst].add(h[src] * norm[:, None])
    out = agg + h * (dinv * dinv)[:, None] + b
    return out


def setup_inputs(seed: int = 0):
    key = jax.random.key(seed)
    k1, k2, k3, k4, k5, k6 = jax.random.split(key, 6)
    N, E = 10000, 320000
    Din, Dh, Dout = 128, 128, 128
    x = jax.random.normal(k1, (N, Din), jnp.float32)
    edge_index = jax.random.randint(k2, (2, E), 0, N, dtype=jnp.int32)
    W1 = jax.random.normal(k3, (Din, Dh), jnp.float32) * (1.0 / np.sqrt(Din))
    b1 = jnp.zeros((Dh,), jnp.float32)
    W2 = jax.random.normal(k4, (Dh, Dout), jnp.float32) * (1.0 / np.sqrt(Dh))
    b2 = jnp.zeros((Dout,), jnp.float32)
    return {"x": x, "edge_index": edge_index, "W1": W1, "b1": b1, "W2": W2, "b2": b2}


def reference(x, edge_index, W1, b1, W2, b2):
    h = gcn_conv(x, edge_index, W1, b1)
    h = jax.nn.relu(h)
    # dropout is identity in eval mode
    out = gcn_conv(h, edge_index, W2, b2)
    return (h, out)

if __name__ == "__main__":
    import jax
    _d = setup_inputs()
    print(jax.jit(kernel)(*tuple(_d.values())))

</pallas_src>

<mosaic_0001>
#map = affine_map<(d0, d1) -> (0, 0)>
#map1 = affine_map<(d0, d1) -> (0, 0, 0, 0)>
module attributes {stable_mosaic.version = 14 : i64} {
  func.func @scatter(%arg0: i32, %arg1: i32, %arg2: memref<10000x128xf32, #tpu.memory_space<hbm>>, %arg3: memref<32x43x3x80xi32, #tpu.memory_space<hbm>>, %arg4: memref<32x43x3x80xi32, #tpu.memory_space<hbm>>, %arg5: memref<640x128xf32, #tpu.memory_space<hbm>>, %arg6: memref<20480x128xf32, #tpu.memory_space<hbm>>, %arg7: memref<3x80xi32, #tpu.memory_space<vmem>>, %arg8: memref<3x80xi32, #tpu.memory_space<vmem>>, %arg9: memref<3x80xi32, #tpu.memory_space<vmem>>, %arg10: memref<3x80xi32, #tpu.memory_space<vmem>>, %arg11: memref<80x128xf32, #tpu.memory_space<vmem>>, %arg12: memref<80x128xf32, #tpu.memory_space<vmem>>, %arg13: memref<80x128xf32, #tpu.memory_space<vmem>>, %arg14: memref<10240x128xf32, #tpu.memory_space<vmem_shared>>, %arg15: memref<!tpu.dma_semaphore, #tpu.memory_space<semaphore_mem>>, %arg16: memref<!tpu.dma_semaphore, #tpu.memory_space<semaphore_mem>>, %arg17: memref<!tpu.dma_semaphore, #tpu.memory_space<semaphore_mem>>, %arg18: memref<!tpu.dma_semaphore, #tpu.memory_space<semaphore_mem>>, %arg19: memref<!tpu.dma_semaphore, #tpu.memory_space<semaphore_mem>>, %arg20: memref<!tpu.dma_semaphore, #tpu.memory_space<semaphore_mem>>, %arg21: memref<!tpu.dma_semaphore, #tpu.memory_space<semaphore_mem>>, %arg22: memref<!tpu.dma_semaphore, #tpu.memory_space<semaphore_mem>>) attributes {dimension_semantics = [#tpu.dimension_semantics<core_parallel>, #tpu.dimension_semantics<subcore_parallel>], iteration_bounds = array<i64: 2, 16>, scalar_prefetch = 0 : i64, scratch_operands = 16 : i64, tpu.core_type = #tpu.core_type<sc_vector_subcore>, window_params = [{transform_indices = #map}, {transform_indices = #map1}, {transform_indices = #map1}, {transform_indices = #map}, {transform_indices = #map}]} {
    %mul3A = arith.constant 16 : i32
    %mul3A_0 = arith.muli %arg0, %mul3A : i32
    %add3A = arith.addi %mul3A_0, %arg1 : i32
    %mul3A_1 = arith.constant 640 : i32
    %mul3A_2 = arith.muli %arg1, %mul3A_1 : i32
    "tpu.region"() ({
      %run_scoped3A_94 = tpu.sem_alloc : memref<!tpu.dma_semaphore, #tpu.memory_space<semaphore_mem>>
      %dma_start3A_95 = arith.constant 0 : i32
      %dma_start3A_96 = tpu.memref_slice %arg14[%mul3A_2, %dma_start3A_95] : memref<10240x128xf32, #tpu.memory_space<vmem_shared>> -> memref<640x128xf32, #tpu.memory_space<vmem_shared>>
      tpu.enqueue_dma source(%arg5 : memref<640x128xf32, #tpu.memory_space<hbm>>) target(%dma_start3A_96 : memref<640x128xf32, #tpu.memory_space<vmem_shared>>) target_semaphore(%run_scoped3A_94 : memref<!tpu.dma_semaphore, #tpu.memory_space<semaphore_mem>>)
      %dma_wait3A_97 = arith.constant 0 : i32
      %dma_wait3A_98 = tpu.memref_slice %arg14[%mul3A_2, %dma_wait3A_97] : memref<10240x128xf32, #tpu.memory_space<vmem_shared>> -> memref<640x128xf32, #tpu.memory_space<vmem_shared>>
      tpu.wait_dma2 semaphore(%run_scoped3A_94 : memref<!tpu.dma_semaphore, #tpu.memory_space<semaphore_mem>>) src(%arg5 : memref<640x128xf32, #tpu.memory_space<hbm>>) dst(%dma_wait3A_98 : memref<640x128xf32, #tpu.memory_space<vmem_shared>>)
      tpu.yield
    }) : () -> ()
    %barrier3A = arith.constant 0 : index
    tpu.barrier barrier_id(%barrier3A)
    %run_scoped3A = arith.constant 0 : i32
    "tpu.region"() ({
      %run_scoped3A_94 = tpu.sem_alloc : memref<!tpu.dma_semaphore, #tpu.memory_space<semaphore_mem>>
      %dma_start3A_95 = arith.constant 0 : i32
      %dma_start3A_96 = arith.constant 0 : i32
      %dma_start3A_97 = arith.constant 0 : i32
      %dma_start3A_98 = tpu.memref_slice %arg3[%add3A, %dma_start3A_95, %dma_start3A_96, %dma_start3A_97] : memref<32x43x3x80xi32, #tpu.memory_space<hbm>> -> memref<1x43x3x80xi32, #tpu.memory_space<hbm>>
      %dma_start3A_99 = tpu.memref_squeeze %dma_start3A_98 : memref<1x43x3x80xi32, #tpu.memory_space<hbm>> -> memref<43x3x80xi32, #tpu.memory_space<hbm>>
      %dma_start3A_100 = arith.constant 0 : i32
      %dma_start3A_101 = arith.constant 0 : i32
      %dma_start3A_102 = tpu.memref_slice %dma_start3A_99[%run_scoped3A, %dma_start3A_100, %dma_start3A_101] : memref<43x3x80xi32, #tpu.memory_space<hbm>> -> memref<1x3x80xi32, #tpu.memory_space<hbm>>
      %dma_start3A_103 = tpu.memref_squeeze %dma_start3A_102 : memref<1x3x80xi32, #tpu.memory_space<hbm>> -> memref<3x80xi32, #tpu.memory_space<hbm>>
      %dma_start3A_104 = arith.constant 0 : i32
      %dma_start3A_105 = arith.constant 0 : i32
      %dma_start3A_106 = arith.constant 0 : i32
      %dma_start3A_107 = tpu.memref_slice %arg3[%add3A, %dma_start3A_104, %dma_start3A_105, %dma_start3A_106] : memref<32x43x3x80xi32, #tpu.memory_space<hbm>> -> memref<1x43x3x80xi32, #tpu.memory_space<hbm>>
      %dma_start3A_108 = tpu.memref_squeeze %dma_start3A_107 : memref<1x43x3x80xi32, #tpu.memory_space<hbm>> -> memref<43x3x80xi32, #tpu.memory_space<hbm>>
      %dma_start3A_109 = arith.constant 0 : i32
      %dma_start3A_110 = arith.constant 0 : i32
      %dma_start3A_111 = tpu.memref_slice %dma_start3A_108[%run_scoped3A, %dma_start3A_109, %dma_start3A_110] : memref<43x3x80xi32, #tpu.memory_space<hbm>> -> memref<1x3x80xi32, #tpu.memory_space<hbm>>
      %dma_start3A_112 = tpu.memref_squeeze %dma_start3A_111 : memref<1x3x80xi32, #tpu.memory_space<hbm>> -> memref<3x80xi32, #tpu.memory_space<hbm>>
      tpu.enqueue_dma source(%dma_start3A_112 : memref<3x80xi32, #tpu.memory_space<hbm>>) target(%arg7 : memref<3x80xi32, #tpu.memory_space<vmem>>) target_semaphore(%run_scoped3A_94 : memref<!tpu.dma_semaphore, #tpu.memory_space<semaphore_mem>>)
      %dma_wait3A_113 = arith.constant 0 : i32
      %dma_wait3A_114 = arith.constant 0 : i32
      %dma_wait3A_115 = arith.constant 0 : i32
      %dma_wait3A_116 = tpu.memref_slice %arg3[%add3A, %dma_wait3A_113, %dma_wait3A_114, %dma_wait3A_115] : memref<32x43x3x80xi32, #tpu.memory_space<hbm>> -> memref<1x43x3x80xi32, #tpu.memory_space<hbm>>
      %dma_wait3A_117 = tpu.memref_squeeze %dma_wait3A_116 : memref<1x43x3x80xi32, #tpu.memory_space<hbm>> -> memref<43x3x80xi32, #tpu.memory_space<hbm>>
      %dma_wait3A_118 = arith.constant 0 : i32
      %dma_wait3A_119 = arith.constant 0 : i32
      %dma_wait3A_120 = tpu.memref_slice %dma_wait3A_117[%run_scoped3A, %dma_wait3A_118, %dma_wait3A_119] : memref<43x3x80xi32, #tpu.memory_space<hbm>> -> memref<1x3x80xi32, #tpu.memory_space<hbm>>
      %dma_wait3A_121 = tpu.memref_squeeze %dma_wait3A_120 : memref<1x3x80xi32, #tpu.memory_space<hbm>> -> memref<3x80xi32, #tpu.memory_space<hbm>>
      %dma_wait3A_122 = arith.constant 0 : i32
      %dma_wait3A_123 = arith.constant 0 : i32
      %dma_wait3A_124 = arith.constant 0 : i32
      %dma_wait3A_125 = tpu.memref_slice %arg3[%add3A, %dma_wait3A_122, %dma_wait3A_123, %dma_wait3A_124] : memref<32x43x3x80xi32, #tpu.memory_space<hbm>> -> memref<1x43x3x80xi32, #tpu.memory_space<hbm>>
      %dma_wait3A_126 = tpu.memref_squeeze %dma_wait3A_125 : memref<1x43x3x80xi32, #tpu.memory_space<hbm>> -> memref<43x3x80xi32, #tpu.memory_space<hbm>>
      %dma_wait3A_127 = arith.constant 0 : i32
      %dma_wait3A_128 = arith.constant 0 : i32
      %dma_wait3A_129 = tpu.memref_slice %dma_wait3A_126[%run_scoped3A, %dma_wait3A_127, %dma_wait3A_128] : memref<43x3x80xi32, #tpu.memory_space<hbm>> -> memref<1x3x80xi32, #tpu.memory_space<hbm>>
      %dma_wait3A_130 = tpu.memref_squeeze %dma_wait3A_129 : memref<1x3x80xi32, #tpu.memory_space<hbm>> -> memref<3x80xi32, #tpu.memory_space<hbm>>
      tpu.wait_dma2 semaphore(%run_scoped3A_94 : memref<!tpu.dma_semaphore, #tpu.memory_space<semaphore_mem>>) src(%dma_wait3A_130 : memref<3x80xi32, #tpu.memory_space<hbm>>) dst(%arg7 : memref<3x80xi32, #tpu.memory_space<vmem>>)
      tpu.yield
    }) : () -> ()
    %run_scoped3A_3 = arith.constant 0 : i32
    "tpu.region"() ({
      %run_scoped3A_94 = tpu.sem_alloc : memref<!tpu.dma_semaphore, #tpu.memory_space<semaphore_mem>>
      %dma_start3A_95 = arith.constant 0 : i32
      %dma_start3A_96 = arith.constant 0 : i32
      %dma_start3A_97 = arith.constant 0 : i32
      %dma_start3A_98 = tpu.memref_slice %arg4[%add3A, %dma_start3A_95, %dma_start3A_96, %dma_start3A_97] : memref<32x43x3x80xi32, #tpu.memory_space<hbm>> -> memref<1x43x3x80xi32, #tpu.memory_space<hbm>>
      %dma_start3A_99 = tpu.memref_squeeze %dma_start3A_98 : memref<1x43x3x80xi32, #tpu.memory_space<hbm>> -> memref<43x3x80xi32, #tpu.memory_space<hbm>>
      %dma_start3A_100 = arith.constant 0 : i32
      %dma_start3A_101 = arith.constant 0 : i32
      %dma_start3A_102 = tpu.memref_slice %dma_start3A_99[%run_scoped3A_3, %dma_start3A_100, %dma_start3A_101] : memref<43x3x80xi32, #tpu.memory_space<hbm>> -> memref<1x3x80xi32, #tpu.memory_space<hbm>>
      %dma_start3A_103 = tpu.memref_squeeze %dma_start3A_102 : memref<1x3x80xi32, #tpu.memory_space<hbm>> -> memref<3x80xi32, #tpu.memory_space<hbm>>
      %dma_start3A_104 = arith.constant 0 : i32
      %dma_start3A_105 = arith.constant 0 : i32
      %dma_start3A_106 = arith.constant 0 : i32
      %dma_start3A_107 = tpu.memref_slice %arg4[%add3A, %dma_start3A_104, %dma_start3A_105, %dma_start3A_106] : memref<32x43x3x80xi32, #tpu.memory_space<hbm>> -> memref<1x43x3x80xi32, #tpu.memory_space<hbm>>
      %dma_start3A_108 = tpu.memref_squeeze %dma_start3A_107 : memref<1x43x3x80xi32, #tpu.memory_space<hbm>> -> memref<43x3x80xi32, #tpu.memory_space<hbm>>
      %dma_start3A_109 = arith.constant 0 : i32
      %dma_start3A_110 = arith.constant 0 : i32
      %dma_start3A_111 = tpu.memref_slice %dma_start3A_108[%run_scoped3A_3, %dma_start3A_109, %dma_start3A_110] : memref<43x3x80xi32, #tpu.memory_space<hbm>> -> memref<1x3x80xi32, #tpu.memory_space<hbm>>
      %dma_start3A_112 = tpu.memref_squeeze %dma_start3A_111 : memref<1x3x80xi32, #tpu.memory_space<hbm>> -> memref<3x80xi32, #tpu.memory_space<hbm>>
      tpu.enqueue_dma source(%dma_start3A_112 : memref<3x80xi32, #tpu.memory_space<hbm>>) target(%arg8 : memref<3x80xi32, #tpu.memory_space<vmem>>) target_semaphore(%run_scoped3A_94 : memref<!tpu.dma_semaphore, #tpu.memory_space<semaphore_mem>>)
      %dma_wait3A_113 = arith.constant 0 : i32
      %dma_wait3A_114 = arith.constant 0 : i32
      %dma_wait3A_115 = arith.constant 0 : i32
      %dma_wait3A_116 = tpu.memref_slice %arg4[%add3A, %dma_wait3A_113, %dma_wait3A_114, %dma_wait3A_115] : memref<32x43x3x80xi32, #tpu.memory_space<hbm>> -> memref<1x43x3x80xi32, #tpu.memory_space<hbm>>
      %dma_wait3A_117 = tpu.memref_squeeze %dma_wait3A_116 : memref<1x43x3x80xi32, #tpu.memory_space<hbm>> -> memref<43x3x80xi32, #tpu.memory_space<hbm>>
      %dma_wait3A_118 = arith.constant 0 : i32
      %dma_wait3A_119 = arith.constant 0 : i32
      %dma_wait3A_120 = tpu.memref_slice %dma_wait3A_117[%run_scoped3A_3, %dma_wait3A_118, %dma_wait3A_119] : memref<43x3x80xi32, #tpu.memory_space<hbm>> -> memref<1x3x80xi32, #tpu.memory_space<hbm>>
      %dma_wait3A_121 = tpu.memref_squeeze %dma_wait3A_120 : memref<1x3x80xi32, #tpu.memory_space<hbm>> -> memref<3x80xi32, #tpu.memory_space<hbm>>
      %dma_wait3A_122 = arith.constant 0 : i32
      %dma_wait3A_123 = arith.constant 0 : i32
      %dma_wait3A_124 = arith.constant 0 : i32
      %dma_wait3A_125 = tpu.memref_slice %arg4[%add3A, %dma_wait3A_122, %dma_wait3A_123, %dma_wait3A_124] : memref<32x43x3x80xi32, #tpu.memory_space<hbm>> -> memref<1x43x3x80xi32, #tpu.memory_space<hbm>>
      %dma_wait3A_126 = tpu.memref_squeeze %dma_wait3A_125 : memref<1x43x3x80xi32, #tpu.memory_space<hbm>> -> memref<43x3x80xi32, #tpu.memory_space<hbm>>
      %dma_wait3A_127 = arith.constant 0 : i32
      %dma_wait3A_128 = arith.constant 0 : i32
      %dma_wait3A_129 = tpu.memref_slice %dma_wait3A_126[%run_scoped3A_3, %dma_wait3A_127, %dma_wait3A_128] : memref<43x3x80xi32, #tpu.memory_space<hbm>> -> memref<1x3x80xi32, #tpu.memory_space<hbm>>
      %dma_wait3A_130 = tpu.memref_squeeze %dma_wait3A_129 : memref<1x3x80xi32, #tpu.memory_space<hbm>> -> memref<3x80xi32, #tpu.memory_space<hbm>>
      tpu.wait_dma2 semaphore(%run_scoped3A_94 : memref<!tpu.dma_semaphore, #tpu.memory_space<semaphore_mem>>) src(%dma_wait3A_130 : memref<3x80xi32, #tpu.memory_space<hbm>>) dst(%arg8 : memref<3x80xi32, #tpu.memory_space<vmem>>)
      tpu.yield
    }) : () -> ()
    %dma_start3A = arith.constant 0 : i32
    %dma_start3A_4 = arith.constant 0 : i32
    %dma_start3A_5 = tpu.memref_slice %arg7[%dma_start3A, %dma_start3A_4] : memref<3x80xi32, #tpu.memory_space<vmem>> -> memref<1x80xi32, #tpu.memory_space<vmem>>
    %dma_start3A_6 = tpu.memref_squeeze %dma_start3A_5 : memref<1x80xi32, #tpu.memory_space<vmem>> -> memref<80xi32, #tpu.memory_space<vmem>>
    %dma_start3A_7 = arith.constant 0 : i32
    %dma_start3A_8 = arith.constant 0 : i32
    %dma_start3A_9 = tpu.memref_slice %arg2[%dma_start3A_7, %dma_start3A_8] : memref<10000x128xf32, #tpu.memory_space<hbm>> -> memref<10000x128xf32, #tpu.memory_space<hbm>>
    tpu.enqueue_indirect_dma source(%dma_start3A_9 : memref<10000x128xf32, #tpu.memory_space<hbm>>) target(%arg11 : memref<80x128xf32, #tpu.memory_space<vmem>>) offsets(%dma_start3A_6 : memref<80xi32, #tpu.memory_space<vmem>>) semaphore(%arg17 : memref<!tpu.dma_semaphore, #tpu.memory_space<semaphore_mem>>)
    %dma_start3A_10 = arith.constant 1 : i32
    %dma_start3A_11 = arith.constant 0 : i32
    %dma_start3A_12 = tpu.memref_slice %arg7[%dma_start3A_10, %dma_start3A_11] : memref<3x80xi32, #tpu.memory_space<vmem>> -> memref<1x80xi32, #tpu.memory_space<vmem>>
    %dma_start3A_13 = tpu.memref_squeeze %dma_start3A_12 : memref<1x80xi32, #tpu.memory_space<vmem>> -> memref<80xi32, #tpu.memory_space<vmem>>
    %dma_start3A_14 = arith.constant 0 : i32
    %dma_start3A_15 = arith.constant 0 : i32
    %dma_start3A_16 = tpu.memref_slice %arg2[%dma_start3A_14, %dma_start3A_15] : memref<10000x128xf32, #tpu.memory_space<hbm>> -> memref<10000x128xf32, #tpu.memory_space<hbm>>
    tpu.enqueue_indirect_dma source(%dma_start3A_16 : memref<10000x128xf32, #tpu.memory_space<hbm>>) target(%arg12 : memref<80x128xf32, #tpu.memory_space<vmem>>) offsets(%dma_start3A_13 : memref<80xi32, #tpu.memory_space<vmem>>) semaphore(%arg18 : memref<!tpu.dma_semaphore, #tpu.memory_space<semaphore_mem>>)
    %dma_start3A_17 = arith.constant 2 : i32
    %dma_start3A_18 = arith.constant 0 : i32
    %dma_start3A_19 = tpu.memref_slice %arg7[%dma_start3A_17, %dma_start3A_18] : memref<3x80xi32, #tpu.memory_space<vmem>> -> memref<1x80xi32, #tpu.memory_space<vmem>>
    %dma_start3A_20 = tpu.memref_squeeze %dma_start3A_19 : memref<1x80xi32, #tpu.memory_space<vmem>> -> memref<80xi32, #tpu.memory_space<vmem>>
    %dma_start3A_21 = arith.constant 0 : i32
    %dma_start3A_22 = arith.constant 0 : i32
    %dma_start3A_23 = tpu.memref_slice %arg2[%dma_start3A_21, %dma_start3A_22] : memref<10000x128xf32, #tpu.memory_space<hbm>> -> memref<10000x128xf32, #tpu.memory_space<hbm>>
    tpu.enqueue_indirect_dma source(%dma_start3A_23 : memref<10000x128xf32, #tpu.memory_space<hbm>>) target(%arg13 : memref<80x128xf32, #tpu.memory_space<vmem>>) offsets(%dma_start3A_20 : memref<80xi32, #tpu.memory_space<vmem>>) semaphore(%arg19 : memref<!tpu.dma_semaphore, #tpu.memory_space<semaphore_mem>>)
    %dma_start3A_24 = arith.constant 1 : i32
    %dma_start3A_25 = arith.constant 0 : i32
    %dma_start3A_26 = arith.constant 0 : i32
    %dma_start3A_27 = arith.constant 0 : i32
    %dma_start3A_28 = tpu.memref_slice %arg3[%add3A, %dma_start3A_25, %dma_start3A_26, %dma_start3A_27] : memref<32x43x3x80xi32, #tpu.memory_space<hbm>> -> memref<1x43x3x80xi32, #tpu.memory_space<hbm>>
    %dma_start3A_29 = tpu.memref_squeeze %dma_start3A_28 : memref<1x43x3x80xi32, #tpu.memory_space<hbm>> -> memref<43x3x80xi32, #tpu.memory_space<hbm>>
    %dma_start3A_30 = arith.constant 0 : i32
    %dma_start3A_31 = arith.constant 0 : i32
    %dma_start3A_32 = tpu.memref_slice %dma_start3A_29[%dma_start3A_24, %dma_start3A_30, %dma_start3A_31] : memref<43x3x80xi32, #tpu.memory_space<hbm>> -> memref<1x3x80xi32, #tpu.memory_space<hbm>>
    %dma_start3A_33 = tpu.memref_squeeze %dma_start3A_32 : memref<1x3x80xi32, #tpu.memory_space<hbm>> -> memref<3x80xi32, #tpu.memory_space<hbm>>
    %dma_start3A_34 = arith.constant 0 : i32
    %dma_start3A_35 = arith.constant 0 : i32
    %dma_start3A_36 = arith.constant 0 : i32
    %dma_start3A_37 = tpu.memref_slice %arg3[%add3A, %dma_start3A_34, %dma_start3A_35, %dma_start3A_36] : memref<32x43x3x80xi32, #tpu.memory_space<hbm>> -> memref<1x43x3x80xi32, #tpu.memory_space<hbm>>
    %dma_start3A_38 = tpu.memref_squeeze %dma_start3A_37 : memref<1x43x3x80xi32, #tpu.memory_space<hbm>> -> memref<43x3x80xi32, #tpu.memory_space<hbm>>
    %dma_start3A_39 = arith.constant 0 : i32
    %dma_start3A_40 = arith.constant 0 : i32
    %dma_start3A_41 = tpu.memref_slice %dma_start3A_38[%dma_start3A_24, %dma_start3A_39, %dma_start3A_40] : memref<43x3x80xi32, #tpu.memory_space<hbm>> -> memref<1x3x80xi32, #tpu.memory_space<hbm>>
    %dma_start3A_42 = tpu.memref_squeeze %dma_start3A_41 : memref<1x3x80xi32, #tpu.memory_space<hbm>> -> memref<3x80xi32, #tpu.memory_space<hbm>>
    tpu.enqueue_dma source(%dma_start3A_42 : memref<3x80xi32, #tpu.memory_space<hbm>>) target(%arg9 : memref<3x80xi32, #tpu.memory_space<vmem>>) target_semaphore(%arg16 : memref<!tpu.dma_semaphore, #tpu.memory_space<semaphore_mem>>)
    %dma_start3A_43 = arith.constant 1 : i32
    %dma_start3A_44 = arith.constant 0 : i32
    %dma_start3A_45 = arith.constant 0 : i32
    %dma_start3A_46 = arith.constant 0 : i32
    %dma_start3A_47 = tpu.memref_slice %arg4[%add3A, %dma_start3A_44, %dma_start3A_45, %dma_start3A_46] : memref<32x43x3x80xi32, #tpu.memory_space<hbm>> -> memref<1x43x3x80xi32, #tpu.memory_space<hbm>>
    %dma_start3A_48 = tpu.memref_squeeze %dma_start3A_47 : memref<1x43x3x80xi32, #tpu.memory_space<hbm>> -> memref<43x3x80xi32, #tpu.memory_space<hbm>>
    %dma_start3A_49 = arith.constant 0 : i32
    %dma_start3A_50 = arith.constant 0 : i32
    %dma_start3A_51 = tpu.memref_slice %dma_start3A_48[%dma_start3A_43, %dma_start3A_49, %dma_start3A_50] : memref<43x3x80xi32, #tpu.memory_space<hbm>> -> memref<1x3x80xi32, #tpu.memory_space<hbm>>
    %dma_start3A_52 = tpu.memref_squeeze %dma_start3A_51 : memref<1x3x80xi32, #tpu.memory_space<hbm>> -> memref<3x80xi32, #tpu.memory_space<hbm>>
    %dma_start3A_53 = arith.constant 0 : i32
    %dma_start3A_54 = arith.constant 0 : i32
    %dma_start3A_55 = arith.constant 0 : i32
    %dma_start3A_56 = tpu.memref_slice %arg4[%add3A, %dma_start3A_53, %dma_start3A_54, %dma_start3A_55] : memref<32x43x3x80xi32, #tpu.memory_space<hbm>> -> memref<1x43x3x80xi32, #tpu.memory_space<hbm>>
    %dma_start3A_57 = tpu.memref_squeeze %dma_start3A_56 : memref<1x43x3x80xi32, #tpu.memory_space<hbm>> -> memref<43x3x80xi32, #tpu.memory_space<hbm>>
    %dma_start3A_58 = arith.constant 0 : i32
    %dma_start3A_59 = arith.constant 0 : i32
    %dma_start3A_60 = tpu.memref_slice %dma_start3A_57[%dma_start3A_43, %dma_start3A_58, %dma_start3A_59] : memref<43x3x80xi32, #tpu.memory_space<hbm>> -> memref<1x3x80xi32, #tpu.memory_space<hbm>>
    %dma_start3A_61 = tpu.memref_squeeze %dma_start3A_60 : memref<1x3x80xi32, #tpu.memory_space<hbm>> -> memref<3x80xi32, #tpu.memory_space<hbm>>
    tpu.enqueue_dma source(%dma_start3A_61 : memref<3x80xi32, #tpu.memory_space<hbm>>) target(%arg10 : memref<3x80xi32, #tpu.memory_space<vmem>>) target_semaphore(%arg16 : memref<!tpu.dma_semaphore, #tpu.memory_space<semaphore_mem>>)
    %scan3A = arith.constant 0 : i32
    %scan3A_62 = arith.constant 21 : i32
    %scan3A_63 = arith.addi %scan3A, %scan3A_62 : i32
    %scan3A_64 = arith.constant 1 : i32
    scf.for %scan3A_94 = %scan3A to %scan3A_63 step %scan3A_64  : i32 {
      %mul3A_95 = arith.constant 2 : i32
      %mul3A_96 = arith.muli %scan3A_94, %mul3A_95 : i32
      %add3A_97 = arith.constant 0 : i32
      %add3A_98 = arith.addi %add3A_97, %mul3A_96 : i32
      %dma_wait3A_99 = arith.constant 0 : i32
      %dma_wait3A_100 = arith.constant 0 : i32
      %dma_wait3A_101 = tpu.memref_slice %arg7[%dma_wait3A_99, %dma_wait3A_100] : memref<3x80xi32, #tpu.memory_space<vmem>> -> memref<1x80xi32, #tpu.memory_space<vmem>>
      %dma_wait3A_102 = tpu.memref_squeeze %dma_wait3A_101 : memref<1x80xi32, #tpu.memory_space<vmem>> -> memref<80xi32, #tpu.memory_space<vmem>>
      %dma_wait3A_103 = arith.constant 0 : i32
      %dma_wait3A_104 = arith.constant 0 : i32
      %dma_wait3A_105 = tpu.memref_slice %arg2[%dma_wait3A_103, %dma_wait3A_104] : memref<10000x128xf32, #tpu.memory_space<hbm>> -> memref<10000x128xf32, #tpu.memory_space<hbm>>
      tpu.wait_indirect_dma semaphore(%arg17 : memref<!tpu.dma_semaphore, #tpu.memory_space<semaphore_mem>>) src(%dma_wait3A_105 : memref<10000x128xf32, #tpu.memory_space<hbm>>) dst(%arg11 : memref<80x128xf32, #tpu.memory_space<vmem>>)
      %dma_start3A_106 = arith.constant 0 : i32
      %dma_start3A_107 = arith.constant 0 : i32
      %dma_start3A_108 = tpu.memref_slice %arg8[%dma_start3A_106, %dma_start3A_107] : memref<3x80xi32, #tpu.memory_space<vmem>> -> memref<1x80xi32, #tpu.memory_space<vmem>>
      %dma_start3A_109 = tpu.memref_squeeze %dma_start3A_108 : memref<1x80xi32, #tpu.memory_space<vmem>> -> memref<80xi32, #tpu.memory_space<vmem>>
      %dma_start3A_110 = arith.constant 0 : i32
      %dma_start3A_111 = arith.constant 0 : i32
      %dma_start3A_112 = tpu.memref_slice %arg14[%dma_start3A_110, %dma_start3A_111] : memref<10240x128xf32, #tpu.memory_space<vmem_shared>> -> memref<10240x128xf32, #tpu.memory_space<vmem_shared>>
      tpu.enqueue_indirect_dma source(%arg11 : memref<80x128xf32, #tpu.memory_space<vmem>>) target(%dma_start3A_112 : memref<10240x128xf32, #tpu.memory_space<vmem_shared>>) offsets(%dma_start3A_109 : memref<80xi32, #tpu.memory_space<vmem>>) semaphore(%arg20 : memref<!tpu.dma_semaphore, #tpu.memory_space<semaphore_mem>>) {add = true}
      %dma_wait3A_113 = arith.constant 1 : i32
      %dma_wait3A_114 = arith.constant 0 : i32
      %dma_wait3A_115 = tpu.memref_slice %arg7[%dma_wait3A_113, %dma_wait3A_114] : memref<3x80xi32, #tpu.memory_space<vmem>> -> memref<1x80xi32, #tpu.memory_space<vmem>>
      %dma_wait3A_116 = tpu.memref_squeeze %dma_wait3A_115 : memref<1x80xi32, #tpu.memory_space<vmem>> -> memref<80xi32, #tpu.memory_space<vmem>>
      %dma_wait3A_117 = arith.constant 0 : i32
      %dma_wait3A_118 = arith.constant 0 : i32
      %dma_wait3A_119 = tpu.memref_slice %arg2[%dma_wait3A_117, %dma_wait3A_118] : memref<10000x128xf32, #tpu.memory_space<hbm>> -> memref<10000x128xf32, #tpu.memory_space<hbm>>
      tpu.wait_indirect_dma semaphore(%arg18 : memref<!tpu.dma_semaphore, #tpu.memory_space<semaphore_mem>>) src(%dma_wait3A_119 : memref<10000x128xf32, #tpu.memory_space<hbm>>) dst(%arg12 : memref<80x128xf32, #tpu.memory_space<vmem>>)
      %dma_start3A_120 = arith.constant 1 : i32
      %dma_start3A_121 = arith.constant 0 : i32
      %dma_start3A_122 = tpu.memref_slice %arg8[%dma_start3A_120, %dma_start3A_121] : memref<3x80xi32, #tpu.memory_space<vmem>> -> memref<1x80xi32, #tpu.memory_space<vmem>>
      %dma_start3A_123 = tpu.memref_squeeze %dma_start3A_122 : memref<1x80xi32, #tpu.memory_space<vmem>> -> memref<80xi32, #tpu.memory_space<vmem>>
      %dma_start3A_124 = arith.constant 0 : i32
      %dma_start3A_125 = arith.constant 0 : i32
      %dma_start3A_126 = tpu.memref_slice %arg14[%dma_start3A_124, %dma_start3A_125] : memref<10240x128xf32, #tpu.memory_space<vmem_shared>> -> memref<10240x128xf32, #tpu.memory_space<vmem_shared>>
      tpu.enqueue_indirect_dma source(%arg12 : memref<80x128xf32, #tpu.memory_space<vmem>>) target(%dma_start3A_126 : memref<10240x128xf32, #tpu.memory_space<vmem_shared>>) offsets(%dma_start3A_123 : memref<80xi32, #tpu.memory_space<vmem>>) semaphore(%arg21 : memref<!tpu.dma_semaphore, #tpu.memory_space<semaphore_mem>>) {add = true}
      %dma_wait3A_127 = arith.constant 2 : i32
      %dma_wait3A_128 = arith.constant 0 : i32
      %dma_wait3A_129 = tpu.memref_slice %arg7[%dma_wait3A_127, %dma_wait3A_128] : memref<3x80xi32, #tpu.memory_space<vmem>> -> memref<1x80xi32, #tpu.memory_space<vmem>>
      %dma_wait3A_130 = tpu.memref_squeeze %dma_wait3A_129 : memref<1x80xi32, #tpu.memory_space<vmem>> -> memref<80xi32, #tpu.memory_space<vmem>>
      %dma_wait3A_131 = arith.constant 0 : i32
      %dma_wait3A_132 = arith.constant 0 : i32
      %dma_wait3A_133 = tpu.memref_slice %arg2[%dma_wait3A_131, %dma_wait3A_132] : memref<10000x128xf32, #tpu.memory_space<hbm>> -> memref<10000x128xf32, #tpu.memory_space<hbm>>
      tpu.wait_indirect_dma semaphore(%arg19 : memref<!tpu.dma_semaphore, #tpu.memory_space<semaphore_mem>>) src(%dma_wait3A_133 : memref<10000x128xf32, #tpu.memory_space<hbm>>) dst(%arg13 : memref<80x128xf32, #tpu.memory_space<vmem>>)
      %dma_start3A_134 = arith.constant 2 : i32
      %dma_start3A_135 = arith.constant 0 : i32
      %dma_start3A_136 = tpu.memref_slice %arg8[%dma_start3A_134, %dma_start3A_135] : memref<3x80xi32, #tpu.memory_space<vmem>> -> memref<1x80xi32, #tpu.memory_space<vmem>>
      %dma_start3A_137 = tpu.memref_squeeze %dma_start3A_136 : memref<1x80xi32, #tpu.memory_space<vmem>> -> memref<80xi32, #tpu.memory_space<vmem>>
      %dma_start3A_138 = arith.constant 0 : i32
      %dma_start3A_139 = arith.constant 0 : i32
      %dma_start3A_140 = tpu.memref_slice %arg14[%dma_start3A_138, %dma_start3A_139] : memref<10240x128xf32, #tpu.memory_space<vmem_shared>> -> memref<10240x128xf32, #tpu.memory_space<vmem_shared>>
      tpu.enqueue_indirect_dma source(%arg13 : memref<80x128xf32, #tpu.memory_space<vmem>>) target(%dma_start3A_140 : memref<10240x128xf32, #tpu.memory_space<vmem_shared>>) offsets(%dma_start3A_137 : memref<80xi32, #tpu.memory_space<vmem>>) semaphore(%arg22 : memref<!tpu.dma_semaphore, #tpu.memory_space<semaphore_mem>>) {add = true}
      %add3A_141 = arith.constant 1 : i32
      %add3A_142 = arith.addi %add3A_98, %add3A_141 : i32
      %dma_wait3A_143 = arith.constant 0 : i32
      %dma_wait3A_144 = arith.constant 0 : i32
      %dma_wait3A_145 = arith.constant 0 : i32
      %dma_wait3A_146 = tpu.memref_slice %arg3[%add3A, %dma_wait3A_143, %dma_wait3A_144, %dma_wait3A_145] : memref<32x43x3x80xi32, #tpu.memory_space<hbm>> -> memref<1x43x3x80xi32, #tpu.memory_space<hbm>>
      %dma_wait3A_147 = tpu.memref_squeeze %dma_wait3A_146 : memref<1x43x3x80xi32, #tpu.memory_space<hbm>> -> memref<43x3x80xi32, #tpu.memory_space<hbm>>
      %dma_wait3A_148 = arith.constant 0 : i32
      %dma_wait3A_149 = arith.constant 0 : i32
      %dma_wait3A_150 = tpu.memref_slice %dma_wait3A_147[%add3A_142, %dma_wait3A_148, %dma_wait3A_149] : memref<43x3x80xi32, #tpu.memory_space<hbm>> -> memref<1x3x80xi32, #tpu.memory_space<hbm>>
      %dma_wait3A_151 = tpu.memref_squeeze %dma_wait3A_150 : memref<1x3x80xi32, #tpu.memory_space<hbm>> -> memref<3x80xi32, #tpu.memory_space<hbm>>
      %dma_wait3A_152 = arith.constant 0 : i32
      %dma_wait3A_153 = arith.constant 0 : i32
      %dma_wait3A_154 = arith.constant 0 : i32
      %dma_wait3A_155 = tpu.memref_slice %arg3[%add3A, %dma_wait3A_152, %dma_wait3A_153, %dma_wait3A_154] : memref<32x43x3x80xi32, #tpu.memory_space<hbm>> -> memref<1x43x3x80xi32, #tpu.memory_space<hbm>>
      %dma_wait3A_156 = tpu.memref_squeeze %dma_wait3A_155 : memref<1x43x3x80xi32, #tpu.memory_space<hbm>> -> memref<43x3x80xi32, #tpu.memory_space<hbm>>
      %dma_wait3A_157 = arith.constant 0 : i32
      %dma_wait3A_158 = arith.constant 0 : i32
      %dma_wait3A_159 = tpu.memref_slice %dma_wait3A_156[%add3A_142, %dma_wait3A_157, %dma_wait3A_158] : memref<43x3x80xi32, #tpu.memory_space<hbm>> -> memref<1x3x80xi32, #tpu.memory_space<hbm>>
      %dma_wait3A_160 = tpu.memref_squeeze %dma_wait3A_159 : memref<1x3x80xi32, #tpu.memory_space<hbm>> -> memref<3x80xi32, #tpu.memory_space<hbm>>
      tpu.wait_dma2 semaphore(%arg16 : memref<!tpu.dma_semaphore, #tpu.memory_space<semaphore_mem>>) src(%dma_wait3A_160 : memref<3x80xi32, #tpu.memory_space<hbm>>) dst(%arg9 : memref<3x80xi32, #tpu.memory_space<vmem>>)
      %add3A_161 = arith.constant 1 : i32
      %add3A_162 = arith.addi %add3A_98, %add3A_161 : i32
      %dma_wait3A_163 = arith.constant 0 : i32
      %dma_wait3A_164 = arith.constant 0 : i32
      %dma_wait3A_165 = arith.constant 0 : i32
      %dma_wait3A_166 = tpu.memref_slice %arg4[%add3A, %dma_wait3A_163, %dma_wait3A_164, %dma_wait3A_165] : memref<32x43x3x80xi32, #tpu.memory_space<hbm>> -> memref<1x43x3x80xi32, #tpu.memory_space<hbm>>
      %dma_wait3A_167 = tpu.memref_squeeze %dma_wait3A_166 : memref<1x43x3x80xi32, #tpu.memory_space<hbm>> -> memref<43x3x80xi32, #tpu.memory_space<hbm>>
      %dma_wait3A_168 = arith.constant 0 : i32
      %dma_wait3A_169 = arith.constant 0 : i32
      %dma_wait3A_170 = tpu.memref_slice %dma_wait3A_167[%add3A_162, %dma_wait3A_168, %dma_wait3A_169] : memref<43x3x80xi32, #tpu.memory_space<hbm>> -> memref<1x3x80xi32, #tpu.memory_space<hbm>>
      %dma_wait3A_171 = tpu.memref_squeeze %dma_wait3A_170 : memref<1x3x80xi32, #tpu.memory_space<hbm>> -> memref<3x80xi32, #tpu.memory_space<hbm>>
      %dma_wait3A_172 = arith.constant 0 : i32
      %dma_wait3A_173 = arith.constant 0 : i32
      %dma_wait3A_174 = arith.constant 0 : i32
      %dma_wait3A_175 = tpu.memref_slice %arg4[%add3A, %dma_wait3A_172, %dma_wait3A_173, %dma_wait3A_174] : memref<32x43x3x80xi32, #tpu.memory_space<hbm>> -> memref<1x43x3x80xi32, #tpu.memory_space<hbm>>
      %dma_wait3A_176 = tpu.memref_squeeze %dma_wait3A_175 : memref<1x43x3x80xi32, #tpu.memory_space<hbm>> -> memref<43x3x80xi32, #tpu.memory_space<hbm>>
      %dma_wait3A_177 = arith.constant 0 : i32
      %dma_wait3A_178 = arith.constant 0 : i32
      %dma_wait3A_179 = tpu.memref_slice %dma_wait3A_176[%add3A_162, %dma_wait3A_177, %dma_wait3A_178] : memref<43x3x80xi32, #tpu.memory_space<hbm>> -> memref<1x3x80xi32, #tpu.memory_space<hbm>>
      %dma_wait3A_180 = tpu.memref_squeeze %dma_wait3A_179 : memref<1x3x80xi32, #tpu.memory_space<hbm>> -> memref<3x80xi32, #tpu.memory_space<hbm>>
      tpu.wait_dma2 semaphore(%arg16 : memref<!tpu.dma_semaphore, #tpu.memory_space<semaphore_mem>>) src(%dma_wait3A_180 : memref<3x80xi32, #tpu.memory_space<hbm>>) dst(%arg10 : memref<3x80xi32, #tpu.memory_space<vmem>>)
      %dma_wait3A_181 = arith.constant 0 : i32
      %dma_wait3A_182 = arith.constant 0 : i32
      %dma_wait3A_183 = tpu.memref_slice %arg8[%dma_wait3A_181, %dma_wait3A_182] : memref<3x80xi32, #tpu.memory_space<vmem>> -> memref<1x80xi32, #tpu.memory_space<vmem>>
      %dma_wait3A_184 = tpu.memref_squeeze %dma_wait3A_183 : memref<1x80xi32, #tpu.memory_space<vmem>> -> memref<80xi32, #tpu.memory_space<vmem>>
      %dma_wait3A_185 = arith.constant 0 : i32
      %dma_wait3A_186 = arith.constant 0 : i32
      %dma_wait3A_187 = tpu.memref_slice %arg14[%dma_wait3A_185, %dma_wait3A_186] : memref<10240x128xf32, #tpu.memory_space<vmem_shared>> -> memref<10240x128xf32, #tpu.memory_space<vmem_shared>>
      tpu.wait_indirect_dma semaphore(%arg20 : memref<!tpu.dma_semaphore, #tpu.memory_space<semaphore_mem>>) src(%arg11 : memref<80x128xf32, #tpu.memory_space<vmem>>) dst(%dma_wait3A_187 : memref<10240x128xf32, #tpu.memory_space<vmem_shared>>)
      %dma_start3A_188 = arith.constant 0 : i32
      %dma_start3A_189 = arith.constant 0 : i32
      %dma_start3A_190 = tpu.memref_slice %arg9[%dma_start3A_188, %dma_start3A_189] : memref<3x80xi32, #tpu.memory_space<vmem>> -> memref<1x80xi32, #tpu.memory_space<vmem>>
      %dma_start3A_191 = tpu.memref_squeeze %dma_start3A_190 : memref<1x80xi32, #tpu.memory_space<vmem>> -> memref<80xi32, #tpu.memory_space<vmem>>
      %dma_start3A_192 = arith.constant 0 : i32
      %dma_start3A_193 = arith.constant 0 : i32
      %dma_start3A_194 = tpu.memref_slice %arg2[%dma_start3A_192, %dma_start3A_193] : memref<10000x128xf32, #tpu.memory_space<hbm>> -> memref<10000x128xf32, #tpu.memory_space<hbm>>
      tpu.enqueue_indirect_dma source(%dma_start3A_194 : memref<10000x128xf32, #tpu.memory_space<hbm>>) target(%arg11 : memref<80x128xf32, #tpu.memory_space<vmem>>) offsets(%dma_start3A_191 : memref<80xi32, #tpu.memory_space<vmem>>) semaphore(%arg17 : memref<!tpu.dma_semaphore, #tpu.memory_space<semaphore_mem>>)
      %dma_wait3A_195 = arith.constant 1 : i32
      %dma_wait3A_196 = arith.constant 0 : i32
      %dma_wait3A_197 = tpu.memref_slice %arg8[%dma_wait3A_195, %dma_wait3A_196] : memref<3x80xi32, #tpu.memory_space<vmem>> -> memref<1x80xi32, #tpu.memory_space<vmem>>
      %dma_wait3A_198 = tpu.memref_squeeze %dma_wait3A_197 : memref<1x80xi32, #tpu.memory_space<vmem>> -> memref<80xi32, #tpu.memory_space<vmem>>
      %dma_wait3A_199 = arith.constant 0 : i32
      %dma_wait3A_200 = arith.constant 0 : i32
      %dma_wait3A_201 = tpu.memref_slice %arg14[%dma_wait3A_199, %dma_wait3A_200] : memref<10240x128xf32, #tpu.memory_space<vmem_shared>> -> memref<10240x128xf32, #tpu.memory_space<vmem_shared>>
      tpu.wait_indirect_dma semaphore(%arg21 : memref<!tpu.dma_semaphore, #tpu.memory_space<semaphore_mem>>) src(%arg12 : memref<80x128xf32, #tpu.memory_space<vmem>>) dst(%dma_wait3A_201 : memref<10240x128xf32, #tpu.memory_space<vmem_shared>>)
      %dma_start3A_202 = arith.constant 1 : i32
      %dma_start3A_203 = arith.constant 0 : i32
      %dma_start3A_204 = tpu.memref_slice %arg9[%dma_start3A_202, %dma_start3A_203] : memref<3x80xi32, #tpu.memory_space<vmem>> -> memref<1x80xi32, #tpu.memory_space<vmem>>
      %dma_start3A_205 = tpu.memref_squeeze %dma_start3A_204 : memref<1x80xi32, #tpu.memory_space<vmem>> -> memref<80xi32, #tpu.memory_space<vmem>>
      %dma_start3A_206 = arith.constant 0 : i32
      %dma_start3A_207 = arith.constant 0 : i32
      %dma_start3A_208 = tpu.memref_slice %arg2[%dma_start3A_206, %dma_start3A_207] : memref<10000x128xf32, #tpu.memory_space<hbm>> -> memref<10000x128xf32, #tpu.memory_space<hbm>>
      tpu.enqueue_indirect_dma source(%dma_start3A_208 : memref<10000x128xf32, #tpu.memory_space<hbm>>) target(%arg12 : memref<80x128xf32, #tpu.memory_space<vmem>>) offsets(%dma_start3A_205 : memref<80xi32, #tpu.memory_space<vmem>>) semaphore(%arg18 : memref<!tpu.dma_semaphore, #tpu.memory_space<semaphore_mem>>)
      %dma_wait3A_209 = arith.constant 2 : i32
      %dma_wait3A_210 = arith.constant 0 : i32
      %dma_wait3A_211 = tpu.memref_slice %arg8[%dma_wait3A_209, %dma_wait3A_210] : memref<3x80xi32, #tpu.memory_space<vmem>> -> memref<1x80xi32, #tpu.memory_space<vmem>>
      %dma_wait3A_212 = tpu.memref_squeeze %dma_wait3A_211 : memref<1x80xi32, #tpu.memory_space<vmem>> -> memref<80xi32, #tpu.memory_space<vmem>>
      %dma_wait3A_213 = arith.constant 0 : i32
      %dma_wait3A_214 = arith.constant 0 : i32
      %dma_wait3A_215 = tpu.memref_slice %arg14[%dma_wait3A_213, %dma_wait3A_214] : memref<10240x128xf32, #tpu.memory_space<vmem_shared>> -> memref<10240x128xf32, #tpu.memory_space<vmem_shared>>
      tpu.wait_indirect_dma semaphore(%arg22 : memref<!tpu.dma_semaphore, #tpu.memory_space<semaphore_mem>>) src(%arg13 : memref<80x128xf32, #tpu.memory_space<vmem>>) dst(%dma_wait3A_215 : memref<10240x128xf32, #tpu.memory_space<vmem_shared>>)
      %dma_start3A_216 = arith.constant 2 : i32
      %dma_start3A_217 = arith.constant 0 : i32
      %dma_start3A_218 = tpu.memref_slice %arg9[%dma_start3A_216, %dma_start3A_217] : memref<3x80xi32, #tpu.memory_space<vmem>> -> memref<1x80xi32, #tpu.memory_space<vmem>>
      %dma_start3A_219 = tpu.memref_squeeze %dma_start3A_218 : memref<1x80xi32, #tpu.memory_space<vmem>> -> memref<80xi32, #tpu.memory_space<vmem>>
      %dma_start3A_220 = arith.constant 0 : i32
      %dma_start3A_221 = arith.constant 0 : i32
      %dma_start3A_222 = tpu.memref_slice %arg2[%dma_start3A_220, %dma_start3A_221] : memref<10000x128xf32, #tpu.memory_space<hbm>> -> memref<10000x128xf32, #tpu.memory_space<hbm>>
      tpu.enqueue_indirect_dma source(%dma_start3A_222 : memref<10000x128xf32, #tpu.memory_space<hbm>>) target(%arg13 : memref<80x128xf32, #tpu.memory_space<vmem>>) offsets(%dma_start3A_219 : memref<80xi32, #tpu.memory_space<vmem>>) semaphore(%arg19 : memref<!tpu.dma_semaphore, #tpu.memory_space<semaphore_mem>>)
      %add3A_223 = arith.constant 2 : i32
      %add3A_224 = arith.addi %add3A_98, %add3A_223 : i32
      %dma_start3A_225 = arith.constant 0 : i32
      %dma_start3A_226 = arith.constant 0 : i32
      %dma_start3A_227 = arith.constant 0 : i32
      %dma_start3A_228 = tpu.memref_slice %arg3[%add3A, %dma_start3A_225, %dma_start3A_226, %dma_start3A_227] : memref<32x43x3x80xi32, #tpu.memory_space<hbm>> -> memref<1x43x3x80xi32, #tpu.memory_space<hbm>>
      %dma_start3A_229 = tpu.memref_squeeze %dma_start3A_228 : memref<1x43x3x80xi32, #tpu.memory_space<hbm>> -> memref<43x3x80xi32, #tpu.memory_space<hbm>>
      %dma_start3A_230 = arith.constant 0 : i32
      %dma_start3A_231 = arith.constant 0 : i32
      %dma_start3A_232 = tpu.memref_slice %dma_start3A_229[%add3A_224, %dma_start3A_230, %dma_start3A_231] : memref<43x3x80xi32, #tpu.memory_space<hbm>> -> memref<1x3x80xi32, #tpu.memory_space<hbm>>
      %dma_start3A_233 = tpu.memref_squeeze %dma_start3A_232 : memref<1x3x80xi32, #tpu.memory_space<hbm>> -> memref<3x80xi32, #tpu.memory_space<hbm>>
      %dma_start3A_234 = arith.constant 0 : i32
      %dma_start3A_235 = arith.constant 0 : i32
      %dma_start3A_236 = arith.constant 0 : i32
      %dma_start3A_237 = tpu.memref_slice %arg3[%add3A, %dma_start3A_234, %dma_start3A_235, %dma_start3A_236] : memref<32x43x3x80xi32, #tpu.memory_space<hbm>> -> memref<1x43x3x80xi32, #tpu.memory_space<hbm>>
      %dma_start3A_238 = tpu.memref_squeeze %dma_start3A_237 : memref<1x43x3x80xi32, #tpu.memory_space<hbm>> -> memref<43x3x80xi32, #tpu.memory_space<hbm>>
      %dma_start3A_239 = arith.constant 0 : i32
      %dma_start3A_240 = arith.constant 0 : i32
      %dma_start3A_241 = tpu.memref_slice %dma_start3A_238[%add3A_224, %dma_start3A_239, %dma_start3A_240] : memref<43x3x80xi32, #tpu.memory_space<hbm>> -> memref<1x3x80xi32, #tpu.memory_space<hbm>>
      %dma_start3A_242 = tpu.memref_squeeze %dma_start3A_241 : memref<1x3x80xi32, #tpu.memory_space<hbm>> -> memref<3x80xi32, #tpu.memory_space<hbm>>
      tpu.enqueue_dma source(%dma_start3A_242 : memref<3x80xi32, #tpu.memory_space<hbm>>) target(%arg7 : memref<3x80xi32, #tpu.memory_space<vmem>>) target_semaphore(%arg15 : memref<!tpu.dma_semaphore, #tpu.memory_space<semaphore_mem>>)
      %add3A_243 = arith.constant 2 : i32
      %add3A_244 = arith.addi %add3A_98, %add3A_243 : i32
      %dma_start3A_245 = arith.constant 0 : i32
      %dma_start3A_246 = arith.constant 0 : i32
      %dma_start3A_247 = arith.constant 0 : i32
      %dma_start3A_248 = tpu.memref_slice %arg4[%add3A, %dma_start3A_245, %dma_start3A_246, %dma_start3A_247] : memref<32x43x3x80xi32, #tpu.memory_space<hbm>> -> memref<1x43x3x80xi32, #tpu.memory_space<hbm>>
      %dma_start3A_249 = tpu.memref_squeeze %dma_start3A_248 : memref<1x43x3x80xi32, #tpu.memory_space<hbm>> -> memref<43x3x80xi32, #tpu.memory_space<hbm>>
      %dma_start3A_250 = arith.constant 0 : i32
      %dma_start3A_251 = arith.constant 0 : i32
      %dma_start3A_252 = tpu.memref_slice %dma_start3A_249[%add3A_244, %dma_start3A_250, %dma_start3A_251] : memref<43x3x80xi32, #tpu.memory_space<hbm>> -> memref<1x3x80xi32, #tpu.memory_space<hbm>>
      %dma_start3A_253 = tpu.memref_squeeze %dma_start3A_252 : memref<1x3x80xi32, #tpu.memory_space<hbm>> -> memref<3x80xi32, #tpu.memory_space<hbm>>
      %dma_start3A_254 = arith.constant 0 : i32
      %dma_start3A_255 = arith.constant 0 : i32
      %dma_start3A_256 = arith.constant 0 : i32
      %dma_start3A_257 = tpu.memref_slice %arg4[%add3A, %dma_start3A_254, %dma_start3A_255, %dma_start3A_256] : memref<32x43x3x80xi32, #tpu.memory_space<hbm>> -> memref<1x43x3x80xi32, #tpu.memory_space<hbm>>
      %dma_start3A_258 = tpu.memref_squeeze %dma_start3A_257 : memref<1x43x3x80xi32, #tpu.memory_space<hbm>> -> memref<43x3x80xi32, #tpu.memory_space<hbm>>
      %dma_start3A_259 = arith.constant 0 : i32
      %dma_start3A_260 = arith.constant 0 : i32
      %dma_start3A_261 = tpu.memref_slice %dma_start3A_258[%add3A_244, %dma_start3A_259, %dma_start3A_260] : memref<43x3x80xi32, #tpu.memory_space<hbm>> -> memref<1x3x80xi32, #tpu.memory_space<hbm>>
      %dma_start3A_262 = tpu.memref_squeeze %dma_start3A_261 : memref<1x3x80xi32, #tpu.memory_space<hbm>> -> memref<3x80xi32, #tpu.memory_space<hbm>>
      tpu.enqueue_dma source(%dma_start3A_262 : memref<3x80xi32, #tpu.memory_space<hbm>>) target(%arg8 : memref<3x80xi32, #tpu.memory_space<vmem>>) target_semaphore(%arg15 : memref<!tpu.dma_semaphore, #tpu.memory_space<semaphore_mem>>)
      %add3A_263 = arith.constant 1 : i32
      %add3A_264 = arith.addi %add3A_98, %add3A_263 : i32
      %add3A_265 = arith.constant 3 : i32
      %add3A_266 = arith.addi %add3A_98, %add3A_265 : i32
      %le3A = arith.constant 42 : i32
      %le3A_267 = arith.cmpi sle, %add3A_266, %le3A : i32
      %dma_wait3A_268 = arith.constant 0 : i32
      %dma_wait3A_269 = arith.constant 0 : i32
      %dma_wait3A_270 = tpu.memref_slice %arg9[%dma_wait3A_268, %dma_wait3A_269] : memref<3x80xi32, #tpu.memory_space<vmem>> -> memref<1x80xi32, #tpu.memory_space<vmem>>
      %dma_wait3A_271 = tpu.memref_squeeze %dma_wait3A_270 : memref<1x80xi32, #tpu.memory_space<vmem>> -> memref<80xi32, #tpu.memory_space<vmem>>
      %dma_wait3A_272 = arith.constant 0 : i32
      %dma_wait3A_273 = arith.constant 0 : i32
      %dma_wait3A_274 = tpu.memref_slice %arg2[%dma_wait3A_272, %dma_wait3A_273] : memref<10000x128xf32, #tpu.memory_space<hbm>> -> memref<10000x128xf32, #tpu.memory_space<hbm>>
      tpu.wait_indirect_dma semaphore(%arg17 : memref<!tpu.dma_semaphore, #tpu.memory_space<semaphore_mem>>) src(%dma_wait3A_274 : memref<10000x128xf32, #tpu.memory_space<hbm>>) dst(%arg11 : memref<80x128xf32, #tpu.memory_space<vmem>>)
      %dma_start3A_275 = arith.constant 0 : i32
      %dma_start3A_276 = arith.constant 0 : i32
      %dma_start3A_277 = tpu.memref_slice %arg10[%dma_start3A_275, %dma_start3A_276] : memref<3x80xi32, #tpu.memory_space<vmem>> -> memref<1x80xi32, #tpu.memory_space<vmem>>
      %dma_start3A_278 = tpu.memref_squeeze %dma_start3A_277 : memref<1x80xi32, #tpu.memory_space<vmem>> -> memref<80xi32, #tpu.memory_space<vmem>>
      %dma_start3A_279 = arith.constant 0 : i32
      %dma_start3A_280 = arith.constant 0 : i32
      %dma_start3A_281 = tpu.memref_slice %arg14[%dma_start3A_279, %dma_start3A_280] : memref<10240x128xf32, #tpu.memory_space<vmem_shared>> -> memref<10240x128xf32, #tpu.memory_space<vmem_shared>>
      tpu.enqueue_indirect_dma source(%arg11 : memref<80x128xf32, #tpu.memory_space<vmem>>) target(%dma_start3A_281 : memref<10240x128xf32, #tpu.memory_space<vmem_shared>>) offsets(%dma_start3A_278 : memref<80xi32, #tpu.memory_space<vmem>>) semaphore(%arg20 : memref<!tpu.dma_semaphore, #tpu.memory_space<semaphore_mem>>) {add = true}
      %dma_wait3A_282 = arith.constant 1 : i32
      %dma_wait3A_283 = arith.constant 0 : i32
      %dma_wait3A_284 = tpu.memref_slice %arg9[%dma_wait3A_282, %dma_wait3A_283] : memref<3x80xi32, #tpu.memory_space<vmem>> -> memref<1x80xi32, #tpu.memory_space<vmem>>
      %dma_wait3A_285 = tpu.memref_squeeze %dma_wait3A_284 : memref<1x80xi32, #tpu.memory_space<vmem>> -> memref<80xi32, #tpu.memory_space<vmem>>
      %dma_wait3A_286 = arith.constant 0 : i32
      %dma_wait3A_287 = arith.constant 0 : i32
      %dma_wait3A_288 = tpu.memref_slice %arg2[%dma_wait3A_286, %dma_wait3A_287] : memref<10000x128xf32, #tpu.memory_space<hbm>> -> memref<10000x128xf32, #tpu.memory_space<hbm>>
      tpu.wait_indirect_dma semaphore(%arg18 : memref<!tpu.dma_semaphore, #tpu.memory_space<semaphore_mem>>) src(%dma_wait3A_288 : memref<10000x128xf32, #tpu.memory_space<hbm>>) dst(%arg12 : memref<80x128xf32, #tpu.memory_space<vmem>>)
      %dma_start3A_289 = arith.constant 1 : i32
      %dma_start3A_290 = arith.constant 0 : i32
      %dma_start3A_291 = tpu.memref_slice %arg10[%dma_start3A_289, %dma_start3A_290] : memref<3x80xi32, #tpu.memory_space<vmem>> -> memref<1x80xi32, #tpu.memory_space<vmem>>
      %dma_start3A_292 = tpu.memref_squeeze %dma_start3A_291 : memref<1x80xi32, #tpu.memory_space<vmem>> -> memref<80xi32, #tpu.memory_space<vmem>>
      %dma_start3A_293 = arith.constant 0 : i32
      %dma_start3A_294 = arith.constant 0 : i32
      %dma_start3A_295 = tpu.memref_slice %arg14[%dma_start3A_293, %dma_start3A_294] : memref<10240x128xf32, #tpu.memory_space<vmem_shared>> -> memref<10240x128xf32, #tpu.memory_space<vmem_shared>>
      tpu.enqueue_indirect_dma source(%arg12 : memref<80x128xf32, #tpu.memory_space<vmem>>) target(%dma_start3A_295 : memref<10240x128xf32, #tpu.memory_space<vmem_shared>>) offsets(%dma_start3A_292 : memref<80xi32, #tpu.memory_space<vmem>>) semaphore(%arg21 : memref<!tpu.dma_semaphore, #tpu.memory_space<semaphore_mem>>) {add = true}
      %dma_wait3A_296 = arith.constant 2 : i32
      %dma_wait3A_297 = arith.constant 0 : i32
      %dma_wait3A_298 = tpu.memref_slice %arg9[%dma_wait3A_296, %dma_wait3A_297] : memref<3x80xi32, #tpu.memory_space<vmem>> -> memref<1x80xi32, #tpu.memory_space<vmem>>
      %dma_wait3A_299 = tpu.memref_squeeze %dma_wait3A_298 : memref<1x80xi32, #tpu.memory_space<vmem>> -> memref<80xi32, #tpu.memory_space<vmem>>
      %dma_wait3A_300 = arith.constant 0 : i32
      %dma_wait3A_301 = arith.constant 0 : i32
      %dma_wait3A_302 = tpu.memref_slice %arg2[%dma_wait3A_300, %dma_wait3A_301] : memref<10000x128xf32, #tpu.memory_space<hbm>> -> memref<10000x128xf32, #tpu.memory_space<hbm>>
      tpu.wait_indirect_dma semaphore(%arg19 : memref<!tpu.dma_semaphore, #tpu.memory_space<semaphore_mem>>) src(%dma_wait3A_302 : memref<10000x128xf32, #tpu.memory_space<hbm>>) dst(%arg13 : memref<80x128xf32, #tpu.memory_space<vmem>>)
      %dma_start3A_303 = arith.constant 2 : i32
      %dma_start3A_304 = arith.constant 0 : i32
      %dma_start3A_305 = tpu.memref_slice %arg10[%dma_start3A_303, %dma_start3A_304] : memref<3x80xi32, #tpu.memory_space<vmem>> -> memref<1x80xi32, #tpu.memory_space<vmem>>
      %dma_start3A_306 = tpu.memref_squeeze %dma_start3A_305 : memref<1x80xi32, #tpu.memory_space<vmem>> -> memref<80xi32, #tpu.memory_space<vmem>>
      %dma_start3A_307 = arith.constant 0 : i32
      %dma_start3A_308 = arith.constant 0 : i32
      %dma_start3A_309 = tpu.memref_slice %arg14[%dma_start3A_307, %dma_start3A_308] : memref<10240x128xf32, #tpu.memory_space<vmem_shared>> -> memref<10240x128xf32, #tpu.memory_space<vmem_shared>>
      tpu.enqueue_indirect_dma source(%arg13 : memref<80x128xf32, #tpu.memory_space<vmem>>) target(%dma_start3A_309 : memref<10240x128xf32, #tpu.memory_space<vmem_shared>>) offsets(%dma_start3A_306 : memref<80xi32, #tpu.memory_space<vmem>>) semaphore(%arg22 : memref<!tpu.dma_semaphore, #tpu.memory_space<semaphore_mem>>) {add = true}
      %add3A_310 = arith.constant 1 : i32
      %add3A_311 = arith.addi %add3A_264, %add3A_310 : i32
      %dma_wait3A_312 = arith.constant 0 : i32
      %dma_wait3A_313 = arith.constant 0 : i32
      %dma_wait3A_314 = arith.constant 0 : i32
      %dma_wait3A_315 = tpu.memref_slice %arg3[%add3A, %dma_wait3A_312, %dma_wait3A_313, %dma_wait3A_314] : memref<32x43x3x80xi32, #tpu.memory_space<hbm>> -> memref<1x43x3x80xi32, #tpu.memory_space<hbm>>
      %dma_wait3A_316 = tpu.memref_squeeze %dma_wait3A_315 : memref<1x43x3x80xi32, #tpu.memory_space<hbm>> -> memref<43x3x80xi32, #tpu.memory_space<hbm>>
      %dma_wait3A_317 = arith.constant 0 : i32
      %dma_wait3A_318 = arith.constant 0 : i32
      %dma_wait3A_319 = tpu.memref_slice %dma_wait3A_316[%add3A_311, %dma_wait3A_317, %dma_wait3A_318] : memref<43x3x80xi32, #tpu.memory_space<hbm>> -> memref<1x3x80xi32, #tpu.memory_space<hbm>>
      %dma_wait3A_320 = tpu.memref_squeeze %dma_wait3A_319 : memref<1x3x80xi32, #tpu.memory_space<hbm>> -> memref<3x80xi32, #tpu.memory_space<hbm>>
      %dma_wait3A_321 = arith.constant 0 : i32
      %dma_wait3A_322 = arith.constant 0 : i32
      %dma_wait3A_323 = arith.constant 0 : i32
      %dma_wait3A_324 = tpu.memref_slice %arg3[%add3A, %dma_wait3A_321, %dma_wait3A_322, %dma_wait3A_323] : memref<32x43x3x80xi32, #tpu.memory_space<hbm>> -> memref<1x43x3x80xi32, #tpu.memory_space<hbm>>
      %dma_wait3A_325 = tpu.memref_squeeze %dma_wait3A_324 : memref<1x43x3x80xi32, #tpu.memory_space<hbm>> -> memref<43x3x80xi32, #tpu.memory_space<hbm>>
      %dma_wait3A_326 = arith.constant 0 : i32
      %dma_wait3A_327 = arith.constant 0 : i32
      %dma_wait3A_328 = tpu.memref_slice %dma_wait3A_325[%add3A_311, %dma_wait3A_326, %dma_wait3A_327] : memref<43x3x80xi32, #tpu.memory_space<hbm>> -> memref<1x3x80xi32, #tpu.memory_space<hbm>>
      %dma_wait3A_329 = tpu.memref_squeeze %dma_wait3A_328 : memref<1x3x80xi32, #tpu.memory_space<hbm>> -> memref<3x80xi32, #tpu.memory_space<hbm>>
      tpu.wait_dma2 semaphore(%arg15 : memref<!tpu.dma_semaphore, #tpu.memory_space<semaphore_mem>>) src(%dma_wait3A_329 : memref<3x80xi32, #tpu.memory_space<hbm>>) dst(%arg7 : memref<3x80xi32, #tpu.memory_space<vmem>>)
      %add3A_330 = arith.constant 1 : i32
      %add3A_331 = arith.addi %add3A_264, %add3A_330 : i32
      %dma_wait3A_332 = arith.constant 0 : i32
      %dma_wait3A_333 = arith.constant 0 : i32
      %dma_wait3A_334 = arith.constant 0 : i32
      %dma_wait3A_335 = tpu.memref_slice %arg4[%add3A, %dma_wait3A_332, %dma_wait3A_333, %dma_wait3A_334] : memref<32x43x3x80xi32, #tpu.memory_space<hbm>> -> memref<1x43x3x80xi32, #tpu.memory_space<hbm>>
      %dma_wait3A_336 = tpu.memref_squeeze %dma_wait3A_335 : memref<1x43x3x80xi32, #tpu.memory_space<hbm>> -> memref<43x3x80xi32, #tpu.memory_space<hbm>>
      %dma_wait3A_337 = arith.constant 0 : i32
      %dma_wait3A_338 = arith.constant 0 : i32
      %dma_wait3A_339 = tpu.memref_slice %dma_wait3A_336[%add3A_331, %dma_wait3A_337, %dma_wait3A_338] : memref<43x3x80xi32, #tpu.memory_space<hbm>> -> memref<1x3x80xi32, #tpu.memory_space<hbm>>
      %dma_wait3A_340 = tpu.memref_squeeze %dma_wait3A_339 : memref<1x3x80xi32, #tpu.memory_space<hbm>> -> memref<3x80xi32, #tpu.memory_space<hbm>>
      %dma_wait3A_341 = arith.constant 0 : i32
      %dma_wait3A_342 = arith.constant 0 : i32
      %dma_wait3A_343 = arith.constant 0 : i32
      %dma_wait3A_344 = tpu.memref_slice %arg4[%add3A, %dma_wait3A_341, %dma_wait3A_342, %dma_wait3A_343] : memref<32x43x3x80xi32, #tpu.memory_space<hbm>> -> memref<1x43x3x80xi32, #tpu.memory_space<hbm>>
      %dma_wait3A_345 = tpu.memref_squeeze %dma_wait3A_344 : memref<1x43x3x80xi32, #tpu.memory_space<hbm>> -> memref<43x3x80xi32, #tpu.memory_space<hbm>>
      %dma_wait3A_346 = arith.constant 0 : i32
      %dma_wait3A_347 = arith.constant 0 : i32
      %dma_wait3A_348 = tpu.memref_slice %dma_wait3A_345[%add3A_331, %dma_wait3A_346, %dma_wait3A_347] : memref<43x3x80xi32, #tpu.memory_space<hbm>> -> memref<1x3x80xi32, #tpu.memory_space<hbm>>
      %dma_wait3A_349 = tpu.memref_squeeze %dma_wait3A_348 : memref<1x3x80xi32, #tpu.memory_space<hbm>> -> memref<3x80xi32, #tpu.memory_space<hbm>>
      tpu.wait_dma2 semaphore(%arg15 : memref<!tpu.dma_semaphore, #tpu.memory_space<semaphore_mem>>) src(%dma_wait3A_349 : memref<3x80xi32, #tpu.memory_space<hbm>>) dst(%arg8 : memref<3x80xi32, #tpu.memory_space<vmem>>)
      %dma_wait3A_350 = arith.constant 0 : i32
      %dma_wait3A_351 = arith.constant 0 : i32
      %dma_wait3A_352 = tpu.memref_slice %arg10[%dma_wait3A_350, %dma_wait3A_351] : memref<3x80xi32, #tpu.memory_space<vmem>> -> memref<1x80xi32, #tpu.memory_space<vmem>>
      %dma_wait3A_353 = tpu.memref_squeeze %dma_wait3A_352 : memref<1x80xi32, #tpu.memory_space<vmem>> -> memref<80xi32, #tpu.memory_space<vmem>>
      %dma_wait3A_354 = arith.constant 0 : i32
      %dma_wait3A_355 = arith.constant 0 : i32
      %dma_wait3A_356 = tpu.memref_slice %arg14[%dma_wait3A_354, %dma_wait3A_355] : memref<10240x128xf32, #tpu.memory_space<vmem_shared>> -> memref<10240x128xf32, #tpu.memory_space<vmem_shared>>
      tpu.wait_indirect_dma semaphore(%arg20 : memref<!tpu.dma_semaphore, #tpu.memory_space<semaphore_mem>>) src(%arg11 : memref<80x128xf32, #tpu.memory_space<vmem>>) dst(%dma_wait3A_356 : memref<10240x128xf32, #tpu.memory_space<vmem_shared>>)
      %dma_start3A_357 = arith.constant 0 : i32
      %dma_start3A_358 = arith.constant 0 : i32
      %dma_start3A_359 = tpu.memref_slice %arg7[%dma_start3A_357, %dma_start3A_358] : memref<3x80xi32, #tpu.memory_space<vmem>> -> memref<1x80xi32, #tpu.memory_space<vmem>>
      %dma_start3A_360 = tpu.memref_squeeze %dma_start3A_359 : memref<1x80xi32, #tpu.memory_space<vmem>> -> memref<80xi32, #tpu.memory_space<vmem>>
      %dma_start3A_361 = arith.constant 0 : i32
      %dma_start3A_362 = arith.constant 0 : i32
      %dma_start3A_363 = tpu.memref_slice %arg2[%dma_start3A_361, %dma_start3A_362] : memref<10000x128xf32, #tpu.memory_space<hbm>> -> memref<10000x128xf32, #tpu.memory_space<hbm>>
      tpu.enqueue_indirect_dma source(%dma_start3A_363 : memref<10000x128xf32, #tpu.memory_space<hbm>>) target(%arg11 : memref<80x128xf32, #tpu.memory_space<vmem>>) offsets(%dma_start3A_360 : memref<80xi32, #tpu.memory_space<vmem>>) semaphore(%arg17 : memref<!tpu.dma_semaphore, #tpu.memory_space<semaphore_mem>>)
      %dma_wait3A_364 = arith.constant 1 : i32
      %dma_wait3A_365 = arith.constant 0 : i32
      %dma_wait3A_366 = tpu.memref_slice %arg10[%dma_wait3A_364, %dma_wait3A_365] : memref<3x80xi32, #tpu.memory_space<vmem>> -> memref<1x80xi32, #tpu.memory_space<vmem>>
      %dma_wait3A_367 = tpu.memref_squeeze %dma_wait3A_366 : memref<1x80xi32, #tpu.memory_space<vmem>> -> memref<80xi32, #tpu.memory_space<vmem>>
      %dma_wait3A_368 = arith.constant 0 : i32
      %dma_wait3A_369 = arith.constant 0 : i32
      %dma_wait3A_370 = tpu.memref_slice %arg14[%dma_wait3A_368, %dma_wait3A_369] : memref<10240x128xf32, #tpu.memory_space<vmem_shared>> -> memref<10240x128xf32, #tpu.memory_space<vmem_shared>>
      tpu.wait_indirect_dma semaphore(%arg21 : memref<!tpu.dma_semaphore, #tpu.memory_space<semaphore_mem>>) src(%arg12 : memref<80x128xf32, #tpu.memory_space<vmem>>) dst(%dma_wait3A_370 : memref<10240x128xf32, #tpu.memory_space<vmem_shared>>)
      %dma_start3A_371 = arith.constant 1 : i32
      %dma_start3A_372 = arith.constant 0 : i32
      %dma_start3A_373 = tpu.memref_slice %arg7[%dma_start3A_371, %dma_start3A_372] : memref<3x80xi32, #tpu.memory_space<vmem>> -> memref<1x80xi32, #tpu.memory_space<vmem>>
      %dma_start3A_374 = tpu.memref_squeeze %dma_start3A_373 : memref<1x80xi32, #tpu.memory_space<vmem>> -> memref<80xi32, #tpu.memory_space<vmem>>
      %dma_start3A_375 = arith.constant 0 : i32
      %dma_start3A_376 = arith.constant 0 : i32
      %dma_start3A_377 = tpu.memref_slice %arg2[%dma_start3A_375, %dma_start3A_376] : memref<10000x128xf32, #tpu.memory_space<hbm>> -> memref<10000x128xf32, #tpu.memory_space<hbm>>
      tpu.enqueue_indirect_dma source(%dma_start3A_377 : memref<10000x128xf32, #tpu.memory_space<hbm>>) target(%arg12 : memref<80x128xf32, #tpu.memory_space<vmem>>) offsets(%dma_start3A_374 : memref<80xi32, #tpu.memory_space<vmem>>) semaphore(%arg18 : memref<!tpu.dma_semaphore, #tpu.memory_space<semaphore_mem>>)
      %dma_wait3A_378 = arith.constant 2 : i32
      %dma_wait3A_379 = arith.constant 0 : i32
      %dma_wait3A_380 = tpu.memref_slice %arg10[%dma_wait3A_378, %dma_wait3A_379] : memref<3x80xi32, #tpu.memory_space<vmem>> -> memref<1x80xi32, #tpu.memory_space<vmem>>
      %dma_wait3A_381 = tpu.memref_squeeze %dma_wait3A_380 : memref<1x80xi32, #tpu.memory_space<vmem>> -> memref<80xi32, #tpu.memory_space<vmem>>
      %dma_wait3A_382 = arith.constant 0 : i32
      %dma_wait3A_383 = arith.constant 0 : i32
      %dma_wait3A_384 = tpu.memref_slice %arg14[%dma_wait3A_382, %dma_wait3A_383] : memref<10240x128xf32, #tpu.memory_space<vmem_shared>> -> memref<10240x128xf32, #tpu.memory_space<vmem_shared>>
      tpu.wait_indirect_dma semaphore(%arg22 : memref<!tpu.dma_semaphore, #tpu.memory_space<semaphore_mem>>) src(%arg13 : memref<80x128xf32, #tpu.memory_space<vmem>>) dst(%dma_wait3A_384 : memref<10240x128xf32, #tpu.memory_space<vmem_shared>>)
      %dma_start3A_385 = arith.constant 2 : i32
      %dma_start3A_386 = arith.constant 0 : i32
      %dma_start3A_387 = tpu.memref_slice %arg7[%dma_start3A_385, %dma_start3A_386] : memref<3x80xi32, #tpu.memory_space<vmem>> -> memref<1x80xi32, #tpu.memory_space<vmem>>
      %dma_start3A_388 = tpu.memref_squeeze %dma_start3A_387 : memref<1x80xi32, #tpu.memory_space<vmem>> -> memref<80xi32, #tpu.memory_space<vmem>>
      %dma_start3A_389 = arith.constant 0 : i32
      %dma_start3A_390 = arith.constant 0 : i32
      %dma_start3A_391 = tpu.memref_slice %arg2[%dma_start3A_389, %dma_start3A_390] : memref<10000x128xf32, #tpu.memory_space<hbm>> -> memref<10000x128xf32, #tpu.memory_space<hbm>>
      tpu.enqueue_indirect_dma source(%dma_start3A_391 : memref<10000x128xf32, #tpu.memory_space<hbm>>) target(%arg13 : memref<80x128xf32, #tpu.memory_space<vmem>>) offsets(%dma_start3A_388 : memref<80xi32, #tpu.memory_space<vmem>>) semaphore(%arg19 : memref<!tpu.dma_semaphore, #tpu.memory_space<semaphore_mem>>)
      %convert_element_type3A = arith.extui %le3A_267 : i1 to i32
      %cond3A = arith.constant 0 : i32
      %cond3A_392 = arith.cmpi ne, %convert_element_type3A, %cond3A : i32
      scf.if %cond3A_392 {
        %add3A_393 = arith.constant 2 : i32
        %add3A_394 = arith.addi %add3A_264, %add3A_393 : i32
        %dma_start3A_395 = arith.constant 0 : i32
        %dma_start3A_396 = arith.constant 0 : i32
        %dma_start3A_397 = arith.constant 0 : i32
        %dma_start3A_398 = tpu.memref_slice %arg3[%add3A, %dma_start3A_395, %dma_start3A_396, %dma_start3A_397] : memref<32x43x3x80xi32, #tpu.memory_space<hbm>> -> memref<1x43x3x80xi32, #tpu.memory_space<hbm>>
        %dma_start3A_399 = tpu.memref_squeeze %dma_start3A_398 : memref<1x43x3x80xi32, #tpu.memory_space<hbm>> -> memref<43x3x80xi32, #tpu.memory_space<hbm>>
        %dma_start3A_400 = arith.constant 0 : i32
        %dma_start3A_401 = arith.constant 0 : i32
        %dma_start3A_402 = tpu.memref_slice %dma_start3A_399[%add3A_394, %dma_start3A_400, %dma_start3A_401] : memref<43x3x80xi32, #tpu.memory_space<hbm>> -> memref<1x3x80xi32, #tpu.memory_space<hbm>>
        %dma_start3A_403 = tpu.memref_squeeze %dma_start3A_402 : memref<1x3x80xi32, #tpu.memory_space<hbm>> -> memref<3x80xi32, #tpu.memory_space<hbm>>
        %dma_start3A_404 = arith.constant 0 : i32
        %dma_start3A_405 = arith.constant 0 : i32
        %dma_start3A_406 = arith.constant 0 : i32
        %dma_start3A_407 = tpu.memref_slice %arg3[%add3A, %dma_start3A_404, %dma_start3A_405, %dma_start3A_406] : memref<32x43x3x80xi32, #tpu.memory_space<hbm>> -> memref<1x43x3x80xi32, #tpu.memory_space<hbm>>
        %dma_start3A_408 = tpu.memref_squeeze %dma_start3A_407 : memref<1x43x3x80xi32, #tpu.memory_space<hbm>> -> memref<43x3x80xi32, #tpu.memory_space<hbm>>
        %dma_start3A_409 = arith.constant 0 : i32
        %dma_start3A_410 = arith.constant 0 : i32
        %dma_start3A_411 = tpu.memref_slice %dma_start3A_408[%add3A_394, %dma_start3A_409, %dma_start3A_410] : memref<43x3x80xi32, #tpu.memory_space<hbm>> -> memref<1x3x80xi32, #tpu.memory_space<hbm>>
        %dma_start3A_412 = tpu.memref_squeeze %dma_start3A_411 : memref<1x3x80xi32, #tpu.memory_space<hbm>> -> memref<3x80xi32, #tpu.memory_space<hbm>>
        tpu.enqueue_dma source(%dma_start3A_412 : memref<3x80xi32, #tpu.memory_space<hbm>>) target(%arg9 : memref<3x80xi32, #tpu.memory_space<vmem>>) target_semaphore(%arg16 : memref<!tpu.dma_semaphore, #tpu.memory_space<semaphore_mem>>)
        %add3A_413 = arith.constant 2 : i32
        %add3A_414 = arith.addi %add3A_264, %add3A_413 : i32
        %dma_start3A_415 = arith.constant 0 : i32
        %dma_start3A_416 = arith.constant 0 : i32
        %dma_start3A_417 = arith.constant 0 : i32
        %dma_start3A_418 = tpu.memref_slice %arg4[%add3A, %dma_start3A_415, %dma_start3A_416, %dma_start3A_417] : memref<32x43x3x80xi32, #tpu.memory_space<hbm>> -> memref<1x43x3x80xi32, #tpu.memory_space<hbm>>
        %dma_start3A_419 = tpu.memref_squeeze %dma_start3A_418 : memref<1x43x3x80xi32, #tpu.memory_space<hbm>> -> memref<43x3x80xi32, #tpu.memory_space<hbm>>
        %dma_start3A_420 = arith.constant 0 : i32
        %dma_start3A_421 = arith.constant 0 : i32
        %dma_start3A_422 = tpu.memref_slice %dma_start3A_419[%add3A_414, %dma_start3A_420, %dma_start3A_421] : memref<43x3x80xi32, #tpu.memory_space<hbm>> -> memref<1x3x80xi32, #tpu.memory_space<hbm>>
        %dma_start3A_423 = tpu.memref_squeeze %dma_start3A_422 : memref<1x3x80xi32, #tpu.memory_space<hbm>> -> memref<3x80xi32, #tpu.memory_space<hbm>>
        %dma_start3A_424 = arith.constant 0 : i32
        %dma_start3A_425 = arith.constant 0 : i32
        %dma_start3A_426 = arith.constant 0 : i32
        %dma_start3A_427 = tpu.memref_slice %arg4[%add3A, %dma_start3A_424, %dma_start3A_425, %dma_start3A_426] : memref<32x43x3x80xi32, #tpu.memory_space<hbm>> -> memref<1x43x3x80xi32, #tpu.memory_space<hbm>>
        %dma_start3A_428 = tpu.memref_squeeze %dma_start3A_427 : memref<1x43x3x80xi32, #tpu.memory_space<hbm>> -> memref<43x3x80xi32, #tpu.memory_space<hbm>>
        %dma_start3A_429 = arith.constant 0 : i32
        %dma_start3A_430 = arith.constant 0 : i32
        %dma_start3A_431 = tpu.memref_slice %dma_start3A_428[%add3A_414, %dma_start3A_429, %dma_start3A_430] : memref<43x3x80xi32, #tpu.memory_space<hbm>> -> memref<1x3x80xi32, #tpu.memory_space<hbm>>
        %dma_start3A_432 = tpu.memref_squeeze %dma_start3A_431 : memref<1x3x80xi32, #tpu.memory_space<hbm>> -> memref<3x80xi32, #tpu.memory_space<hbm>>
        tpu.enqueue_dma source(%dma_start3A_432 : memref<3x80xi32, #tpu.memory_space<hbm>>) target(%arg10 : memref<3x80xi32, #tpu.memory_space<vmem>>) target_semaphore(%arg16 : memref<!tpu.dma_semaphore, #tpu.memory_space<semaphore_mem>>)
      } else {
      }
    }
    %scan3A_65 = arith.constant 21 : i32
    %dma_wait3A = arith.constant 0 : i32
    %dma_wait3A_66 = arith.constant 0 : i32
    %dma_wait3A_67 = tpu.memref_slice %arg7[%dma_wait3A, %dma_wait3A_66] : memref<3x80xi32, #tpu.memory_space<vmem>> -> memref<1x80xi32, #tpu.memory_space<vmem>>
    %dma_wait3A_68 = tpu.memref_squeeze %dma_wait3A_67 : memref<1x80xi32, #tpu.memory_space<vmem>> -> memref<80xi32, #tpu.memory_space<vmem>>
    %dma_wait3A_69 = arith.constant 0 : i32
    %dma_wait3A_70 = arith.constant 0 : i32
    %dma_wait3A_71 = tpu.memref_slice %arg2[%dma_wait3A_69, %dma_wait3A_70] : memref<10000x128xf32, #tpu.memory_space<hbm>> -> memref<10000x128xf32, #tpu.memory_space<hbm>>
    tpu.wait_indirect_dma semaphore(%arg17 : memref<!tpu.dma_semaphore, #tpu.memory_space<semaphore_mem>>) src(%dma_wait3A_71 : memref<10000x128xf32, #tpu.memory_space<hbm>>) dst(%arg11 : memref<80x128xf32, #tpu.memory_space<vmem>>)
    %dma_wait3A_72 = arith.constant 1 : i32
    %dma_wait3A_73 = arith.constant 0 : i32
    %dma_wait3A_74 = tpu.memref_slice %arg7[%dma_wait3A_72, %dma_wait3A_73] : memref<3x80xi32, #tpu.memory_space<vmem>> -> memref<1x80xi32, #tpu.memory_space<vmem>>
    %dma_wait3A_75 = tpu.memref_squeeze %dma_wait3A_74 : memref<1x80xi32, #tpu.memory_space<vmem>> -> memref<80xi32, #tpu.memory_space<vmem>>
    %dma_wait3A_76 = arith.constant 0 : i32
    %dma_wait3A_77 = arith.constant 0 : i32
    %dma_wait3A_78 = tpu.memref_slice %arg2[%dma_wait3A_76, %dma_wait3A_77] : memref<10000x128xf32, #tpu.memory_space<hbm>> -> memref<10000x128xf32, #tpu.memory_space<hbm>>
    tpu.wait_indirect_dma semaphore(%arg18 : memref<!tpu.dma_semaphore, #tpu.memory_space<semaphore_mem>>) src(%dma_wait3A_78 : memref<10000x128xf32, #tpu.memory_space<hbm>>) dst(%arg12 : memref<80x128xf32, #tpu.memory_space<vmem>>)
    %dma_wait3A_79 = arith.constant 2 : i32
    %dma_wait3A_80 = arith.constant 0 : i32
    %dma_wait3A_81 = tpu.memref_slice %arg7[%dma_wait3A_79, %dma_wait3A_80] : memref<3x80xi32, #tpu.memory_space<vmem>> -> memref<1x80xi32, #tpu.memory_space<vmem>>
    %dma_wait3A_82 = tpu.memref_squeeze %dma_wait3A_81 : memref<1x80xi32, #tpu.memory_space<vmem>> -> memref<80xi32, #tpu.memory_space<vmem>>
    %dma_wait3A_83 = arith.constant 0 : i32
    %dma_wait3A_84 = arith.constant 0 : i32
    %dma_wait3A_85 = tpu.memref_slice %arg2[%dma_wait3A_83, %dma_wait3A_84] : memref<10000x128xf32, #tpu.memory_space<hbm>> -> memref<10000x128xf32, #tpu.memory_space<hbm>>
    tpu.wait_indirect_dma semaphore(%arg19 : memref<!tpu.dma_semaphore, #tpu.memory_space<semaphore_mem>>) src(%dma_wait3A_85 : memref<10000x128xf32, #tpu.memory_space<hbm>>) dst(%arg13 : memref<80x128xf32, #tpu.memory_space<vmem>>)
    %barrier3A_86 = arith.constant 0 : index
    tpu.barrier barrier_id(%barrier3A_86)
    %mul3A_87 = arith.constant 640 : i32
    %mul3A_88 = arith.muli %arg1, %mul3A_87 : i32
    %mul3A_89 = arith.constant 10240 : i32
    %mul3A_90 = arith.muli %arg0, %mul3A_89 : i32
    %mul3A_91 = arith.constant 640 : i32
    %mul3A_92 = arith.muli %arg1, %mul3A_91 : i32
    %add3A_93 = arith.addi %mul3A_90, %mul3A_92 : i32
    "tpu.region"() ({
      %run_scoped3A_94 = tpu.sem_alloc : memref<!tpu.dma_semaphore, #tpu.memory_space<semaphore_mem>>
      %dma_start3A_95 = arith.constant 0 : i32
      %dma_start3A_96 = tpu.memref_slice %arg6[%add3A_93, %dma_start3A_95] : memref<20480x128xf32, #tpu.memory_space<hbm>> -> memref<640x128xf32, #tpu.memory_space<hbm>>
      %dma_start3A_97 = arith.constant 0 : i32
      %dma_start3A_98 = tpu.memref_slice %arg14[%mul3A_88, %dma_start3A_97] : memref<10240x128xf32, #tpu.memory_space<vmem_shared>> -> memref<640x128xf32, #tpu.memory_space<vmem_shared>>
      tpu.enqueue_dma source(%dma_start3A_98 : memref<640x128xf32, #tpu.memory_space<vmem_shared>>) target(%dma_start3A_96 : memref<640x128xf32, #tpu.memory_space<hbm>>) target_semaphore(%run_scoped3A_94 : memref<!tpu.dma_semaphore, #tpu.memory_space<semaphore_mem>>)
      %dma_wait3A_99 = arith.constant 0 : i32
      %dma_wait3A_100 = tpu.memref_slice %arg6[%add3A_93, %dma_wait3A_99] : memref<20480x128xf32, #tpu.memory_space<hbm>> -> memref<640x128xf32, #tpu.memory_space<hbm>>
      %dma_wait3A_101 = arith.constant 0 : i32
      %dma_wait3A_102 = tpu.memref_slice %arg14[%mul3A_88, %dma_wait3A_101] : memref<10240x128xf32, #tpu.memory_space<vmem_shared>> -> memref<640x128xf32, #tpu.memory_space<vmem_shared>>
      tpu.wait_dma2 semaphore(%run_scoped3A_94 : memref<!tpu.dma_semaphore, #tpu.memory_space<semaphore_mem>>) src(%dma_wait3A_102 : memref<640x128xf32, #tpu.memory_space<vmem_shared>>) dst(%dma_wait3A_100 : memref<640x128xf32, #tpu.memory_space<hbm>>)
      tpu.yield
    }) : () -> ()
    return
  }
}

#map = affine_map<(d0, d1) -> (0, 0, 0)>
#map1 = affine_map<(d0, d1) -> (0, 0)>
module attributes {stable_mosaic.version = 14 : i64} {
  func.func @hist(%arg0: i32, %arg1: i32, %arg2: memref<32x125x80xi32, #tpu.memory_space<hbm>>, %arg3: memref<20480x16xf32, #tpu.memory_space<hbm>>, %arg4: memref<125x80xi32, #tpu.memory_space<vmem>>, %arg5: memref<80x16xf32, #tpu.memory_space<vmem>>, %arg6: memref<128x16xf32, #tpu.memory_space<vmem>>, %arg7: memref<10240x16xf32, #tpu.memory_space<vmem_shared>>, %arg8: memref<!tpu.dma_semaphore, #tpu.memory_space<semaphore_mem>>) attributes {dimension_semantics = [#tpu.dimension_semantics<core_parallel>, #tpu.dimension_semantics<subcore_parallel>], iteration_bounds = array<i64: 2, 16>, scalar_prefetch = 0 : i64, scratch_operands = 5 : i64, tpu.core_type = #tpu.core_type<sc_vector_subcore>, window_params = [{transform_indices = #map}, {transform_indices = #map1}]} {
    %mul3A = arith.constant 16 : i32
    %mul3A_0 = arith.muli %arg0, %mul3A : i32
    %add3A = arith.addi %mul3A_0, %arg1 : i32
    %iota3A = tpu.iota {dimensions = array<i32: 0>} : vector<16xi32>
    %eq3A = arith.constant 0 : i32
    %eq3A_1 = vector.broadcast %eq3A : i32 to vector<16xi32>
    %eq3A_2 = arith.cmpi eq, %iota3A, %eq3A_1 : vector<16xi32>
    %jit3A = arith.constant 1.000000e+00 : f32
    %jit3A_3 = arith.constant 0.000000e+00 : f32
    %broadcast_in_dim3A = vector.broadcast %jit3A : f32 to vector<16xf32>
    %broadcast_in_dim3A_4 = vector.broadcast %jit3A_3 : f32 to vector<16xf32>
    %select_n3A = arith.select %eq3A_2, %broadcast_in_dim3A, %broadcast_in_dim3A_4 : vector<16xi1>, vector<16xf32>
    %broadcast_in_dim3A_5 = arith.constant 0.000000e+00 : f32
    %broadcast_in_dim3A_6 = vector.broadcast %broadcast_in_dim3A_5 : f32 to vector<16xf32>
    %scan3A = arith.constant 0 : i32
    %scan3A_7 = arith.constant 128 : i32
    %scan3A_8 = arith.addi %scan3A, %scan3A_7 : i32
    %scan3A_9 = arith.constant 1 : i32
    scf.for %scan3A_63 = %scan3A to %scan3A_8 step %scan3A_9  : i32 {
      %mul3A_64 = arith.constant 1 : i32
      %mul3A_65 = arith.muli %scan3A_63, %mul3A_64 : i32
      %add3A_66 = arith.constant 0 : i32
      %add3A_67 = arith.addi %add3A_66, %mul3A_65 : i32
      %swap3A = arith.index_cast %add3A_67 : i32 to index
      %swap3A_68 = arith.constant 0 : index
      %swap3A_69 = tpu.vector_load %arg6[%swap3A, %swap3A_68] {strides = array<i32>} : memref<128x16xf32, #tpu.memory_space<vmem>>, vector<1x16xf32>,
      %swap3A_70 = vector.shape_cast %swap3A_69 : vector<1x16xf32> to vector<16xf32>
      %swap3A_71 = vector.shape_cast %broadcast_in_dim3A_6 : vector<16xf32> to vector<1x16xf32>
      tpu.vector_store %arg6[%swap3A, %swap3A_68], %swap3A_71 {strides = array<i32>} : memref<128x16xf32, #tpu.memory_space<vmem>>, vector<1x16xf32>,
    }
    %scan3A_10 = arith.constant 128 : i32
    %scan3A_11 = arith.constant 0 : i32
    %scan3A_12 = arith.constant 80 : i32
    %scan3A_13 = arith.addi %scan3A_11, %scan3A_12 : i32
    %scan3A_14 = arith.constant 1 : i32
    scf.for %scan3A_63 = %scan3A_11 to %scan3A_13 step %scan3A_14  : i32 {
      %mul3A_64 = arith.constant 1 : i32
      %mul3A_65 = arith.muli %scan3A_63, %mul3A_64 : i32
      %add3A_66 = arith.constant 0 : i32
      %add3A_67 = arith.addi %add3A_66, %mul3A_65 : i32
      %swap3A = arith.index_cast %add3A_67 : i32 to index
      %swap3A_68 = arith.constant 0 : index
      %swap3A_69 = tpu.vector_load %arg5[%swap3A, %swap3A_68] {strides = array<i32>} : memref<80x16xf32, #tpu.memory_space<vmem>>, vector<1x16xf32>,
      %swap3A_70 = vector.shape_cast %swap3A_69 : vector<1x16xf32> to vector<16xf32>
      %swap3A_71 = vector.shape_cast %select_n3A : vector<16xf32> to vector<1x16xf32>
      tpu.vector_store %arg5[%swap3A, %swap3A_68], %swap3A_71 {strides = array<i32>} : memref<80x16xf32, #tpu.memory_space<vmem>>, vector<1x16xf32>,
    }
    %scan3A_15 = arith.constant 80 : i32
    %mul3A_16 = arith.constant 640 : i32
    %mul3A_17 = arith.muli %arg1, %mul3A_16 : i32
    %add3A_18 = arith.constant 0 : i32
    %add3A_19 = arith.addi %mul3A_17, %add3A_18 : i32
    "tpu.region"() ({
      %run_scoped3A = tpu.sem_alloc : memref<!tpu.dma_semaphore, #tpu.memory_space<semaphore_mem>>
      %dma_start3A_63 = arith.constant 0 : i32
      %dma_start3A_64 = tpu.memref_slice %arg7[%add3A_19, %dma_start3A_63] : memref<10240x16xf32, #tpu.memory_space<vmem_shared>> -> memref<128x16xf32, #tpu.memory_space<vmem_shared>>
      %dma_start3A_65 = arith.constant 0 : i32
      %dma_start3A_66 = tpu.memref_slice %arg7[%add3A_19, %dma_start3A_65] : memref<10240x16xf32, #tpu.memory_space<vmem_shared>> -> memref<128x16xf32, #tpu.memory_space<vmem_shared>>
      tpu.enqueue_dma source(%arg6 : memref<128x16xf32, #tpu.memory_space<vmem>>) target(%dma_start3A_66 : memref<128x16xf32, #tpu.memory_space<vmem_shared>>) target_semaphore(%run_scoped3A : memref<!tpu.dma_semaphore, #tpu.memory_space<semaphore_mem>>)
      %dma_wait3A_67 = arith.constant 0 : i32
      %dma_wait3A_68 = tpu.memref_slice %arg7[%add3A_19, %dma_wait3A_67] : memref<10240x16xf32, #tpu.memory_space<vmem_shared>> -> memref<128x16xf32, #tpu.memory_space<vmem_shared>>
      %dma_wait3A_69 = arith.constant 0 : i32
      %dma_wait3A_70 = tpu.memref_slice %arg7[%add3A_19, %dma_wait3A_69] : memref<10240x16xf32, #tpu.memory_space<vmem_shared>> -> memref<128x16xf32, #tpu.memory_space<vmem_shared>>
      tpu.wait_dma2 semaphore(%run_scoped3A : memref<!tpu.dma_semaphore, #tpu.memory_space<semaphore_mem>>) src(%arg6 : memref<128x16xf32, #tpu.memory_space<vmem>>) dst(%dma_wait3A_70 : memref<128x16xf32, #tpu.memory_space<vmem_shared>>)
      tpu.yield
    }) : () -> ()
    %mul3A_20 = arith.constant 640 : i32
    %mul3A_21 = arith.muli %arg1, %mul3A_20 : i32
    %add3A_22 = arith.constant 128 : i32
    %add3A_23 = arith.addi %mul3A_21, %add3A_22 : i32
    "tpu.region"() ({
      %run_scoped3A = tpu.sem_alloc : memref<!tpu.dma_semaphore, #tpu.memory_space<semaphore_mem>>
      %dma_start3A_63 = arith.constant 0 : i32
      %dma_start3A_64 = tpu.memref_slice %arg7[%add3A_23, %dma_start3A_63] : memref<10240x16xf32, #tpu.memory_space<vmem_shared>> -> memref<128x16xf32, #tpu.memory_space<vmem_shared>>
      %dma_start3A_65 = arith.constant 0 : i32
      %dma_start3A_66 = tpu.memref_slice %arg7[%add3A_23, %dma_start3A_65] : memref<10240x16xf32, #tpu.memory_space<vmem_shared>> -> memref<128x16xf32, #tpu.memory_space<vmem_shared>>
      tpu.enqueue_dma source(%arg6 : memref<128x16xf32, #tpu.memory_space<vmem>>) target(%dma_start3A_66 : memref<128x16xf32, #tpu.memory_space<vmem_shared>>) target_semaphore(%run_scoped3A : memref<!tpu.dma_semaphore, #tpu.memory_space<semaphore_mem>>)
      %dma_wait3A_67 = arith.constant 0 : i32
      %dma_wait3A_68 = tpu.memref_slice %arg7[%add3A_23, %dma_wait3A_67] : memref<10240x16xf32, #tpu.memory_space<vmem_shared>> -> memref<128x16xf32, #tpu.memory_space<vmem_shared>>
      %dma_wait3A_69 = arith.constant 0 : i32
      %dma_wait3A_70 = tpu.memref_slice %arg7[%add3A_23, %dma_wait3A_69] : memref<10240x16xf32, #tpu.memory_space<vmem_shared>> -> memref<128x16xf32, #tpu.memory_space<vmem_shared>>
      tpu.wait_dma2 semaphore(%run_scoped3A : memref<!tpu.dma_semaphore, #tpu.memory_space<semaphore_mem>>) src(%arg6 : memref<128x16xf32, #tpu.memory_space<vmem>>) dst(%dma_wait3A_70 : memref<128x16xf32, #tpu.memory_space<vmem_shared>>)
      tpu.yield
    }) : () -> ()
    %mul3A_24 = arith.constant 640 : i32
    %mul3A_25 = arith.muli %arg1, %mul3A_24 : i32
    %add3A_26 = arith.constant 256 : i32
    %add3A_27 = arith.addi %mul3A_25, %add3A_26 : i32
    "tpu.region"() ({
      %run_scoped3A = tpu.sem_alloc : memref<!tpu.dma_semaphore, #tpu.memory_space<semaphore_mem>>
      %dma_start3A_63 = arith.constant 0 : i32
      %dma_start3A_64 = tpu.memref_slice %arg7[%add3A_27, %dma_start3A_63] : memref<10240x16xf32, #tpu.memory_space<vmem_shared>> -> memref<128x16xf32, #tpu.memory_space<vmem_shared>>
      %dma_start3A_65 = arith.constant 0 : i32
      %dma_start3A_66 = tpu.memref_slice %arg7[%add3A_27, %dma_start3A_65] : memref<10240x16xf32, #tpu.memory_space<vmem_shared>> -> memref<128x16xf32, #tpu.memory_space<vmem_shared>>
      tpu.enqueue_dma source(%arg6 : memref<128x16xf32, #tpu.memory_space<vmem>>) target(%dma_start3A_66 : memref<128x16xf32, #tpu.memory_space<vmem_shared>>) target_semaphore(%run_scoped3A : memref<!tpu.dma_semaphore, #tpu.memory_space<semaphore_mem>>)
      %dma_wait3A_67 = arith.constant 0 : i32
      %dma_wait3A_68 = tpu.memref_slice %arg7[%add3A_27, %dma_wait3A_67] : memref<10240x16xf32, #tpu.memory_space<vmem_shared>> -> memref<128x16xf32, #tpu.memory_space<vmem_shared>>
      %dma_wait3A_69 = arith.constant 0 : i32
      %dma_wait3A_70 = tpu.memref_slice %arg7[%add3A_27, %dma_wait3A_69] : memref<10240x16xf32, #tpu.memory_space<vmem_shared>> -> memref<128x16xf32, #tpu.memory_space<vmem_shared>>
      tpu.wait_dma2 semaphore(%run_scoped3A : memref<!tpu.dma_semaphore, #tpu.memory_space<semaphore_mem>>) src(%arg6 : memref<128x16xf32, #tpu.memory_space<vmem>>) dst(%dma_wait3A_70 : memref<128x16xf32, #tpu.memory_space<vmem_shared>>)
      tpu.yield
    }) : () -> ()
    %mul3A_28 = arith.constant 640 : i32
    %mul3A_29 = arith.muli %arg1, %mul3A_28 : i32
    %add3A_30 = arith.constant 384 : i32
    %add3A_31 = arith.addi %mul3A_29, %add3A_30 : i32
    "tpu.region"() ({
      %run_scoped3A = tpu.sem_alloc : memref<!tpu.dma_semaphore, #tpu.memory_space<semaphore_mem>>
      %dma_start3A_63 = arith.constant 0 : i32
      %dma_start3A_64 = tpu.memref_slice %arg7[%add3A_31, %dma_start3A_63] : memref<10240x16xf32, #tpu.memory_space<vmem_shared>> -> memref<128x16xf32, #tpu.memory_space<vmem_shared>>
      %dma_start3A_65 = arith.constant 0 : i32
      %dma_start3A_66 = tpu.memref_slice %arg7[%add3A_31, %dma_start3A_65] : memref<10240x16xf32, #tpu.memory_space<vmem_shared>> -> memref<128x16xf32, #tpu.memory_space<vmem_shared>>
      tpu.enqueue_dma source(%arg6 : memref<128x16xf32, #tpu.memory_space<vmem>>) target(%dma_start3A_66 : memref<128x16xf32, #tpu.memory_space<vmem_shared>>) target_semaphore(%run_scoped3A : memref<!tpu.dma_semaphore, #tpu.memory_space<semaphore_mem>>)
      %dma_wait3A_67 = arith.constant 0 : i32
      %dma_wait3A_68 = tpu.memref_slice %arg7[%add3A_31, %dma_wait3A_67] : memref<10240x16xf32, #tpu.memory_space<vmem_shared>> -> memref<128x16xf32, #tpu.memory_space<vmem_shared>>
      %dma_wait3A_69 = arith.constant 0 : i32
      %dma_wait3A_70 = tpu.memref_slice %arg7[%add3A_31, %dma_wait3A_69] : memref<10240x16xf32, #tpu.memory_space<vmem_shared>> -> memref<128x16xf32, #tpu.memory_space<vmem_shared>>
      tpu.wait_dma2 semaphore(%run_scoped3A : memref<!tpu.dma_semaphore, #tpu.memory_space<semaphore_mem>>) src(%arg6 : memref<128x16xf32, #tpu.memory_space<vmem>>) dst(%dma_wait3A_70 : memref<128x16xf32, #tpu.memory_space<vmem_shared>>)
      tpu.yield
    }) : () -> ()
    %mul3A_32 = arith.constant 640 : i32
    %mul3A_33 = arith.muli %arg1, %mul3A_32 : i32
    %add3A_34 = arith.constant 512 : i32
    %add3A_35 = arith.addi %mul3A_33, %add3A_34 : i32
    "tpu.region"() ({
      %run_scoped3A = tpu.sem_alloc : memref<!tpu.dma_semaphore, #tpu.memory_space<semaphore_mem>>
      %dma_start3A_63 = arith.constant 0 : i32
      %dma_start3A_64 = tpu.memref_slice %arg7[%add3A_35, %dma_start3A_63] : memref<10240x16xf32, #tpu.memory_space<vmem_shared>> -> memref<128x16xf32, #tpu.memory_space<vmem_shared>>
      %dma_start3A_65 = arith.constant 0 : i32
      %dma_start3A_66 = tpu.memref_slice %arg7[%add3A_35, %dma_start3A_65] : memref<10240x16xf32, #tpu.memory_space<vmem_shared>> -> memref<128x16xf32, #tpu.memory_space<vmem_shared>>
      tpu.enqueue_dma source(%arg6 : memref<128x16xf32, #tpu.memory_space<vmem>>) target(%dma_start3A_66 : memref<128x16xf32, #tpu.memory_space<vmem_shared>>) target_semaphore(%run_scoped3A : memref<!tpu.dma_semaphore, #tpu.memory_space<semaphore_mem>>)
      %dma_wait3A_67 = arith.constant 0 : i32
      %dma_wait3A_68 = tpu.memref_slice %arg7[%add3A_35, %dma_wait3A_67] : memref<10240x16xf32, #tpu.memory_space<vmem_shared>> -> memref<128x16xf32, #tpu.memory_space<vmem_shared>>
      %dma_wait3A_69 = arith.constant 0 : i32
      %dma_wait3A_70 = tpu.memref_slice %arg7[%add3A_35, %dma_wait3A_69] : memref<10240x16xf32, #tpu.memory_space<vmem_shared>> -> memref<128x16xf32, #tpu.memory_space<vmem_shared>>
      tpu.wait_dma2 semaphore(%run_scoped3A : memref<!tpu.dma_semaphore, #tpu.memory_space<semaphore_mem>>) src(%arg6 : memref<128x16xf32, #tpu.memory_space<vmem>>) dst(%dma_wait3A_70 : memref<128x16xf32, #tpu.memory_space<vmem_shared>>)
      tpu.yield
    }) : () -> ()
    %barrier3A = arith.constant 0 : index
    tpu.barrier barrier_id(%barrier3A)
    %dma_start3A = arith.constant 0 : i32
    %dma_start3A_36 = arith.constant 0 : i32
    %dma_start3A_37 = tpu.memref_slice %arg2[%add3A, %dma_start3A, %dma_start3A_36] : memref<32x125x80xi32, #tpu.memory_space<hbm>> -> memref<1x125x80xi32, #tpu.memory_space<hbm>>
    %dma_start3A_38 = tpu.memref_squeeze %dma_start3A_37 : memref<1x125x80xi32, #tpu.memory_space<hbm>> -> memref<125x80xi32, #tpu.memory_space<hbm>>
    %dma_start3A_39 = arith.constant 0 : i32
    %dma_start3A_40 = arith.constant 0 : i32
    %dma_start3A_41 = tpu.memref_slice %arg2[%add3A, %dma_start3A_39, %dma_start3A_40] : memref<32x125x80xi32, #tpu.memory_space<hbm>> -> memref<1x125x80xi32, #tpu.memory_space<hbm>>
    %dma_start3A_42 = tpu.memref_squeeze %dma_start3A_41 : memref<1x125x80xi32, #tpu.memory_space<hbm>> -> memref<125x80xi32, #tpu.memory_space<hbm>>
    tpu.enqueue_dma source(%dma_start3A_42 : memref<125x80xi32, #tpu.memory_space<hbm>>) target(%arg4 : memref<125x80xi32, #tpu.memory_space<vmem>>) target_semaphore(%arg8 : memref<!tpu.dma_semaphore, #tpu.memory_space<semaphore_mem>>)
    %dma_wait3A = arith.constant 0 : i32
    %dma_wait3A_43 = arith.constant 0 : i32
    %dma_wait3A_44 = tpu.memref_slice %arg2[%add3A, %dma_wait3A, %dma_wait3A_43] : memref<32x125x80xi32, #tpu.memory_space<hbm>> -> memref<1x125x80xi32, #tpu.memory_space<hbm>>
    %dma_wait3A_45 = tpu.memref_squeeze %dma_wait3A_44 : memref<1x125x80xi32, #tpu.memory_space<hbm>> -> memref<125x80xi32, #tpu.memory_space<hbm>>
    %dma_wait3A_46 = arith.constant 0 : i32
    %dma_wait3A_47 = arith.constant 0 : i32
    %dma_wait3A_48 = tpu.memref_slice %arg2[%add3A, %dma_wait3A_46, %dma_wait3A_47] : memref<32x125x80xi32, #tpu.memory_space<hbm>> -> memref<1x125x80xi32, #tpu.memory_space<hbm>>
    %dma_wait3A_49 = tpu.memref_squeeze %dma_wait3A_48 : memref<1x125x80xi32, #tpu.memory_space<hbm>> -> memref<125x80xi32, #tpu.memory_space<hbm>>
    tpu.wait_dma2 semaphore(%arg8 : memref<!tpu.dma_semaphore, #tpu.memory_space<semaphore_mem>>) src(%dma_wait3A_49 : memref<125x80xi32, #tpu.memory_space<hbm>>) dst(%arg4 : memref<125x80xi32, #tpu.memory_space<vmem>>)
    %scan3A_50 = arith.constant 0 : i32
    %scan3A_51 = arith.constant 5 : i32
    %scan3A_52 = arith.addi %scan3A_50, %scan3A_51 : i32
    %scan3A_53 = arith.constant 1 : i32
    scf.for %scan3A_63 = %scan3A_50 to %scan3A_52 step %scan3A_53  : i32 {
      %mul3A_64 = arith.constant 25 : i32
      %mul3A_65 = arith.muli %scan3A_63, %mul3A_64 : i32
      %add3A_66 = arith.constant 0 : i32
      %add3A_67 = arith.addi %add3A_66, %mul3A_65 : i32
      %add3A_68 = arith.constant 0 : i32
      %add3A_69 = arith.addi %add3A_67, %add3A_68 : i32
      %dma_start3A_70 = arith.constant 0 : i32
      %dma_start3A_71 = tpu.memref_slice %arg4[%add3A_69, %dma_start3A_70] : memref<125x80xi32, #tpu.memory_space<vmem>> -> memref<1x80xi32, #tpu.memory_space<vmem>>
      %dma_start3A_72 = tpu.memref_squeeze %dma_start3A_71 : memref<1x80xi32, #tpu.memory_space<vmem>> -> memref<80xi32, #tpu.memory_space<vmem>>
      %dma_start3A_73 = arith.constant 0 : i32
      %dma_start3A_74 = arith.constant 0 : i32
      %dma_start3A_75 = tpu.memref_slice %arg7[%dma_start3A_73, %dma_start3A_74] : memref<10240x16xf32, #tpu.memory_space<vmem_shared>> -> memref<10240x16xf32, #tpu.memory_space<vmem_shared>>
      tpu.enqueue_indirect_dma source(%arg5 : memref<80x16xf32, #tpu.memory_space<vmem>>) target(%dma_start3A_75 : memref<10240x16xf32, #tpu.memory_space<vmem_shared>>) offsets(%dma_start3A_72 : memref<80xi32, #tpu.memory_space<vmem>>) semaphore(%arg8 : memref<!tpu.dma_semaphore, #tpu.memory_space<semaphore_mem>>) {add = true}
      %add3A_76 = arith.constant 1 : i32
      %add3A_77 = arith.addi %add3A_67, %add3A_76 : i32
      %dma_start3A_78 = arith.constant 0 : i32
      %dma_start3A_79 = tpu.memref_slice %arg4[%add3A_77, %dma_start3A_78] : memref<125x80xi32, #tpu.memory_space<vmem>> -> memref<1x80xi32, #tpu.memory_space<vmem>>
      %dma_start3A_80 = tpu.memref_squeeze %dma_start3A_79 : memref<1x80xi32, #tpu.memory_space<vmem>> -> memref<80xi32, #tpu.memory_space<vmem>>
      %dma_start3A_81 = arith.constant 0 : i32
      %dma_start3A_82 = arith.constant 0 : i32
      %dma_start3A_83 = tpu.memref_slice %arg7[%dma_start3A_81, %dma_start3A_82] : memref<10240x16xf32, #tpu.memory_space<vmem_shared>> -> memref<10240x16xf32, #tpu.memory_space<vmem_shared>>
      tpu.enqueue_indirect_dma source(%arg5 : memref<80x16xf32, #tpu.memory_space<vmem>>) target(%dma_start3A_83 : memref<10240x16xf32, #tpu.memory_space<vmem_shared>>) offsets(%dma_start3A_80 : memref<80xi32, #tpu.memory_space<vmem>>) semaphore(%arg8 : memref<!tpu.dma_semaphore, #tpu.memory_space<semaphore_mem>>) {add = true}
      %add3A_84 = arith.constant 2 : i32
      %add3A_85 = arith.addi %add3A_67, %add3A_84 : i32
      %dma_start3A_86 = arith.constant 0 : i32
      %dma_start3A_87 = tpu.memref_slice %arg4[%add3A_85, %dma_start3A_86] : memref<125x80xi32, #tpu.memory_space<vmem>> -> memref<1x80xi32, #tpu.memory_space<vmem>>
      %dma_start3A_88 = tpu.memref_squeeze %dma_start3A_87 : memref<1x80xi32, #tpu.memory_space<vmem>> -> memref<80xi32, #tpu.memory_space<vmem>>
      %dma_start3A_89 = arith.constant 0 : i32
      %dma_start3A_90 = arith.constant 0 : i32
      %dma_start3A_91 = tpu.memref_slice %arg7[%dma_start3A_89, %dma_start3A_90] : memref<10240x16xf32, #tpu.memory_space<vmem_shared>> -> memref<10240x16xf32, #tpu.memory_space<vmem_shared>>
      tpu.enqueue_indirect_dma source(%arg5 : memref<80x16xf32, #tpu.memory_space<vmem>>) target(%dma_start3A_91 : memref<10240x16xf32, #tpu.memory_space<vmem_shared>>) offsets(%dma_start3A_88 : memref<80xi32, #tpu.memory_space<vmem>>) semaphore(%arg8 : memref<!tpu.dma_semaphore, #tpu.memory_space<semaphore_mem>>) {add = true}
      %add3A_92 = arith.constant 3 : i32
      %add3A_93 = arith.addi %add3A_67, %add3A_92 : i32
      %dma_start3A_94 = arith.constant 0 : i32
      %dma_start3A_95 = tpu.memref_slice %arg4[%add3A_93, %dma_start3A_94] : memref<125x80xi32, #tpu.memory_space<vmem>> -> memref<1x80xi32, #tpu.memory_space<vmem>>
      %dma_start3A_96 = tpu.memref_squeeze %dma_start3A_95 : memref<1x80xi32, #tpu.memory_space<vmem>> -> memref<80xi32, #tpu.memory_space<vmem>>
      %dma_start3A_97 = arith.constant 0 : i32
      %dma_start3A_98 = arith.constant 0 : i32
      %dma_start3A_99 = tpu.memref_slice %arg7[%dma_start3A_97, %dma_start3A_98] : memref<10240x16xf32, #tpu.memory_space<vmem_shared>> -> memref<10240x16xf32, #tpu.memory_space<vmem_shared>>
      tpu.enqueue_indirect_dma source(%arg5 : memref<80x16xf32, #tpu.memory_space<vmem>>) target(%dma_start3A_99 : memref<10240x16xf32, #tpu.memory_space<vmem_shared>>) offsets(%dma_start3A_96 : memref<80xi32, #tpu.memory_space<vmem>>) semaphore(%arg8 : memref<!tpu.dma_semaphore, #tpu.memory_space<semaphore_mem>>) {add = true}
      %add3A_100 = arith.constant 4 : i32
      %add3A_101 = arith.addi %add3A_67, %add3A_100 : i32
      %dma_start3A_102 = arith.constant 0 : i32
      %dma_start3A_103 = tpu.memref_slice %arg4[%add3A_101, %dma_start3A_102] : memref<125x80xi32, #tpu.memory_space<vmem>> -> memref<1x80xi32, #tpu.memory_space<vmem>>
      %dma_start3A_104 = tpu.memref_squeeze %dma_start3A_103 : memref<1x80xi32, #tpu.memory_space<vmem>> -> memref<80xi32, #tpu.memory_space<vmem>>
      %dma_start3A_105 = arith.constant 0 : i32
      %dma_start3A_106 = arith.constant 0 : i32
      %dma_start3A_107 = tpu.memref_slice %arg7[%dma_start3A_105, %dma_start3A_106] : memref<10240x16xf32, #tpu.memory_space<vmem_shared>> -> memref<10240x16xf32, #tpu.memory_space<vmem_shared>>
      tpu.enqueue_indirect_dma source(%arg5 : memref<80x16xf32, #tpu.memory_space<vmem>>) target(%dma_start3A_107 : memref<10240x16xf32, #tpu.memory_space<vmem_shared>>) offsets(%dma_start3A_104 : memref<80xi32, #tpu.memory_space<vmem>>) semaphore(%arg8 : memref<!tpu.dma_semaphore, #tpu.memory_space<semaphore_mem>>) {add = true}
      %add3A_108 = arith.constant 5 : i32
      %add3A_109 = arith.addi %add3A_67, %add3A_108 : i32
      %dma_start3A_110 = arith.constant 0 : i32
      %dma_start3A_111 = tpu.memref_slice %arg4[%add3A_109, %dma_start3A_110] : memref<125x80xi32, #tpu.memory_space<vmem>> -> memref<1x80xi32, #tpu.memory_space<vmem>>
      %dma_start3A_112 = tpu.memref_squeeze %dma_start3A_111 : memref<1x80xi32, #tpu.memory_space<vmem>> -> memref<80xi32, #tpu.memory_space<vmem>>
      %dma_start3A_113 = arith.constant 0 : i32
      %dma_start3A_114 = arith.constant 0 : i32
      %dma_start3A_115 = tpu.memref_slice %arg7[%dma_start3A_113, %dma_start3A_114] : memref<10240x16xf32, #tpu.memory_space<vmem_shared>> -> memref<10240x16xf32, #tpu.memory_space<vmem_shared>>
      tpu.enqueue_indirect_dma source(%arg5 : memref<80x16xf32, #tpu.memory_space<vmem>>) target(%dma_start3A_115 : memref<10240x16xf32, #tpu.memory_space<vmem_shared>>) offsets(%dma_start3A_112 : memref<80xi32, #tpu.memory_space<vmem>>) semaphore(%arg8 : memref<!tpu.dma_semaphore, #tpu.memory_space<semaphore_mem>>) {add = true}
      %add3A_116 = arith.constant 6 : i32
      %add3A_117 = arith.addi %add3A_67, %add3A_116 : i32
      %dma_start3A_118 = arith.constant 0 : i32
      %dma_start3A_119 = tpu.memref_slice %arg4[%add3A_117, %dma_start3A_118] : memref<125x80xi32, #tpu.memory_space<vmem>> -> memref<1x80xi32, #tpu.memory_space<vmem>>
      %dma_start3A_120 = tpu.memref_squeeze %dma_start3A_119 : memref<1x80xi32, #tpu.memory_space<vmem>> -> memref<80xi32, #tpu.memory_space<vmem>>
      %dma_start3A_121 = arith.constant 0 : i32
      %dma_start3A_122 = arith.constant 0 : i32
      %dma_start3A_123 = tpu.memref_slice %arg7[%dma_start3A_121, %dma_start3A_122] : memref<10240x16xf32, #tpu.memory_space<vmem_shared>> -> memref<10240x16xf32, #tpu.memory_space<vmem_shared>>
      tpu.enqueue_indirect_dma source(%arg5 : memref<80x16xf32, #tpu.memory_space<vmem>>) target(%dma_start3A_123 : memref<10240x16xf32, #tpu.memory_space<vmem_shared>>) offsets(%dma_start3A_120 : memref<80xi32, #tpu.memory_space<vmem>>) semaphore(%arg8 : memref<!tpu.dma_semaphore, #tpu.memory_space<semaphore_mem>>) {add = true}
      %add3A_124 = arith.constant 7 : i32
      %add3A_125 = arith.addi %add3A_67, %add3A_124 : i32
      %dma_start3A_126 = arith.constant 0 : i32
      %dma_start3A_127 = tpu.memref_slice %arg4[%add3A_125, %dma_start3A_126] : memref<125x80xi32, #tpu.memory_space<vmem>> -> memref<1x80xi32, #tpu.memory_space<vmem>>
      %dma_start3A_128 = tpu.memref_squeeze %dma_start3A_127 : memref<1x80xi32, #tpu.memory_space<vmem>> -> memref<80xi32, #tpu.memory_space<vmem>>
      %dma_start3A_129 = arith.constant 0 : i32
      %dma_start3A_130 = arith.constant 0 : i32
      %dma_start3A_131 = tpu.memref_slice %arg7[%dma_start3A_129, %dma_start3A_130] : memref<10240x16xf32, #tpu.memory_space<vmem_shared>> -> memref<10240x16xf32, #tpu.memory_space<vmem_shared>>
      tpu.enqueue_indirect_dma source(%arg5 : memref<80x16xf32, #tpu.memory_space<vmem>>) target(%dma_start3A_131 : memref<10240x16xf32, #tpu.memory_space<vmem_shared>>) offsets(%dma_start3A_128 : memref<80xi32, #tpu.memory_space<vmem>>) semaphore(%arg8 : memref<!tpu.dma_semaphore, #tpu.memory_space<semaphore_mem>>) {add = true}
      %add3A_132 = arith.constant 8 : i32
      %add3A_133 = arith.addi %add3A_67, %add3A_132 : i32
      %dma_start3A_134 = arith.constant 0 : i32
      %dma_start3A_135 = tpu.memref_slice %arg4[%add3A_133, %dma_start3A_134] : memref<125x80xi32, #tpu.memory_space<vmem>> -> memref<1x80xi32, #tpu.memory_space<vmem>>
      %dma_start3A_136 = tpu.memref_squeeze %dma_start3A_135 : memref<1x80xi32, #tpu.memory_space<vmem>> -> memref<80xi32, #tpu.memory_space<vmem>>
      %dma_start3A_137 = arith.constant 0 : i32
      %dma_start3A_138 = arith.constant 0 : i32
      %dma_start3A_139 = tpu.memref_slice %arg7[%dma_start3A_137, %dma_start3A_138] : memref<10240x16xf32, #tpu.memory_space<vmem_shared>> -> memref<10240x16xf32, #tpu.memory_space<vmem_shared>>
      tpu.enqueue_indirect_dma source(%arg5 : memref<80x16xf32, #tpu.memory_space<vmem>>) target(%dma_start3A_139 : memref<10240x16xf32, #tpu.memory_space<vmem_shared>>) offsets(%dma_start3A_136 : memref<80xi32, #tpu.memory_space<vmem>>) semaphore(%arg8 : memref<!tpu.dma_semaphore, #tpu.memory_space<semaphore_mem>>) {add = true}
      %add3A_140 = arith.constant 9 : i32
      %add3A_141 = arith.addi %add3A_67, %add3A_140 : i32
      %dma_start3A_142 = arith.constant 0 : i32
      %dma_start3A_143 = tpu.memref_slice %arg4[%add3A_141, %dma_start3A_142] : memref<125x80xi32, #tpu.memory_space<vmem>> -> memref<1x80xi32, #tpu.memory_space<vmem>>
      %dma_start3A_144 = tpu.memref_squeeze %dma_start3A_143 : memref<1x80xi32, #tpu.memory_space<vmem>> -> memref<80xi32, #tpu.memory_space<vmem>>
      %dma_start3A_145 = arith.constant 0 : i32
      %dma_start3A_146 = arith.constant 0 : i32
      %dma_start3A_147 = tpu.memref_slice %arg7[%dma_start3A_145, %dma_start3A_146] : memref<10240x16xf32, #tpu.memory_space<vmem_shared>> -> memref<10240x16xf32, #tpu.memory_space<vmem_shared>>
      tpu.enqueue_indirect_dma source(%arg5 : memref<80x16xf32, #tpu.memory_space<vmem>>) target(%dma_start3A_147 : memref<10240x16xf32, #tpu.memory_space<vmem_shared>>) offsets(%dma_start3A_144 : memref<80xi32, #tpu.memory_space<vmem>>) semaphore(%arg8 : memref<!tpu.dma_semaphore, #tpu.memory_space<semaphore_mem>>) {add = true}
      %add3A_148 = arith.constant 10 : i32
      %add3A_149 = arith.addi %add3A_67, %add3A_148 : i32
      %dma_start3A_150 = arith.constant 0 : i32
      %dma_start3A_151 = tpu.memref_slice %arg4[%add3A_149, %dma_start3A_150] : memref<125x80xi32, #tpu.memory_space<vmem>> -> memref<1x80xi32, #tpu.memory_space<vmem>>
      %dma_start3A_152 = tpu.memref_squeeze %dma_start3A_151 : memref<1x80xi32, #tpu.memory_space<vmem>> -> memref<80xi32, #tpu.memory_space<vmem>>
      %dma_start3A_153 = arith.constant 0 : i32
      %dma_start3A_154 = arith.constant 0 : i32
      %dma_start3A_155 = tpu.memref_slice %arg7[%dma_start3A_153, %dma_start3A_154] : memref<10240x16xf32, #tpu.memory_space<vmem_shared>> -> memref<10240x16xf32, #tpu.memory_space<vmem_shared>>
      tpu.enqueue_indirect_dma source(%arg5 : memref<80x16xf32, #tpu.memory_space<vmem>>) target(%dma_start3A_155 : memref<10240x16xf32, #tpu.memory_space<vmem_shared>>) offsets(%dma_start3A_152 : memref<80xi32, #tpu.memory_space<vmem>>) semaphore(%arg8 : memref<!tpu.dma_semaphore, #tpu.memory_space<semaphore_mem>>) {add = true}
      %add3A_156 = arith.constant 11 : i32
      %add3A_157 = arith.addi %add3A_67, %add3A_156 : i32
      %dma_start3A_158 = arith.constant 0 : i32
      %dma_start3A_159 = tpu.memref_slice %arg4[%add3A_157, %dma_start3A_158] : memref<125x80xi32, #tpu.memory_space<vmem>> -> memref<1x80xi32, #tpu.memory_space<vmem>>
      %dma_start3A_160 = tpu.memref_squeeze %dma_start3A_159 : memref<1x80xi32, #tpu.memory_space<vmem>> -> memref<80xi32, #tpu.memory_space<vmem>>
      %dma_start3A_161 = arith.constant 0 : i32
      %dma_start3A_162 = arith.constant 0 : i32
      %dma_start3A_163 = tpu.memref_slice %arg7[%dma_start3A_161, %dma_start3A_162] : memref<10240x16xf32, #tpu.memory_space<vmem_shared>> -> memref<10240x16xf32, #tpu.memory_space<vmem_shared>>
      tpu.enqueue_indirect_dma source(%arg5 : memref<80x16xf32, #tpu.memory_space<vmem>>) target(%dma_start3A_163 : memref<10240x16xf32, #tpu.memory_space<vmem_shared>>) offsets(%dma_start3A_160 : memref<80xi32, #tpu.memory_space<vmem>>) semaphore(%arg8 : memref<!tpu.dma_semaphore, #tpu.memory_space<semaphore_mem>>) {add = true}
      %add3A_164 = arith.constant 12 : i32
      %add3A_165 = arith.addi %add3A_67, %add3A_164 : i32
      %dma_start3A_166 = arith.constant 0 : i32
      %dma_start3A_167 = tpu.memref_slice %arg4[%add3A_165, %dma_start3A_166] : memref<125x80xi32, #tpu.memory_space<vmem>> -> memref<1x80xi32, #tpu.memory_space<vmem>>
      %dma_start3A_168 = tpu.memref_squeeze %dma_start3A_167 : memref<1x80xi32, #tpu.memory_space<vmem>> -> memref<80xi32, #tpu.memory_space<vmem>>
      %dma_start3A_169 = arith.constant 0 : i32
      %dma_start3A_170 = arith.constant 0 : i32
      %dma_start3A_171 = tpu.memref_slice %arg7[%dma_start3A_169, %dma_start3A_170] : memref<10240x16xf32, #tpu.memory_space<vmem_shared>> -> memref<10240x16xf32, #tpu.memory_space<vmem_shared>>
      tpu.enqueue_indirect_dma source(%arg5 : memref<80x16xf32, #tpu.memory_space<vmem>>) target(%dma_start3A_171 : memref<10240x16xf32, #tpu.memory_space<vmem_shared>>) offsets(%dma_start3A_168 : memref<80xi32, #tpu.memory_space<vmem>>) semaphore(%arg8 : memref<!tpu.dma_semaphore, #tpu.memory_space<semaphore_mem>>) {add = true}
      %add3A_172 = arith.constant 13 : i32
      %add3A_173 = arith.addi %add3A_67, %add3A_172 : i32
      %dma_start3A_174 = arith.constant 0 : i32
      %dma_start3A_175 = tpu.memref_slice %arg4[%add3A_173, %dma_start3A_174] : memref<125x80xi32, #tpu.memory_space<vmem>> -> memref<1x80xi32, #tpu.memory_space<vmem>>
      %dma_start3A_176 = tpu.memref_squeeze %dma_start3A_175 : memref<1x80xi32, #tpu.memory_space<vmem>> -> memref<80xi32, #tpu.memory_space<vmem>>
      %dma_start3A_177 = arith.constant 0 : i32
      %dma_start3A_178 = arith.constant 0 : i32
      %dma_start3A_179 = tpu.memref_slice %arg7[%dma_start3A_177, %dma_start3A_178] : memref<10240x16xf32, #tpu.memory_space<vmem_shared>> -> memref<10240x16xf32, #tpu.memory_space<vmem_shared>>
      tpu.enqueue_indirect_dma source(%arg5 : memref<80x16xf32, #tpu.memory_space<vmem>>) target(%dma_start3A_179 : memref<10240x16xf32, #tpu.memory_space<vmem_shared>>) offsets(%dma_start3A_176 : memref<80xi32, #tpu.memory_space<vmem>>) semaphore(%arg8 : memref<!tpu.dma_semaphore, #tpu.memory_space<semaphore_mem>>) {add = true}
      %add3A_180 = arith.constant 14 : i32
      %add3A_181 = arith.addi %add3A_67, %add3A_180 : i32
      %dma_start3A_182 = arith.constant 0 : i32
      %dma_start3A_183 = tpu.memref_slice %arg4[%add3A_181, %dma_start3A_182] : memref<125x80xi32, #tpu.memory_space<vmem>> -> memref<1x80xi32, #tpu.memory_space<vmem>>
      %dma_start3A_184 = tpu.memref_squeeze %dma_start3A_183 : memref<1x80xi32, #tpu.memory_space<vmem>> -> memref<80xi32, #tpu.memory_space<vmem>>
      %dma_start3A_185 = arith.constant 0 : i32
      %dma_start3A_186 = arith.constant 0 : i32
      %dma_start3A_187 = tpu.memref_slice %arg7[%dma_start3A_185, %dma_start3A_186] : memref<10240x16xf32, #tpu.memory_space<vmem_shared>> -> memref<10240x16xf32, #tpu.memory_space<vmem_shared>>
      tpu.enqueue_indirect_dma source(%arg5 : memref<80x16xf32, #tpu.memory_space<vmem>>) target(%dma_start3A_187 : memref<10240x16xf32, #tpu.memory_space<vmem_shared>>) offsets(%dma_start3A_184 : memref<80xi32, #tpu.memory_space<vmem>>) semaphore(%arg8 : memref<!tpu.dma_semaphore, #tpu.memory_space<semaphore_mem>>) {add = true}
      %add3A_188 = arith.constant 15 : i32
      %add3A_189 = arith.addi %add3A_67, %add3A_188 : i32
      %dma_start3A_190 = arith.constant 0 : i32
      %dma_start3A_191 = tpu.memref_slice %arg4[%add3A_189, %dma_start3A_190] : memref<125x80xi32, #tpu.memory_space<vmem>> -> memref<1x80xi32, #tpu.memory_space<vmem>>
      %dma_start3A_192 = tpu.memref_squeeze %dma_start3A_191 : memref<1x80xi32, #tpu.memory_space<vmem>> -> memref<80xi32, #tpu.memory_space<vmem>>
      %dma_start3A_193 = arith.constant 0 : i32
      %dma_start3A_194 = arith.constant 0 : i32
      %dma_start3A_195 = tpu.memref_slice %arg7[%dma_start3A_193, %dma_start3A_194] : memref<10240x16xf32, #tpu.memory_space<vmem_shared>> -> memref<10240x16xf32, #tpu.memory_space<vmem_shared>>
      tpu.enqueue_indirect_dma source(%arg5 : memref<80x16xf32, #tpu.memory_space<vmem>>) target(%dma_start3A_195 : memref<10240x16xf32, #tpu.memory_space<vmem_shared>>) offsets(%dma_start3A_192 : memref<80xi32, #tpu.memory_space<vmem>>) semaphore(%arg8 : memref<!tpu.dma_semaphore, #tpu.memory_space<semaphore_mem>>) {add = true}
      %add3A_196 = arith.constant 16 : i32
      %add3A_197 = arith.addi %add3A_67, %add3A_196 : i32
      %dma_start3A_198 = arith.constant 0 : i32
      %dma_start3A_199 = tpu.memref_slice %arg4[%add3A_197, %dma_start3A_198] : memref<125x80xi32, #tpu.memory_space<vmem>> -> memref<1x80xi32, #tpu.memory_space<vmem>>
      %dma_start3A_200 = tpu.memref_squeeze %dma_start3A_199 : memref<1x80xi32, #tpu.memory_space<vmem>> -> memref<80xi32, #tpu.memory_space<vmem>>
      %dma_start3A_201 = arith.constant 0 : i32
      %dma_start3A_202 = arith.constant 0 : i32
      %dma_start3A_203 = tpu.memref_slice %arg7[%dma_start3A_201, %dma_start3A_202] : memref<10240x16xf32, #tpu.memory_space<vmem_shared>> -> memref<10240x16xf32, #tpu.memory_space<vmem_shared>>
      tpu.enqueue_indirect_dma source(%arg5 : memref<80x16xf32, #tpu.memory_space<vmem>>) target(%dma_start3A_203 : memref<10240x16xf32, #tpu.memory_space<vmem_shared>>) offsets(%dma_start3A_200 : memref<80xi32, #tpu.memory_space<vmem>>) semaphore(%arg8 : memref<!tpu.dma_semaphore, #tpu.memory_space<semaphore_mem>>) {add = true}
      %add3A_204 = arith.constant 17 : i32
      %add3A_205 = arith.addi %add3A_67, %add3A_204 : i32
      %dma_start3A_206 = arith.constant 0 : i32
      %dma_start3A_207 = tpu.memref_slice %arg4[%add3A_205, %dma_start3A_206] : memref<125x80xi32, #tpu.memory_space<vmem>> -> memref<1x80xi32, #tpu.memory_space<vmem>>
      %dma_start3A_208 = tpu.memref_squeeze %dma_start3A_207 : memref<1x80xi32, #tpu.memory_space<vmem>> -> memref<80xi32, #tpu.memory_space<vmem>>
      %dma_start3A_209 = arith.constant 0 : i32
      %dma_start3A_210 = arith.constant 0 : i32
      %dma_start3A_211 = tpu.memref_slice %arg7[%dma_start3A_209, %dma_start3A_210] : memref<10240x16xf32, #tpu.memory_space<vmem_shared>> -> memref<10240x16xf32, #tpu.memory_space<vmem_shared>>
      tpu.enqueue_indirect_dma source(%arg5 : memref<80x16xf32, #tpu.memory_space<vmem>>) target(%dma_start3A_211 : memref<10240x16xf32, #tpu.memory_space<vmem_shared>>) offsets(%dma_start3A_208 : memref<80xi32, #tpu.memory_space<vmem>>) semaphore(%arg8 : memref<!tpu.dma_semaphore, #tpu.memory_space<semaphore_mem>>) {add = true}
      %add3A_212 = arith.constant 18 : i32
      %add3A_213 = arith.addi %add3A_67, %add3A_212 : i32
      %dma_start3A_214 = arith.constant 0 : i32
      %dma_start3A_215 = tpu.memref_slice %arg4[%add3A_213, %dma_start3A_214] : memref<125x80xi32, #tpu.memory_space<vmem>> -> memref<1x80xi32, #tpu.memory_space<vmem>>
      %dma_start3A_216 = tpu.memref_squeeze %dma_start3A_215 : memref<1x80xi32, #tpu.memory_space<vmem>> -> memref<80xi32, #tpu.memory_space<vmem>>
      %dma_start3A_217 = arith.constant 0 : i32
      %dma_start3A_218 = arith.constant 0 : i32
      %dma_start3A_219 = tpu.memref_slice %arg7[%dma_start3A_217, %dma_start3A_218] : memref<10240x16xf32, #tpu.memory_space<vmem_shared>> -> memref<10240x16xf32, #tpu.memory_space<vmem_shared>>
      tpu.enqueue_indirect_dma source(%arg5 : memref<80x16xf32, #tpu.memory_space<vmem>>) target(%dma_start3A_219 : memref<10240x16xf32, #tpu.memory_space<vmem_shared>>) offsets(%dma_start3A_216 : memref<80xi32, #tpu.memory_space<vmem>>) semaphore(%arg8 : memref<!tpu.dma_semaphore, #tpu.memory_space<semaphore_mem>>) {add = true}
      %add3A_220 = arith.constant 19 : i32
      %add3A_221 = arith.addi %add3A_67, %add3A_220 : i32
      %dma_start3A_222 = arith.constant 0 : i32
      %dma_start3A_223 = tpu.memref_slice %arg4[%add3A_221, %dma_start3A_222] : memref<125x80xi32, #tpu.memory_space<vmem>> -> memref<1x80xi32, #tpu.memory_space<vmem>>
      %dma_start3A_224 = tpu.memref_squeeze %dma_start3A_223 : memref<1x80xi32, #tpu.memory_space<vmem>> -> memref<80xi32, #tpu.memory_space<vmem>>
      %dma_start3A_225 = arith.constant 0 : i32
      %dma_start3A_226 = arith.constant 0 : i32
      %dma_start3A_227 = tpu.memref_slice %arg7[%dma_start3A_225, %dma_start3A_226] : memref<10240x16xf32, #tpu.memory_space<vmem_shared>> -> memref<10240x16xf32, #tpu.memory_space<vmem_shared>>
      tpu.enqueue_indirect_dma source(%arg5 : memref<80x16xf32, #tpu.memory_space<vmem>>) target(%dma_start3A_227 : memref<10240x16xf32, #tpu.memory_space<vmem_shared>>) offsets(%dma_start3A_224 : memref<80xi32, #tpu.memory_space<vmem>>) semaphore(%arg8 : memref<!tpu.dma_semaphore, #tpu.memory_space<semaphore_mem>>) {add = true}
      %add3A_228 = arith.constant 20 : i32
      %add3A_229 = arith.addi %add3A_67, %add3A_228 : i32
      %dma_start3A_230 = arith.constant 0 : i32
      %dma_start3A_231 = tpu.memref_slice %arg4[%add3A_229, %dma_start3A_230] : memref<125x80xi32, #tpu.memory_space<vmem>> -> memref<1x80xi32, #tpu.memory_space<vmem>>
      %dma_start3A_232 = tpu.memref_squeeze %dma_start3A_231 : memref<1x80xi32, #tpu.memory_space<vmem>> -> memref<80xi32, #tpu.memory_space<vmem>>
      %dma_start3A_233 = arith.constant 0 : i32
      %dma_start3A_234 = arith.constant 0 : i32
      %dma_start3A_235 = tpu.memref_slice %arg7[%dma_start3A_233, %dma_start3A_234] : memref<10240x16xf32, #tpu.memory_space<vmem_shared>> -> memref<10240x16xf32, #tpu.memory_space<vmem_shared>>
      tpu.enqueue_indirect_dma source(%arg5 : memref<80x16xf32, #tpu.memory_space<vmem>>) target(%dma_start3A_235 : memref<10240x16xf32, #tpu.memory_space<vmem_shared>>) offsets(%dma_start3A_232 : memref<80xi32, #tpu.memory_space<vmem>>) semaphore(%arg8 : memref<!tpu.dma_semaphore, #tpu.memory_space<semaphore_mem>>) {add = true}
      %add3A_236 = arith.constant 21 : i32
      %add3A_237 = arith.addi %add3A_67, %add3A_236 : i32
      %dma_start3A_238 = arith.constant 0 : i32
      %dma_start3A_239 = tpu.memref_slice %arg4[%add3A_237, %dma_start3A_238] : memref<125x80xi32, #tpu.memory_space<vmem>> -> memref<1x80xi32, #tpu.memory_space<vmem>>
      %dma_start3A_240 = tpu.memref_squeeze %dma_start3A_239 : memref<1x80xi32, #tpu.memory_space<vmem>> -> memref<80xi32, #tpu.memory_space<vmem>>
      %dma_start3A_241 = arith.constant 0 : i32
      %dma_start3A_242 = arith.constant 0 : i32
      %dma_start3A_243 = tpu.memref_slice %arg7[%dma_start3A_241, %dma_start3A_242] : memref<10240x16xf32, #tpu.memory_space<vmem_shared>> -> memref<10240x16xf32, #tpu.memory_space<vmem_shared>>
      tpu.enqueue_indirect_dma source(%arg5 : memref<80x16xf32, #tpu.memory_space<vmem>>) target(%dma_start3A_243 : memref<10240x16xf32, #tpu.memory_space<vmem_shared>>) offsets(%dma_start3A_240 : memref<80xi32, #tpu.memory_space<vmem>>) semaphore(%arg8 : memref<!tpu.dma_semaphore, #tpu.memory_space<semaphore_mem>>) {add = true}
      %add3A_244 = arith.constant 22 : i32
      %add3A_245 = arith.addi %add3A_67, %add3A_244 : i32
      %dma_start3A_246 = arith.constant 0 : i32
      %dma_start3A_247 = tpu.memref_slice %arg4[%add3A_245, %dma_start3A_246] : memref<125x80xi32, #tpu.memory_space<vmem>> -> memref<1x80xi32, #tpu.memory_space<vmem>>
      %dma_start3A_248 = tpu.memref_squeeze %dma_start3A_247 : memref<1x80xi32, #tpu.memory_space<vmem>> -> memref<80xi32, #tpu.memory_space<vmem>>
      %dma_start3A_249 = arith.constant 0 : i32
      %dma_start3A_250 = arith.constant 0 : i32
      %dma_start3A_251 = tpu.memref_slice %arg7[%dma_start3A_249, %dma_start3A_250] : memref<10240x16xf32, #tpu.memory_space<vmem_shared>> -> memref<10240x16xf32, #tpu.memory_space<vmem_shared>>
      tpu.enqueue_indirect_dma source(%arg5 : memref<80x16xf32, #tpu.memory_space<vmem>>) target(%dma_start3A_251 : memref<10240x16xf32, #tpu.memory_space<vmem_shared>>) offsets(%dma_start3A_248 : memref<80xi32, #tpu.memory_space<vmem>>) semaphore(%arg8 : memref<!tpu.dma_semaphore, #tpu.memory_space<semaphore_mem>>) {add = true}
      %add3A_252 = arith.constant 23 : i32
      %add3A_253 = arith.addi %add3A_67, %add3A_252 : i32
      %dma_start3A_254 = arith.constant 0 : i32
      %dma_start3A_255 = tpu.memref_slice %arg4[%add3A_253, %dma_start3A_254] : memref<125x80xi32, #tpu.memory_space<vmem>> -> memref<1x80xi32, #tpu.memory_space<vmem>>
      %dma_start3A_256 = tpu.memref_squeeze %dma_start3A_255 : memref<1x80xi32, #tpu.memory_space<vmem>> -> memref<80xi32, #tpu.memory_space<vmem>>
      %dma_start3A_257 = arith.constant 0 : i32
      %dma_start3A_258 = arith.constant 0 : i32
      %dma_start3A_259 = tpu.memref_slice %arg7[%dma_start3A_257, %dma_start3A_258] : memref<10240x16xf32, #tpu.memory_space<vmem_shared>> -> memref<10240x16xf32, #tpu.memory_space<vmem_shared>>
      tpu.enqueue_indirect_dma source(%arg5 : memref<80x16xf32, #tpu.memory_space<vmem>>) target(%dma_start3A_259 : memref<10240x16xf32, #tpu.memory_space<vmem_shared>>) offsets(%dma_start3A_256 : memref<80xi32, #tpu.memory_space<vmem>>) semaphore(%arg8 : memref<!tpu.dma_semaphore, #tpu.memory_space<semaphore_mem>>) {add = true}
      %add3A_260 = arith.constant 24 : i32
      %add3A_261 = arith.addi %add3A_67, %add3A_260 : i32
      %dma_start3A_262 = arith.constant 0 : i32
      %dma_start3A_263 = tpu.memref_slice %arg4[%add3A_261, %dma_start3A_262] : memref<125x80xi32, #tpu.memory_space<vmem>> -> memref<1x80xi32, #tpu.memory_space<vmem>>
      %dma_start3A_264 = tpu.memref_squeeze %dma_start3A_263 : memref<1x80xi32, #tpu.memory_space<vmem>> -> memref<80xi32, #tpu.memory_space<vmem>>
      %dma_start3A_265 = arith.constant 0 : i32
      %dma_start3A_266 = arith.constant 0 : i32
      %dma_start3A_267 = tpu.memref_slice %arg7[%dma_start3A_265, %dma_start3A_266] : memref<10240x16xf32, #tpu.memory_space<vmem_shared>> -> memref<10240x16xf32, #tpu.memory_space<vmem_shared>>
      tpu.enqueue_indirect_dma source(%arg5 : memref<80x16xf32, #tpu.memory_space<vmem>>) target(%dma_start3A_267 : memref<10240x16xf32, #tpu.memory_space<vmem_shared>>) offsets(%dma_start3A_264 : memref<80xi32, #tpu.memory_space<vmem>>) semaphore(%arg8 : memref<!tpu.dma_semaphore, #tpu.memory_space<semaphore_mem>>) {add = true}
      %add3A_268 = arith.constant 0 : i32
      %add3A_269 = arith.addi %add3A_67, %add3A_268 : i32
      %dma_wait3A_270 = arith.constant 0 : i32
      %dma_wait3A_271 = tpu.memref_slice %arg4[%add3A_269, %dma_wait3A_270] : memref<125x80xi32, #tpu.memory_space<vmem>> -> memref<1x80xi32, #tpu.memory_space<vmem>>
      %dma_wait3A_272 = tpu.memref_squeeze %dma_wait3A_271 : memref<1x80xi32, #tpu.memory_space<vmem>> -> memref<80xi32, #tpu.memory_space<vmem>>
      %dma_wait3A_273 = arith.constant 0 : i32
      %dma_wait3A_274 = arith.constant 0 : i32
      %dma_wait3A_275 = tpu.memref_slice %arg7[%dma_wait3A_273, %dma_wait3A_274] : memref<10240x16xf32, #tpu.memory_space<vmem_shared>> -> memref<10240x16xf32, #tpu.memory_space<vmem_shared>>
      tpu.wait_indirect_dma semaphore(%arg8 : memref<!tpu.dma_semaphore, #tpu.memory_space<semaphore_mem>>) src(%arg5 : memref<80x16xf32, #tpu.memory_space<vmem>>) dst(%dma_wait3A_275 : memref<10240x16xf32, #tpu.memory_space<vmem_shared>>)
      %add3A_276 = arith.constant 1 : i32
      %add3A_277 = arith.addi %add3A_67, %add3A_276 : i32
      %dma_wait3A_278 = arith.constant 0 : i32
      %dma_wait3A_279 = tpu.memref_slice %arg4[%add3A_277, %dma_wait3A_278] : memref<125x80xi32, #tpu.memory_space<vmem>> -> memref<1x80xi32, #tpu.memory_space<vmem>>
      %dma_wait3A_280 = tpu.memref_squeeze %dma_wait3A_279 : memref<1x80xi32, #tpu.memory_space<vmem>> -> memref<80xi32, #tpu.memory_space<vmem>>
      %dma_wait3A_281 = arith.constant 0 : i32
      %dma_wait3A_282 = arith.constant 0 : i32
      %dma_wait3A_283 = tpu.memref_slice %arg7[%dma_wait3A_281, %dma_wait3A_282] : memref<10240x16xf32, #tpu.memory_space<vmem_shared>> -> memref<10240x16xf32, #tpu.memory_space<vmem_shared>>
      tpu.wait_indirect_dma semaphore(%arg8 : memref<!tpu.dma_semaphore, #tpu.memory_space<semaphore_mem>>) src(%arg5 : memref<80x16xf32, #tpu.memory_space<vmem>>) dst(%dma_wait3A_283 : memref<10240x16xf32, #tpu.memory_space<vmem_shared>>)
      %add3A_284 = arith.constant 2 : i32
      %add3A_285 = arith.addi %add3A_67, %add3A_284 : i32
      %dma_wait3A_286 = arith.constant 0 : i32
      %dma_wait3A_287 = tpu.memref_slice %arg4[%add3A_285, %dma_wait3A_286] : memref<125x80xi32, #tpu.memory_space<vmem>> -> memref<1x80xi32, #tpu.memory_space<vmem>>
      %dma_wait3A_288 = tpu.memref_squeeze %dma_wait3A_287 : memref<1x80xi32, #tpu.memory_space<vmem>> -> memref<80xi32, #tpu.memory_space<vmem>>
      %dma_wait3A_289 = arith.constant 0 : i32
      %dma_wait3A_290 = arith.constant 0 : i32
      %dma_wait3A_291 = tpu.memref_slice %arg7[%dma_wait3A_289, %dma_wait3A_290] : memref<10240x16xf32, #tpu.memory_space<vmem_shared>> -> memref<10240x16xf32, #tpu.memory_space<vmem_shared>>
      tpu.wait_indirect_dma semaphore(%arg8 : memref<!tpu.dma_semaphore, #tpu.memory_space<semaphore_mem>>) src(%arg5 : memref<80x16xf32, #tpu.memory_space<vmem>>) dst(%dma_wait3A_291 : memref<10240x16xf32, #tpu.memory_space<vmem_shared>>)
      %add3A_292 = arith.constant 3 : i32
      %add3A_293 = arith.addi %add3A_67, %add3A_292 : i32
      %dma_wait3A_294 = arith.constant 0 : i32
      %dma_wait3A_295 = tpu.memref_slice %arg4[%add3A_293, %dma_wait3A_294] : memref<125x80xi32, #tpu.memory_space<vmem>> -> memref<1x80xi32, #tpu.memory_space<vmem>>
      %dma_wait3A_296 = tpu.memref_squeeze %dma_wait3A_295 : memref<1x80xi32, #tpu.memory_space<vmem>> -> memref<80xi32, #tpu.memory_space<vmem>>
      %dma_wait3A_297 = arith.constant 0 : i32
      %dma_wait3A_298 = arith.constant 0 : i32
      %dma_wait3A_299 = tpu.memref_slice %arg7[%dma_wait3A_297, %dma_wait3A_298] : memref<10240x16xf32, #tpu.memory_space<vmem_shared>> -> memref<10240x16xf32, #tpu.memory_space<vmem_shared>>
      tpu.wait_indirect_dma semaphore(%arg8 : memref<!tpu.dma_semaphore, #tpu.memory_space<semaphore_mem>>) src(%arg5 : memref<80x16xf32, #tpu.memory_space<vmem>>) dst(%dma_wait3A_299 : memref<10240x16xf32, #tpu.memory_space<vmem_shared>>)
      %add3A_300 = arith.constant 4 : i32
      %add3A_301 = arith.addi %add3A_67, %add3A_300 : i32
      %dma_wait3A_302 = arith.constant 0 : i32
      %dma_wait3A_303 = tpu.memref_slice %arg4[%add3A_301, %dma_wait3A_302] : memref<125x80xi32, #tpu.memory_space<vmem>> -> memref<1x80xi32, #tpu.memory_space<vmem>>
      %dma_wait3A_304 = tpu.memref_squeeze %dma_wait3A_303 : memref<1x80xi32, #tpu.memory_space<vmem>> -> memref<80xi32, #tpu.memory_space<vmem>>
      %dma_wait3A_305 = arith.constant 0 : i32
      %dma_wait3A_306 = arith.constant 0 : i32
      %dma_wait3A_307 = tpu.memref_slice %arg7[%dma_wait3A_305, %dma_wait3A_306] : memref<10240x16xf32, #tpu.memory_space<vmem_shared>> -> memref<10240x16xf32, #tpu.memory_space<vmem_shared>>
      tpu.wait_indirect_dma semaphore(%arg8 : memref<!tpu.dma_semaphore, #tpu.memory_space<semaphore_mem>>) src(%arg5 : memref<80x16xf32, #tpu.memory_space<vmem>>) dst(%dma_wait3A_307 : memref<10240x16xf32, #tpu.memory_space<vmem_shared>>)
      %add3A_308 = arith.constant 5 : i32
      %add3A_309 = arith.addi %add3A_67, %add3A_308 : i32
      %dma_wait3A_310 = arith.constant 0 : i32
      %dma_wait3A_311 = tpu.memref_slice %arg4[%add3A_309, %dma_wait3A_310] : memref<125x80xi32, #tpu.memory_space<vmem>> -> memref<1x80xi32, #tpu.memory_space<vmem>>
      %dma_wait3A_312 = tpu.memref_squeeze %dma_wait3A_311 : memref<1x80xi32, #tpu.memory_space<vmem>> -> memref<80xi32, #tpu.memory_space<vmem>>
      %dma_wait3A_313 = arith.constant 0 : i32
      %dma_wait3A_314 = arith.constant 0 : i32
      %dma_wait3A_315 = tpu.memref_slice %arg7[%dma_wait3A_313, %dma_wait3A_314] : memref<10240x16xf32, #tpu.memory_space<vmem_shared>> -> memref<10240x16xf32, #tpu.memory_space<vmem_shared>>
      tpu.wait_indirect_dma semaphore(%arg8 : memref<!tpu.dma_semaphore, #tpu.memory_space<semaphore_mem>>) src(%arg5 : memref<80x16xf32, #tpu.memory_space<vmem>>) dst(%dma_wait3A_315 : memref<10240x16xf32, #tpu.memory_space<vmem_shared>>)
      %add3A_316 = arith.constant 6 : i32
      %add3A_317 = arith.addi %add3A_67, %add3A_316 : i32
      %dma_wait3A_318 = arith.constant 0 : i32
      %dma_wait3A_319 = tpu.memref_slice %arg4[%add3A_317, %dma_wait3A_318] : memref<125x80xi32, #tpu.memory_space<vmem>> -> memref<1x80xi32, #tpu.memory_space<vmem>>
      %dma_wait3A_320 = tpu.memref_squeeze %dma_wait3A_319 : memref<1x80xi32, #tpu.memory_space<vmem>> -> memref<80xi32, #tpu.memory_space<vmem>>
      %dma_wait3A_321 = arith.constant 0 : i32
      %dma_wait3A_322 = arith.constant 0 : i32
      %dma_wait3A_323 = tpu.memref_slice %arg7[%dma_wait3A_321, %dma_wait3A_322] : memref<10240x16xf32, #tpu.memory_space<vmem_shared>> -> memref<10240x16xf32, #tpu.memory_space<vmem_shared>>
      tpu.wait_indirect_dma semaphore(%arg8 : memref<!tpu.dma_semaphore, #tpu.memory_space<semaphore_mem>>) src(%arg5 : memref<80x16xf32, #tpu.memory_space<vmem>>) dst(%dma_wait3A_323 : memref<10240x16xf32, #tpu.memory_space<vmem_shared>>)
      %add3A_324 = arith.constant 7 : i32
      %add3A_325 = arith.addi %add3A_67, %add3A_324 : i32
      %dma_wait3A_326 = arith.constant 0 : i32
      %dma_wait3A_327 = tpu.memref_slice %arg4[%add3A_325, %dma_wait3A_326] : memref<125x80xi32, #tpu.memory_space<vmem>> -> memref<1x80xi32, #tpu.memory_space<vmem>>
      %dma_wait3A_328 = tpu.memref_squeeze %dma_wait3A_327 : memref<1x80xi32, #tpu.memory_space<vmem>> -> memref<80xi32, #tpu.memory_space<vmem>>
      %dma_wait3A_329 = arith.constant 0 : i32
      %dma_wait3A_330 = arith.constant 0 : i32
      %dma_wait3A_331 = tpu.memref_slice %arg7[%dma_wait3A_329, %dma_wait3A_330] : memref<10240x16xf32, #tpu.memory_space<vmem_shared>> -> memref<10240x16xf32, #tpu.memory_space<vmem_shared>>
      tpu.wait_indirect_dma semaphore(%arg8 : memref<!tpu.dma_semaphore, #tpu.memory_space<semaphore_mem>>) src(%arg5 : memref<80x16xf32, #tpu.memory_space<vmem>>) dst(%dma_wait3A_331 : memref<10240x16xf32, #tpu.memory_space<vmem_shared>>)
      %add3A_332 = arith.constant 8 : i32
      %add3A_333 = arith.addi %add3A_67, %add3A_332 : i32
      %dma_wait3A_334 = arith.constant 0 : i32
      %dma_wait3A_335 = tpu.memref_slice %arg4[%add3A_333, %dma_wait3A_334] : memref<125x80xi32, #tpu.memory_space<vmem>> -> memref<1x80xi32, #tpu.memory_space<vmem>>
      %dma_wait3A_336 = tpu.memref_squeeze %dma_wait3A_335 : memref<1x80xi32, #tpu.memory_space<vmem>> -> memref<80xi32, #tpu.memory_space<vmem>>
      %dma_wait3A_337 = arith.constant 0 : i32
      %dma_wait3A_338 = arith.constant 0 : i32
      %dma_wait3A_339 = tpu.memref_slice %arg7[%dma_wait3A_337, %dma_wait3A_338] : memref<10240x16xf32, #tpu.memory_space<vmem_shared>> -> memref<10240x16xf32, #tpu.memory_space<vmem_shared>>
      tpu.wait_indirect_dma semaphore(%arg8 : memref<!tpu.dma_semaphore, #tpu.memory_space<semaphore_mem>>) src(%arg5 : memref<80x16xf32, #tpu.memory_space<vmem>>) dst(%dma_wait3A_339 : memref<10240x16xf32, #tpu.memory_space<vmem_shared>>)
      %add3A_340 = arith.constant 9 : i32
      %add3A_341 = arith.addi %add3A_67, %add3A_340 : i32
      %dma_wait3A_342 = arith.constant 0 : i32
      %dma_wait3A_343 = tpu.memref_slice %arg4[%add3A_341, %dma_wait3A_342] : memref<125x80xi32, #tpu.memory_space<vmem>> -> memref<1x80xi32, #tpu.memory_space<vmem>>
      %dma_wait3A_344 = tpu.memref_squeeze %dma_wait3A_343 : memref<1x80xi32, #tpu.memory_space<vmem>> -> memref<80xi32, #tpu.memory_space<vmem>>
      %dma_wait3A_345 = arith.constant 0 : i32
      %dma_wait3A_346 = arith.constant 0 : i32
      %dma_wait3A_347 = tpu.memref_slice %arg7[%dma_wait3A_345, %dma_wait3A_346] : memref<10240x16xf32, #tpu.memory_space<vmem_shared>> -> memref<10240x16xf32, #tpu.memory_space<vmem_shared>>
      tpu.wait_indirect_dma semaphore(%arg8 : memref<!tpu.dma_semaphore, #tpu.memory_space<semaphore_mem>>) src(%arg5 : memref<80x16xf32, #tpu.memory_space<vmem>>) dst(%dma_wait3A_347 : memref<10240x16xf32, #tpu.memory_space<vmem_shared>>)
      %add3A_348 = arith.constant 10 : i32
      %add3A_349 = arith.addi %add3A_67, %add3A_348 : i32
      %dma_wait3A_350 = arith.constant 0 : i32
      %dma_wait3A_351 = tpu.memref_slice %arg4[%add3A_349, %dma_wait3A_350] : memref<125x80xi32, #tpu.memory_space<vmem>> -> memref<1x80xi32, #tpu.memory_space<vmem>>
      %dma_wait3A_352 = tpu.memref_squeeze %dma_wait3A_351 : memref<1x80xi32, #tpu.memory_space<vmem>> -> memref<80xi32, #tpu.memory_space<vmem>>
      %dma_wait3A_353 = arith.constant 0 : i32
      %dma_wait3A_354 = arith.constant 0 : i32
      %dma_wait3A_355 = tpu.memref_slice %arg7[%dma_wait3A_353, %dma_wait3A_354] : memref<10240x16xf32, #tpu.memory_space<vmem_shared>> -> memref<10240x16xf32, #tpu.memory_space<vmem_shared>>
      tpu.wait_indirect_dma semaphore(%arg8 : memref<!tpu.dma_semaphore, #tpu.memory_space<semaphore_mem>>) src(%arg5 : memref<80x16xf32, #tpu.memory_space<vmem>>) dst(%dma_wait3A_355 : memref<10240x16xf32, #tpu.memory_space<vmem_shared>>)
      %add3A_356 = arith.constant 11 : i32
      %add3A_357 = arith.addi %add3A_67, %add3A_356 : i32
      %dma_wait3A_358 = arith.constant 0 : i32
      %dma_wait3A_359 = tpu.memref_slice %arg4[%add3A_357, %dma_wait3A_358] : memref<125x80xi32, #tpu.memory_space<vmem>> -> memref<1x80xi32, #tpu.memory_space<vmem>>
      %dma_wait3A_360 = tpu.memref_squeeze %dma_wait3A_359 : memref<1x80xi32, #tpu.memory_space<vmem>> -> memref<80xi32, #tpu.memory_space<vmem>>
      %dma_wait3A_361 = arith.constant 0 : i32
      %dma_wait3A_362 = arith.constant 0 : i32
      %dma_wait3A_363 = tpu.memref_slice %arg7[%dma_wait3A_361, %dma_wait3A_362] : memref<10240x16xf32, #tpu.memory_space<vmem_shared>> -> memref<10240x16xf32, #tpu.memory_space<vmem_shared>>
      tpu.wait_indirect_dma semaphore(%arg8 : memref<!tpu.dma_semaphore, #tpu.memory_space<semaphore_mem>>) src(%arg5 : memref<80x16xf32, #tpu.memory_space<vmem>>) dst(%dma_wait3A_363 : memref<10240x16xf32, #tpu.memory_space<vmem_shared>>)
      %add3A_364 = arith.constant 12 : i32
      %add3A_365 = arith.addi %add3A_67, %add3A_364 : i32
      %dma_wait3A_366 = arith.constant 0 : i32
      %dma_wait3A_367 = tpu.memref_slice %arg4[%add3A_365, %dma_wait3A_366] : memref<125x80xi32, #tpu.memory_space<vmem>> -> memref<1x80xi32, #tpu.memory_space<vmem>>
      %dma_wait3A_368 = tpu.memref_squeeze %dma_wait3A_367 : memref<1x80xi32, #tpu.memory_space<vmem>> -> memref<80xi32, #tpu.memory_space<vmem>>
      %dma_wait3A_369 = arith.constant 0 : i32
      %dma_wait3A_370 = arith.constant 0 : i32
      %dma_wait3A_371 = tpu.memref_slice %arg7[%dma_wait3A_369, %dma_wait3A_370] : memref<10240x16xf32, #tpu.memory_space<vmem_shared>> -> memref<10240x16xf32, #tpu.memory_space<vmem_shared>>
      tpu.wait_indirect_dma semaphore(%arg8 : memref<!tpu.dma_semaphore, #tpu.memory_space<semaphore_mem>>) src(%arg5 : memref<80x16xf32, #tpu.memory_space<vmem>>) dst(%dma_wait3A_371 : memref<10240x16xf32, #tpu.memory_space<vmem_shared>>)
      %add3A_372 = arith.constant 13 : i32
      %add3A_373 = arith.addi %add3A_67, %add3A_372 : i32
      %dma_wait3A_374 = arith.constant 0 : i32
      %dma_wait3A_375 = tpu.memref_slice %arg4[%add3A_373, %dma_wait3A_374] : memref<125x80xi32, #tpu.memory_space<vmem>> -> memref<1x80xi32, #tpu.memory_space<vmem>>
      %dma_wait3A_376 = tpu.memref_squeeze %dma_wait3A_375 : memref<1x80xi32, #tpu.memory_space<vmem>> -> memref<80xi32, #tpu.memory_space<vmem>>
      %dma_wait3A_377 = arith.constant 0 : i32
      %dma_wait3A_378 = arith.constant 0 : i32
      %dma_wait3A_379 = tpu.memref_slice %arg7[%dma_wait3A_377, %dma_wait3A_378] : memref<10240x16xf32, #tpu.memory_space<vmem_shared>> -> memref<10240x16xf32, #tpu.memory_space<vmem_shared>>
      tpu.wait_indirect_dma semaphore(%arg8 : memref<!tpu.dma_semaphore, #tpu.memory_space<semaphore_mem>>) src(%arg5 : memref<80x16xf32, #tpu.memory_space<vmem>>) dst(%dma_wait3A_379 : memref<10240x16xf32, #tpu.memory_space<vmem_shared>>)
      %add3A_380 = arith.constant 14 : i32
      %add3A_381 = arith.addi %add3A_67, %add3A_380 : i32
      %dma_wait3A_382 = arith.constant 0 : i32
      %dma_wait3A_383 = tpu.memref_slice %arg4[%add3A_381, %dma_wait3A_382] : memref<125x80xi32, #tpu.memory_space<vmem>> -> memref<1x80xi32, #tpu.memory_space<vmem>>
      %dma_wait3A_384 = tpu.memref_squeeze %dma_wait3A_383 : memref<1x80xi32, #tpu.memory_space<vmem>> -> memref<80xi32, #tpu.memory_space<vmem>>
      %dma_wait3A_385 = arith.constant 0 : i32
      %dma_wait3A_386 = arith.constant 0 : i32
      %dma_wait3A_387 = tpu.memref_slice %arg7[%dma_wait3A_385, %dma_wait3A_386] : memref<10240x16xf32, #tpu.memory_space<vmem_shared>> -> memref<10240x16xf32, #tpu.memory_space<vmem_shared>>
      tpu.wait_indirect_dma semaphore(%arg8 : memref<!tpu.dma_semaphore, #tpu.memory_space<semaphore_mem>>) src(%arg5 : memref<80x16xf32, #tpu.memory_space<vmem>>) dst(%dma_wait3A_387 : memref<10240x16xf32, #tpu.memory_space<vmem_shared>>)
      %add3A_388 = arith.constant 15 : i32
      %add3A_389 = arith.addi %add3A_67, %add3A_388 : i32
      %dma_wait3A_390 = arith.constant 0 : i32
      %dma_wait3A_391 = tpu.memref_slice %arg4[%add3A_389, %dma_wait3A_390] : memref<125x80xi32, #tpu.memory_space<vmem>> -> memref<1x80xi32, #tpu.memory_space<vmem>>
      %dma_wait3A_392 = tpu.memref_squeeze %dma_wait3A_391 : memref<1x80xi32, #tpu.memory_space<vmem>> -> memref<80xi32, #tpu.memory_space<vmem>>
      %dma_wait3A_393 = arith.constant 0 : i32
      %dma_wait3A_394 = arith.constant 0 : i32
      %dma_wait3A_395 = tpu.memref_slice %arg7[%dma_wait3A_393, %dma_wait3A_394] : memref<10240x16xf32, #tpu.memory_space<vmem_shared>> -> memref<10240x16xf32, #tpu.memory_space<vmem_shared>>
      tpu.wait_indirect_dma semaphore(%arg8 : memref<!tpu.dma_semaphore, #tpu.memory_space<semaphore_mem>>) src(%arg5 : memref<80x16xf32, #tpu.memory_space<vmem>>) dst(%dma_wait3A_395 : memref<10240x16xf32, #tpu.memory_space<vmem_shared>>)
      %add3A_396 = arith.constant 16 : i32
      %add3A_397 = arith.addi %add3A_67, %add3A_396 : i32
      %dma_wait3A_398 = arith.constant 0 : i32
      %dma_wait3A_399 = tpu.memref_slice %arg4[%add3A_397, %dma_wait3A_398] : memref<125x80xi32, #tpu.memory_space<vmem>> -> memref<1x80xi32, #tpu.memory_space<vmem>>
      %dma_wait3A_400 = tpu.memref_squeeze %dma_wait3A_399 : memref<1x80xi32, #tpu.memory_space<vmem>> -> memref<80xi32, #tpu.memory_space<vmem>>
      %dma_wait3A_401 = arith.constant 0 : i32
      %dma_wait3A_402 = arith.constant 0 : i32
      %dma_wait3A_403 = tpu.memref_slice %arg7[%dma_wait3A_401, %dma_wait3A_402] : memref<10240x16xf32, #tpu.memory_space<vmem_shared>> -> memref<10240x16xf32, #tpu.memory_space<vmem_shared>>
      tpu.wait_indirect_dma semaphore(%arg8 : memref<!tpu.dma_semaphore, #tpu.memory_space<semaphore_mem>>) src(%arg5 : memref<80x16xf32, #tpu.memory_space<vmem>>) dst(%dma_wait3A_403 : memref<10240x16xf32, #tpu.memory_space<vmem_shared>>)
      %add3A_404 = arith.constant 17 : i32
      %add3A_405 = arith.addi %add3A_67, %add3A_404 : i32
      %dma_wait3A_406 = arith.constant 0 : i32
      %dma_wait3A_407 = tpu.memref_slice %arg4[%add3A_405, %dma_wait3A_406] : memref<125x80xi32, #tpu.memory_space<vmem>> -> memref<1x80xi32, #tpu.memory_space<vmem>>
      %dma_wait3A_408 = tpu.memref_squeeze %dma_wait3A_407 : memref<1x80xi32, #tpu.memory_space<vmem>> -> memref<80xi32, #tpu.memory_space<vmem>>
      %dma_wait3A_409 = arith.constant 0 : i32
      %dma_wait3A_410 = arith.constant 0 : i32
      %dma_wait3A_411 = tpu.memref_slice %arg7[%dma_wait3A_409, %dma_wait3A_410] : memref<10240x16xf32, #tpu.memory_space<vmem_shared>> -> memref<10240x16xf32, #tpu.memory_space<vmem_shared>>
      tpu.wait_indirect_dma semaphore(%arg8 : memref<!tpu.dma_semaphore, #tpu.memory_space<semaphore_mem>>) src(%arg5 : memref<80x16xf32, #tpu.memory_space<vmem>>) dst(%dma_wait3A_411 : memref<10240x16xf32, #tpu.memory_space<vmem_shared>>)
      %add3A_412 = arith.constant 18 : i32
      %add3A_413 = arith.addi %add3A_67, %add3A_412 : i32
      %dma_wait3A_414 = arith.constant 0 : i32
      %dma_wait3A_415 = tpu.memref_slice %arg4[%add3A_413, %dma_wait3A_414] : memref<125x80xi32, #tpu.memory_space<vmem>> -> memref<1x80xi32, #tpu.memory_space<vmem>>
      %dma_wait3A_416 = tpu.memref_squeeze %dma_wait3A_415 : memref<1x80xi32, #tpu.memory_space<vmem>> -> memref<80xi32, #tpu.memory_space<vmem>>
      %dma_wait3A_417 = arith.constant 0 : i32
      %dma_wait3A_418 = arith.constant 0 : i32
      %dma_wait3A_419 = tpu.memref_slice %arg7[%dma_wait3A_417, %dma_wait3A_418] : memref<10240x16xf32, #tpu.memory_space<vmem_shared>> -> memref<10240x16xf32, #tpu.memory_space<vmem_shared>>
      tpu.wait_indirect_dma semaphore(%arg8 : memref<!tpu.dma_semaphore, #tpu.memory_space<semaphore_mem>>) src(%arg5 : memref<80x16xf32, #tpu.memory_space<vmem>>) dst(%dma_wait3A_419 : memref<10240x16xf32, #tpu.memory_space<vmem_shared>>)
      %add3A_420 = arith.constant 19 : i32
      %add3A_421 = arith.addi %add3A_67, %add3A_420 : i32
      %dma_wait3A_422 = arith.constant 0 : i32
      %dma_wait3A_423 = tpu.memref_slice %arg4[%add3A_421, %dma_wait3A_422] : memref<125x80xi32, #tpu.memory_space<vmem>> -> memref<1x80xi32, #tpu.memory_space<vmem>>
      %dma_wait3A_424 = tpu.memref_squeeze %dma_wait3A_423 : memref<1x80xi32, #tpu.memory_space<vmem>> -> memref<80xi32, #tpu.memory_space<vmem>>
      %dma_wait3A_425 = arith.constant 0 : i32
      %dma_wait3A_426 = arith.constant 0 : i32
      %dma_wait3A_427 = tpu.memref_slice %arg7[%dma_wait3A_425, %dma_wait3A_426] : memref<10240x16xf32, #tpu.memory_space<vmem_shared>> -> memref<10240x16xf32, #tpu.memory_space<vmem_shared>>
      tpu.wait_indirect_dma semaphore(%arg8 : memref<!tpu.dma_semaphore, #tpu.memory_space<semaphore_mem>>) src(%arg5 : memref<80x16xf32, #tpu.memory_space<vmem>>) dst(%dma_wait3A_427 : memref<10240x16xf32, #tpu.memory_space<vmem_shared>>)
      %add3A_428 = arith.constant 20 : i32
      %add3A_429 = arith.addi %add3A_67, %add3A_428 : i32
      %dma_wait3A_430 = arith.constant 0 : i32
      %dma_wait3A_431 = tpu.memref_slice %arg4[%add3A_429, %dma_wait3A_430] : memref<125x80xi32, #tpu.memory_space<vmem>> -> memref<1x80xi32, #tpu.memory_space<vmem>>
      %dma_wait3A_432 = tpu.memref_squeeze %dma_wait3A_431 : memref<1x80xi32, #tpu.memory_space<vmem>> -> memref<80xi32, #tpu.memory_space<vmem>>
      %dma_wait3A_433 = arith.constant 0 : i32
      %dma_wait3A_434 = arith.constant 0 : i32
      %dma_wait3A_435 = tpu.memref_slice %arg7[%dma_wait3A_433, %dma_wait3A_434] : memref<10240x16xf32, #tpu.memory_space<vmem_shared>> -> memref<10240x16xf32, #tpu.memory_space<vmem_shared>>
      tpu.wait_indirect_dma semaphore(%arg8 : memref<!tpu.dma_semaphore, #tpu.memory_space<semaphore_mem>>) src(%arg5 : memref<80x16xf32, #tpu.memory_space<vmem>>) dst(%dma_wait3A_435 : memref<10240x16xf32, #tpu.memory_space<vmem_shared>>)
      %add3A_436 = arith.constant 21 : i32
      %add3A_437 = arith.addi %add3A_67, %add3A_436 : i32
      %dma_wait3A_438 = arith.constant 0 : i32
      %dma_wait3A_439 = tpu.memref_slice %arg4[%add3A_437, %dma_wait3A_438] : memref<125x80xi32, #tpu.memory_space<vmem>> -> memref<1x80xi32, #tpu.memory_space<vmem>>
      %dma_wait3A_440 = tpu.memref_squeeze %dma_wait3A_439 : memref<1x80xi32, #tpu.memory_space<vmem>> -> memref<80xi32, #tpu.memory_space<vmem>>
      %dma_wait3A_441 = arith.constant 0 : i32
      %dma_wait3A_442 = arith.constant 0 : i32
      %dma_wait3A_443 = tpu.memref_slice %arg7[%dma_wait3A_441, %dma_wait3A_442] : memref<10240x16xf32, #tpu.memory_space<vmem_shared>> -> memref<10240x16xf32, #tpu.memory_space<vmem_shared>>
      tpu.wait_indirect_dma semaphore(%arg8 : memref<!tpu.dma_semaphore, #tpu.memory_space<semaphore_mem>>) src(%arg5 : memref<80x16xf32, #tpu.memory_space<vmem>>) dst(%dma_wait3A_443 : memref<10240x16xf32, #tpu.memory_space<vmem_shared>>)
      %add3A_444 = arith.constant 22 : i32
      %add3A_445 = arith.addi %add3A_67, %add3A_444 : i32
      %dma_wait3A_446 = arith.constant 0 : i32
      %dma_wait3A_447 = tpu.memref_slice %arg4[%add3A_445, %dma_wait3A_446] : memref<125x80xi32, #tpu.memory_space<vmem>> -> memref<1x80xi32, #tpu.memory_space<vmem>>
      %dma_wait3A_448 = tpu.memref_squeeze %dma_wait3A_447 : memref<1x80xi32, #tpu.memory_space<vmem>> -> memref<80xi32, #tpu.memory_space<vmem>>
      %dma_wait3A_449 = arith.constant 0 : i32
      %dma_wait3A_450 = arith.constant 0 : i32
      %dma_wait3A_451 = tpu.memref_slice %arg7[%dma_wait3A_449, %dma_wait3A_450] : memref<10240x16xf32, #tpu.memory_space<vmem_shared>> -> memref<10240x16xf32, #tpu.memory_space<vmem_shared>>
      tpu.wait_indirect_dma semaphore(%arg8 : memref<!tpu.dma_semaphore, #tpu.memory_space<semaphore_mem>>) src(%arg5 : memref<80x16xf32, #tpu.memory_space<vmem>>) dst(%dma_wait3A_451 : memref<10240x16xf32, #tpu.memory_space<vmem_shared>>)
      %add3A_452 = arith.constant 23 : i32
      %add3A_453 = arith.addi %add3A_67, %add3A_452 : i32
      %dma_wait3A_454 = arith.constant 0 : i32
      %dma_wait3A_455 = tpu.memref_slice %arg4[%add3A_453, %dma_wait3A_454] : memref<125x80xi32, #tpu.memory_space<vmem>> -> memref<1x80xi32, #tpu.memory_space<vmem>>
      %dma_wait3A_456 = tpu.memref_squeeze %dma_wait3A_455 : memref<1x80xi32, #tpu.memory_space<vmem>> -> memref<80xi32, #tpu.memory_space<vmem>>
      %dma_wait3A_457 = arith.constant 0 : i32
      %dma_wait3A_458 = arith.constant 0 : i32
      %dma_wait3A_459 = tpu.memref_slice %arg7[%dma_wait3A_457, %dma_wait3A_458] : memref<10240x16xf32, #tpu.memory_space<vmem_shared>> -> memref<10240x16xf32, #tpu.memory_space<vmem_shared>>
      tpu.wait_indirect_dma semaphore(%arg8 : memref<!tpu.dma_semaphore, #tpu.memory_space<semaphore_mem>>) src(%arg5 : memref<80x16xf32, #tpu.memory_space<vmem>>) dst(%dma_wait3A_459 : memref<10240x16xf32, #tpu.memory_space<vmem_shared>>)
      %add3A_460 = arith.constant 24 : i32
      %add3A_461 = arith.addi %add3A_67, %add3A_460 : i32
      %dma_wait3A_462 = arith.constant 0 : i32
      %dma_wait3A_463 = tpu.memref_slice %arg4[%add3A_461, %dma_wait3A_462] : memref<125x80xi32, #tpu.memory_space<vmem>> -> memref<1x80xi32, #tpu.memory_space<vmem>>
      %dma_wait3A_464 = tpu.memref_squeeze %dma_wait3A_463 : memref<1x80xi32, #tpu.memory_space<vmem>> -> memref<80xi32, #tpu.memory_space<vmem>>
      %dma_wait3A_465 = arith.constant 0 : i32
      %dma_wait3A_466 = arith.constant 0 : i32
      %dma_wait3A_467 = tpu.memref_slice %arg7[%dma_wait3A_465, %dma_wait3A_466] : memref<10240x16xf32, #tpu.memory_space<vmem_shared>> -> memref<10240x16xf32, #tpu.memory_space<vmem_shared>>
      tpu.wait_indirect_dma semaphore(%arg8 : memref<!tpu.dma_semaphore, #tpu.memory_space<semaphore_mem>>) src(%arg5 : memref<80x16xf32, #tpu.memory_space<vmem>>) dst(%dma_wait3A_467 : memref<10240x16xf32, #tpu.memory_space<vmem_shared>>)
    }
    %scan3A_54 = arith.constant 5 : i32
    %barrier3A_55 = arith.constant 0 : index
    tpu.barrier barrier_id(%barrier3A_55)
    %mul3A_56 = arith.constant 640 : i32
    %mul3A_57 = arith.muli %arg1, %mul3A_56 : i32
    %mul3A_58 = arith.constant 10240 : i32
    %mul3A_59 = arith.muli %arg0, %mul3A_58 : i32
    %mul3A_60 = arith.constant 640 : i32
    %mul3A_61 = arith.muli %arg1, %mul3A_60 : i32
    %add3A_62 = arith.addi %mul3A_59, %mul3A_61 : i32
    "tpu.region"() ({
      %run_scoped3A = tpu.sem_alloc : memref<!tpu.dma_semaphore, #tpu.memory_space<semaphore_mem>>
      %dma_start3A_63 = arith.constant 0 : i32
      %dma_start3A_64 = tpu.memref_slice %arg3[%add3A_62, %dma_start3A_63] : memref<20480x16xf32, #tpu.memory_space<hbm>> -> memref<640x16xf32, #tpu.memory_space<hbm>>
      %dma_start3A_65 = arith.constant 0 : i32
      %dma_start3A_66 = tpu.memref_slice %arg7[%mul3A_57, %dma_start3A_65] : memref<10240x16xf32, #tpu.memory_space<vmem_shared>> -> memref<640x16xf32, #tpu.memory_space<vmem_shared>>
      tpu.enqueue_dma source(%dma_start3A_66 : memref<640x16xf32, #tpu.memory_space<vmem_shared>>) target(%dma_start3A_64 : memref<640x16xf32, #tpu.memory_space<hbm>>) target_semaphore(%run_scoped3A : memref<!tpu.dma_semaphore, #tpu.memory_space<semaphore_mem>>)
      %dma_wait3A_67 = arith.constant 0 : i32
      %dma_wait3A_68 = tpu.memref_slice %arg3[%add3A_62, %dma_wait3A_67] : memref<20480x16xf32, #tpu.memory_space<hbm>> -> memref<640x16xf32, #tpu.memory_space<hbm>>
      %dma_wait3A_69 = arith.constant 0 : i32
      %dma_wait3A_70 = tpu.memref_slice %arg7[%mul3A_57, %dma_wait3A_69] : memref<10240x16xf32, #tpu.memory_space<vmem_shared>> -> memref<640x16xf32, #tpu.memory_space<vmem_shared>>
      tpu.wait_dma2 semaphore(%run_scoped3A : memref<!tpu.dma_semaphore, #tpu.memory_space<semaphore_mem>>) src(%dma_wait3A_70 : memref<640x16xf32, #tpu.memory_space<vmem_shared>>) dst(%dma_wait3A_68 : memref<640x16xf32, #tpu.memory_space<hbm>>)
      tpu.yield
    }) : () -> ()
    return
  }
}

#map = affine_map<(d0, d1) -> (0, 0)>
#map1 = affine_map<(d0, d1) -> (0, 0, 0, 0)>
module attributes {stable_mosaic.version = 14 : i64} {
  func.func @scatter(%arg0: i32, %arg1: i32, %arg2: memref<10000x128xf32, #tpu.memory_space<hbm>>, %arg3: memref<32x43x3x80xi32, #tpu.memory_space<hbm>>, %arg4: memref<32x43x3x80xi32, #tpu.memory_space<hbm>>, %arg5: memref<640x128xf32, #tpu.memory_space<hbm>>, %arg6: memref<20480x128xf32, #tpu.memory_space<hbm>>, %arg7: memref<3x80xi32, #tpu.memory_space<vmem>>, %arg8: memref<3x80xi32, #tpu.memory_space<vmem>>, %arg9: memref<3x80xi32, #tpu.memory_space<vmem>>, %arg10: memref<3x80xi32, #tpu.memory_space<vmem>>, %arg11: memref<80x128xf32, #tpu.memory_space<vmem>>, %arg12: memref<80x128xf32, #tpu.memory_space<vmem>>, %arg13: memref<80x128xf32, #tpu.memory_space<vmem>>, %arg14: memref<10240x128xf32, #tpu.memory_space<vmem_shared>>, %arg15: memref<!tpu.dma_semaphore, #tpu.memory_space<semaphore_mem>>, %arg16: memref<!tpu.dma_semaphore, #tpu.memory_space<semaphore_mem>>, %arg17: memref<!tpu.dma_semaphore, #tpu.memory_space<semaphore_mem>>, %arg18: memref<!tpu.dma_semaphore, #tpu.memory_space<semaphore_mem>>, %arg19: memref<!tpu.dma_semaphore, #tpu.memory_space<semaphore_mem>>, %arg20: memref<!tpu.dma_semaphore, #tpu.memory_space<semaphore_mem>>, %arg21: memref<!tpu.dma_semaphore, #tpu.memory_space<semaphore_mem>>, %arg22: memref<!tpu.dma_semaphore, #tpu.memory_space<semaphore_mem>>) attributes {dimension_semantics = [#tpu.dimension_semantics<core_parallel>, #tpu.dimension_semantics<subcore_parallel>], iteration_bounds = array<i64: 2, 16>, scalar_prefetch = 0 : i64, scratch_operands = 16 : i64, tpu.core_type = #tpu.core_type<sc_vector_subcore>, window_params = [{transform_indices = #map}, {transform_indices = #map1}, {transform_indices = #map1}, {transform_indices = #map}, {transform_indices = #map}]} {
    %mul3A = arith.constant 16 : i32
    %mul3A_0 = arith.muli %arg0, %mul3A : i32
    %add3A = arith.addi %mul3A_0, %arg1 : i32
    %mul3A_1 = arith.constant 640 : i32
    %mul3A_2 = arith.muli %arg1, %mul3A_1 : i32
    "tpu.region"() ({
      %run_scoped3A_94 = tpu.sem_alloc : memref<!tpu.dma_semaphore, #tpu.memory_space<semaphore_mem>>
      %dma_start3A_95 = arith.constant 0 : i32
      %dma_start3A_96 = tpu.memref_slice %arg14[%mul3A_2, %dma_start3A_95] : memref<10240x128xf32, #tpu.memory_space<vmem_shared>> -> memref<640x128xf32, #tpu.memory_space<vmem_shared>>
      tpu.enqueue_dma source(%arg5 : memref<640x128xf32, #tpu.memory_space<hbm>>) target(%dma_start3A_96 : memref<640x128xf32, #tpu.memory_space<vmem_shared>>) target_semaphore(%run_scoped3A_94 : memref<!tpu.dma_semaphore, #tpu.memory_space<semaphore_mem>>)
      %dma_wait3A_97 = arith.constant 0 : i32
      %dma_wait3A_98 = tpu.memref_slice %arg14[%mul3A_2, %dma_wait3A_97] : memref<10240x128xf32, #tpu.memory_space<vmem_shared>> -> memref<640x128xf32, #tpu.memory_space<vmem_shared>>
      tpu.wait_dma2 semaphore(%run_scoped3A_94 : memref<!tpu.dma_semaphore, #tpu.memory_space<semaphore_mem>>) src(%arg5 : memref<640x128xf32, #tpu.memory_space<hbm>>) dst(%dma_wait3A_98 : memref<640x128xf32, #tpu.memory_space<vmem_shared>>)
      tpu.yield
    }) : () -> ()
    %barrier3A = arith.constant 0 : index
    tpu.barrier barrier_id(%barrier3A)
    %run_scoped3A = arith.constant 0 : i32
    "tpu.region"() ({
      %run_scoped3A_94 = tpu.sem_alloc : memref<!tpu.dma_semaphore, #tpu.memory_space<semaphore_mem>>
      %dma_start3A_95 = arith.constant 0 : i32
      %dma_start3A_96 = arith.constant 0 : i32
      %dma_start3A_97 = arith.constant 0 : i32
      %dma_start3A_98 = tpu.memref_slice %arg3[%add3A, %dma_start3A_95, %dma_start3A_96, %dma_start3A_97] : memref<32x43x3x80xi32, #tpu.memory_space<hbm>> -> memref<1x43x3x80xi32, #tpu.memory_space<hbm>>
      %dma_start3A_99 = tpu.memref_squeeze %dma_start3A_98 : memref<1x43x3x80xi32, #tpu.memory_space<hbm>> -> memref<43x3x80xi32, #tpu.memory_space<hbm>>
      %dma_start3A_100 = arith.constant 0 : i32
      %dma_start3A_101 = arith.constant 0 : i32
      %dma_start3A_102 = tpu.memref_slice %dma_start3A_99[%run_scoped3A, %dma_start3A_100, %dma_start3A_101] : memref<43x3x80xi32, #tpu.memory_space<hbm>> -> memref<1x3x80xi32, #tpu.memory_space<hbm>>
      %dma_start3A_103 = tpu.memref_squeeze %dma_start3A_102 : memref<1x3x80xi32, #tpu.memory_space<hbm>> -> memref<3x80xi32, #tpu.memory_space<hbm>>
      %dma_start3A_104 = arith.constant 0 : i32
      %dma_start3A_105 = arith.constant 0 : i32
      %dma_start3A_106 = arith.constant 0 : i32
      %dma_start3A_107 = tpu.memref_slice %arg3[%add3A, %dma_start3A_104, %dma_start3A_105, %dma_start3A_106] : memref<32x43x3x80xi32, #tpu.memory_space<hbm>> -> memref<1x43x3x80xi32, #tpu.memory_space<hbm>>
      %dma_start3A_108 = tpu.memref_squeeze %dma_start3A_107 : memref<1x43x3x80xi32, #tpu.memory_space<hbm>> -> memref<43x3x80xi32, #tpu.memory_space<hbm>>
      %dma_start3A_109 = arith.constant 0 : i32
      %dma_start3A_110 = arith.constant 0 : i32
      %dma_start3A_111 = tpu.memref_slice %dma_start3A_108[%run_scoped3A, %dma_start3A_109, %dma_start3A_110] : memref<43x3x80xi32, #tpu.memory_space<hbm>> -> memref<1x3x80xi32, #tpu.memory_space<hbm>>
      %dma_start3A_112 = tpu.memref_squeeze %dma_start3A_111 : memref<1x3x80xi32, #tpu.memory_space<hbm>> -> memref<3x80xi32, #tpu.memory_space<hbm>>
      tpu.enqueue_dma source(%dma_start3A_112 : memref<3x80xi32, #tpu.memory_space<hbm>>) target(%arg7 : memref<3x80xi32, #tpu.memory_space<vmem>>) target_semaphore(%run_scoped3A_94 : memref<!tpu.dma_semaphore, #tpu.memory_space<semaphore_mem>>)
      %dma_wait3A_113 = arith.constant 0 : i32
      %dma_wait3A_114 = arith.constant 0 : i32
      %dma_wait3A_115 = arith.constant 0 : i32
      %dma_wait3A_116 = tpu.memref_slice %arg3[%add3A, %dma_wait3A_113, %dma_wait3A_114, %dma_wait3A_115] : memref<32x43x3x80xi32, #tpu.memory_space<hbm>> -> memref<1x43x3x80xi32, #tpu.memory_space<hbm>>
      %dma_wait3A_117 = tpu.memref_squeeze %dma_wait3A_116 : memref<1x43x3x80xi32, #tpu.memory_space<hbm>> -> memref<43x3x80xi32, #tpu.memory_space<hbm>>
      %dma_wait3A_118 = arith.constant 0 : i32
      %dma_wait3A_119 = arith.constant 0 : i32
      %dma_wait3A_120 = tpu.memref_slice %dma_wait3A_117[%run_scoped3A, %dma_wait3A_118, %dma_wait3A_119] : memref<43x3x80xi32, #tpu.memory_space<hbm>> -> memref<1x3x80xi32, #tpu.memory_space<hbm>>
      %dma_wait3A_121 = tpu.memref_squeeze %dma_wait3A_120 : memref<1x3x80xi32, #tpu.memory_space<hbm>> -> memref<3x80xi32, #tpu.memory_space<hbm>>
      %dma_wait3A_122 = arith.constant 0 : i32
      %dma_wait3A_123 = arith.constant 0 : i32
      %dma_wait3A_124 = arith.constant 0 : i32
      %dma_wait3A_125 = tpu.memref_slice %arg3[%add3A, %dma_wait3A_122, %dma_wait3A_123, %dma_wait3A_124] : memref<32x43x3x80xi32, #tpu.memory_space<hbm>> -> memref<1x43x3x80xi32, #tpu.memory_space<hbm>>
      %dma_wait3A_126 = tpu.memref_squeeze %dma_wait3A_125 : memref<1x43x3x80xi32, #tpu.memory_space<hbm>> -> memref<43x3x80xi32, #tpu.memory_space<hbm>>
      %dma_wait3A_127 = arith.constant 0 : i32
      %dma_wait3A_128 = arith.constant 0 : i32
      %dma_wait3A_129 = tpu.memref_slice %dma_wait3A_126[%run_scoped3A, %dma_wait3A_127, %dma_wait3A_128] : memref<43x3x80xi32, #tpu.memory_space<hbm>> -> memref<1x3x80xi32, #tpu.memory_space<hbm>>
      %dma_wait3A_130 = tpu.memref_squeeze %dma_wait3A_129 : memref<1x3x80xi32, #tpu.memory_space<hbm>> -> memref<3x80xi32, #tpu.memory_space<hbm>>
      tpu.wait_dma2 semaphore(%run_scoped3A_94 : memref<!tpu.dma_semaphore, #tpu.memory_space<semaphore_mem>>) src(%dma_wait3A_130 : memref<3x80xi32, #tpu.memory_space<hbm>>) dst(%arg7 : memref<3x80xi32, #tpu.memory_space<vmem>>)
      tpu.yield
    }) : () -> ()
    %run_scoped3A_3 = arith.constant 0 : i32
    "tpu.region"() ({
      %run_scoped3A_94 = tpu.sem_alloc : memref<!tpu.dma_semaphore, #tpu.memory_space<semaphore_mem>>
      %dma_start3A_95 = arith.constant 0 : i32
      %dma_start3A_96 = arith.constant 0 : i32
      %dma_start3A_97 = arith.constant 0 : i32
      %dma_start3A_98 = tpu.memref_slice %arg4[%add3A, %dma_start3A_95, %dma_start3A_96, %dma_start3A_97] : memref<32x43x3x80xi32, #tpu.memory_space<hbm>> -> memref<1x43x3x80xi32, #tpu.memory_space<hbm>>
      %dma_start3A_99 = tpu.memref_squeeze %dma_start3A_98 : memref<1x43x3x80xi32, #tpu.memory_space<hbm>> -> memref<43x3x80xi32, #tpu.memory_space<hbm>>
      %dma_start3A_100 = arith.constant 0 : i32
      %dma_start3A_101 = arith.constant 0 : i32
      %dma_start3A_102 = tpu.memref_slice %dma_start3A_99[%run_scoped3A_3, %dma_start3A_100, %dma_start3A_101] : memref<43x3x80xi32, #tpu.memory_space<hbm>> -> memref<1x3x80xi32, #tpu.memory_space<hbm>>
      %dma_start3A_103 = tpu.memref_squeeze %dma_start3A_102 : memref<1x3x80xi32, #tpu.memory_space<hbm>> -> memref<3x80xi32, #tpu.memory_space<hbm>>
      %dma_start3A_104 = arith.constant 0 : i32
      %dma_start3A_105 = arith.constant 0 : i32
      %dma_start3A_106 = arith.constant 0 : i32
      %dma_start3A_107 = tpu.memref_slice %arg4[%add3A, %dma_start3A_104, %dma_start3A_105, %dma_start3A_106] : memref<32x43x3x80xi32, #tpu.memory_space<hbm>> -> memref<1x43x3x80xi32, #tpu.memory_space<hbm>>
      %dma_start3A_108 = tpu.memref_squeeze %dma_start3A_107 : memref<1x43x3x80xi32, #tpu.memory_space<hbm>> -> memref<43x3x80xi32, #tpu.memory_space<hbm>>
      %dma_start3A_109 = arith.constant 0 : i32
      %dma_start3A_110 = arith.constant 0 : i32
      %dma_start3A_111 = tpu.memref_slice %dma_start3A_108[%run_scoped3A_3, %dma_start3A_109, %dma_start3A_110] : memref<43x3x80xi32, #tpu.memory_space<hbm>> -> memref<1x3x80xi32, #tpu.memory_space<hbm>>
      %dma_start3A_112 = tpu.memref_squeeze %dma_start3A_111 : memref<1x3x80xi32, #tpu.memory_space<hbm>> -> memref<3x80xi32, #tpu.memory_space<hbm>>
      tpu.enqueue_dma source(%dma_start3A_112 : memref<3x80xi32, #tpu.memory_space<hbm>>) target(%arg8 : memref<3x80xi32, #tpu.memory_space<vmem>>) target_semaphore(%run_scoped3A_94 : memref<!tpu.dma_semaphore, #tpu.memory_space<semaphore_mem>>)
      %dma_wait3A_113 = arith.constant 0 : i32
      %dma_wait3A_114 = arith.constant 0 : i32
      %dma_wait3A_115 = arith.constant 0 : i32
      %dma_wait3A_116 = tpu.memref_slice %arg4[%add3A, %dma_wait3A_113, %dma_wait3A_114, %dma_wait3A_115] : memref<32x43x3x80xi32, #tpu.memory_space<hbm>> -> memref<1x43x3x80xi32, #tpu.memory_space<hbm>>
      %dma_wait3A_117 = tpu.memref_squeeze %dma_wait3A_116 : memref<1x43x3x80xi32, #tpu.memory_space<hbm>> -> memref<43x3x80xi32, #tpu.memory_space<hbm>>
      %dma_wait3A_118 = arith.constant 0 : i32
      %dma_wait3A_119 = arith.constant 0 : i32
      %dma_wait3A_120 = tpu.memref_slice %dma_wait3A_117[%run_scoped3A_3, %dma_wait3A_118, %dma_wait3A_119] : memref<43x3x80xi32, #tpu.memory_space<hbm>> -> memref<1x3x80xi32, #tpu.memory_space<hbm>>
      %dma_wait3A_121 = tpu.memref_squeeze %dma_wait3A_120 : memref<1x3x80xi32, #tpu.memory_space<hbm>> -> memref<3x80xi32, #tpu.memory_space<hbm>>
      %dma_wait3A_122 = arith.constant 0 : i32
      %dma_wait3A_123 = arith.constant 0 : i32
      %dma_wait3A_124 = arith.constant 0 : i32
      %dma_wait3A_125 = tpu.memref_slice %arg4[%add3A, %dma_wait3A_122, %dma_wait3A_123, %dma_wait3A_124] : memref<32x43x3x80xi32, #tpu.memory_space<hbm>> -> memref<1x43x3x80xi32, #tpu.memory_space<hbm>>
      %dma_wait3A_126 = tpu.memref_squeeze %dma_wait3A_125 : memref<1x43x3x80xi32, #tpu.memory_space<hbm>> -> memref<43x3x80xi32, #tpu.memory_space<hbm>>
      %dma_wait3A_127 = arith.constant 0 : i32
      %dma_wait3A_128 = arith.constant 0 : i32
      %dma_wait3A_129 = tpu.memref_slice %dma_wait3A_126[%run_scoped3A_3, %dma_wait3A_127, %dma_wait3A_128] : memref<43x3x80xi32, #tpu.memory_space<hbm>> -> memref<1x3x80xi32, #tpu.memory_space<hbm>>
      %dma_wait3A_130 = tpu.memref_squeeze %dma_wait3A_129 : memref<1x3x80xi32, #tpu.memory_space<hbm>> -> memref<3x80xi32, #tpu.memory_space<hbm>>
      tpu.wait_dma2 semaphore(%run_scoped3A_94 : memref<!tpu.dma_semaphore, #tpu.memory_space<semaphore_mem>>) src(%dma_wait3A_130 : memref<3x80xi32, #tpu.memory_space<hbm>>) dst(%arg8 : memref<3x80xi32, #tpu.memory_space<vmem>>)
      tpu.yield
    }) : () -> ()
    %dma_start3A = arith.constant 0 : i32
    %dma_start3A_4 = arith.constant 0 : i32
    %dma_start3A_5 = tpu.memref_slice %arg7[%dma_start3A, %dma_start3A_4] : memref<3x80xi32, #tpu.memory_space<vmem>> -> memref<1x80xi32, #tpu.memory_space<vmem>>
    %dma_start3A_6 = tpu.memref_squeeze %dma_start3A_5 : memref<1x80xi32, #tpu.memory_space<vmem>> -> memref<80xi32, #tpu.memory_space<vmem>>
    %dma_start3A_7 = arith.constant 0 : i32
    %dma_start3A_8 = arith.constant 0 : i32
    %dma_start3A_9 = tpu.memref_slice %arg2[%dma_start3A_7, %dma_start3A_8] : memref<10000x128xf32, #tpu.memory_space<hbm>> -> memref<10000x128xf32, #tpu.memory_space<hbm>>
    tpu.enqueue_indirect_dma source(%dma_start3A_9 : memref<10000x128xf32, #tpu.memory_space<hbm>>) target(%arg11 : memref<80x128xf32, #tpu.memory_space<vmem>>) offsets(%dma_start3A_6 : memref<80xi32, #tpu.memory_space<vmem>>) semaphore(%arg17 : memref<!tpu.dma_semaphore, #tpu.memory_space<semaphore_mem>>)
    %dma_start3A_10 = arith.constant 1 : i32
    %dma_start3A_11 = arith.constant 0 : i32
    %dma_start3A_12 = tpu.memref_slice %arg7[%dma_start3A_10, %dma_start3A_11] : memref<3x80xi32, #tpu.memory_space<vmem>> -> memref<1x80xi32, #tpu.memory_space<vmem>>
    %dma_start3A_13 = tpu.memref_squeeze %dma_start3A_12 : memref<1x80xi32, #tpu.memory_space<vmem>> -> memref<80xi32, #tpu.memory_space<vmem>>
    %dma_start3A_14 = arith.constant 0 : i32
    %dma_start3A_15 = arith.constant 0 : i32
    %dma_start3A_16 = tpu.memref_slice %arg2[%dma_start3A_14, %dma_start3A_15] : memref<10000x128xf32, #tpu.memory_space<hbm>> -> memref<10000x128xf32, #tpu.memory_space<hbm>>
    tpu.enqueue_indirect_dma source(%dma_start3A_16 : memref<10000x128xf32, #tpu.memory_space<hbm>>) target(%arg12 : memref<80x128xf32, #tpu.memory_space<vmem>>) offsets(%dma_start3A_13 : memref<80xi32, #tpu.memory_space<vmem>>) semaphore(%arg18 : memref<!tpu.dma_semaphore, #tpu.memory_space<semaphore_mem>>)
    %dma_start3A_17 = arith.constant 2 : i32
    %dma_start3A_18 = arith.constant 0 : i32
    %dma_start3A_19 = tpu.memref_slice %arg7[%dma_start3A_17, %dma_start3A_18] : memref<3x80xi32, #tpu.memory_space<vmem>> -> memref<1x80xi32, #tpu.memory_space<vmem>>
    %dma_start3A_20 = tpu.memref_squeeze %dma_start3A_19 : memref<1x80xi32, #tpu.memory_space<vmem>> -> memref<80xi32, #tpu.memory_space<vmem>>
    %dma_start3A_21 = arith.constant 0 : i32
    %dma_start3A_22 = arith.constant 0 : i32
    %dma_start3A_23 = tpu.memref_slice %arg2[%dma_start3A_21, %dma_start3A_22] : memref<10000x128xf32, #tpu.memory_space<hbm>> -> memref<10000x128xf32, #tpu.memory_space<hbm>>
    tpu.enqueue_indirect_dma source(%dma_start3A_23 : memref<10000x128xf32, #tpu.memory_space<hbm>>) target(%arg13 : memref<80x128xf32, #tpu.memory_space<vmem>>) offsets(%dma_start3A_20 : memref<80xi32, #tpu.memory_space<vmem>>) semaphore(%arg19 : memref<!tpu.dma_semaphore, #tpu.memory_space<semaphore_mem>>)
    %dma_start3A_24 = arith.constant 1 : i32
    %dma_start3A_25 = arith.constant 0 : i32
    %dma_start3A_26 = arith.constant 0 : i32
    %dma_start3A_27 = arith.constant 0 : i32
    %dma_start3A_28 = tpu.memref_slice %arg3[%add3A, %dma_start3A_25, %dma_start3A_26, %dma_start3A_27] : memref<32x43x3x80xi32, #tpu.memory_space<hbm>> -> memref<1x43x3x80xi32, #tpu.memory_space<hbm>>
    %dma_start3A_29 = tpu.memref_squeeze %dma_start3A_28 : memref<1x43x3x80xi32, #tpu.memory_space<hbm>> -> memref<43x3x80xi32, #tpu.memory_space<hbm>>
    %dma_start3A_30 = arith.constant 0 : i32
    %dma_start3A_31 = arith.constant 0 : i32
    %dma_start3A_32 = tpu.memref_slice %dma_start3A_29[%dma_start3A_24, %dma_start3A_30, %dma_start3A_31] : memref<43x3x80xi32, #tpu.memory_space<hbm>> -> memref<1x3x80xi32, #tpu.memory_space<hbm>>
    %dma_start3A_33 = tpu.memref_squeeze %dma_start3A_32 : memref<1x3x80xi32, #tpu.memory_space<hbm>> -> memref<3x80xi32, #tpu.memory_space<hbm>>
    %dma_start3A_34 = arith.constant 0 : i32
    %dma_start3A_35 = arith.constant 0 : i32
    %dma_start3A_36 = arith.constant 0 : i32
    %dma_start3A_37 = tpu.memref_slice %arg3[%add3A, %dma_start3A_34, %dma_start3A_35, %dma_start3A_36] : memref<32x43x3x80xi32, #tpu.memory_space<hbm>> -> memref<1x43x3x80xi32, #tpu.memory_space<hbm>>
    %dma_start3A_38 = tpu.memref_squeeze %dma_start3A_37 : memref<1x43x3x80xi32, #tpu.memory_space<hbm>> -> memref<43x3x80xi32, #tpu.memory_space<hbm>>
    %dma_start3A_39 = arith.constant 0 : i32
    %dma_start3A_40 = arith.constant 0 : i32
    %dma_start3A_41 = tpu.memref_slice %dma_start3A_38[%dma_start3A_24, %dma_start3A_39, %dma_start3A_40] : memref<43x3x80xi32, #tpu.memory_space<hbm>> -> memref<1x3x80xi32, #tpu.memory_space<hbm>>
    %dma_start3A_42 = tpu.memref_squeeze %dma_start3A_41 : memref<1x3x80xi32, #tpu.memory_space<hbm>> -> memref<3x80xi32, #tpu.memory_space<hbm>>
    tpu.enqueue_dma source(%dma_start3A_42 : memref<3x80xi32, #tpu.memory_space<hbm>>) target(%arg9 : memref<3x80xi32, #tpu.memory_space<vmem>>) target_semaphore(%arg16 : memref<!tpu.dma_semaphore, #tpu.memory_space<semaphore_mem>>)
    %dma_start3A_43 = arith.constant 1 : i32
    %dma_start3A_44 = arith.constant 0 : i32
    %dma_start3A_45 = arith.constant 0 : i32
    %dma_start3A_46 = arith.constant 0 : i32
    %dma_start3A_47 = tpu.memref_slice %arg4[%add3A, %dma_start3A_44, %dma_start3A_45, %dma_start3A_46] : memref<32x43x3x80xi32, #tpu.memory_space<hbm>> -> memref<1x43x3x80xi32, #tpu.memory_space<hbm>>
    %dma_start3A_48 = tpu.memref_squeeze %dma_start3A_47 : memref<1x43x3x80xi32, #tpu.memory_space<hbm>> -> memref<43x3x80xi32, #tpu.memory_space<hbm>>
    %dma_start3A_49 = arith.constant 0 : i32
    %dma_start3A_50 = arith.constant 0 : i32
    %dma_start3A_51 = tpu.memref_slice %dma_start3A_48[%dma_start3A_43, %dma_start3A_49, %dma_start3A_50] : memref<43x3x80xi32, #tpu.memory_space<hbm>> -> memref<1x3x80xi32, #tpu.memory_space<hbm>>
    %dma_start3A_52 = tpu.memref_squeeze %dma_start3A_51 : memref<1x3x80xi32, #tpu.memory_space<hbm>> -> memref<3x80xi32, #tpu.memory_space<hbm>>
    %dma_start3A_53 = arith.constant 0 : i32
    %dma_start3A_54 = arith.constant 0 : i32
    %dma_start3A_55 = arith.constant 0 : i32
    %dma_start3A_56 = tpu.memref_slice %arg4[%add3A, %dma_start3A_53, %dma_start3A_54, %dma_start3A_55] : memref<32x43x3x80xi32, #tpu.memory_space<hbm>> -> memref<1x43x3x80xi32, #tpu.memory_space<hbm>>
    %dma_start3A_57 = tpu.memref_squeeze %dma_start3A_56 : memref<1x43x3x80xi32, #tpu.memory_space<hbm>> -> memref<43x3x80xi32, #tpu.memory_space<hbm>>
    %dma_start3A_58 = arith.constant 0 : i32
    %dma_start3A_59 = arith.constant 0 : i32
    %dma_start3A_60 = tpu.memref_slice %dma_start3A_57[%dma_start3A_43, %dma_start3A_58, %dma_start3A_59] : memref<43x3x80xi32, #tpu.memory_space<hbm>> -> memref<1x3x80xi32, #tpu.memory_space<hbm>>
    %dma_start3A_61 = tpu.memref_squeeze %dma_start3A_60 : memref<1x3x80xi32, #tpu.memory_space<hbm>> -> memref<3x80xi32, #tpu.memory_space<hbm>>
    tpu.enqueue_dma source(%dma_start3A_61 : memref<3x80xi32, #tpu.memory_space<hbm>>) target(%arg10 : memref<3x80xi32, #tpu.memory_space<vmem>>) target_semaphore(%arg16 : memref<!tpu.dma_semaphore, #tpu.memory_space<semaphore_mem>>)
    %scan3A = arith.constant 0 : i32
    %scan3A_62 = arith.constant 21 : i32
    %scan3A_63 = arith.addi %scan3A, %scan3A_62 : i32
    %scan3A_64 = arith.constant 1 : i32
    scf.for %scan3A_94 = %scan3A to %scan3A_63 step %scan3A_64  : i32 {
      %mul3A_95 = arith.constant 2 : i32
      %mul3A_96 = arith.muli %scan3A_94, %mul3A_95 : i32
      %add3A_97 = arith.constant 0 : i32
      %add3A_98 = arith.addi %add3A_97, %mul3A_96 : i32
      %dma_wait3A_99 = arith.constant 0 : i32
      %dma_wait3A_100 = arith.constant 0 : i32
      %dma_wait3A_101 = tpu.memref_slice %arg7[%dma_wait3A_99, %dma_wait3A_100] : memref<3x80xi32, #tpu.memory_space<vmem>> -> memref<1x80xi32, #tpu.memory_space<vmem>>
      %dma_wait3A_102 = tpu.memref_squeeze %dma_wait3A_101 : memref<1x80xi32, #tpu.memory_space<vmem>> -> memref<80xi32, #tpu.memory_space<vmem>>
      %dma_wait3A_103 = arith.constant 0 : i32
      %dma_wait3A_104 = arith.constant 0 : i32
      %dma_wait3A_105 = tpu.memref_slice %arg2[%dma_wait3A_103, %dma_wait3A_104] : memref<10000x128xf32, #tpu.memory_space<hbm>> -> memref<10000x128xf32, #tpu.memory_space<hbm>>
      tpu.wait_indirect_dma semaphore(%arg17 : memref<!tpu.dma_semaphore, #tpu.memory_space<semaphore_mem>>) src(%dma_wait3A_105 : memref<10000x128xf32, #tpu.memory_space<hbm>>) dst(%arg11 : memref<80x128xf32, #tpu.memory_space<vmem>>)
      %dma_start3A_106 = arith.constant 0 : i32
      %dma_start3A_107 = arith.constant 0 : i32
      %dma_start3A_108 = tpu.memref_slice %arg8[%dma_start3A_106, %dma_start3A_107] : memref<3x80xi32, #tpu.memory_space<vmem>> -> memref<1x80xi32, #tpu.memory_space<vmem>>
      %dma_start3A_109 = tpu.memref_squeeze %dma_start3A_108 : memref<1x80xi32, #tpu.memory_space<vmem>> -> memref<80xi32, #tpu.memory_space<vmem>>
      %dma_start3A_110 = arith.constant 0 : i32
      %dma_start3A_111 = arith.constant 0 : i32
      %dma_start3A_112 = tpu.memref_slice %arg14[%dma_start3A_110, %dma_start3A_111] : memref<10240x128xf32, #tpu.memory_space<vmem_shared>> -> memref<10240x128xf32, #tpu.memory_space<vmem_shared>>
      tpu.enqueue_indirect_dma source(%arg11 : memref<80x128xf32, #tpu.memory_space<vmem>>) target(%dma_start3A_112 : memref<10240x128xf32, #tpu.memory_space<vmem_shared>>) offsets(%dma_start3A_109 : memref<80xi32, #tpu.memory_space<vmem>>) semaphore(%arg20 : memref<!tpu.dma_semaphore, #tpu.memory_space<semaphore_mem>>) {add = true}
      %dma_wait3A_113 = arith.constant 1 : i32
      %dma_wait3A_114 = arith.constant 0 : i32
      %dma_wait3A_115 = tpu.memref_slice %arg7[%dma_wait3A_113, %dma_wait3A_114] : memref<3x80xi32, #tpu.memory_space<vmem>> -> memref<1x80xi32, #tpu.memory_space<vmem>>
      %dma_wait3A_116 = tpu.memref_squeeze %dma_wait3A_115 : memref<1x80xi32, #tpu.memory_space<vmem>> -> memref<80xi32, #tpu.memory_space<vmem>>
      %dma_wait3A_117 = arith.constant 0 : i32
      %dma_wait3A_118 = arith.constant 0 : i32
      %dma_wait3A_119 = tpu.memref_slice %arg2[%dma_wait3A_117, %dma_wait3A_118] : memref<10000x128xf32, #tpu.memory_space<hbm>> -> memref<10000x128xf32, #tpu.memory_space<hbm>>
      tpu.wait_indirect_dma semaphore(%arg18 : memref<!tpu.dma_semaphore, #tpu.memory_space<semaphore_mem>>) src(%dma_wait3A_119 : memref<10000x128xf32, #tpu.memory_space<hbm>>) dst(%arg12 : memref<80x128xf32, #tpu.memory_space<vmem>>)
      %dma_start3A_120 = arith.constant 1 : i32
      %dma_start3A_121 = arith.constant 0 : i32
      %dma_start3A_122 = tpu.memref_slice %arg8[%dma_start3A_120, %dma_start3A_121] : memref<3x80xi32, #tpu.memory_space<vmem>> -> memref<1x80xi32, #tpu.memory_space<vmem>>
      %dma_start3A_123 = tpu.memref_squeeze %dma_start3A_122 : memref<1x80xi32, #tpu.memory_space<vmem>> -> memref<80xi32, #tpu.memory_space<vmem>>
      %dma_start3A_124 = arith.constant 0 : i32
      %dma_start3A_125 = arith.constant 0 : i32
      %dma_start3A_126 = tpu.memref_slice %arg14[%dma_start3A_124, %dma_start3A_125] : memref<10240x128xf32, #tpu.memory_space<vmem_shared>> -> memref<10240x128xf32, #tpu.memory_space<vmem_shared>>
      tpu.enqueue_indirect_dma source(%arg12 : memref<80x128xf32, #tpu.memory_space<vmem>>) target(%dma_start3A_126 : memref<10240x128xf32, #tpu.memory_space<vmem_shared>>) offsets(%dma_start3A_123 : memref<80xi32, #tpu.memory_space<vmem>>) semaphore(%arg21 : memref<!tpu.dma_semaphore, #tpu.memory_space<semaphore_mem>>) {add = true}
      %dma_wait3A_127 = arith.constant 2 : i32
      %dma_wait3A_128 = arith.constant 0 : i32
      %dma_wait3A_129 = tpu.memref_slice %arg7[%dma_wait3A_127, %dma_wait3A_128] : memref<3x80xi32, #tpu.memory_space<vmem>> -> memref<1x80xi32, #tpu.memory_space<vmem>>
      %dma_wait3A_130 = tpu.memref_squeeze %dma_wait3A_129 : memref<1x80xi32, #tpu.memory_space<vmem>> -> memref<80xi32, #tpu.memory_space<vmem>>
      %dma_wait3A_131 = arith.constant 0 : i32
      %dma_wait3A_132 = arith.constant 0 : i32
      %dma_wait3A_133 = tpu.memref_slice %arg2[%dma_wait3A_131, %dma_wait3A_132] : memref<10000x128xf32, #tpu.memory_space<hbm>> -> memref<10000x128xf32, #tpu.memory_space<hbm>>
      tpu.wait_indirect_dma semaphore(%arg19 : memref<!tpu.dma_semaphore, #tpu.memory_space<semaphore_mem>>) src(%dma_wait3A_133 : memref<10000x128xf32, #tpu.memory_space<hbm>>) dst(%arg13 : memref<80x128xf32, #tpu.memory_space<vmem>>)
      %dma_start3A_134 = arith.constant 2 : i32
      %dma_start3A_135 = arith.constant 0 : i32
      %dma_start3A_136 = tpu.memref_slice %arg8[%dma_start3A_134, %dma_start3A_135] : memref<3x80xi32, #tpu.memory_space<vmem>> -> memref<1x80xi32, #tpu.memory_space<vmem>>
      %dma_start3A_137 = tpu.memref_squeeze %dma_start3A_136 : memref<1x80xi32, #tpu.memory_space<vmem>> -> memref<80xi32, #tpu.memory_space<vmem>>
      %dma_start3A_138 = arith.constant 0 : i32
      %dma_start3A_139 = arith.constant 0 : i32
      %dma_start3A_140 = tpu.memref_slice %arg14[%dma_start3A_138, %dma_start3A_139] : memref<10240x128xf32, #tpu.memory_space<vmem_shared>> -> memref<10240x128xf32, #tpu.memory_space<vmem_shared>>
      tpu.enqueue_indirect_dma source(%arg13 : memref<80x128xf32, #tpu.memory_space<vmem>>) target(%dma_start3A_140 : memref<10240x128xf32, #tpu.memory_space<vmem_shared>>) offsets(%dma_start3A_137 : memref<80xi32, #tpu.memory_space<vmem>>) semaphore(%arg22 : memref<!tpu.dma_semaphore, #tpu.memory_space<semaphore_mem>>) {add = true}
      %add3A_141 = arith.constant 1 : i32
      %add3A_142 = arith.addi %add3A_98, %add3A_141 : i32
      %dma_wait3A_143 = arith.constant 0 : i32
      %dma_wait3A_144 = arith.constant 0 : i32
      %dma_wait3A_145 = arith.constant 0 : i32
      %dma_wait3A_146 = tpu.memref_slice %arg3[%add3A, %dma_wait3A_143, %dma_wait3A_144, %dma_wait3A_145] : memref<32x43x3x80xi32, #tpu.memory_space<hbm>> -> memref<1x43x3x80xi32, #tpu.memory_space<hbm>>
      %dma_wait3A_147 = tpu.memref_squeeze %dma_wait3A_146 : memref<1x43x3x80xi32, #tpu.memory_space<hbm>> -> memref<43x3x80xi32, #tpu.memory_space<hbm>>
      %dma_wait3A_148 = arith.constant 0 : i32
      %dma_wait3A_149 = arith.constant 0 : i32
      %dma_wait3A_150 = tpu.memref_slice %dma_wait3A_147[%add3A_142, %dma_wait3A_148, %dma_wait3A_149] : memref<43x3x80xi32, #tpu.memory_space<hbm>> -> memref<1x3x80xi32, #tpu.memory_space<hbm>>
      %dma_wait3A_151 = tpu.memref_squeeze %dma_wait3A_150 : memref<1x3x80xi32, #tpu.memory_space<hbm>> -> memref<3x80xi32, #tpu.memory_space<hbm>>
      %dma_wait3A_152 = arith.constant 0 : i32
      %dma_wait3A_153 = arith.constant 0 : i32
      %dma_wait3A_154 = arith.constant 0 : i32
      %dma_wait3A_155 = tpu.memref_slice %arg3[%add3A, %dma_wait3A_152, %dma_wait3A_153, %dma_wait3A_154] : memref<32x43x3x80xi32, #tpu.memory_space<hbm>> -> memref<1x43x3x80xi32, #tpu.memory_space<hbm>>
      %dma_wait3A_156 = tpu.memref_squeeze %dma_wait3A_155 : memref<1x43x3x80xi32, #tpu.memory_space<hbm>> -> memref<43x3x80xi32, #tpu.memory_space<hbm>>
      %dma_wait3A_157 = arith.constant 0 : i32
      %dma_wait3A_158 = arith.constant 0 : i32
      %dma_wait3A_159 = tpu.memref_slice %dma_wait3A_156[%add3A_142, %dma_wait3A_157, %dma_wait3A_158] : memref<43x3x80xi32, #tpu.memory_space<hbm>> -> memref<1x3x80xi32, #tpu.memory_space<hbm>>
      %dma_wait3A_160 = tpu.memref_squeeze %dma_wait3A_159 : memref<1x3x80xi32, #tpu.memory_space<hbm>> -> memref<3x80xi32, #tpu.memory_space<hbm>>
      tpu.wait_dma2 semaphore(%arg16 : memref<!tpu.dma_semaphore, #tpu.memory_space<semaphore_mem>>) src(%dma_wait3A_160 : memref<3x80xi32, #tpu.memory_space<hbm>>) dst(%arg9 : memref<3x80xi32, #tpu.memory_space<vmem>>)
      %add3A_161 = arith.constant 1 : i32
      %add3A_162 = arith.addi %add3A_98, %add3A_161 : i32
      %dma_wait3A_163 = arith.constant 0 : i32
      %dma_wait3A_164 = arith.constant 0 : i32
      %dma_wait3A_165 = arith.constant 0 : i32
      %dma_wait3A_166 = tpu.memref_slice %arg4[%add3A, %dma_wait3A_163, %dma_wait3A_164, %dma_wait3A_165] : memref<32x43x3x80xi32, #tpu.memory_space<hbm>> -> memref<1x43x3x80xi32, #tpu.memory_space<hbm>>
      %dma_wait3A_167 = tpu.memref_squeeze %dma_wait3A_166 : memref<1x43x3x80xi32, #tpu.memory_space<hbm>> -> memref<43x3x80xi32, #tpu.memory_space<hbm>>
      %dma_wait3A_168 = arith.constant 0 : i32
      %dma_wait3A_169 = arith.constant 0 : i32
      %dma_wait3A_170 = tpu.memref_slice %dma_wait3A_167[%add3A_162, %dma_wait3A_168, %dma_wait3A_169] : memref<43x3x80xi32, #tpu.memory_space<hbm>> -> memref<1x3x80xi32, #tpu.memory_space<hbm>>
      %dma_wait3A_171 = tpu.memref_squeeze %dma_wait3A_170 : memref<1x3x80xi32, #tpu.memory_space<hbm>> -> memref<3x80xi32, #tpu.memory_space<hbm>>
      %dma_wait3A_172 = arith.constant 0 : i32
      %dma_wait3A_173 = arith.constant 0 : i32
      %dma_wait3A_174 = arith.constant 0 : i32
      %dma_wait3A_175 = tpu.memref_slice %arg4[%add3A, %dma_wait3A_172, %dma_wait3A_173, %dma_wait3A_174] : memref<32x43x3x80xi32, #tpu.memory_space<hbm>> -> memref<1x43x3x80xi32, #tpu.memory_space<hbm>>
      %dma_wait3A_176 = tpu.memref_squeeze %dma_wait3A_175 : memref<1x43x3x80xi32, #tpu.memory_space<hbm>> -> memref<43x3x80xi32, #tpu.memory_space<hbm>>
      %dma_wait3A_177 = arith.constant 0 : i32
      %dma_wait3A_178 = arith.constant 0 : i32
      %dma_wait3A_179 = tpu.memref_slice %dma_wait3A_176[%add3A_162, %dma_wait3A_177, %dma_wait3A_178] : memref<43x3x80xi32, #tpu.memory_space<hbm>> -> memref<1x3x80xi32, #tpu.memory_space<hbm>>
      %dma_wait3A_180 = tpu.memref_squeeze %dma_wait3A_179 : memref<1x3x80xi32, #tpu.memory_space<hbm>> -> memref<3x80xi32, #tpu.memory_space<hbm>>
      tpu.wait_dma2 semaphore(%arg16 : memref<!tpu.dma_semaphore, #tpu.memory_space<semaphore_mem>>) src(%dma_wait3A_180 : memref<3x80xi32, #tpu.memory_space<hbm>>) dst(%arg10 : memref<3x80xi32, #tpu.memory_space<vmem>>)
      %dma_wait3A_181 = arith.constant 0 : i32
      %dma_wait3A_182 = arith.constant 0 : i32
      %dma_wait3A_183 = tpu.memref_slice %arg8[%dma_wait3A_181, %dma_wait3A_182] : memref<3x80xi32, #tpu.memory_space<vmem>> -> memref<1x80xi32, #tpu.memory_space<vmem>>
      %dma_wait3A_184 = tpu.memref_squeeze %dma_wait3A_183 : memref<1x80xi32, #tpu.memory_space<vmem>> -> memref<80xi32, #tpu.memory_space<vmem>>
      %dma_wait3A_185 = arith.constant 0 : i32
      %dma_wait3A_186 = arith.constant 0 : i32
      %dma_wait3A_187 = tpu.memref_slice %arg14[%dma_wait3A_185, %dma_wait3A_186] : memref<10240x128xf32, #tpu.memory_space<vmem_shared>> -> memref<10240x128xf32, #tpu.memory_space<vmem_shared>>
      tpu.wait_indirect_dma semaphore(%arg20 : memref<!tpu.dma_semaphore, #tpu.memory_space<semaphore_mem>>) src(%arg11 : memref<80x128xf32, #tpu.memory_space<vmem>>) dst(%dma_wait3A_187 : memref<10240x128xf32, #tpu.memory_space<vmem_shared>>)
      %dma_start3A_188 = arith.constant 0 : i32
      %dma_start3A_189 = arith.constant 0 : i32
      %dma_start3A_190 = tpu.memref_slice %arg9[%dma_start3A_188, %dma_start3A_189] : memref<3x80xi32, #tpu.memory_space<vmem>> -> memref<1x80xi32, #tpu.memory_space<vmem>>
      %dma_start3A_191 = tpu.memref_squeeze %dma_start3A_190 : memref<1x80xi32, #tpu.memory_space<vmem>> -> memref<80xi32, #tpu.memory_space<vmem>>
      %dma_start3A_192 = arith.constant 0 : i32
      %dma_start3A_193 = arith.constant 0 : i32
      %dma_start3A_194 = tpu.memref_slice %arg2[%dma_start3A_192, %dma_start3A_193] : memref<10000x128xf32, #tpu.memory_space<hbm>> -> memref<10000x128xf32, #tpu.memory_space<hbm>>
      tpu.enqueue_indirect_dma source(%dma_start3A_194 : memref<10000x128xf32, #tpu.memory_space<hbm>>) target(%arg11 : memref<80x128xf32, #tpu.memory_space<vmem>>) offsets(%dma_start3A_191 : memref<80xi32, #tpu.memory_space<vmem>>) semaphore(%arg17 : memref<!tpu.dma_semaphore, #tpu.memory_space<semaphore_mem>>)
      %dma_wait3A_195 = arith.constant 1 : i32
      %dma_wait3A_196 = arith.constant 0 : i32
      %dma_wait3A_197 = tpu.memref_slice %arg8[%dma_wait3A_195, %dma_wait3A_196] : memref<3x80xi32, #tpu.memory_space<vmem>> -> memref<1x80xi32, #tpu.memory_space<vmem>>
      %dma_wait3A_198 = tpu.memref_squeeze %dma_wait3A_197 : memref<1x80xi32, #tpu.memory_space<vmem>> -> memref<80xi32, #tpu.memory_space<vmem>>
      %dma_wait3A_199 = arith.constant 0 : i32
      %dma_wait3A_200 = arith.constant 0 : i32
      %dma_wait3A_201 = tpu.memref_slice %arg14[%dma_wait3A_199, %dma_wait3A_200] : memref<10240x128xf32, #tpu.memory_space<vmem_shared>> -> memref<10240x128xf32, #tpu.memory_space<vmem_shared>>
      tpu.wait_indirect_dma semaphore(%arg21 : memref<!tpu.dma_semaphore, #tpu.memory_space<semaphore_mem>>) src(%arg12 : memref<80x128xf32, #tpu.memory_space<vmem>>) dst(%dma_wait3A_201 : memref<10240x128xf32, #tpu.memory_space<vmem_shared>>)
      %dma_start3A_202 = arith.constant 1 : i32
      %dma_start3A_203 = arith.constant 0 : i32
      %dma_start3A_204 = tpu.memref_slice %arg9[%dma_start3A_202, %dma_start3A_203] : memref<3x80xi32, #tpu.memory_space<vmem>> -> memref<1x80xi32, #tpu.memory_space<vmem>>
      %dma_start3A_205 = tpu.memref_squeeze %dma_start3A_204 : memref<1x80xi32, #tpu.memory_space<vmem>> -> memref<80xi32, #tpu.memory_space<vmem>>
      %dma_start3A_206 = arith.constant 0 : i32
      %dma_start3A_207 = arith.constant 0 : i32
      %dma_start3A_208 = tpu.memref_slice %arg2[%dma_start3A_206, %dma_start3A_207] : memref<10000x128xf32, #tpu.memory_space<hbm>> -> memref<10000x128xf32, #tpu.memory_space<hbm>>
      tpu.enqueue_indirect_dma source(%dma_start3A_208 : memref<10000x128xf32, #tpu.memory_space<hbm>>) target(%arg12 : memref<80x128xf32, #tpu.memory_space<vmem>>) offsets(%dma_start3A_205 : memref<80xi32, #tpu.memory_space<vmem>>) semaphore(%arg18 : memref<!tpu.dma_semaphore, #tpu.memory_space<semaphore_mem>>)
      %dma_wait3A_209 = arith.constant 2 : i32
      %dma_wait3A_210 = arith.constant 0 : i32
      %dma_wait3A_211 = tpu.memref_slice %arg8[%dma_wait3A_209, %dma_wait3A_210] : memref<3x80xi32, #tpu.memory_space<vmem>> -> memref<1x80xi32, #tpu.memory_space<vmem>>
      %dma_wait3A_212 = tpu.memref_squeeze %dma_wait3A_211 : memref<1x80xi32, #tpu.memory_space<vmem>> -> memref<80xi32, #tpu.memory_space<vmem>>
      %dma_wait3A_213 = arith.constant 0 : i32
      %dma_wait3A_214 = arith.constant 0 : i32
      %dma_wait3A_215 = tpu.memref_slice %arg14[%dma_wait3A_213, %dma_wait3A_214] : memref<10240x128xf32, #tpu.memory_space<vmem_shared>> -> memref<10240x128xf32, #tpu.memory_space<vmem_shared>>
      tpu.wait_indirect_dma semaphore(%arg22 : memref<!tpu.dma_semaphore, #tpu.memory_space<semaphore_mem>>) src(%arg13 : memref<80x128xf32, #tpu.memory_space<vmem>>) dst(%dma_wait3A_215 : memref<10240x128xf32, #tpu.memory_space<vmem_shared>>)
      %dma_start3A_216 = arith.constant 2 : i32
      %dma_start3A_217 = arith.constant 0 : i32
      %dma_start3A_218 = tpu.memref_slice %arg9[%dma_start3A_216, %dma_start3A_217] : memref<3x80xi32, #tpu.memory_space<vmem>> -> memref<1x80xi32, #tpu.memory_space<vmem>>
      %dma_start3A_219 = tpu.memref_squeeze %dma_start3A_218 : memref<1x80xi32, #tpu.memory_space<vmem>> -> memref<80xi32, #tpu.memory_space<vmem>>
      %dma_start3A_220 = arith.constant 0 : i32
      %dma_start3A_221 = arith.constant 0 : i32
      %dma_start3A_222 = tpu.memref_slice %arg2[%dma_start3A_220, %dma_start3A_221] : memref<10000x128xf32, #tpu.memory_space<hbm>> -> memref<10000x128xf32, #tpu.memory_space<hbm>>
      tpu.enqueue_indirect_dma source(%dma_start3A_222 : memref<10000x128xf32, #tpu.memory_space<hbm>>) target(%arg13 : memref<80x128xf32, #tpu.memory_space<vmem>>) offsets(%dma_start3A_219 : memref<80xi32, #tpu.memory_space<vmem>>) semaphore(%arg19 : memref<!tpu.dma_semaphore, #tpu.memory_space<semaphore_mem>>)
      %add3A_223 = arith.constant 2 : i32
      %add3A_224 = arith.addi %add3A_98, %add3A_223 : i32
      %dma_start3A_225 = arith.constant 0 : i32
      %dma_start3A_226 = arith.constant 0 : i32
      %dma_start3A_227 = arith.constant 0 : i32
      %dma_start3A_228 = tpu.memref_slice %arg3[%add3A, %dma_start3A_225, %dma_start3A_226, %dma_start3A_227] : memref<32x43x3x80xi32, #tpu.memory_space<hbm>> -> memref<1x43x3x80xi32, #tpu.memory_space<hbm>>
      %dma_start3A_229 = tpu.memref_squeeze %dma_start3A_228 : memref<1x43x3x80xi32, #tpu.memory_space<hbm>> -> memref<43x3x80xi32, #tpu.memory_space<hbm>>
      %dma_start3A_230 = arith.constant 0 : i32
      %dma_start3A_231 = arith.constant 0 : i32
      %dma_start3A_232 = tpu.memref_slice %dma_start3A_229[%add3A_224, %dma_start3A_230, %dma_start3A_231] : memref<43x3x80xi32, #tpu.memory_space<hbm>> -> memref<1x3x80xi32, #tpu.memory_space<hbm>>
      %dma_start3A_233 = tpu.memref_squeeze %dma_start3A_232 : memref<1x3x80xi32, #tpu.memory_space<hbm>> -> memref<3x80xi32, #tpu.memory_space<hbm>>
      %dma_start3A_234 = arith.constant 0 : i32
      %dma_start3A_235 = arith.constant 0 : i32
      %dma_start3A_236 = arith.constant 0 : i32
      %dma_start3A_237 = tpu.memref_slice %arg3[%add3A, %dma_start3A_234, %dma_start3A_235, %dma_start3A_236] : memref<32x43x3x80xi32, #tpu.memory_space<hbm>> -> memref<1x43x3x80xi32, #tpu.memory_space<hbm>>
      %dma_start3A_238 = tpu.memref_squeeze %dma_start3A_237 : memref<1x43x3x80xi32, #tpu.memory_space<hbm>> -> memref<43x3x80xi32, #tpu.memory_space<hbm>>
      %dma_start3A_239 = arith.constant 0 : i32
      %dma_start3A_240 = arith.constant 0 : i32
      %dma_start3A_241 = tpu.memref_slice %dma_start3A_238[%add3A_224, %dma_start3A_239, %dma_start3A_240] : memref<43x3x80xi32, #tpu.memory_space<hbm>> -> memref<1x3x80xi32, #tpu.memory_space<hbm>>
      %dma_start3A_242 = tpu.memref_squeeze %dma_start3A_241 : memref<1x3x80xi32, #tpu.memory_space<hbm>> -> memref<3x80xi32, #tpu.memory_space<hbm>>
      tpu.enqueue_dma source(%dma_start3A_242 : memref<3x80xi32, #tpu.memory_space<hbm>>) target(%arg7 : memref<3x80xi32, #tpu.memory_space<vmem>>) target_semaphore(%arg15 : memref<!tpu.dma_semaphore, #tpu.memory_space<semaphore_mem>>)
      %add3A_243 = arith.constant 2 : i32
      %add3A_244 = arith.addi %add3A_98, %add3A_243 : i32
      %dma_start3A_245 = arith.constant 0 : i32
      %dma_start3A_246 = arith.constant 0 : i32
      %dma_start3A_247 = arith.constant 0 : i32
      %dma_start3A_248 = tpu.memref_slice %arg4[%add3A, %dma_start3A_245, %dma_start3A_246, %dma_start3A_247] : memref<32x43x3x80xi32, #tpu.memory_space<hbm>> -> memref<1x43x3x80xi32, #tpu.memory_space<hbm>>
      %dma_start3A_249 = tpu.memref_squeeze %dma_start3A_248 : memref<1x43x3x80xi32, #tpu.memory_space<hbm>> -> memref<43x3x80xi32, #tpu.memory_space<hbm>>
      %dma_start3A_250 = arith.constant 0 : i32
      %dma_start3A_251 = arith.constant 0 : i32
      %dma_start3A_252 = tpu.memref_slice %dma_start3A_249[%add3A_244, %dma_start3A_250, %dma_start3A_251] : memref<43x3x80xi32, #tpu.memory_space<hbm>> -> memref<1x3x80xi32, #tpu.memory_space<hbm>>
      %dma_start3A_253 = tpu.memref_squeeze %dma_start3A_252 : memref<1x3x80xi32, #tpu.memory_space<hbm>> -> memref<3x80xi32, #tpu.memory_space<hbm>>
      %dma_start3A_254 = arith.constant 0 : i32
      %dma_start3A_255 = arith.constant 0 : i32
      %dma_start3A_256 = arith.constant 0 : i32
      %dma_start3A_257 = tpu.memref_slice %arg4[%add3A, %dma_start3A_254, %dma_start3A_255, %dma_start3A_256] : memref<32x43x3x80xi32, #tpu.memory_space<hbm>> -> memref<1x43x3x80xi32, #tpu.memory_space<hbm>>
      %dma_start3A_258 = tpu.memref_squeeze %dma_start3A_257 : memref<1x43x3x80xi32, #tpu.memory_space<hbm>> -> memref<43x3x80xi32, #tpu.memory_space<hbm>>
      %dma_start3A_259 = arith.constant 0 : i32
      %dma_start3A_260 = arith.constant 0 : i32
      %dma_start3A_261 = tpu.memref_slice %dma_start3A_258[%add3A_244, %dma_start3A_259, %dma_start3A_260] : memref<43x3x80xi32, #tpu.memory_space<hbm>> -> memref<1x3x80xi32, #tpu.memory_space<hbm>>
      %dma_start3A_262 = tpu.memref_squeeze %dma_start3A_261 : memref<1x3x80xi32, #tpu.memory_space<hbm>> -> memref<3x80xi32, #tpu.memory_space<hbm>>
      tpu.enqueue_dma source(%dma_start3A_262 : memref<3x80xi32, #tpu.memory_space<hbm>>) target(%arg8 : memref<3x80xi32, #tpu.memory_space<vmem>>) target_semaphore(%arg15 : memref<!tpu.dma_semaphore, #tpu.memory_space<semaphore_mem>>)
      %add3A_263 = arith.constant 1 : i32
      %add3A_264 = arith.addi %add3A_98, %add3A_263 : i32
      %add3A_265 = arith.constant 3 : i32
      %add3A_266 = arith.addi %add3A_98, %add3A_265 : i32
      %le3A = arith.constant 42 : i32
      %le3A_267 = arith.cmpi sle, %add3A_266, %le3A : i32
      %dma_wait3A_268 = arith.constant 0 : i32
      %dma_wait3A_269 = arith.constant 0 : i32
      %dma_wait3A_270 = tpu.memref_slice %arg9[%dma_wait3A_268, %dma_wait3A_269] : memref<3x80xi32, #tpu.memory_space<vmem>> -> memref<1x80xi32, #tpu.memory_space<vmem>>
      %dma_wait3A_271 = tpu.memref_squeeze %dma_wait3A_270 : memref<1x80xi32, #tpu.memory_space<vmem>> -> memref<80xi32, #tpu.memory_space<vmem>>
      %dma_wait3A_272 = arith.constant 0 : i32
      %dma_wait3A_273 = arith.constant 0 : i32
      %dma_wait3A_274 = tpu.memref_slice %arg2[%dma_wait3A_272, %dma_wait3A_273] : memref<10000x128xf32, #tpu.memory_space<hbm>> -> memref<10000x128xf32, #tpu.memory_space<hbm>>
      tpu.wait_indirect_dma semaphore(%arg17 : memref<!tpu.dma_semaphore, #tpu.memory_space<semaphore_mem>>) src(%dma_wait3A_274 : memref<10000x128xf32, #tpu.memory_space<hbm>>) dst(%arg11 : memref<80x128xf32, #tpu.memory_space<vmem>>)
      %dma_start3A_275 = arith.constant 0 : i32
      %dma_start3A_276 = arith.constant 0 : i32
      %dma_start3A_277 = tpu.memref_slice %arg10[%dma_start3A_275, %dma_start3A_276] : memref<3x80xi32, #tpu.memory_space<vmem>> -> memref<1x80xi32, #tpu.memory_space<vmem>>
      %dma_start3A_278 = tpu.memref_squeeze %dma_start3A_277 : memref<1x80xi32, #tpu.memory_space<vmem>> -> memref<80xi32, #tpu.memory_space<vmem>>
      %dma_start3A_279 = arith.constant 0 : i32
      %dma_start3A_280 = arith.constant 0 : i32
      %dma_start3A_281 = tpu.memref_slice %arg14[%dma_start3A_279, %dma_start3A_280] : memref<10240x128xf32, #tpu.memory_space<vmem_shared>> -> memref<10240x128xf32, #tpu.memory_space<vmem_shared>>
      tpu.enqueue_indirect_dma source(%arg11 : memref<80x128xf32, #tpu.memory_space<vmem>>) target(%dma_start3A_281 : memref<10240x128xf32, #tpu.memory_space<vmem_shared>>) offsets(%dma_start3A_278 : memref<80xi32, #tpu.memory_space<vmem>>) semaphore(%arg20 : memref<!tpu.dma_semaphore, #tpu.memory_space<semaphore_mem>>) {add = true}
      %dma_wait3A_282 = arith.constant 1 : i32
      %dma_wait3A_283 = arith.constant 0 : i32
      %dma_wait3A_284 = tpu.memref_slice %arg9[%dma_wait3A_282, %dma_wait3A_283] : memref<3x80xi32, #tpu.memory_space<vmem>> -> memref<1x80xi32, #tpu.memory_space<vmem>>
      %dma_wait3A_285 = tpu.memref_squeeze %dma_wait3A_284 : memref<1x80xi32, #tpu.memory_space<vmem>> -> memref<80xi32, #tpu.memory_space<vmem>>
      %dma_wait3A_286 = arith.constant 0 : i32
      %dma_wait3A_287 = arith.constant 0 : i32
      %dma_wait3A_288 = tpu.memref_slice %arg2[%dma_wait3A_286, %dma_wait3A_287] : memref<10000x128xf32, #tpu.memory_space<hbm>> -> memref<10000x128xf32, #tpu.memory_space<hbm>>
      tpu.wait_indirect_dma semaphore(%arg18 : memref<!tpu.dma_semaphore, #tpu.memory_space<semaphore_mem>>) src(%dma_wait3A_288 : memref<10000x128xf32, #tpu.memory_space<hbm>>) dst(%arg12 : memref<80x128xf32, #tpu.memory_space<vmem>>)
      %dma_start3A_289 = arith.constant 1 : i32
      %dma_start3A_290 = arith.constant 0 : i32
      %dma_start3A_291 = tpu.memref_slice %arg10[%dma_start3A_289, %dma_start3A_290] : memref<3x80xi32, #tpu.memory_space<vmem>> -> memref<1x80xi32, #tpu.memory_space<vmem>>
      %dma_start3A_292 = tpu.memref_squeeze %dma_start3A_291 : memref<1x80xi32, #tpu.memory_space<vmem>> -> memref<80xi32, #tpu.memory_space<vmem>>
      %dma_start3A_293 = arith.constant 0 : i32
      %dma_start3A_294 = arith.constant 0 : i32
      %dma_start3A_295 = tpu.memref_slice %arg14[%dma_start3A_293, %dma_start3A_294] : memref<10240x128xf32, #tpu.memory_space<vmem_shared>> -> memref<10240x128xf32, #tpu.memory_space<vmem_shared>>
      tpu.enqueue_indirect_dma source(%arg12 : memref<80x128xf32, #tpu.memory_space<vmem>>) target(%dma_start3A_295 : memref<10240x128xf32, #tpu.memory_space<vmem_shared>>) offsets(%dma_start3A_292 : memref<80xi32, #tpu.memory_space<vmem>>) semaphore(%arg21 : memref<!tpu.dma_semaphore, #tpu.memory_space<semaphore_mem>>) {add = true}
      %dma_wait3A_296 = arith.constant 2 : i32
      %dma_wait3A_297 = arith.constant 0 : i32
      %dma_wait3A_298 = tpu.memref_slice %arg9[%dma_wait3A_296, %dma_wait3A_297] : memref<3x80xi32, #tpu.memory_space<vmem>> -> memref<1x80xi32, #tpu.memory_space<vmem>>
      %dma_wait3A_299 = tpu.memref_squeeze %dma_wait3A_298 : memref<1x80xi32, #tpu.memory_space<vmem>> -> memref<80xi32, #tpu.memory_space<vmem>>
      %dma_wait3A_300 = arith.constant 0 : i32
      %dma_wait3A_301 = arith.constant 0 : i32
      %dma_wait3A_302 = tpu.memref_slice %arg2[%dma_wait3A_300, %dma_wait3A_301] : memref<10000x128xf32, #tpu.memory_space<hbm>> -> memref<10000x128xf32, #tpu.memory_space<hbm>>
      tpu.wait_indirect_dma semaphore(%arg19 : memref<!tpu.dma_semaphore, #tpu.memory_space<semaphore_mem>>) src(%dma_wait3A_302 : memref<10000x128xf32, #tpu.memory_space<hbm>>) dst(%arg13 : memref<80x128xf32, #tpu.memory_space<vmem>>)
      %dma_start3A_303 = arith.constant 2 : i32
      %dma_start3A_304 = arith.constant 0 : i32
      %dma_start3A_305 = tpu.memref_slice %arg10[%dma_start3A_303, %dma_start3A_304] : memref<3x80xi32, #tpu.memory_space<vmem>> -> memref<1x80xi32, #tpu.memory_space<vmem>>
      %dma_start3A_306 = tpu.memref_squeeze %dma_start3A_305 : memref<1x80xi32, #tpu.memory_space<vmem>> -> memref<80xi32, #tpu.memory_space<vmem>>
      %dma_start3A_307 = arith.constant 0 : i32
      %dma_start3A_308 = arith.constant 0 : i32
      %dma_start3A_309 = tpu.memref_slice %arg14[%dma_start3A_307, %dma_start3A_308] : memref<10240x128xf32, #tpu.memory_space<vmem_shared>> -> memref<10240x128xf32, #tpu.memory_space<vmem_shared>>
      tpu.enqueue_indirect_dma source(%arg13 : memref<80x128xf32, #tpu.memory_space<vmem>>) target(%dma_start3A_309 : memref<10240x128xf32, #tpu.memory_space<vmem_shared>>) offsets(%dma_start3A_306 : memref<80xi32, #tpu.memory_space<vmem>>) semaphore(%arg22 : memref<!tpu.dma_semaphore, #tpu.memory_space<semaphore_mem>>) {add = true}
      %add3A_310 = arith.constant 1 : i32
      %add3A_311 = arith.addi %add3A_264, %add3A_310 : i32
      %dma_wait3A_312 = arith.constant 0 : i32
      %dma_wait3A_313 = arith.constant 0 : i32
      %dma_wait3A_314 = arith.constant 0 : i32
      %dma_wait3A_315 = tpu.memref_slice %arg3[%add3A, %dma_wait3A_312, %dma_wait3A_313, %dma_wait3A_314] : memref<32x43x3x80xi32, #tpu.memory_space<hbm>> -> memref<1x43x3x80xi32, #tpu.memory_space<hbm>>
      %dma_wait3A_316 = tpu.memref_squeeze %dma_wait3A_315 : memref<1x43x3x80xi32, #tpu.memory_space<hbm>> -> memref<43x3x80xi32, #tpu.memory_space<hbm>>
      %dma_wait3A_317 = arith.constant 0 : i32
      %dma_wait3A_318 = arith.constant 0 : i32
      %dma_wait3A_319 = tpu.memref_slice %dma_wait3A_316[%add3A_311, %dma_wait3A_317, %dma_wait3A_318] : memref<43x3x80xi32, #tpu.memory_space<hbm>> -> memref<1x3x80xi32, #tpu.memory_space<hbm>>
      %dma_wait3A_320 = tpu.memref_squeeze %dma_wait3A_319 : memref<1x3x80xi32, #tpu.memory_space<hbm>> -> memref<3x80xi32, #tpu.memory_space<hbm>>
      %dma_wait3A_321 = arith.constant 0 : i32
      %dma_wait3A_322 = arith.constant 0 : i32
      %dma_wait3A_323 = arith.constant 0 : i32
      %dma_wait3A_324 = tpu.memref_slice %arg3[%add3A, %dma_wait3A_321, %dma_wait3A_322, %dma_wait3A_323] : memref<32x43x3x80xi32, #tpu.memory_space<hbm>> -> memref<1x43x3x80xi32, #tpu.memory_space<hbm>>
      %dma_wait3A_325 = tpu.memref_squeeze %dma_wait3A_324 : memref<1x43x3x80xi32, #tpu.memory_space<hbm>> -> memref<43x3x80xi32, #tpu.memory_space<hbm>>
      %dma_wait3A_326 = arith.constant 0 : i32
      %dma_wait3A_327 = arith.constant 0 : i32
      %dma_wait3A_328 = tpu.memref_slice %dma_wait3A_325[%add3A_311, %dma_wait3A_326, %dma_wait3A_327] : memref<43x3x80xi32, #tpu.memory_space<hbm>> -> memref<1x3x80xi32, #tpu.memory_space<hbm>>
      %dma_wait3A_329 = tpu.memref_squeeze %dma_wait3A_328 : memref<1x3x80xi32, #tpu.memory_space<hbm>> -> memref<3x80xi32, #tpu.memory_space<hbm>>
      tpu.wait_dma2 semaphore(%arg15 : memref<!tpu.dma_semaphore, #tpu.memory_space<semaphore_mem>>) src(%dma_wait3A_329 : memref<3x80xi32, #tpu.memory_space<hbm>>) dst(%arg7 : memref<3x80xi32, #tpu.memory_space<vmem>>)
      %add3A_330 = arith.constant 1 : i32
      %add3A_331 = arith.addi %add3A_264, %add3A_330 : i32
      %dma_wait3A_332 = arith.constant 0 : i32
      %dma_wait3A_333 = arith.constant 0 : i32
      %dma_wait3A_334 = arith.constant 0 : i32
      %dma_wait3A_335 = tpu.memref_slice %arg4[%add3A, %dma_wait3A_332, %dma_wait3A_333, %dma_wait3A_334] : memref<32x43x3x80xi32, #tpu.memory_space<hbm>> -> memref<1x43x3x80xi32, #tpu.memory_space<hbm>>
      %dma_wait3A_336 = tpu.memref_squeeze %dma_wait3A_335 : memref<1x43x3x80xi32, #tpu.memory_space<hbm>> -> memref<43x3x80xi32, #tpu.memory_space<hbm>>
      %dma_wait3A_337 = arith.constant 0 : i32
      %dma_wait3A_338 = arith.constant 0 : i32
      %dma_wait3A_339 = tpu.memref_slice %dma_wait3A_336[%add3A_331, %dma_wait3A_337, %dma_wait3A_338] : memref<43x3x80xi32, #tpu.memory_space<hbm>> -> memref<1x3x80xi32, #tpu.memory_space<hbm>>
      %dma_wait3A_340 = tpu.memref_squeeze %dma_wait3A_339 : memref<1x3x80xi32, #tpu.memory_space<hbm>> -> memref<3x80xi32, #tpu.memory_space<hbm>>
      %dma_wait3A_341 = arith.constant 0 : i32
      %dma_wait3A_342 = arith.constant 0 : i32
      %dma_wait3A_343 = arith.constant 0 : i32
      %dma_wait3A_344 = tpu.memref_slice %arg4[%add3A, %dma_wait3A_341, %dma_wait3A_342, %dma_wait3A_343] : memref<32x43x3x80xi32, #tpu.memory_space<hbm>> -> memref<1x43x3x80xi32, #tpu.memory_space<hbm>>
      %dma_wait3A_345 = tpu.memref_squeeze %dma_wait3A_344 : memref<1x43x3x80xi32, #tpu.memory_space<hbm>> -> memref<43x3x80xi32, #tpu.memory_space<hbm>>
      %dma_wait3A_346 = arith.constant 0 : i32
      %dma_wait3A_347 = arith.constant 0 : i32
      %dma_wait3A_348 = tpu.memref_slice %dma_wait3A_345[%add3A_331, %dma_wait3A_346, %dma_wait3A_347] : memref<43x3x80xi32, #tpu.memory_space<hbm>> -> memref<1x3x80xi32, #tpu.memory_space<hbm>>
      %dma_wait3A_349 = tpu.memref_squeeze %dma_wait3A_348 : memref<1x3x80xi32, #tpu.memory_space<hbm>> -> memref<3x80xi32, #tpu.memory_space<hbm>>
      tpu.wait_dma2 semaphore(%arg15 : memref<!tpu.dma_semaphore, #tpu.memory_space<semaphore_mem>>) src(%dma_wait3A_349 : memref<3x80xi32, #tpu.memory_space<hbm>>) dst(%arg8 : memref<3x80xi32, #tpu.memory_space<vmem>>)
      %dma_wait3A_350 = arith.constant 0 : i32
      %dma_wait3A_351 = arith.constant 0 : i32
      %dma_wait3A_352 = tpu.memref_slice %arg10[%dma_wait3A_350, %dma_wait3A_351] : memref<3x80xi32, #tpu.memory_space<vmem>> -> memref<1x80xi32, #tpu.memory_space<vmem>>
      %dma_wait3A_353 = tpu.memref_squeeze %dma_wait3A_352 : memref<1x80xi32, #tpu.memory_space<vmem>> -> memref<80xi32, #tpu.memory_space<vmem>>
      %dma_wait3A_354 = arith.constant 0 : i32
      %dma_wait3A_355 = arith.constant 0 : i32
      %dma_wait3A_356 = tpu.memref_slice %arg14[%dma_wait3A_354, %dma_wait3A_355] : memref<10240x128xf32, #tpu.memory_space<vmem_shared>> -> memref<10240x128xf32, #tpu.memory_space<vmem_shared>>
      tpu.wait_indirect_dma semaphore(%arg20 : memref<!tpu.dma_semaphore, #tpu.memory_space<semaphore_mem>>) src(%arg11 : memref<80x128xf32, #tpu.memory_space<vmem>>) dst(%dma_wait3A_356 : memref<10240x128xf32, #tpu.memory_space<vmem_shared>>)
      %dma_start3A_357 = arith.constant 0 : i32
      %dma_start3A_358 = arith.constant 0 : i32
      %dma_start3A_359 = tpu.memref_slice %arg7[%dma_start3A_357, %dma_start3A_358] : memref<3x80xi32, #tpu.memory_space<vmem>> -> memref<1x80xi32, #tpu.memory_space<vmem>>
      %dma_start3A_360 = tpu.memref_squeeze %dma_start3A_359 : memref<1x80xi32, #tpu.memory_space<vmem>> -> memref<80xi32, #tpu.memory_space<vmem>>
      %dma_start3A_361 = arith.constant 0 : i32
      %dma_start3A_362 = arith.constant 0 : i32
      %dma_start3A_363 = tpu.memref_slice %arg2[%dma_start3A_361, %dma_start3A_362] : memref<10000x128xf32, #tpu.memory_space<hbm>> -> memref<10000x128xf32, #tpu.memory_space<hbm>>
      tpu.enqueue_indirect_dma source(%dma_start3A_363 : memref<10000x128xf32, #tpu.memory_space<hbm>>) target(%arg11 : memref<80x128xf32, #tpu.memory_space<vmem>>) offsets(%dma_start3A_360 : memref<80xi32, #tpu.memory_space<vmem>>) semaphore(%arg17 : memref<!tpu.dma_semaphore, #tpu.memory_space<semaphore_mem>>)
      %dma_wait3A_364 = arith.constant 1 : i32
      %dma_wait3A_365 = arith.constant 0 : i32
      %dma_wait3A_366 = tpu.memref_slice %arg10[%dma_wait3A_364, %dma_wait3A_365] : memref<3x80xi32, #tpu.memory_space<vmem>> -> memref<1x80xi32, #tpu.memory_space<vmem>>
      %dma_wait3A_367 = tpu.memref_squeeze %dma_wait3A_366 : memref<1x80xi32, #tpu.memory_space<vmem>> -> memref<80xi32, #tpu.memory_space<vmem>>
      %dma_wait3A_368 = arith.constant 0 : i32
      %dma_wait3A_369 = arith.constant 0 : i32
      %dma_wait3A_370 = tpu.memref_slice %arg14[%dma_wait3A_368, %dma_wait3A_369] : memref<10240x128xf32, #tpu.memory_space<vmem_shared>> -> memref<10240x128xf32, #tpu.memory_space<vmem_shared>>
      tpu.wait_indirect_dma semaphore(%arg21 : memref<!tpu.dma_semaphore, #tpu.memory_space<semaphore_mem>>) src(%arg12 : memref<80x128xf32, #tpu.memory_space<vmem>>) dst(%dma_wait3A_370 : memref<10240x128xf32, #tpu.memory_space<vmem_shared>>)
      %dma_start3A_371 = arith.constant 1 : i32
      %dma_start3A_372 = arith.constant 0 : i32
      %dma_start3A_373 = tpu.memref_slice %arg7[%dma_start3A_371, %dma_start3A_372] : memref<3x80xi32, #tpu.memory_space<vmem>> -> memref<1x80xi32, #tpu.memory_space<vmem>>
      %dma_start3A_374 = tpu.memref_squeeze %dma_start3A_373 : memref<1x80xi32, #tpu.memory_space<vmem>> -> memref<80xi32, #tpu.memory_space<vmem>>
      %dma_start3A_375 = arith.constant 0 : i32
      %dma_start3A_376 = arith.constant 0 : i32
      %dma_start3A_377 = tpu.memref_slice %arg2[%dma_start3A_375, %dma_start3A_376] : memref<10000x128xf32, #tpu.memory_space<hbm>> -> memref<10000x128xf32, #tpu.memory_space<hbm>>
      tpu.enqueue_indirect_dma source(%dma_start3A_377 : memref<10000x128xf32, #tpu.memory_space<hbm>>) target(%arg12 : memref<80x128xf32, #tpu.memory_space<vmem>>) offsets(%dma_start3A_374 : memref<80xi32, #tpu.memory_space<vmem>>) semaphore(%arg18 : memref<!tpu.dma_semaphore, #tpu.memory_space<semaphore_mem>>)
      %dma_wait3A_378 = arith.constant 2 : i32
      %dma_wait3A_379 = arith.constant 0 : i32
      %dma_wait3A_380 = tpu.memref_slice %arg10[%dma_wait3A_378, %dma_wait3A_379] : memref<3x80xi32, #tpu.memory_space<vmem>> -> memref<1x80xi32, #tpu.memory_space<vmem>>
      %dma_wait3A_381 = tpu.memref_squeeze %dma_wait3A_380 : memref<1x80xi32, #tpu.memory_space<vmem>> -> memref<80xi32, #tpu.memory_space<vmem>>
      %dma_wait3A_382 = arith.constant 0 : i32
      %dma_wait3A_383 = arith.constant 0 : i32
      %dma_wait3A_384 = tpu.memref_slice %arg14[%dma_wait3A_382, %dma_wait3A_383] : memref<10240x128xf32, #tpu.memory_space<vmem_shared>> -> memref<10240x128xf32, #tpu.memory_space<vmem_shared>>
      tpu.wait_indirect_dma semaphore(%arg22 : memref<!tpu.dma_semaphore, #tpu.memory_space<semaphore_mem>>) src(%arg13 : memref<80x128xf32, #tpu.memory_space<vmem>>) dst(%dma_wait3A_384 : memref<10240x128xf32, #tpu.memory_space<vmem_shared>>)
      %dma_start3A_385 = arith.constant 2 : i32
      %dma_start3A_386 = arith.constant 0 : i32
      %dma_start3A_387 = tpu.memref_slice %arg7[%dma_start3A_385, %dma_start3A_386] : memref<3x80xi32, #tpu.memory_space<vmem>> -> memref<1x80xi32, #tpu.memory_space<vmem>>
      %dma_start3A_388 = tpu.memref_squeeze %dma_start3A_387 : memref<1x80xi32, #tpu.memory_space<vmem>> -> memref<80xi32, #tpu.memory_space<vmem>>
      %dma_start3A_389 = arith.constant 0 : i32
      %dma_start3A_390 = arith.constant 0 : i32
      %dma_start3A_391 = tpu.memref_slice %arg2[%dma_start3A_389, %dma_start3A_390] : memref<10000x128xf32, #tpu.memory_space<hbm>> -> memref<10000x128xf32, #tpu.memory_space<hbm>>
      tpu.enqueue_indirect_dma source(%dma_start3A_391 : memref<10000x128xf32, #tpu.memory_space<hbm>>) target(%arg13 : memref<80x128xf32, #tpu.memory_space<vmem>>) offsets(%dma_start3A_388 : memref<80xi32, #tpu.memory_space<vmem>>) semaphore(%arg19 : memref<!tpu.dma_semaphore, #tpu.memory_space<semaphore_mem>>)
      %convert_element_type3A = arith.extui %le3A_267 : i1 to i32
      %cond3A = arith.constant 0 : i32
      %cond3A_392 = arith.cmpi ne, %convert_element_type3A, %cond3A : i32
      scf.if %cond3A_392 {
        %add3A_393 = arith.constant 2 : i32
        %add3A_394 = arith.addi %add3A_264, %add3A_393 : i32
        %dma_start3A_395 = arith.constant 0 : i32
        %dma_start3A_396 = arith.constant 0 : i32
        %dma_start3A_397 = arith.constant 0 : i32
        %dma_start3A_398 = tpu.memref_slice %arg3[%add3A, %dma_start3A_395, %dma_start3A_396, %dma_start3A_397] : memref<32x43x3x80xi32, #tpu.memory_space<hbm>> -> memref<1x43x3x80xi32, #tpu.memory_space<hbm>>
        %dma_start3A_399 = tpu.memref_squeeze %dma_start3A_398 : memref<1x43x3x80xi32, #tpu.memory_space<hbm>> -> memref<43x3x80xi32, #tpu.memory_space<hbm>>
        %dma_start3A_400 = arith.constant 0 : i32
        %dma_start3A_401 = arith.constant 0 : i32
        %dma_start3A_402 = tpu.memref_slice %dma_start3A_399[%add3A_394, %dma_start3A_400, %dma_start3A_401] : memref<43x3x80xi32, #tpu.memory_space<hbm>> -> memref<1x3x80xi32, #tpu.memory_space<hbm>>
        %dma_start3A_403 = tpu.memref_squeeze %dma_start3A_402 : memref<1x3x80xi32, #tpu.memory_space<hbm>> -> memref<3x80xi32, #tpu.memory_space<hbm>>
        %dma_start3A_404 = arith.constant 0 : i32
        %dma_start3A_405 = arith.constant 0 : i32
        %dma_start3A_406 = arith.constant 0 : i32
        %dma_start3A_407 = tpu.memref_slice %arg3[%add3A, %dma_start3A_404, %dma_start3A_405, %dma_start3A_406] : memref<32x43x3x80xi32, #tpu.memory_space<hbm>> -> memref<1x43x3x80xi32, #tpu.memory_space<hbm>>
        %dma_start3A_408 = tpu.memref_squeeze %dma_start3A_407 : memref<1x43x3x80xi32, #tpu.memory_space<hbm>> -> memref<43x3x80xi32, #tpu.memory_space<hbm>>
        %dma_start3A_409 = arith.constant 0 : i32
        %dma_start3A_410 = arith.constant 0 : i32
        %dma_start3A_411 = tpu.memref_slice %dma_start3A_408[%add3A_394, %dma_start3A_409, %dma_start3A_410] : memref<43x3x80xi32, #tpu.memory_space<hbm>> -> memref<1x3x80xi32, #tpu.memory_space<hbm>>
        %dma_start3A_412 = tpu.memref_squeeze %dma_start3A_411 : memref<1x3x80xi32, #tpu.memory_space<hbm>> -> memref<3x80xi32, #tpu.memory_space<hbm>>
        tpu.enqueue_dma source(%dma_start3A_412 : memref<3x80xi32, #tpu.memory_space<hbm>>) target(%arg9 : memref<3x80xi32, #tpu.memory_space<vmem>>) target_semaphore(%arg16 : memref<!tpu.dma_semaphore, #tpu.memory_space<semaphore_mem>>)
        %add3A_413 = arith.constant 2 : i32
        %add3A_414 = arith.addi %add3A_264, %add3A_413 : i32
        %dma_start3A_415 = arith.constant 0 : i32
        %dma_start3A_416 = arith.constant 0 : i32
        %dma_start3A_417 = arith.constant 0 : i32
        %dma_start3A_418 = tpu.memref_slice %arg4[%add3A, %dma_start3A_415, %dma_start3A_416, %dma_start3A_417] : memref<32x43x3x80xi32, #tpu.memory_space<hbm>> -> memref<1x43x3x80xi32, #tpu.memory_space<hbm>>
        %dma_start3A_419 = tpu.memref_squeeze %dma_start3A_418 : memref<1x43x3x80xi32, #tpu.memory_space<hbm>> -> memref<43x3x80xi32, #tpu.memory_space<hbm>>
        %dma_start3A_420 = arith.constant 0 : i32
        %dma_start3A_421 = arith.constant 0 : i32
        %dma_start3A_422 = tpu.memref_slice %dma_start3A_419[%add3A_414, %dma_start3A_420, %dma_start3A_421] : memref<43x3x80xi32, #tpu.memory_space<hbm>> -> memref<1x3x80xi32, #tpu.memory_space<hbm>>
        %dma_start3A_423 = tpu.memref_squeeze %dma_start3A_422 : memref<1x3x80xi32, #tpu.memory_space<hbm>> -> memref<3x80xi32, #tpu.memory_space<hbm>>
        %dma_start3A_424 = arith.constant 0 : i32
        %dma_start3A_425 = arith.constant 0 : i32
        %dma_start3A_426 = arith.constant 0 : i32
        %dma_start3A_427 = tpu.memref_slice %arg4[%add3A, %dma_start3A_424, %dma_start3A_425, %dma_start3A_426] : memref<32x43x3x80xi32, #tpu.memory_space<hbm>> -> memref<1x43x3x80xi32, #tpu.memory_space<hbm>>
        %dma_start3A_428 = tpu.memref_squeeze %dma_start3A_427 : memref<1x43x3x80xi32, #tpu.memory_space<hbm>> -> memref<43x3x80xi32, #tpu.memory_space<hbm>>
        %dma_start3A_429 = arith.constant 0 : i32
        %dma_start3A_430 = arith.constant 0 : i32
        %dma_start3A_431 = tpu.memref_slice %dma_start3A_428[%add3A_414, %dma_start3A_429, %dma_start3A_430] : memref<43x3x80xi32, #tpu.memory_space<hbm>> -> memref<1x3x80xi32, #tpu.memory_space<hbm>>
        %dma_start3A_432 = tpu.memref_squeeze %dma_start3A_431 : memref<1x3x80xi32, #tpu.memory_space<hbm>> -> memref<3x80xi32, #tpu.memory_space<hbm>>
        tpu.enqueue_dma source(%dma_start3A_432 : memref<3x80xi32, #tpu.memory_space<hbm>>) target(%arg10 : memref<3x80xi32, #tpu.memory_space<vmem>>) target_semaphore(%arg16 : memref<!tpu.dma_semaphore, #tpu.memory_space<semaphore_mem>>)
      } else {
      }
    }
    %scan3A_65 = arith.constant 21 : i32
    %dma_wait3A = arith.constant 0 : i32
    %dma_wait3A_66 = arith.constant 0 : i32
    %dma_wait3A_67 = tpu.memref_slice %arg7[%dma_wait3A, %dma_wait3A_66] : memref<3x80xi32, #tpu.memory_space<vmem>> -> memref<1x80xi32, #tpu.memory_space<vmem>>
    %dma_wait3A_68 = tpu.memref_squeeze %dma_wait3A_67 : memref<1x80xi32, #tpu.memory_space<vmem>> -> memref<80xi32, #tpu.memory_space<vmem>>
    %dma_wait3A_69 = arith.constant 0 : i32
    %dma_wait3A_70 = arith.constant 0 : i32
    %dma_wait3A_71 = tpu.memref_slice %arg2[%dma_wait3A_69, %dma_wait3A_70] : memref<10000x128xf32, #tpu.memory_space<hbm>> -> memref<10000x128xf32, #tpu.memory_space<hbm>>
    tpu.wait_indirect_dma semaphore(%arg17 : memref<!tpu.dma_semaphore, #tpu.memory_space<semaphore_mem>>) src(%dma_wait3A_71 : memref<10000x128xf32, #tpu.memory_space<hbm>>) dst(%arg11 : memref<80x128xf32, #tpu.memory_space<vmem>>)
    %dma_wait3A_72 = arith.constant 1 : i32
    %dma_wait3A_73 = arith.constant 0 : i32
    %dma_wait3A_74 = tpu.memref_slice %arg7[%dma_wait3A_72, %dma_wait3A_73] : memref<3x80xi32, #tpu.memory_space<vmem>> -> memref<1x80xi32, #tpu.memory_space<vmem>>
    %dma_wait3A_75 = tpu.memref_squeeze %dma_wait3A_74 : memref<1x80xi32, #tpu.memory_space<vmem>> -> memref<80xi32, #tpu.memory_space<vmem>>
    %dma_wait3A_76 = arith.constant 0 : i32
    %dma_wait3A_77 = arith.constant 0 : i32
    %dma_wait3A_78 = tpu.memref_slice %arg2[%dma_wait3A_76, %dma_wait3A_77] : memref<10000x128xf32, #tpu.memory_space<hbm>> -> memref<10000x128xf32, #tpu.memory_space<hbm>>
    tpu.wait_indirect_dma semaphore(%arg18 : memref<!tpu.dma_semaphore, #tpu.memory_space<semaphore_mem>>) src(%dma_wait3A_78 : memref<10000x128xf32, #tpu.memory_space<hbm>>) dst(%arg12 : memref<80x128xf32, #tpu.memory_space<vmem>>)
    %dma_wait3A_79 = arith.constant 2 : i32
    %dma_wait3A_80 = arith.constant 0 : i32
    %dma_wait3A_81 = tpu.memref_slice %arg7[%dma_wait3A_79, %dma_wait3A_80] : memref<3x80xi32, #tpu.memory_space<vmem>> -> memref<1x80xi32, #tpu.memory_space<vmem>>
    %dma_wait3A_82 = tpu.memref_squeeze %dma_wait3A_81 : memref<1x80xi32, #tpu.memory_space<vmem>> -> memref<80xi32, #tpu.memory_space<vmem>>
    %dma_wait3A_83 = arith.constant 0 : i32
    %dma_wait3A_84 = arith.constant 0 : i32
    %dma_wait3A_85 = tpu.memref_slice %arg2[%dma_wait3A_83, %dma_wait3A_84] : memref<10000x128xf32, #tpu.memory_space<hbm>> -> memref<10000x128xf32, #tpu.memory_space<hbm>>
    tpu.wait_indirect_dma semaphore(%arg19 : memref<!tpu.dma_semaphore, #tpu.memory_space<semaphore_mem>>) src(%dma_wait3A_85 : memref<10000x128xf32, #tpu.memory_space<hbm>>) dst(%arg13 : memref<80x128xf32, #tpu.memory_space<vmem>>)
    %barrier3A_86 = arith.constant 0 : index
    tpu.barrier barrier_id(%barrier3A_86)
    %mul3A_87 = arith.constant 640 : i32
    %mul3A_88 = arith.muli %arg1, %mul3A_87 : i32
    %mul3A_89 = arith.constant 10240 : i32
    %mul3A_90 = arith.muli %arg0, %mul3A_89 : i32
    %mul3A_91 = arith.constant 640 : i32
    %mul3A_92 = arith.muli %arg1, %mul3A_91 : i32
    %add3A_93 = arith.addi %mul3A_90, %mul3A_92 : i32
    "tpu.region"() ({
      %run_scoped3A_94 = tpu.sem_alloc : memref<!tpu.dma_semaphore, #tpu.memory_space<semaphore_mem>>
      %dma_start3A_95 = arith.constant 0 : i32
      %dma_start3A_96 = tpu.memref_slice %arg6[%add3A_93, %dma_start3A_95] : memref<20480x128xf32, #tpu.memory_space<hbm>> -> memref<640x128xf32, #tpu.memory_space<hbm>>
      %dma_start3A_97 = arith.constant 0 : i32
      %dma_start3A_98 = tpu.memref_slice %arg14[%mul3A_88, %dma_start3A_97] : memref<10240x128xf32, #tpu.memory_space<vmem_shared>> -> memref<640x128xf32, #tpu.memory_space<vmem_shared>>
      tpu.enqueue_dma source(%dma_start3A_98 : memref<640x128xf32, #tpu.memory_space<vmem_shared>>) target(%dma_start3A_96 : memref<640x128xf32, #tpu.memory_space<hbm>>) target_semaphore(%run_scoped3A_94 : memref<!tpu.dma_semaphore, #tpu.memory_space<semaphore_mem>>)
      %dma_wait3A_99 = arith.constant 0 : i32
      %dma_wait3A_100 = tpu.memref_slice %arg6[%add3A_93, %dma_wait3A_99] : memref<20480x128xf32, #tpu.memory_space<hbm>> -> memref<640x128xf32, #tpu.memory_space<hbm>>
      %dma_wait3A_101 = arith.constant 0 : i32
      %dma_wait3A_102 = tpu.memref_slice %arg14[%mul3A_88, %dma_wait3A_101] : memref<10240x128xf32, #tpu.memory_space<vmem_shared>> -> memref<640x128xf32, #tpu.memory_space<vmem_shared>>
      tpu.wait_dma2 semaphore(%run_scoped3A_94 : memref<!tpu.dma_semaphore, #tpu.memory_space<semaphore_mem>>) src(%dma_wait3A_102 : memref<640x128xf32, #tpu.memory_space<vmem_shared>>) dst(%dma_wait3A_100 : memref<640x128xf32, #tpu.memory_space<hbm>>)
      tpu.yield
    }) : () -> ()
    return
  }
}

module attributes {stable_mosaic.version = 14 : i64} {
  func.func @_mm_body(%arg0: i32, %arg1: memref<1000x128xf32, #tpu.memory_space<vmem>>, %arg2: memref<128x128xf32, #tpu.memory_space<vmem>>, %arg3: memref<1000x128xf32, #tpu.memory_space<vmem>>) attributes {dimension_semantics = [#tpu.dimension_semantics<arbitrary>], iteration_bounds = array<i64: 10>, scalar_prefetch = 0 : i64, scratch_operands = 0 : i64, tpu.core_type = #tpu.core_type<tc>, window_params = [{transform_indices = @transform_0, window_bounds = array<i64: 1000, 128>}, {pipeline_mode = #tpu.pipeline_mode<synchronous>, transform_indices = @transform_1, window_bounds = array<i64: 128, 128>}, {transform_indices = @transform_2, window_bounds = array<i64: 1000, 128>}]} {
    %get3A = arith.constant 0 : index
    %get3A_0 = arith.constant 0 : index
    %get3A_1 = vector.load %arg1[%get3A, %get3A_0] : memref<1000x128xf32, #tpu.memory_space<vmem>>, vector<1000x128xf32>
    %get3A_2 = arith.constant 0 : index
    %get3A_3 = arith.constant 0 : index
    %get3A_4 = vector.load %arg2[%get3A_2, %get3A_3] : memref<128x128xf32, #tpu.memory_space<vmem>>, vector<128x128xf32>
    %dot_general3A = arith.constant dense<0.000000e+00> : vector<1000x128xf32>
    %dot_general3A_5 = tpu.matmul %get3A_1, %get3A_4, %dot_general3A {dimension_numbers = #tpu.dot_dimension_numbers<[1], [0], [0], [1], [0, 0, 1, 1], [], []>, transpose_lhs_hint = false} : vector<1000x128xf32>, vector<128x128xf32>, vector<1000x128xf32> -> vector<1000x128xf32>
    %swap3A = arith.constant 0 : index
    %swap3A_6 = arith.constant 0 : index
    %swap3A_7 = vector.load %arg3[%swap3A, %swap3A_6] : memref<1000x128xf32, #tpu.memory_space<vmem>>, vector<1000x128xf32>
    tpu.vector_store %arg3[%swap3A, %swap3A_6], %dot_general3A_5 {strides = array<i32>} : memref<1000x128xf32, #tpu.memory_space<vmem>>, vector<1000x128xf32>,
    return
  }
  func.func @transform_0(%arg0: i32) -> (i32, i32) {
    %c0_i32 = arith.constant 0 : i32
    %c0_i32_0 = arith.constant 0 : i32
    return %arg0, %c0_i32 : i32, i32
  }
  func.func @transform_1(%arg0: i32) -> (i32, i32) {
    %c0_i32 = arith.constant 0 : i32
    %c0_i32_0 = arith.constant 0 : i32
    %c0_i32_1 = arith.constant 0 : i32
    return %c0_i32, %c0_i32_0 : i32, i32
  }
  func.func @transform_2(%arg0: i32) -> (i32, i32) {
    %c0_i32 = arith.constant 0 : i32
    %c0_i32_0 = arith.constant 0 : i32
    return %arg0, %c0_i32 : i32, i32
  }
}

module attributes {stable_mosaic.version = 14 : i64} {
  func.func @_pre_body(%arg0: i32, %arg1: memref<2x1000x16xf32, #tpu.memory_space<vmem>>, %arg2: memref<1000x128xf32, #tpu.memory_space<vmem>>, %arg3: memref<1000x128xf32, #tpu.memory_space<vmem>>) attributes {dimension_semantics = [#tpu.dimension_semantics<arbitrary>], iteration_bounds = array<i64: 10>, scalar_prefetch = 0 : i64, scratch_operands = 0 : i64, tpu.core_type = #tpu.core_type<tc>, window_params = [{transform_indices = @transform_0, window_bounds = array<i64: 2, 1000, 16>}, {transform_indices = @transform_1, window_bounds = array<i64: 1000, 128>}, {transform_indices = @transform_2, window_bounds = array<i64: 1000, 128>}]} {
    %get3A = arith.constant 0 : index
    %get3A_0 = arith.constant 0 : index
    %get3A_1 = vector.load %arg2[%get3A, %get3A_0] : memref<1000x128xf32, #tpu.memory_space<vmem>>, vector<1000x128xf32>
    %get3A_2 = arith.constant 0 : index
    %get3A_3 = arith.constant 0 : index
    %get3A_4 = arith.constant 0 : index
    %get3A_5 = vector.load %arg1[%get3A_2, %get3A_3, %get3A_4] : memref<2x1000x16xf32, #tpu.memory_space<vmem>>, vector<1x1000x1xf32>
    %get3A_6 = vector.shape_cast %get3A_5 : vector<1x1000x1xf32> to vector<1000x1xf32>
    %add3A = arith.constant 1.000000e+00 : f32
    %add3A_7 = vector.broadcast %add3A : f32 to vector<1000x1xf32>
    %add3A_8 = arith.addf %add3A_7, %get3A_6 : vector<1000x1xf32>
    %get3A_9 = arith.constant 1 : index
    %get3A_10 = arith.constant 0 : index
    %get3A_11 = arith.constant 0 : index
    %get3A_12 = vector.load %arg1[%get3A_9, %get3A_10, %get3A_11] : memref<2x1000x16xf32, #tpu.memory_space<vmem>>, vector<1x1000x1xf32>
    %get3A_13 = vector.shape_cast %get3A_12 : vector<1x1000x1xf32> to vector<1000x1xf32>
    %add3A_14 = arith.addf %add3A_8, %get3A_13 : vector<1000x1xf32>
    %rsqrt3A = math.rsqrt %add3A_14 : vector<1000x1xf32>
    %mul3A = vector.broadcast %rsqrt3A : vector<1000x1xf32> to vector<1000x128xf32>
    %mul3A_15 = arith.mulf %get3A_1, %mul3A : vector<1000x128xf32>
    %swap3A = arith.constant 0 : index
    %swap3A_16 = arith.constant 0 : index
    %swap3A_17 = vector.load %arg3[%swap3A, %swap3A_16] : memref<1000x128xf32, #tpu.memory_space<vmem>>, vector<1000x128xf32>
    tpu.vector_store %arg3[%swap3A, %swap3A_16], %mul3A_15 {strides = array<i32>} : memref<1000x128xf32, #tpu.memory_space<vmem>>, vector<1000x128xf32>,
    return
  }
  func.func @transform_0(%arg0: i32) -> (i32, i32, i32) {
    %c0_i32 = arith.constant 0 : i32
    %c0_i32_0 = arith.constant 0 : i32
    %c0_i32_1 = arith.constant 0 : i32
    return %c0_i32, %arg0, %c0_i32_0 : i32, i32, i32
  }
  func.func @transform_1(%arg0: i32) -> (i32, i32) {
    %c0_i32 = arith.constant 0 : i32
    %c0_i32_0 = arith.constant 0 : i32
    return %arg0, %c0_i32 : i32, i32
  }
  func.func @transform_2(%arg0: i32) -> (i32, i32) {
    %c0_i32 = arith.constant 0 : i32
    %c0_i32_0 = arith.constant 0 : i32
    return %arg0, %c0_i32 : i32, i32
  }
}

module attributes {stable_mosaic.version = 14 : i64} {
  func.func @_mid_body(%arg0: i32, %arg1: memref<2x1000x128xf32, #tpu.memory_space<vmem>>, %arg2: memref<1000x128xf32, #tpu.memory_space<vmem>>, %arg3: memref<2x1000x16xf32, #tpu.memory_space<vmem>>, %arg4: memref<1x128xf32, #tpu.memory_space<vmem>>, %arg5: memref<128x128xf32, #tpu.memory_space<vmem>>, %arg6: memref<1000x128xf32, #tpu.memory_space<vmem>>, %arg7: memref<1000x128xf32, #tpu.memory_space<vmem>>) attributes {dimension_semantics = [#tpu.dimension_semantics<arbitrary>], iteration_bounds = array<i64: 10>, scalar_prefetch = 0 : i64, scratch_operands = 0 : i64, tpu.core_type = #tpu.core_type<tc>, window_params = [{transform_indices = @transform_0, window_bounds = array<i64: 2, 1000, 128>}, {transform_indices = @transform_1, window_bounds = array<i64: 1000, 128>}, {transform_indices = @transform_2, window_bounds = array<i64: 2, 1000, 16>}, {pipeline_mode = #tpu.pipeline_mode<synchronous>, transform_indices = @transform_3, window_bounds = array<i64: 1, 128>}, {pipeline_mode = #tpu.pipeline_mode<synchronous>, transform_indices = @transform_4, window_bounds = array<i64: 128, 128>}, {transform_indices = @transform_5, window_bounds = array<i64: 1000, 128>}, {transform_indices = @transform_6, window_bounds = array<i64: 1000, 128>}]} {
    %get3A = arith.constant 0 : index
    %get3A_0 = arith.constant 0 : index
    %get3A_1 = arith.constant 0 : index
    %get3A_2 = vector.load %arg3[%get3A, %get3A_0, %get3A_1] : memref<2x1000x16xf32, #tpu.memory_space<vmem>>, vector<1x1000x1xf32>
    %get3A_3 = vector.shape_cast %get3A_2 : vector<1x1000x1xf32> to vector<1000x1xf32>
    %add3A = arith.constant 1.000000e+00 : f32
    %add3A_4 = vector.broadcast %add3A : f32 to vector<1000x1xf32>
    %add3A_5 = arith.addf %add3A_4, %get3A_3 : vector<1000x1xf32>
    %get3A_6 = arith.constant 1 : index
    %get3A_7 = arith.constant 0 : index
    %get3A_8 = arith.constant 0 : index
    %get3A_9 = vector.load %arg3[%get3A_6, %get3A_7, %get3A_8] : memref<2x1000x16xf32, #tpu.memory_space<vmem>>, vector<1x1000x1xf32>
    %get3A_10 = vector.shape_cast %get3A_9 : vector<1x1000x1xf32> to vector<1000x1xf32>
    %add3A_11 = arith.addf %add3A_5, %get3A_10 : vector<1000x1xf32>
    %rsqrt3A = math.rsqrt %add3A_11 : vector<1000x1xf32>
    %get3A_12 = arith.constant 0 : index
    %get3A_13 = arith.constant 0 : index
    %get3A_14 = arith.constant 0 : index
    %get3A_15 = vector.load %arg1[%get3A_12, %get3A_13, %get3A_14] : memref<2x1000x128xf32, #tpu.memory_space<vmem>>, vector<1x1000x128xf32>
    %get3A_16 = vector.shape_cast %get3A_15 : vector<1x1000x128xf32> to vector<1000x128xf32>
    %get3A_17 = arith.constant 1 : index
    %get3A_18 = arith.constant 0 : index
    %get3A_19 = arith.constant 0 : index
    %get3A_20 = vector.load %arg1[%get3A_17, %get3A_18, %get3A_19] : memref<2x1000x128xf32, #tpu.memory_space<vmem>>, vector<1x1000x128xf32>
    %get3A_21 = vector.shape_cast %get3A_20 : vector<1x1000x128xf32> to vector<1000x128xf32>
    %add3A_22 = arith.addf %get3A_16, %get3A_21 : vector<1000x128xf32>
    %get3A_23 = arith.constant 0 : index
    %get3A_24 = arith.constant 0 : index
    %get3A_25 = vector.load %arg2[%get3A_23, %get3A_24] : memref<1000x128xf32, #tpu.memory_space<vmem>>, vector<1000x128xf32>
    %add3A_26 = arith.addf %add3A_22, %get3A_25 : vector<1000x128xf32>
    %mul3A = vector.broadcast %rsqrt3A : vector<1000x1xf32> to vector<1000x128xf32>
    %mul3A_27 = arith.mulf %mul3A, %add3A_26 : vector<1000x128xf32>
    %get3A_28 = arith.constant 0 : index
    %get3A_29 = arith.constant 0 : index
    %get3A_30 = vector.load %arg4[%get3A_28, %get3A_29] : memref<1x128xf32, #tpu.memory_space<vmem>>, vector<1x128xf32>
    %add3A_31 = vector.broadcast %get3A_30 : vector<1x128xf32> to vector<1000x128xf32>
    %add3A_32 = arith.addf %mul3A_27, %add3A_31 : vector<1000x128xf32>
    %max3A = arith.constant 0.000000e+00 : f32
    %max3A_33 = vector.broadcast %max3A : f32 to vector<1000x128xf32>
    %max3A_34 = arith.maximumf %add3A_32, %max3A_33 : vector<1000x128xf32>
    %swap3A = arith.constant 0 : index
    %swap3A_35 = arith.constant 0 : index
    %swap3A_36 = vector.load %arg6[%swap3A, %swap3A_35] : memref<1000x128xf32, #tpu.memory_space<vmem>>, vector<1000x128xf32>
    tpu.vector_store %arg6[%swap3A, %swap3A_35], %max3A_34 {strides = array<i32>} : memref<1000x128xf32, #tpu.memory_space<vmem>>, vector<1000x128xf32>,
    %get3A_37 = arith.constant 0 : index
    %get3A_38 = arith.constant 0 : index
    %get3A_39 = vector.load %arg5[%get3A_37, %get3A_38] : memref<128x128xf32, #tpu.memory_space<vmem>>, vector<128x128xf32>
    %dot_general3A = arith.constant dense<0.000000e+00> : vector<1000x128xf32>
    %dot_general3A_40 = tpu.matmul %max3A_34, %get3A_39, %dot_general3A {dimension_numbers = #tpu.dot_dimension_numbers<[1], [0], [0], [1], [0, 0, 1, 1], [], []>, transpose_lhs_hint = false} : vector<1000x128xf32>, vector<128x128xf32>, vector<1000x128xf32> -> vector<1000x128xf32>
    %mul3A_41 = vector.broadcast %rsqrt3A : vector<1000x1xf32> to vector<1000x128xf32>
    %mul3A_42 = arith.mulf %mul3A_41, %dot_general3A_40 : vector<1000x128xf32>
    %swap3A_43 = arith.constant 0 : index
    %swap3A_44 = arith.constant 0 : index
    %swap3A_45 = vector.load %arg7[%swap3A_43, %swap3A_44] : memref<1000x128xf32, #tpu.memory_space<vmem>>, vector<1000x128xf32>
    tpu.vector_store %arg7[%swap3A_43, %swap3A_44], %mul3A_42 {strides = array<i32>} : memref<1000x128xf32, #tpu.memory_space<vmem>>, vector<1000x128xf32>,
    return
  }
  func.func @transform_0(%arg0: i32) -> (i32, i32, i32) {
    %c0_i32 = arith.constant 0 : i32
    %c0_i32_0 = arith.constant 0 : i32
    %c0_i32_1 = arith.constant 0 : i32
    return %c0_i32, %arg0, %c0_i32_0 : i32, i32, i32
  }
  func.func @transform_1(%arg0: i32) -> (i32, i32) {
    %c0_i32 = arith.constant 0 : i32
    %c0_i32_0 = arith.constant 0 : i32
    return %arg0, %c0_i32 : i32, i32
  }
  func.func @transform_2(%arg0: i32) -> (i32, i32, i32) {
    %c0_i32 = arith.constant 0 : i32
    %c0_i32_0 = arith.constant 0 : i32
    %c0_i32_1 = arith.constant 0 : i32
    return %c0_i32, %arg0, %c0_i32_0 : i32, i32, i32
  }
  func.func @transform_3(%arg0: i32) -> (i32, i32) {
    %c0_i32 = arith.constant 0 : i32
    %c0_i32_0 = arith.constant 0 : i32
    %c0_i32_1 = arith.constant 0 : i32
    return %c0_i32, %c0_i32_0 : i32, i32
  }
  func.func @transform_4(%arg0: i32) -> (i32, i32) {
    %c0_i32 = arith.constant 0 : i32
    %c0_i32_0 = arith.constant 0 : i32
    %c0_i32_1 = arith.constant 0 : i32
    return %c0_i32, %c0_i32_0 : i32, i32
  }
  func.func @transform_5(%arg0: i32) -> (i32, i32) {
    %c0_i32 = arith.constant 0 : i32
    %c0_i32_0 = arith.constant 0 : i32
    return %arg0, %c0_i32 : i32, i32
  }
  func.func @transform_6(%arg0: i32) -> (i32, i32) {
    %c0_i32 = arith.constant 0 : i32
    %c0_i32_0 = arith.constant 0 : i32
    return %arg0, %c0_i32 : i32, i32
  }
}

module attributes {stable_mosaic.version = 14 : i64} {
  func.func @_post_body(%arg0: i32, %arg1: memref<2x1000x128xf32, #tpu.memory_space<vmem>>, %arg2: memref<1000x128xf32, #tpu.memory_space<vmem>>, %arg3: memref<2x1000x16xf32, #tpu.memory_space<vmem>>, %arg4: memref<1x128xf32, #tpu.memory_space<vmem>>, %arg5: memref<1000x128xf32, #tpu.memory_space<vmem>>) attributes {dimension_semantics = [#tpu.dimension_semantics<arbitrary>], iteration_bounds = array<i64: 10>, scalar_prefetch = 0 : i64, scratch_operands = 0 : i64, tpu.core_type = #tpu.core_type<tc>, window_params = [{transform_indices = @transform_0, window_bounds = array<i64: 2, 1000, 128>}, {transform_indices = @transform_1, window_bounds = array<i64: 1000, 128>}, {transform_indices = @transform_2, window_bounds = array<i64: 2, 1000, 16>}, {pipeline_mode = #tpu.pipeline_mode<synchronous>, transform_indices = @transform_3, window_bounds = array<i64: 1, 128>}, {transform_indices = @transform_4, window_bounds = array<i64: 1000, 128>}]} {
    %get3A = arith.constant 0 : index
    %get3A_0 = arith.constant 0 : index
    %get3A_1 = arith.constant 0 : index
    %get3A_2 = vector.load %arg3[%get3A, %get3A_0, %get3A_1] : memref<2x1000x16xf32, #tpu.memory_space<vmem>>, vector<1x1000x1xf32>
    %get3A_3 = vector.shape_cast %get3A_2 : vector<1x1000x1xf32> to vector<1000x1xf32>
    %add3A = arith.constant 1.000000e+00 : f32
    %add3A_4 = vector.broadcast %add3A : f32 to vector<1000x1xf32>
    %add3A_5 = arith.addf %add3A_4, %get3A_3 : vector<1000x1xf32>
    %get3A_6 = arith.constant 1 : index
    %get3A_7 = arith.constant 0 : index
    %get3A_8 = arith.constant 0 : index
    %get3A_9 = vector.load %arg3[%get3A_6, %get3A_7, %get3A_8] : memref<2x1000x16xf32, #tpu.memory_space<vmem>>, vector<1x1000x1xf32>
    %get3A_10 = vector.shape_cast %get3A_9 : vector<1x1000x1xf32> to vector<1000x1xf32>
    %add3A_11 = arith.addf %add3A_5, %get3A_10 : vector<1000x1xf32>
    %rsqrt3A = math.rsqrt %add3A_11 : vector<1000x1xf32>
    %get3A_12 = arith.constant 0 : index
    %get3A_13 = arith.constant 0 : index
    %get3A_14 = arith.constant 0 : index
    %get3A_15 = vector.load %arg1[%get3A_12, %get3A_13, %get3A_14] : memref<2x1000x128xf32, #tpu.memory_space<vmem>>, vector<1x1000x128xf32>
    %get3A_16 = vector.shape_cast %get3A_15 : vector<1x1000x128xf32> to vector<1000x128xf32>
    %get3A_17 = arith.constant 1 : index
    %get3A_18 = arith.constant 0 : index
    %get3A_19 = arith.constant 0 : index
    %get3A_20 = vector.load %arg1[%get3A_17, %get3A_18, %get3A_19] : memref<2x1000x128xf32, #tpu.memory_space<vmem>>, vector<1x1000x128xf32>
    %get3A_21 = vector.shape_cast %get3A_20 : vector<1x1000x128xf32> to vector<1000x128xf32>
    %add3A_22 = arith.addf %get3A_16, %get3A_21 : vector<1000x128xf32>
    %get3A_23 = arith.constant 0 : index
    %get3A_24 = arith.constant 0 : index
    %get3A_25 = vector.load %arg2[%get3A_23, %get3A_24] : memref<1000x128xf32, #tpu.memory_space<vmem>>, vector<1000x128xf32>
    %add3A_26 = arith.addf %add3A_22, %get3A_25 : vector<1000x128xf32>
    %mul3A = vector.broadcast %rsqrt3A : vector<1000x1xf32> to vector<1000x128xf32>
    %mul3A_27 = arith.mulf %mul3A, %add3A_26 : vector<1000x128xf32>
    %get3A_28 = arith.constant 0 : index
    %get3A_29 = arith.constant 0 : index
    %get3A_30 = vector.load %arg4[%get3A_28, %get3A_29] : memref<1x128xf32, #tpu.memory_space<vmem>>, vector<1x128xf32>
    %add3A_31 = vector.broadcast %get3A_30 : vector<1x128xf32> to vector<1000x128xf32>
    %add3A_32 = arith.addf %mul3A_27, %add3A_31 : vector<1000x128xf32>
    %swap3A = arith.constant 0 : index
    %swap3A_33 = arith.constant 0 : index
    %swap3A_34 = vector.load %arg5[%swap3A, %swap3A_33] : memref<1000x128xf32, #tpu.memory_space<vmem>>, vector<1000x128xf32>
    tpu.vector_store %arg5[%swap3A, %swap3A_33], %add3A_32 {strides = array<i32>} : memref<1000x128xf32, #tpu.memory_space<vmem>>, vector<1000x128xf32>,
    return
  }
  func.func @transform_0(%arg0: i32) -> (i32, i32, i32) {
    %c0_i32 = arith.constant 0 : i32
    %c0_i32_0 = arith.constant 0 : i32
    %c0_i32_1 = arith.constant 0 : i32
    return %c0_i32, %arg0, %c0_i32_0 : i32, i32, i32
  }
  func.func @transform_1(%arg0: i32) -> (i32, i32) {
    %c0_i32 = arith.constant 0 : i32
    %c0_i32_0 = arith.constant 0 : i32
    return %arg0, %c0_i32 : i32, i32
  }
  func.func @transform_2(%arg0: i32) -> (i32, i32, i32) {
    %c0_i32 = arith.constant 0 : i32
    %c0_i32_0 = arith.constant 0 : i32
    %c0_i32_1 = arith.constant 0 : i32
    return %c0_i32, %arg0, %c0_i32_0 : i32, i32, i32
  }
  func.func @transform_3(%arg0: i32) -> (i32, i32) {
    %c0_i32 = arith.constant 0 : i32
    %c0_i32_0 = arith.constant 0 : i32
    %c0_i32_1 = arith.constant 0 : i32
    return %c0_i32, %c0_i32_0 : i32, i32
  }
  func.func @transform_4(%arg0: i32) -> (i32, i32) {
    %c0_i32 = arith.constant 0 : i32
    %c0_i32_0 = arith.constant 0 : i32
    return %arg0, %c0_i32 : i32, i32
  }
}

</mosaic_0001>

<sc_bundles>
// kernel: kernel.12.cloned.1.call-start
scs
__scs_entry_jumppad:
0x0: {  	(pc) =	sbr.rel $0x88, $3  }
0x1: {  	(tag) =	ssettag $0x0;
	lr =	simm.s32 $0x1  }
0x2: {  	[smem:$0x3F9B] =	sst lr;
	_ =	strace $0xD0000000  }
0x3: {  	_ = 	snop  }
0x4: {  	_ = 	snop  }
0x5: {  	_ = 	snop  }
0x6: {  	_ = 	snop  }
0x7: {  	_ = 	snop  }
__scs_overlays_trampoline_lowered:
0x8: {  	[smem:$0x3FAA] =	sst s0  }
0x9: {  	[smem:$0x3FAB] =	sst s1  }
0xa: {  	[smem:$0x3FAC] =	sst s2  }
0xb: {  	[smem:$0x3FAD] =	sst s3  }
0xc: {  	[smem:$0x3FAE] =	sst s4  }
0xd: {  	[smem:$0x3FAF] =	sst s5  }
0xe: {  	[smem:$0x3FB0] =	sst s6  }
0xf: {  	[smem:$0x3FB1] =	sst s7  }
0x10: {  	[smem:$0x3FB2] =	sst s8  }
0x11: {  	[smem:$0x3FB3] =	sst s9;
	s0 =	simm.s32 @!p0 $0x0  }
0x12: {  	s1 =	sld [smem:$0x3F99];
	s0 =	simm.s32 @p0 $0x1  }
0x13: {  	[smem:$0x3FB4] =	sst s0;
	s0 =	simm.s32 @!p1 $0x0  }
0x14: {  	s2 =	sld [smem:$0x3F98];
	s0 =	simm.s32 @p1 $0x1  }
0x15: {  	[smem:$0x3FB5] =	sst s0;
	s0 =	simm.s32 @!p2 $0x0  }
0x16: {  	s3 =	sld [smem:$0x3FDB];
	s0 =	simm.s32 @p2 $0x1  }
0x17: {  	s4 =	simm.s32 $0x1BF5;
	[smem:$0x3FB7] =	sst s0  }
0x18: {  	s0 =	sld [smem:$0x3F9A];
	_ =	swait.ge [sflag:s4], $0x0  }
0x19: {  	s7 =	sld [smem:$0x3F9B]  }
0x1a: {  	s8 =	sadd.s32 $0xFFFFE003, lr  }
0x1b: {  	s9 =	sadd.s32 $0xFFFFFEF7, lr;
	s5 =	simm.s32 $0xFFFFFFFF;
	p2 =	slt.u32 s8, $0xFFFFF086  }
0x1c: {  	p1 =	slt.u32 s9, $0xF7A;
	s5 =	simm.s32 @!p2 $0x0  }
0x1d: {  	s5 =	simm.s32 @p1 $0x1;
	p0 =	seq.s32 s7, s2  }
0x1e: {  	s7 =	smul.u32 @!p0 $0xF7A, s2;
	p2 =	seq.s32 @!p0 s5, $0x0  }
0x1f: {  	s9 =	smul.u32 $0xF7A, s1;
	s8 =	simm.s32 @!p0 $0x1BF5;
	p2 =	por !p2, p0  }
0x20: {  	[sflag:s8] =	ssyncset.s32 @!p0 $0xFFFFF086;
	s6 =	sadd.s32 @!p0 s3, s7;
	s7 =	simm.s32 @!p0 $0x108  }
0x21: {  	s3 =	sadd.s32 s3, s9;
	s6 =	sadd.s32 @!p0 $0x88, s6;
	s7 =	simm.s32 @p2 $0x1082  }
0x22: {  	[simem:s7], [sflag:s8] =	dma.local @!p0 [hbm:s6], $0xF7A  }
0x23: {  	s9 =	sor.u32 $0xD0000000, s2;
	s6 =	simm.s32 $0x108;
	_ =	swait.ge @!p0 [sflag:s8], $0x0  }
0x24: {  	s3 =	sadd.s32 $0x88, s3;
	s6 =	simm.s32 @!p1 $0x1082;
	[sflag:s4] =	ssyncset.s32 $0xFFFFF086  }
0x25: {  	[simem:s6], [sflag:s4] =	dma.local [hbm:s3], $0xF7A  }
0x26: {  	[smem:$0x3F9B] =	sst s1;
	(tag) =	ssettag s2;
	_ =	strace s9  }
0x27: {  	s1 =	sld [smem:$0x3FAB]  }
0x28: {  	s2 =	sld [smem:$0x3FAC]  }
0x29: {  	s4 =	sld [smem:$0x3FAE]  }
0x2a: {  	p0 =	seq.s32 s5, $0x0;
	s5 =	sld [smem:$0x3FAF]  }
0x2b: {  	s6 =	sld [smem:$0x3FB0]  }
0x2c: {  	s7 =	sld [smem:$0x3FB1]  }
0x2d: {  	s3 =	simm.s32 $0x108;
	s8 =	sld [smem:$0x3FB2]  }
0x2e: {  	s3 =	simm.s32 @!p0 $0x1082;
	s9 =	sld [smem:$0x3FB3]  }
0x2f: {  	lr =	sadd.s32 s0, s3;
	s0 =	sld [smem:$0x3FAA]  }
0x30: {  	s3 =	sld [smem:$0x3FAD]  }
0x31: {  	[smem:$0x3FB6] =	sst s10  }
0x32: {  	s10 =	sld [smem:$0x3FB4];
	_ =	sdelay $0x3  }
0x33: {  	p0 =	seq.s32 s10, $0x1;
	s10 =	sld [smem:$0x3FB6];
	_ =	sdelay $0x3  }
0x34: {  	[smem:$0x3FB6] =	sst s10  }
0x35: {  	s10 =	sld [smem:$0x3FB5];
	_ =	sdelay $0x3  }
0x36: {  	p1 =	seq.s32 s10, $0x1;
	s10 =	sld [smem:$0x3FB6];
	_ =	sdelay $0x3  }
0x37: {  	[smem:$0x3FB6] =	sst s10  }
0x38: {  	s10 =	sld [smem:$0x3FB7]  }
0x39: {  	_ = 	snop;
	(pc) =	sbr.ind lr, $3  }
0x3a: {  	_ = 	snop  }
0x3b: {  	_ = 	snop  }
0x3c: {  	p2 =	seq.s32 s10, $0x1;
	s10 =	sld [smem:$0x3FB6]  }
0x3d: {  	_ =	shalt  }
0x3e: {  	_ =	shalt  }
0x3f: {  	_ =	shalt  }
0x40: {  	_ =	shalt  }
0x41: {  	_ =	shalt  }
0x42: {  	_ =	shalt  }
0x43: {  	_ =	shalt  }
0x44: {  	_ =	shalt  }
0x45: {  	_ =	shalt  }
0x46: {  	_ =	shalt  }
0x47: {  	_ =	shalt  }
0x48: {  	_ =	shalt  }
0x49: {  	_ =	shalt  }
0x4a: {  	_ =	shalt  }
0x4b: {  	_ =	shalt  }
0x4c: {  	_ =	shalt  }
0x4d: {  	_ =	shalt  }
0x4e: {  	_ =	shalt  }
0x4f: {  	_ =	shalt  }
0x50: {  	_ =	shalt  }
0x51: {  	_ =	shalt  }
0x52: {  	_ =	shalt  }
0x53: {  	_ =	shalt  }
0x54: {  	_ =	shalt  }
0x55: {  	_ =	shalt  }
0x56: {  	_ =	shalt  }
0x57: {  	_ =	shalt  }
0x58: {  	_ =	shalt  }
0x59: {  	_ =	shalt  }
0x5a: {  	_ =	shalt  }
0x5b: {  	_ =	shalt  }
0x5c: {  	_ =	shalt  }
0x5d: {  	_ =	shalt  }
0x5e: {  	_ =	shalt  }
0x5f: {  	_ =	shalt  }
0x60: {  	_ =	shalt  }
0x61: {  	_ =	shalt  }
0x62: {  	_ =	shalt  }
0x63: {  	_ =	shalt  }
0x64: {  	_ =	shalt  }
0x65: {  	_ =	shalt  }
0x66: {  	_ =	shalt  }
0x67: {  	_ =	shalt  }
0x68: {  	_ =	shalt  }
0x69: {  	_ =	shalt  }
0x6a: {  	_ =	shalt  }
0x6b: {  	_ =	shalt  }
0x6c: {  	_ =	shalt  }
0x6d: {  	_ =	shalt  }
0x6e: {  	_ =	shalt  }
0x6f: {  	_ =	shalt  }
0x70: {  	_ =	shalt  }
0x71: {  	_ =	shalt  }
0x72: {  	_ =	shalt  }
0x73: {  	_ =	shalt  }
0x74: {  	_ =	shalt  }
0x75: {  	_ =	shalt  }
0x76: {  	_ =	shalt  }
0x77: {  	_ =	shalt  }
0x78: {  	_ =	shalt  }
0x79: {  	_ =	shalt  }
0x7a: {  	_ =	shalt  }
0x7b: {  	_ =	shalt  }
0x7c: {  	_ =	shalt  }
0x7d: {  	_ =	shalt  }
0x7e: {  	_ =	shalt  }
0x7f: {  	_ =	shalt  }
0x80: {  	_ =	shalt  }
0x81: {  	_ =	shalt  }
0x82: {  	_ =	shalt  }
0x83: {  	_ =	shalt  }
0x84: {  	_ =	shalt  }
0x85: {  	_ =	shalt  }
0x86: {  	_ =	shalt  }
0x87: {  	_ =	shalt  }
.Lfunc_end0:
.L_simem_size_0:
called_computation.1_lowered:
.L_overlay_start_0:
0x88: {  	s2 =	sld [smem:$0x3FD9]  }
0x89: {  	s3 =	sld [smem:$0x3FFE];
	_ =	sdelay $0x1  }
0x8a: {  	s1 =	srdreg.scid  }
0x8b: {  	s0 =	sand.u32 $0x1, s1  }
0x8c: {  	s14 =	sshll.u32 s0, $0xA;
	s2 =	sadd.s32 s3, s2  }
0x8d: {  	s2 =	sadd.s32 s2, s14  }
0x8e: {  	[smem:$0x3FC2] =	sst s2  }
0x8f: {  	_ = 	snop  }
0x90: {  	s2 =	sld [smem:$0x3FD0];
	_ =	sdelay $0x2  }
0x91: {  	s15 =	simm.s32 $0xA;
	s4 =	simm.s32 $0x10  }
0x92: {  	[smem:s4], [sflag:s15] =	dma.local [hbm:s2], $0x1  }
0x93: {  	_ =	swait.eq [sflag:s15], $0x1  }
0x94: {  	[sflag:s15] =	ssyncset.done $0x0  }
0x95: {  	[sflag:s15] =	ssyncadd.s32 $0xFFFFFFFF  }
0x96: {  	s16 =	sld [smem:$0x11];
	(tm) =	ssettm $0x1  }
0x97: {  	s17 =	sld [smem:$0x3FFB];
	_ =	sdelay $0x3  }
0x98: {  	_ =	strace s17  }
0x99: {  	s3 =	sld [smem:$0x3FFC];
	_ =	sdelay $0x3  }
0x9a: {  	_ =	strace s3  }
0x9b: {  	s3 =	sld [smem:$0x3FFD];
	_ =	sdelay $0x3  }
0x9c: {  	_ =	strace s3  }
0x9d: {  	_ =	strace $0x8FFFFFFF  }
0x9e: {  	s18 =	sld [smem:$0x3FDB];
	_ =	sdelay $0x1  }
0x9f: {  	s19 =	simm.s32 $_scs_section_size  }
0xa0: {  	s5 =	simm.s32 $_size__tile_overlayer_lowered;
	s6 =	simm.s32 $_tile_overlayer_lowered  }
0xa1: {  	s22 =	simm.s32 $0x1BFF;
	s21 =	sshll.u32 s6, $0x1;
	s3 =	sadd.s32 s19, s18  }
0xa2: {  	s7 =	simm.s32 $0x0;
	s20 =	sshll.u32 s5, $0x1;
	s5 =	sadd.s32 s21, s3  }
0xa3: {  	[timem:s7], [sflag:s22] =	dma.local [hbm:s5], s20  }
0xa4: {  	_ =	swait.ge [sflag:s22], s20  }
0xa5: {  	s4 =	ssub.s32 $0x0, s20;
	[sflag:s22] =	ssyncset.done $0x0  }
0xa6: {  	[sflag:s22] =	ssyncadd.s32 s4;
	_ =	sdelay $0x1  }
0xa7: {  	s23 =	simm.s32 $0x1B8B  }
0xa8: {  	_ =	swait.ge [sflag:s23], $0x1  }
0xa9: {  	[sflag:s23] =	ssyncset.done $0x0  }
0xaa: {  	s25 =	simm.s32 $0x1B8E;
	s24 =	sld [smem:$0x3FFE];
	[sflag:s23] =	ssyncadd.s32 $0xFFFFFFFF  }
0xab: {  	s26 =	simm.s32 $execute0_lowered;
	[smem:$0x3FD2] =	sst s25  }
0xac: {  	s5 =	sshll.u32 s26, $0x1;
	_ =	strace $0x80000049;
	[dreg:$0x1] =	wrdreg $0xFFFFFFFF  }
0xad: {  	s28 =	simm.s32 $_size_execute0_lowered;
	s3 =	sadd.s32 s3, s5;
	[dreg:$0x0] =	wrdreg $0x0  }
0xae: {  	s5 =	sshll.u32 s28, $0x1;
	[dreg:$0x2] =	wrdreg s3  }
0xaf: {  	[dreg:$0x3] =	wrdreg s5  }
0xb0: {  	[dreg:$0x4] =	wrdreg $0xC0  }
0xb1: {  	_ =	task [dreg:s7], $0x5FFFF  }
0xb2: {  	[dreg:$0x1] =	wrdreg $0xFFFFFFFF  }
0xb3: {  	[dreg:$0x0] =	wrdreg $0x60  }
0xb4: {  	[dreg:$0x2] =	wrdreg s16  }
0xb5: {  	[dreg:$0x3] =	wrdreg s24  }
0xb6: {  	[dreg:$0x4] =	wrdreg $0x80000  }
0xb7: {  	[dreg:$0x5] =	wrdreg $0x9  }
0xb8: {  	_ =	task.clear_ibuf [dreg:s7], $0x6FFFF;
	_ =	strace $0x90000049  }
0xb9: {  	s29 =	simm.s32 $0x9;
	_ =	strace $0x8000004B  }
0xba: {  	_ =	swait.ge [sflag:s29], $0x1  }
0xbb: {  	[sflag:s29] =	ssyncadd.s32 $0xFFFFFFFF  }
0xbc: {  	_ =	strace $0x9000004B  }
0xbd: {  	_ =	sfence  }
0xbe: {  	s30 =	sld [smem:$0x0];
	_ =	sdelay $0x2  }
0xbf: {  	s31 =	sshll.u32 s1, $0xD;
	s1 =	sshrl.u32 s1, $0x2  }
0xc0: {  	s3 =	sand.u32 $0x4000, s31;
	s1 =	sadd.s32 s1, s30  }
0xc1: {  	s0 =	sor.u32 s3, s0;
	s1 =	sshll.u32 s1, $0x11  }
0xc2: {  	s0 =	sor.u32 s1, s0  }
0xc3: {  	s0 =	sadd.s32 $0x8F2B, s0  }
0xc4: {  	[sflag:s0] =	ssyncadd.remote.s32 $0x1  }
0xc5: {  	_ =	sfence.sel $0xFFFF  }
0xc6: {  	[dreg:$0x0] =	wrdreg $0xFFFFFFFF;
	(pc) =	sbr.abs _section_cstart, $3  }
0xc7: {  	[dreg:$0x1] =	wrdreg $0xFFFFFFFF  }
0xc8: {  	_ =	task.clear_ibuf [dreg:s7], $0x2FFFF;
	_ =	strace $0x9FFFFFFF  }
0xc9: {  	(tm) =	ssettm $0x7FFFFFFF  }
tec
execute0_lowered:
.L_overlay_start_1:
0x0: {  	(tag) =	ssettag $0x1  }
0x1: {  	s1 =	rddreg [dreg:$0x0]  }
0x2: {  	s0 =	srdreg.scid;
	s5 =	rddreg [dreg:$0x1]  }
0x3: {  	s9 =	stileid.u32;
	s3 =	rddreg [dreg:$0x2];
	s4 =	simm.s32 $0x0  }
0x4: {  	s16 =	simm.s32 $0x9;
	s13 =	simm.s32 $0x200;
	s14 =	simm.s32 $0x50  }
0x5: {  	s15 =	simm.s32 $0x800;
	s17 =	simm.s32 $0x3000;
	s18 =	simm.s32 $0x100  }
0x6: {  	s19 =	simm.s32 $0x5800;
	s28 =	simm.s32 $0x5;
	s29 =	simm.s32 $0x300  }
0x7: {  	s30 =	simm.s32 $0x2;
	s31 =	simm.s32 $0x6;
	s6 =	smul.u32 $0x2800, s9  }
0x8: {  	s0 =	sand.u32 $0x1, s0;
	[smem:$0x7FF] =	sst s4;
	s8 =	smul.u32 $0x50000, s9  }
0x9: {  	s10 =	sadd.s32 $0x7E200, s5;
	s23 =	sshll.u32 s9, $0x6;
	s2 =	sshll.u32 s0, $0x4  }
0xa: {  	s7 =	smul.u32 $0x28000, s0;
	_ =	strace $0x8000004A;
	[dreg:$0x4] =	wrdreg s10  }
0xb: {  	s0 =	ssub.s32 $0x2, s0;
	s11 =	sor.u32 $0x1C09, s23;
	s23 =	simm.s32 $0x600  }
0xc: {  	s10 =	simm.s32 $0x680;
	s2 =	sor.u32 s9, s2;
	s20 =	sshrl.u32 s0, $0x1  }
0xd: {  	s21 =	sshrl.u32 s8, $0x2;
	s9 =	simm.s32 $0x500;
	[dreg:$0x5] =	wrdreg s11  }
0xe: {  	s2 =	smul.u32 $0xAC0, s2;
	s6 =	sadd.s32 s6, s7;
	s0 =	ssub.s32 s0, s20  }
0xf: {  	s22 =	sadd.s32 s21, s3;
	s21 =	simm.s32 $0x400;
	s20 =	simm.s32 $0x700  }
0x10: {  	s0 =	smax.u32 s0, $0x1;
	s12 =	sshrl.u32 s22, $0x3;
	s22 =	simm.s32 $0x1  }
0x11: {  	s2 =	sadd.s32 s2, s5;
	s5 =	sadd.s32 s6, s5;
	[dreg:$0x7] =	wrdreg s0  }
0x12: {  	s0 =	simm.s32 $0x480;
	s6 =	simm.s32 $0x0;
	[dreg:$0x8] =	wrdreg s12  }
.Ltmp0:
0x13: {  	s7 =	sadd.s32 $0x53200, s2;
	s8 =	sadd.s32 $0x68A00, s2;
	(pc) =	sbr.rel .LBB2_1-.Ltmp0, $4  }
0x14: {  	s24 =	sadd.s32 $0x80A00, s5;
	s2 =	simm.s32 $0x7;
	[dreg:$0xb] =	wrdreg s6  }
0x15: {  	s5 =	simm.s32 $0x8;
	[dreg:$0x6] =	wrdreg s24;
	s25 =	sadd.s32 $0x40, s7  }
0x16: {  	s26 =	sadd.s32 $0x40, s8;
	s24 =	simm.s32 $0x3;
	[dreg:$0x9] =	wrdreg s25  }
0x17: {  	[dreg:$0xa] =	wrdreg s26;
	s25 =	simm.s32 $0x4;
	s26 =	simm.s32 $0x280  }
.LBB2_4:
0x18: {  	_ =	swait.ge [sflag:s24], $0x2800  }
0x19: {  	[sflag:s24] =	ssyncset.done $0x0  }
0x1a: {  	[sflag:s24] =	ssyncadd.s32 $0xFFFFD800  }
0x1b: {  	_ =	swait.ge [sflag:s25], $0x2800  }
0x1c: {  	[sflag:s25] =	ssyncset.done $0x0  }
0x1d: {  	[sflag:s25] =	ssyncadd.s32 $0xFFFFD800  }
0x1e: {  	_ =	swait.ge [sflag:s28], $0x2800  }
0x1f: {  	[sflag:s28] =	ssyncset.done $0x0  }
0x20: {  	[sflag:s28] =	ssyncadd.s32 $0xFFFFD800  }
0x21: {  	[bflag:$0x0] =	sbarrier.arrive $0xFFFF  }
0x22: {  	s11 =	rddreg [dreg:$0x5]  }
0x23: {  	s6 =	rddreg [dreg:$0x6]  }
0x24: {  	s16 =	simm.s32 $0x9;
	s12 =	rddreg [dreg:$0x8]  }
0x25: {  	[hbm:s6], [sflag:s11] =	dma.local [spmem:s12], $0x2800  }
0x26: {  	_ =	swait.ge [sflag:s16], $0x2800  }
0x27: {  	s6 =	rddreg [dreg:$0xb]  }
0x28: {  	s11 =	sadd.s32 $0x1, s6;
	s6 =	rddreg [dreg:$0x7]  }
0x29: {  	p0 =	sne.s32 s11, s6  }
.Ltmp1:
0x2a: {  	_ = 	snop;
	(pc) =	sbr.rel @!p0 .LBB2_5-.Ltmp1, $3  }
0x2b: {  	_ =	sdelay $0x1  }
0x2c: {  	[sflag:s16] =	ssyncset.done $0x0;
	[dreg:$0xb] =	wrdreg s11  }
0x2d: {  	[sflag:s16] =	ssyncadd.s32 $0xFFFFD800;
	s11 =	rddreg [dreg:$0x5]  }
.LBB2_1:
0x2e: {  	s6 =	rddreg [dreg:$0x4]  }
0x2f: {  	[spmem:s12], [sflag:s11] =	dma.local [hbm:s6], $0x2800  }
0x30: {  	_ =	swait.ge [sflag:s16], $0x2800  }
0x31: {  	[sflag:s16] =	ssyncset.done $0x0  }
0x32: {  	[sflag:s16] =	ssyncadd.s32 $0xFFFFD800  }
0x33: {  	[bflag:$0x0] =	sbarrier.arrive $0xFFFF  }
0x34: {  	[tilespmem:s4], [sflag:$0x9] =	stream.linear.gather [hbm4b:s7+s4], $0x180, $0x38;
	[tilespmem:$0x1C000] =	vst v63  }
0x35: {  	_ =	swait.ge [sflag:s16], $0x180  }
0x36: {  	[sflag:s16] =	ssyncset.done $0x0  }
0x37: {  	[sflag:s16] =	ssyncadd.s32 $0xFFFFFE80  }
0x38: {  	[tilespmem:s13], [sflag:$0x9] =	stream.linear.gather [hbm4b:s8+s4], $0x180, $0x38;
	[tilespmem:$0x1C000] =	vst v63  }
0x39: {  	_ =	swait.ge [sflag:s16], $0x180  }
0x3a: {  	[sflag:s16] =	ssyncset.done $0x0  }
0x3b: {  	[sflag:s16] =	ssyncadd.s32 $0xFFFFFE80  }
0x3c: {  	[tilespmem:s15], [sflag:$0x3] =	stream.indirect.gather [hbm4b:s1+s14], $0x80, s4, s14, $0xb8;
	[tilespmem:$0x1C000] =	vst v63  }
0x3d: {  	s11 =	simm.s32 $0x80  }
0x3e: {  	[tilespmem:s17], [sflag:$0x4] =	stream.indirect.gather [hbm4b:s1+s14], $0x80, s11, s14, $0xb8;
	[tilespmem:$0x1C000] =	vst v63  }
0x3f: {  	_ = 	snop  }
0x40: {  	[tilespmem:s19], [sflag:$0x5] =	stream.indirect.gather [hbm4b:s1+s14], $0x80, s18, s14, $0xb8;
	[tilespmem:$0x1C000] =	vst v63  }
0x41: {  	s12 =	rddreg [dreg:$0x9]  }
0x42: {  	[tilespmem:s21], [sflag:$0x2] =	stream.linear.gather [hbm4b:s12+s4], $0x180, $0x38;
	[tilespmem:$0x1C000] =	vst v63  }
0x43: {  	s16 =	rddreg [dreg:$0xa];
	s11 =	simm.s32 $0xFFFFF600  }
0x44: {  	[tilespmem:s23], [sflag:$0x2] =	stream.linear.gather [hbm4b:s16+s4], $0x180, $0x38;
	[tilespmem:$0x1C000] =	vst v63  }
.LBB2_2:
0x45: {  	_ =	swait.ge [sflag:s24], $0x2800  }
0x46: {  	[sflag:s24] =	ssyncset.done $0x0  }
0x47: {  	[sflag:s24] =	ssyncadd.s32 $0xFFFFD800  }
0x48: {  	[spmem:s3] =	stream.indirect.scatter.add.f32 [tilespmem:s15], [sflag:$0x6], $0x80, s13, s14, $0xb8;
	[tilespmem:$0x1C000] =	vst v63  }
0x49: {  	_ =	swait.ge [sflag:s25], $0x2800  }
0x4a: {  	[sflag:s25] =	ssyncset.done $0x0  }
0x4b: {  	[sflag:s25] =	ssyncadd.s32 $0xFFFFD800  }
0x4c: {  	[spmem:s3] =	stream.indirect.scatter.add.f32 [tilespmem:s17], [sflag:$0x7], $0x80, s26, s14, $0xb8;
	[tilespmem:$0x1C000] =	vst v63  }
0x4d: {  	_ =	swait.ge [sflag:s28], $0x2800  }
0x4e: {  	[sflag:s28] =	ssyncset.done $0x0  }
0x4f: {  	[sflag:s28] =	ssyncadd.s32 $0xFFFFD800  }
0x50: {  	[spmem:s3] =	stream.indirect.scatter.add.f32 [tilespmem:s19], [sflag:$0x8], $0x80, s29, s14, $0xb8;
	[tilespmem:$0x1C000] =	vst v63  }
0x51: {  	_ =	swait.ge [sflag:s30], $0x180  }
0x52: {  	[sflag:s30] =	ssyncset.done $0x0  }
0x53: {  	[sflag:s30] =	ssyncadd.s32 $0xFFFFFE80  }
0x54: {  	_ =	swait.ge [sflag:s30], $0x180  }
0x55: {  	[sflag:s30] =	ssyncset.done $0x0  }
0x56: {  	[sflag:s30] =	ssyncadd.s32 $0xFFFFFE80  }
0x57: {  	_ =	swait.ge [sflag:s31], $0x2800  }
0x58: {  	[sflag:s31] =	ssyncset.done $0x0  }
0x59: {  	[sflag:s31] =	ssyncadd.s32 $0xFFFFD800  }
0x5a: {  	[tilespmem:s15], [sflag:$0x3] =	stream.indirect.gather [hbm4b:s1+s14], $0x80, s21, s14, $0xb8;
	[tilespmem:$0x1C000] =	vst v63  }
0x5b: {  	_ =	swait.ge [sflag:s2], $0x2800  }
0x5c: {  	[sflag:s2] =	ssyncset.done $0x0  }
0x5d: {  	[sflag:s2] =	ssyncadd.s32 $0xFFFFD800  }
0x5e: {  	[tilespmem:s17], [sflag:$0x4] =	stream.indirect.gather [hbm4b:s1+s14], $0x80, s0, s14, $0xb8;
	[tilespmem:$0x1C000] =	vst v63  }
0x5f: {  	_ =	swait.ge [sflag:s5], $0x2800  }
0x60: {  	[sflag:s5] =	ssyncset.done $0x0  }
0x61: {  	s12 =	sadd.s32 s11, s7;
	[sflag:s5] =	ssyncadd.s32 $0xFFFFD800  }
0x62: {  	[tilespmem:s19], [sflag:$0x5] =	stream.indirect.gather [hbm4b:s1+s14], $0x80, s9, s14, $0xb8;
	[tilespmem:$0x1C000] =	vst v63  }
0x63: {  	s6 =	sadd.s32 $0xA80, s12  }
0x64: {  	[tilespmem:s4], [sflag:$0x1] =	stream.linear.gather [hbm4b:s6+s4], $0x180, $0x38;
	[tilespmem:$0x1C000] =	vst v63  }
0x65: {  	s6 =	sadd.s32 s11, s8  }
0x66: {  	s16 =	sadd.s32 $0xA80, s6  }
0x67: {  	[tilespmem:s13], [sflag:$0x1] =	stream.linear.gather [hbm4b:s16+s4], $0x180, $0x38;
	[tilespmem:$0x1C000] =	vst v63  }
0x68: {  	_ =	swait.ge [sflag:s24], $0x2800  }
0x69: {  	[sflag:s24] =	ssyncset.done $0x0  }
0x6a: {  	[sflag:s24] =	ssyncadd.s32 $0xFFFFD800  }
0x6b: {  	[spmem:s3] =	stream.indirect.scatter.add.f32 [tilespmem:s15], [sflag:$0x6], $0x80, s23, s14, $0xb8;
	[tilespmem:$0x1C000] =	vst v63  }
0x6c: {  	_ =	swait.ge [sflag:s25], $0x2800  }
0x6d: {  	[sflag:s25] =	ssyncset.done $0x0  }
0x6e: {  	[sflag:s25] =	ssyncadd.s32 $0xFFFFD800  }
0x6f: {  	[spmem:s3] =	stream.indirect.scatter.add.f32 [tilespmem:s17], [sflag:$0x7], $0x80, s10, s14, $0xb8;
	[tilespmem:$0x1C000] =	vst v63  }
0x70: {  	_ =	swait.ge [sflag:s28], $0x2800  }
0x71: {  	[sflag:s28] =	ssyncset.done $0x0  }
0x72: {  	[sflag:s28] =	ssyncadd.s32 $0xFFFFD800  }
0x73: {  	[spmem:s3] =	stream.indirect.scatter.add.f32 [tilespmem:s19], [sflag:$0x8], $0x80, s20, s14, $0xb8;
	[tilespmem:$0x1C000] =	vst v63  }
0x74: {  	_ =	swait.ge [sflag:s22], $0x180  }
0x75: {  	[sflag:s22] =	ssyncset.done $0x0  }
0x76: {  	[sflag:s22] =	ssyncadd.s32 $0xFFFFFE80  }
0x77: {  	_ =	swait.ge [sflag:s22], $0x180  }
0x78: {  	[sflag:s22] =	ssyncset.done $0x0  }
0x79: {  	[sflag:s22] =	ssyncadd.s32 $0xFFFFFE80  }
0x7a: {  	_ =	swait.ge [sflag:s31], $0x2800  }
0x7b: {  	[sflag:s31] =	ssyncset.done $0x0  }
0x7c: {  	[sflag:s31] =	ssyncadd.s32 $0xFFFFD800  }
0x7d: {  	[tilespmem:s15], [sflag:$0x3] =	stream.indirect.gather [hbm4b:s1+s14], $0x80, s4, s14, $0xb8;
	[tilespmem:$0x1C000] =	vst v63  }
0x7e: {  	_ =	swait.ge [sflag:s2], $0x2800  }
0x7f: {  	[sflag:s2] =	ssyncset.done $0x0  }
0x80: {  	p0 =	seq.s32 s11, $0x0;
	s16 =	simm.s32 $0x80;
	[sflag:s2] =	ssyncadd.s32 $0xFFFFD800  }
0x81: {  	[tilespmem:s17], [sflag:$0x4] =	stream.indirect.gather [hbm4b:s1+s14], $0x80, s16, s14, $0xb8;
	[tilespmem:$0x1C000] =	vst v63  }
.Ltmp2:
0x82: {  	_ = 	snop;
	(pc) =	sbr.rel @p0 .LBB2_4-.Ltmp2, $4  }
0x83: {  	_ =	swait.ge [sflag:s5], $0x2800  }
0x84: {  	[sflag:s5] =	ssyncset.done $0x0  }
0x85: {  	[sflag:s5] =	ssyncadd.s32 $0xFFFFD800  }
0x86: {  	[tilespmem:s19], [sflag:$0x5] =	stream.indirect.gather [hbm4b:s1+s14], $0x80, s18, s14, $0xb8;
	[tilespmem:$0x1C000] =	vst v63  }
.Ltmp3:
0x87: {  	(pc) =	sbr.rel .LBB2_2-.Ltmp3, $4  }
0x88: {  	s12 =	sadd.s32 $0xAC0, s12  }
0x89: {  	[tilespmem:s21], [sflag:$0x2] =	stream.linear.gather [hbm4b:s12+s4], $0x180, $0x38;
	[tilespmem:$0x1C000] =	vst v63  }
0x8a: {  	s6 =	sadd.s32 $0xAC0, s6;
	s11 =	sadd.s32 $0x80, s11  }
0x8b: {  	[tilespmem:s23], [sflag:$0x2] =	stream.linear.gather [hbm4b:s6+s4], $0x180, $0x38;
	[tilespmem:$0x1C000] =	vst v63  }
.LBB2_5:
0x8c: {  	_ =	sfence.sel $0x180000  }
0x8d: {  	[bflag:$0x0] =	sbarrier.arrive $0xFFFF  }
0x8e: {  	_ =	strace $0x9000004A  }
0x8f: {  	s0 =	stileid.u32;
	[bflag:$0x2] =	sbarrier.arrive $0xFFFF  }
0x90: {  	p0 =	sne.s32 s0, $0x0;
	s0 =	rddreg [dreg:$0x3]  }
0x91: {  	s0 =	sadd.s32 @!p0 $0x100000, s0  }
0x92: {  	[sflag:s0] =	ssyncadd.tile.s32 @!p0 $0x1;
	_ =	shalt  }
.Lfunc_end2:
_tile_overlayer_lowered:
.L_overlay_start_2:
0x93: {  	(tag) =	ssettag $0x2  }
0x94: {  	s0 =	rddreg [dreg:$0x0];
	s2 =	stileid.u32  }
0x95: {  	s1 =	rddreg [dreg:$0x1];
	p0 =	sne.s32 s2, $0x0  }
0x96: {  	s3 =	rddreg [dreg:$0x2];
	[bflag:$0x3] =	sbarrier.arrive $0xFFFF;
	s2 =	simm.s32 @!p0 $0x1C09  }
0x97: {  	[timem:s3], [sflag:s2] =	dma.local @!p0 [hbm:s0], s1  }
0x98: {  	s0 =	simm.s32 @!p0 $0x9  }
0x99: {  	_ =	swait.ge @!p0 [sflag:s0], s1  }
0x9a: {  	s1 =	ssub.s32 @!p0 $0x0, s1;
	[sflag:s0] =	ssyncset.done @!p0 $0x0  }
0x9b: {  	[sflag:s0] =	ssyncadd.s32 @!p0 s1  }
0x9c: {  	[bflag:$0x3] =	sbarrier.arrive $0xFFFF  }
0x9d: {  	_ =	shalt  }

// kernel: kernel.15.cloned.1.call-start
scs
__scs_entry_jumppad:
0x0: {  	(pc) =	sbr.rel $0x88, $3  }
0x1: {  	(tag) =	ssettag $0x0;
	lr =	simm.s32 $0x1  }
0x2: {  	[smem:$0x3F9B] =	sst lr;
	_ =	strace $0xD0000000  }
0x3: {  	_ = 	snop  }
0x4: {  	_ = 	snop  }
0x5: {  	_ = 	snop  }
0x6: {  	_ = 	snop  }
0x7: {  	_ = 	snop  }
__scs_overlays_trampoline_lowered:
0x8: {  	[smem:$0x3FAA] =	sst s0  }
0x9: {  	[smem:$0x3FAB] =	sst s1  }
0xa: {  	[smem:$0x3FAC] =	sst s2  }
0xb: {  	[smem:$0x3FAD] =	sst s3  }
0xc: {  	[smem:$0x3FAE] =	sst s4  }
0xd: {  	[smem:$0x3FAF] =	sst s5  }
0xe: {  	[smem:$0x3FB0] =	sst s6  }
0xf: {  	[smem:$0x3FB1] =	sst s7  }
0x10: {  	[smem:$0x3FB2] =	sst s8  }
0x11: {  	[smem:$0x3FB3] =	sst s9;
	s0 =	simm.s32 @!p0 $0x0  }
0x12: {  	s1 =	sld [smem:$0x3F99];
	s0 =	simm.s32 @p0 $0x1  }
0x13: {  	[smem:$0x3FB4] =	sst s0;
	s0 =	simm.s32 @!p1 $0x0  }
0x14: {  	s2 =	sld [smem:$0x3F98];
	s0 =	simm.s32 @p1 $0x1  }
0x15: {  	[smem:$0x3FB5] =	sst s0;
	s0 =	simm.s32 @!p2 $0x0  }
0x16: {  	s3 =	sld [smem:$0x3FDB];
	s0 =	simm.s32 @p2 $0x1  }
0x17: {  	s4 =	simm.s32 $0x1BF5;
	[smem:$0x3FB7] =	sst s0  }
0x18: {  	s0 =	sld [smem:$0x3F9A];
	_ =	swait.ge [sflag:s4], $0x0  }
0x19: {  	s7 =	sld [smem:$0x3F9B]  }
0x1a: {  	s8 =	sadd.s32 $0xFFFFE003, lr  }
0x1b: {  	s9 =	sadd.s32 $0xFFFFFEF7, lr;
	s5 =	simm.s32 $0xFFFFFFFF;
	p2 =	slt.u32 s8, $0xFFFFF086  }
0x1c: {  	p1 =	slt.u32 s9, $0xF7A;
	s5 =	simm.s32 @!p2 $0x0  }
0x1d: {  	s5 =	simm.s32 @p1 $0x1;
	p0 =	seq.s32 s7, s2  }
0x1e: {  	s7 =	smul.u32 @!p0 $0xF7A, s2;
	p2 =	seq.s32 @!p0 s5, $0x0  }
0x1f: {  	s9 =	smul.u32 $0xF7A, s1;
	s8 =	simm.s32 @!p0 $0x1BF5;
	p2 =	por !p2, p0  }
0x20: {  	[sflag:s8] =	ssyncset.s32 @!p0 $0xFFFFF086;
	s6 =	sadd.s32 @!p0 s3, s7;
	s7 =	simm.s32 @!p0 $0x108  }
0x21: {  	s3 =	sadd.s32 s3, s9;
	s6 =	sadd.s32 @!p0 $0x88, s6;
	s7 =	simm.s32 @p2 $0x1082  }
0x22: {  	[simem:s7], [sflag:s8] =	dma.local @!p0 [hbm:s6], $0xF7A  }
0x23: {  	s9 =	sor.u32 $0xD0000000, s2;
	s6 =	simm.s32 $0x108;
	_ =	swait.ge @!p0 [sflag:s8], $0x0  }
0x24: {  	s3 =	sadd.s32 $0x88, s3;
	s6 =	simm.s32 @!p1 $0x1082;
	[sflag:s4] =	ssyncset.s32 $0xFFFFF086  }
0x25: {  	[simem:s6], [sflag:s4] =	dma.local [hbm:s3], $0xF7A  }
0x26: {  	[smem:$0x3F9B] =	sst s1;
	(tag) =	ssettag s2;
	_ =	strace s9  }
0x27: {  	s1 =	sld [smem:$0x3FAB]  }
0x28: {  	s2 =	sld [smem:$0x3FAC]  }
0x29: {  	s4 =	sld [smem:$0x3FAE]  }
0x2a: {  	p0 =	seq.s32 s5, $0x0;
	s5 =	sld [smem:$0x3FAF]  }
0x2b: {  	s6 =	sld [smem:$0x3FB0]  }
0x2c: {  	s7 =	sld [smem:$0x3FB1]  }
0x2d: {  	s3 =	simm.s32 $0x108;
	s8 =	sld [smem:$0x3FB2]  }
0x2e: {  	s3 =	simm.s32 @!p0 $0x1082;
	s9 =	sld [smem:$0x3FB3]  }
0x2f: {  	lr =	sadd.s32 s0, s3;
	s0 =	sld [smem:$0x3FAA]  }
0x30: {  	s3 =	sld [smem:$0x3FAD]  }
0x31: {  	[smem:$0x3FB6] =	sst s10  }
0x32: {  	s10 =	sld [smem:$0x3FB4];
	_ =	sdelay $0x3  }
0x33: {  	p0 =	seq.s32 s10, $0x1;
	s10 =	sld [smem:$0x3FB6];
	_ =	sdelay $0x3  }
0x34: {  	[smem:$0x3FB6] =	sst s10  }
0x35: {  	s10 =	sld [smem:$0x3FB5];
	_ =	sdelay $0x3  }
0x36: {  	p1 =	seq.s32 s10, $0x1;
	s10 =	sld [smem:$0x3FB6];
	_ =	sdelay $0x3  }
0x37: {  	[smem:$0x3FB6] =	sst s10  }
0x38: {  	s10 =	sld [smem:$0x3FB7]  }
0x39: {  	_ = 	snop;
	(pc) =	sbr.ind lr, $3  }
0x3a: {  	_ = 	snop  }
0x3b: {  	_ = 	snop  }
0x3c: {  	p2 =	seq.s32 s10, $0x1;
	s10 =	sld [smem:$0x3FB6]  }
0x3d: {  	_ =	shalt  }
0x3e: {  	_ =	shalt  }
0x3f: {  	_ =	shalt  }
0x40: {  	_ =	shalt  }
0x41: {  	_ =	shalt  }
0x42: {  	_ =	shalt  }
0x43: {  	_ =	shalt  }
0x44: {  	_ =	shalt  }
0x45: {  	_ =	shalt  }
0x46: {  	_ =	shalt  }
0x47: {  	_ =	shalt  }
0x48: {  	_ =	shalt  }
0x49: {  	_ =	shalt  }
0x4a: {  	_ =	shalt  }
0x4b: {  	_ =	shalt  }
0x4c: {  	_ =	shalt  }
0x4d: {  	_ =	shalt  }
0x4e: {  	_ =	shalt  }
0x4f: {  	_ =	shalt  }
0x50: {  	_ =	shalt  }
0x51: {  	_ =	shalt  }
0x52: {  	_ =	shalt  }
0x53: {  	_ =	shalt  }
0x54: {  	_ =	shalt  }
0x55: {  	_ =	shalt  }
0x56: {  	_ =	shalt  }
0x57: {  	_ =	shalt  }
0x58: {  	_ =	shalt  }
0x59: {  	_ =	shalt  }
0x5a: {  	_ =	shalt  }
0x5b: {  	_ =	shalt  }
0x5c: {  	_ =	shalt  }
0x5d: {  	_ =	shalt  }
0x5e: {  	_ =	shalt  }
0x5f: {  	_ =	shalt  }
0x60: {  	_ =	shalt  }
0x61: {  	_ =	shalt  }
0x62: {  	_ =	shalt  }
0x63: {  	_ =	shalt  }
0x64: {  	_ =	shalt  }
0x65: {  	_ =	shalt  }
0x66: {  	_ =	shalt  }
0x67: {  	_ =	shalt  }
0x68: {  	_ =	shalt  }
0x69: {  	_ =	shalt  }
0x6a: {  	_ =	shalt  }
0x6b: {  	_ =	shalt  }
0x6c: {  	_ =	shalt  }
0x6d: {  	_ =	shalt  }
0x6e: {  	_ =	shalt  }
0x6f: {  	_ =	shalt  }
0x70: {  	_ =	shalt  }
0x71: {  	_ =	shalt  }
0x72: {  	_ =	shalt  }
0x73: {  	_ =	shalt  }
0x74: {  	_ =	shalt  }
0x75: {  	_ =	shalt  }
0x76: {  	_ =	shalt  }
0x77: {  	_ =	shalt  }
0x78: {  	_ =	shalt  }
0x79: {  	_ =	shalt  }
0x7a: {  	_ =	shalt  }
0x7b: {  	_ =	shalt  }
0x7c: {  	_ =	shalt  }
0x7d: {  	_ =	shalt  }
0x7e: {  	_ =	shalt  }
0x7f: {  	_ =	shalt  }
0x80: {  	_ =	shalt  }
0x81: {  	_ =	shalt  }
0x82: {  	_ =	shalt  }
0x83: {  	_ =	shalt  }
0x84: {  	_ =	shalt  }
0x85: {  	_ =	shalt  }
0x86: {  	_ =	shalt  }
0x87: {  	_ =	shalt  }
.Lfunc_end0:
.L_simem_size_0:
called_computation.2_lowered:
.L_overlay_start_0:
0x88: {  	s2 =	sld [smem:$0x3FD9]  }
0x89: {  	s3 =	sld [smem:$0x3FFE];
	_ =	sdelay $0x1  }
0x8a: {  	s1 =	srdreg.scid  }
0x8b: {  	s0 =	sand.u32 $0x1, s1  }
0x8c: {  	s14 =	sshll.u32 s0, $0xA;
	s2 =	sadd.s32 s3, s2  }
0x8d: {  	s2 =	sadd.s32 s2, s14  }
0x8e: {  	[smem:$0x3FC2] =	sst s2  }
0x8f: {  	_ = 	snop  }
0x90: {  	s2 =	sld [smem:$0x3FD0];
	_ =	sdelay $0x2  }
0x91: {  	s15 =	simm.s32 $0xA;
	s4 =	simm.s32 $0x10  }
0x92: {  	[smem:s4], [sflag:s15] =	dma.local [hbm:s2], $0x1  }
0x93: {  	_ =	swait.eq [sflag:s15], $0x1  }
0x94: {  	[sflag:s15] =	ssyncset.done $0x0  }
0x95: {  	[sflag:s15] =	ssyncadd.s32 $0xFFFFFFFF  }
0x96: {  	s16 =	sld [smem:$0x11];
	(tm) =	ssettm $0x1  }
0x97: {  	s17 =	sld [smem:$0x3FFB];
	_ =	sdelay $0x3  }
0x98: {  	_ =	strace s17  }
0x99: {  	s3 =	sld [smem:$0x3FFC];
	_ =	sdelay $0x3  }
0x9a: {  	_ =	strace s3  }
0x9b: {  	s3 =	sld [smem:$0x3FFD];
	_ =	sdelay $0x3  }
0x9c: {  	_ =	strace s3  }
0x9d: {  	_ =	strace $0x8FFFFFFF  }
0x9e: {  	s18 =	sld [smem:$0x3FDB];
	_ =	sdelay $0x1  }
0x9f: {  	s19 =	simm.s32 $_scs_section_size  }
0xa0: {  	s5 =	simm.s32 $_size__tile_overlayer_lowered;
	s6 =	simm.s32 $_tile_overlayer_lowered  }
0xa1: {  	s22 =	simm.s32 $0x1BFF;
	s21 =	sshll.u32 s6, $0x1;
	s3 =	sadd.s32 s19, s18  }
0xa2: {  	s7 =	simm.s32 $0x0;
	s20 =	sshll.u32 s5, $0x1;
	s5 =	sadd.s32 s21, s3  }
0xa3: {  	[timem:s7], [sflag:s22] =	dma.local [hbm:s5], s20  }
0xa4: {  	_ =	swait.ge [sflag:s22], s20  }
0xa5: {  	s4 =	ssub.s32 $0x0, s20;
	[sflag:s22] =	ssyncset.done $0x0  }
0xa6: {  	[sflag:s22] =	ssyncadd.s32 s4;
	_ =	sdelay $0x1  }
0xa7: {  	s23 =	simm.s32 $0x1B8B  }
0xa8: {  	_ =	swait.ge [sflag:s23], $0x1  }
0xa9: {  	[sflag:s23] =	ssyncset.done $0x0  }
0xaa: {  	s25 =	simm.s32 $0x1B8E;
	s24 =	sld [smem:$0x3FFE];
	[sflag:s23] =	ssyncadd.s32 $0xFFFFFFFF  }
0xab: {  	s26 =	simm.s32 $execute0_lowered;
	[smem:$0x3FD2] =	sst s25  }
0xac: {  	s5 =	sshll.u32 s26, $0x1;
	_ =	strace $0x8000004C;
	[dreg:$0x1] =	wrdreg $0xFFFFFFFF  }
0xad: {  	s28 =	simm.s32 $_size_execute0_lowered;
	s3 =	sadd.s32 s3, s5;
	[dreg:$0x0] =	wrdreg $0x0  }
0xae: {  	s5 =	sshll.u32 s28, $0x1;
	[dreg:$0x2] =	wrdreg s3  }
0xaf: {  	[dreg:$0x3] =	wrdreg s5  }
0xb0: {  	[dreg:$0x4] =	wrdreg $0xC0  }
0xb1: {  	_ =	task [dreg:s7], $0x5FFFF  }
0xb2: {  	[dreg:$0x1] =	wrdreg $0xFFFFFFFF  }
0xb3: {  	[dreg:$0x0] =	wrdreg $0x60  }
0xb4: {  	[dreg:$0x2] =	wrdreg s16  }
0xb5: {  	[dreg:$0x3] =	wrdreg s24  }
0xb6: {  	[dreg:$0x4] =	wrdreg $0x80000  }
0xb7: {  	[dreg:$0x5] =	wrdreg $0x9  }
0xb8: {  	_ =	task.clear_ibuf [dreg:s7], $0x6FFFF;
	_ =	strace $0x9000004C  }
0xb9: {  	s29 =	simm.s32 $0x9;
	_ =	strace $0x8000004E  }
0xba: {  	_ =	swait.ge [sflag:s29], $0x1  }
0xbb: {  	[sflag:s29] =	ssyncadd.s32 $0xFFFFFFFF  }
0xbc: {  	_ =	strace $0x9000004E  }
0xbd: {  	_ =	sfence  }
0xbe: {  	s30 =	sld [smem:$0x0];
	_ =	sdelay $0x2  }
0xbf: {  	s31 =	sshll.u32 s1, $0xD;
	s1 =	sshrl.u32 s1, $0x2  }
0xc0: {  	s3 =	sand.u32 $0x4000, s31;
	s1 =	sadd.s32 s1, s30  }
0xc1: {  	s0 =	sor.u32 s3, s0;
	s1 =	sshll.u32 s1, $0x11  }
0xc2: {  	s0 =	sor.u32 s1, s0  }
0xc3: {  	s0 =	sadd.s32 $0x8F2B, s0  }
0xc4: {  	[sflag:s0] =	ssyncadd.remote.s32 $0x1  }
0xc5: {  	_ =	sfence.sel $0xFFFF  }
0xc6: {  	[dreg:$0x0] =	wrdreg $0xFFFFFFFF;
	(pc) =	sbr.abs _section_cstart, $3  }
0xc7: {  	[dreg:$0x1] =	wrdreg $0xFFFFFFFF  }
0xc8: {  	_ =	task.clear_ibuf [dreg:s7], $0x2FFFF;
	_ =	strace $0x9FFFFFFF  }
0xc9: {  	(tm) =	ssettm $0x7FFFFFFF  }
tec
execute0_lowered:
.L_overlay_start_1:
0x0: {  	(tag) =	ssettag $0x1  }
0x1: {  	s1 =	rddreg [dreg:$0x0]  }
0x2: {  	s0 =	srdreg.scid;
	s5 =	rddreg [dreg:$0x1]  }
0x3: {  	s9 =	stileid.u32;
	s3 =	rddreg [dreg:$0x2];
	s4 =	simm.s32 $0x0  }
0x4: {  	s16 =	simm.s32 $0x9;
	s13 =	simm.s32 $0x200;
	s14 =	simm.s32 $0x50  }
0x5: {  	s15 =	simm.s32 $0x800;
	s17 =	simm.s32 $0x3000;
	s18 =	simm.s32 $0x100  }
0x6: {  	s19 =	simm.s32 $0x5800;
	s28 =	simm.s32 $0x5;
	s29 =	simm.s32 $0x300  }
0x7: {  	s30 =	simm.s32 $0x2;
	s31 =	simm.s32 $0x6;
	s6 =	smul.u32 $0x2800, s9  }
0x8: {  	s0 =	sand.u32 $0x1, s0;
	[smem:$0x7FF] =	sst s4;
	s8 =	smul.u32 $0x50000, s9  }
0x9: {  	s10 =	sadd.s32 $0x7E200, s5;
	s23 =	sshll.u32 s9, $0x6;
	s2 =	sshll.u32 s0, $0x4  }
0xa: {  	s7 =	smul.u32 $0x28000, s0;
	_ =	strace $0x8000004D;
	[dreg:$0x4] =	wrdreg s10  }
0xb: {  	s0 =	ssub.s32 $0x2, s0;
	s11 =	sor.u32 $0x1C09, s23;
	s23 =	simm.s32 $0x600  }
0xc: {  	s10 =	simm.s32 $0x680;
	s2 =	sor.u32 s9, s2;
	s20 =	sshrl.u32 s0, $0x1  }
0xd: {  	s21 =	sshrl.u32 s8, $0x2;
	s9 =	simm.s32 $0x500;
	[dreg:$0x5] =	wrdreg s11  }
0xe: {  	s2 =	smul.u32 $0xAC0, s2;
	s6 =	sadd.s32 s6, s7;
	s0 =	ssub.s32 s0, s20  }
0xf: {  	s22 =	sadd.s32 s21, s3;
	s21 =	simm.s32 $0x400;
	s20 =	simm.s32 $0x700  }
0x10: {  	s0 =	smax.u32 s0, $0x1;
	s12 =	sshrl.u32 s22, $0x3;
	s22 =	simm.s32 $0x1  }
0x11: {  	s2 =	sadd.s32 s2, s5;
	s5 =	sadd.s32 s6, s5;
	[dreg:$0x7] =	wrdreg s0  }
0x12: {  	s0 =	simm.s32 $0x480;
	s6 =	simm.s32 $0x0;
	[dreg:$0x8] =	wrdreg s12  }
.Ltmp0:
0x13: {  	s7 =	sadd.s32 $0x53200, s2;
	s8 =	sadd.s32 $0x68A00, s2;
	(pc) =	sbr.rel .LBB2_1-.Ltmp0, $4  }
0x14: {  	s24 =	sadd.s32 $0x80A00, s5;
	s2 =	simm.s32 $0x7;
	[dreg:$0xb] =	wrdreg s6  }
0x15: {  	s5 =	simm.s32 $0x8;
	[dreg:$0x6] =	wrdreg s24;
	s25 =	sadd.s32 $0x40, s7  }
0x16: {  	s26 =	sadd.s32 $0x40, s8;
	s24 =	simm.s32 $0x3;
	[dreg:$0x9] =	wrdreg s25  }
0x17: {  	[dreg:$0xa] =	wrdreg s26;
	s25 =	simm.s32 $0x4;
	s26 =	simm.s32 $0x280  }
.LBB2_4:
0x18: {  	_ =	swait.ge [sflag:s24], $0x2800  }
0x19: {  	[sflag:s24] =	ssyncset.done $0x0  }
0x1a: {  	[sflag:s24] =	ssyncadd.s32 $0xFFFFD800  }
0x1b: {  	_ =	swait.ge [sflag:s25], $0x2800  }
0x1c: {  	[sflag:s25] =	ssyncset.done $0x0  }
0x1d: {  	[sflag:s25] =	ssyncadd.s32 $0xFFFFD800  }
0x1e: {  	_ =	swait.ge [sflag:s28], $0x2800  }
0x1f: {  	[sflag:s28] =	ssyncset.done $0x0  }
0x20: {  	[sflag:s28] =	ssyncadd.s32 $0xFFFFD800  }
0x21: {  	[bflag:$0x0] =	sbarrier.arrive $0xFFFF  }
0x22: {  	s11 =	rddreg [dreg:$0x5]  }
0x23: {  	s6 =	rddreg [dreg:$0x6]  }
0x24: {  	s16 =	simm.s32 $0x9;
	s12 =	rddreg [dreg:$0x8]  }
0x25: {  	[hbm:s6], [sflag:s11] =	dma.local [spmem:s12], $0x2800  }
0x26: {  	_ =	swait.ge [sflag:s16], $0x2800  }
0x27: {  	s6 =	rddreg [dreg:$0xb]  }
0x28: {  	s11 =	sadd.s32 $0x1, s6;
	s6 =	rddreg [dreg:$0x7]  }
0x29: {  	p0 =	sne.s32 s11, s6  }
.Ltmp1:
0x2a: {  	_ = 	snop;
	(pc) =	sbr.rel @!p0 .LBB2_5-.Ltmp1, $3  }
0x2b: {  	_ =	sdelay $0x1  }
0x2c: {  	[sflag:s16] =	ssyncset.done $0x0;
	[dreg:$0xb] =	wrdreg s11  }
0x2d: {  	[sflag:s16] =	ssyncadd.s32 $0xFFFFD800;
	s11 =	rddreg [dreg:$0x5]  }
.LBB2_1:
0x2e: {  	s6 =	rddreg [dreg:$0x4]  }
0x2f: {  	[spmem:s12], [sflag:s11] =	dma.local [hbm:s6], $0x2800  }
0x30: {  	_ =	swait.ge [sflag:s16], $0x2800  }
0x31: {  	[sflag:s16] =	ssyncset.done $0x0  }
0x32: {  	[sflag:s16] =	ssyncadd.s32 $0xFFFFD800  }
0x33: {  	[bflag:$0x0] =	sbarrier.arrive $0xFFFF  }
0x34: {  	[tilespmem:s4], [sflag:$0x9] =	stream.linear.gather [hbm4b:s7+s4], $0x180, $0x38;
	[tilespmem:$0x1C000] =	vst v63  }
0x35: {  	_ =	swait.ge [sflag:s16], $0x180  }
0x36: {  	[sflag:s16] =	ssyncset.done $0x0  }
0x37: {  	[sflag:s16] =	ssyncadd.s32 $0xFFFFFE80  }
0x38: {  	[tilespmem:s13], [sflag:$0x9] =	stream.linear.gather [hbm4b:s8+s4], $0x180, $0x38;
	[tilespmem:$0x1C000] =	vst v63  }
0x39: {  	_ =	swait.ge [sflag:s16], $0x180  }
0x3a: {  	[sflag:s16] =	ssyncset.done $0x0  }
0x3b: {  	[sflag:s16] =	ssyncadd.s32 $0xFFFFFE80  }
0x3c: {  	[tilespmem:s15], [sflag:$0x3] =	stream.indirect.gather [hbm4b:s1+s14], $0x80, s4, s14, $0xb8;
	[tilespmem:$0x1C000] =	vst v63  }
0x3d: {  	s11 =	simm.s32 $0x80  }
0x3e: {  	[tilespmem:s17], [sflag:$0x4] =	stream.indirect.gather [hbm4b:s1+s14], $0x80, s11, s14, $0xb8;
	[tilespmem:$0x1C000] =	vst v63  }
0x3f: {  	_ = 	snop  }
0x40: {  	[tilespmem:s19], [sflag:$0x5] =	stream.indirect.gather [hbm4b:s1+s14], $0x80, s18, s14, $0xb8;
	[tilespmem:$0x1C000] =	vst v63  }
0x41: {  	s12 =	rddreg [dreg:$0x9]  }
0x42: {  	[tilespmem:s21], [sflag:$0x2] =	stream.linear.gather [hbm4b:s12+s4], $0x180, $0x38;
	[tilespmem:$0x1C000] =	vst v63  }
0x43: {  	s16 =	rddreg [dreg:$0xa];
	s11 =	simm.s32 $0xFFFFF600  }
0x44: {  	[tilespmem:s23], [sflag:$0x2] =	stream.linear.gather [hbm4b:s16+s4], $0x180, $0x38;
	[tilespmem:$0x1C000] =	vst v63  }
.LBB2_2:
0x45: {  	_ =	swait.ge [sflag:s24], $0x2800  }
0x46: {  	[sflag:s24] =	ssyncset.done $0x0  }
0x47: {  	[sflag:s24] =	ssyncadd.s32 $0xFFFFD800  }
0x48: {  	[spmem:s3] =	stream.indirect.scatter.add.f32 [tilespmem:s15], [sflag:$0x6], $0x80, s13, s14, $0xb8;
	[tilespmem:$0x1C000] =	vst v63  }
0x49: {  	_ =	swait.ge [sflag:s25], $0x2800  }
0x4a: {  	[sflag:s25] =	ssyncset.done $0x0  }
0x4b: {  	[sflag:s25] =	ssyncadd.s32 $0xFFFFD800  }
0x4c: {  	[spmem:s3] =	stream.indirect.scatter.add.f32 [tilespmem:s17], [sflag:$0x7], $0x80, s26, s14, $0xb8;
	[tilespmem:$0x1C000] =	vst v63  }
0x4d: {  	_ =	swait.ge [sflag:s28], $0x2800  }
0x4e: {  	[sflag:s28] =	ssyncset.done $0x0  }
0x4f: {  	[sflag:s28] =	ssyncadd.s32 $0xFFFFD800  }
0x50: {  	[spmem:s3] =	stream.indirect.scatter.add.f32 [tilespmem:s19], [sflag:$0x8], $0x80, s29, s14, $0xb8;
	[tilespmem:$0x1C000] =	vst v63  }
0x51: {  	_ =	swait.ge [sflag:s30], $0x180  }
0x52: {  	[sflag:s30] =	ssyncset.done $0x0  }
0x53: {  	[sflag:s30] =	ssyncadd.s32 $0xFFFFFE80  }
0x54: {  	_ =	swait.ge [sflag:s30], $0x180  }
0x55: {  	[sflag:s30] =	ssyncset.done $0x0  }
0x56: {  	[sflag:s30] =	ssyncadd.s32 $0xFFFFFE80  }
0x57: {  	_ =	swait.ge [sflag:s31], $0x2800  }
0x58: {  	[sflag:s31] =	ssyncset.done $0x0  }
0x59: {  	[sflag:s31] =	ssyncadd.s32 $0xFFFFD800  }
0x5a: {  	[tilespmem:s15], [sflag:$0x3] =	stream.indirect.gather [hbm4b:s1+s14], $0x80, s21, s14, $0xb8;
	[tilespmem:$0x1C000] =	vst v63  }
0x5b: {  	_ =	swait.ge [sflag:s2], $0x2800  }
0x5c: {  	[sflag:s2] =	ssyncset.done $0x0  }
0x5d: {  	[sflag:s2] =	ssyncadd.s32 $0xFFFFD800  }
0x5e: {  	[tilespmem:s17], [sflag:$0x4] =	stream.indirect.gather [hbm4b:s1+s14], $0x80, s0, s14, $0xb8;
	[tilespmem:$0x1C000] =	vst v63  }
0x5f: {  	_ =	swait.ge [sflag:s5], $0x2800  }
0x60: {  	[sflag:s5] =	ssyncset.done $0x0  }
0x61: {  	s12 =	sadd.s32 s11, s7;
	[sflag:s5] =	ssyncadd.s32 $0xFFFFD800  }
0x62: {  	[tilespmem:s19], [sflag:$0x5] =	stream.indirect.gather [hbm4b:s1+s14], $0x80, s9, s14, $0xb8;
	[tilespmem:$0x1C000] =	vst v63  }
0x63: {  	s6 =	sadd.s32 $0xA80, s12  }
0x64: {  	[tilespmem:s4], [sflag:$0x1] =	stream.linear.gather [hbm4b:s6+s4], $0x180, $0x38;
	[tilespmem:$0x1C000] =	vst v63  }
0x65: {  	s6 =	sadd.s32 s11, s8  }
0x66: {  	s16 =	sadd.s32 $0xA80, s6  }
0x67: {  	[tilespmem:s13], [sflag:$0x1] =	stream.linear.gather [hbm4b:s16+s4], $0x180, $0x38;
	[tilespmem:$0x1C000] =	vst v63  }
0x68: {  	_ =	swait.ge [sflag:s24], $0x2800  }
0x69: {  	[sflag:s24] =	ssyncset.done $0x0  }
0x6a: {  	[sflag:s24] =	ssyncadd.s32 $0xFFFFD800  }
0x6b: {  	[spmem:s3] =	stream.indirect.scatter.add.f32 [tilespmem:s15], [sflag:$0x6], $0x80, s23, s14, $0xb8;
	[tilespmem:$0x1C000] =	vst v63  }
0x6c: {  	_ =	swait.ge [sflag:s25], $0x2800  }
0x6d: {  	[sflag:s25] =	ssyncset.done $0x0  }
0x6e: {  	[sflag:s25] =	ssyncadd.s32 $0xFFFFD800  }
0x6f: {  	[spmem:s3] =	stream.indirect.scatter.add.f32 [tilespmem:s17], [sflag:$0x7], $0x80, s10, s14, $0xb8;
	[tilespmem:$0x1C000] =	vst v63  }
0x70: {  	_ =	swait.ge [sflag:s28], $0x2800  }
0x71: {  	[sflag:s28] =	ssyncset.done $0x0  }
0x72: {  	[sflag:s28] =	ssyncadd.s32 $0xFFFFD800  }
0x73: {  	[spmem:s3] =	stream.indirect.scatter.add.f32 [tilespmem:s19], [sflag:$0x8], $0x80, s20, s14, $0xb8;
	[tilespmem:$0x1C000] =	vst v63  }
0x74: {  	_ =	swait.ge [sflag:s22], $0x180  }
0x75: {  	[sflag:s22] =	ssyncset.done $0x0  }
0x76: {  	[sflag:s22] =	ssyncadd.s32 $0xFFFFFE80  }
0x77: {  	_ =	swait.ge [sflag:s22], $0x180  }
0x78: {  	[sflag:s22] =	ssyncset.done $0x0  }
0x79: {  	[sflag:s22] =	ssyncadd.s32 $0xFFFFFE80  }
0x7a: {  	_ =	swait.ge [sflag:s31], $0x2800  }
0x7b: {  	[sflag:s31] =	ssyncset.done $0x0  }
0x7c: {  	[sflag:s31] =	ssyncadd.s32 $0xFFFFD800  }
0x7d: {  	[tilespmem:s15], [sflag:$0x3] =	stream.indirect.gather [hbm4b:s1+s14], $0x80, s4, s14, $0xb8;
	[tilespmem:$0x1C000] =	vst v63  }
0x7e: {  	_ =	swait.ge [sflag:s2], $0x2800  }
0x7f: {  	[sflag:s2] =	ssyncset.done $0x0  }
0x80: {  	p0 =	seq.s32 s11, $0x0;
	s16 =	simm.s32 $0x80;
	[sflag:s2] =	ssyncadd.s32 $0xFFFFD800  }
0x81: {  	[tilespmem:s17], [sflag:$0x4] =	stream.indirect.gather [hbm4b:s1+s14], $0x80, s16, s14, $0xb8;
	[tilespmem:$0x1C000] =	vst v63  }
.Ltmp2:
0x82: {  	_ = 	snop;
	(pc) =	sbr.rel @p0 .LBB2_4-.Ltmp2, $4  }
0x83: {  	_ =	swait.ge [sflag:s5], $0x2800  }
0x84: {  	[sflag:s5] =	ssyncset.done $0x0  }
0x85: {  	[sflag:s5] =	ssyncadd.s32 $0xFFFFD800  }
0x86: {  	[tilespmem:s19], [sflag:$0x5] =	stream.indirect.gather [hbm4b:s1+s14], $0x80, s18, s14, $0xb8;
	[tilespmem:$0x1C000] =	vst v63  }
.Ltmp3:
0x87: {  	(pc) =	sbr.rel .LBB2_2-.Ltmp3, $4  }
0x88: {  	s12 =	sadd.s32 $0xAC0, s12  }
0x89: {  	[tilespmem:s21], [sflag:$0x2] =	stream.linear.gather [hbm4b:s12+s4], $0x180, $0x38;
	[tilespmem:$0x1C000] =	vst v63  }
0x8a: {  	s6 =	sadd.s32 $0xAC0, s6;
	s11 =	sadd.s32 $0x80, s11  }
0x8b: {  	[tilespmem:s23], [sflag:$0x2] =	stream.linear.gather [hbm4b:s6+s4], $0x180, $0x38;
	[tilespmem:$0x1C000] =	vst v63  }
.LBB2_5:
0x8c: {  	_ =	sfence.sel $0x180000  }
0x8d: {  	[bflag:$0x0] =	sbarrier.arrive $0xFFFF  }
0x8e: {  	_ =	strace $0x9000004D  }
0x8f: {  	s0 =	stileid.u32;
	[bflag:$0x2] =	sbarrier.arrive $0xFFFF  }
0x90: {  	p0 =	sne.s32 s0, $0x0;
	s0 =	rddreg [dreg:$0x3]  }
0x91: {  	s0 =	sadd.s32 @!p0 $0x100000, s0  }
0x92: {  	[sflag:s0] =	ssyncadd.tile.s32 @!p0 $0x1;
	_ =	shalt  }
.Lfunc_end2:
_tile_overlayer_lowered:
.L_overlay_start_2:
0x93: {  	(tag) =	ssettag $0x2  }
0x94: {  	s0 =	rddreg [dreg:$0x0];
	s2 =	stileid.u32  }
0x95: {  	s1 =	rddreg [dreg:$0x1];
	p0 =	sne.s32 s2, $0x0  }
0x96: {  	s3 =	rddreg [dreg:$0x2];
	[bflag:$0x3] =	sbarrier.arrive $0xFFFF;
	s2 =	simm.s32 @!p0 $0x1C09  }
0x97: {  	[timem:s3], [sflag:s2] =	dma.local @!p0 [hbm:s0], s1  }
0x98: {  	s0 =	simm.s32 @!p0 $0x9  }
0x99: {  	_ =	swait.ge @!p0 [sflag:s0], s1  }
0x9a: {  	s1 =	ssub.s32 @!p0 $0x0, s1;
	[sflag:s0] =	ssyncset.done @!p0 $0x0  }
0x9b: {  	[sflag:s0] =	ssyncadd.s32 @!p0 s1  }
0x9c: {  	[bflag:$0x3] =	sbarrier.arrive $0xFFFF  }
0x9d: {  	_ =	shalt  }

// kernel: kernel.9.cloned.1.call-start
scs
__scs_entry_jumppad:
0x0: {  	(pc) =	sbr.rel $0x88, $3  }
0x1: {  	(tag) =	ssettag $0x0;
	lr =	simm.s32 $0x1  }
0x2: {  	[smem:$0x3F9B] =	sst lr;
	_ =	strace $0xD0000000  }
0x3: {  	_ = 	snop  }
0x4: {  	_ = 	snop  }
0x5: {  	_ = 	snop  }
0x6: {  	_ = 	snop  }
0x7: {  	_ = 	snop  }
__scs_overlays_trampoline_lowered:
0x8: {  	[smem:$0x3FAA] =	sst s0  }
0x9: {  	[smem:$0x3FAB] =	sst s1  }
0xa: {  	[smem:$0x3FAC] =	sst s2  }
0xb: {  	[smem:$0x3FAD] =	sst s3  }
0xc: {  	[smem:$0x3FAE] =	sst s4  }
0xd: {  	[smem:$0x3FAF] =	sst s5  }
0xe: {  	[smem:$0x3FB0] =	sst s6  }
0xf: {  	[smem:$0x3FB1] =	sst s7  }
0x10: {  	[smem:$0x3FB2] =	sst s8  }
0x11: {  	[smem:$0x3FB3] =	sst s9;
	s0 =	simm.s32 @!p0 $0x0  }
0x12: {  	s1 =	sld [smem:$0x3F99];
	s0 =	simm.s32 @p0 $0x1  }
0x13: {  	[smem:$0x3FB4] =	sst s0;
	s0 =	simm.s32 @!p1 $0x0  }
0x14: {  	s2 =	sld [smem:$0x3F98];
	s0 =	simm.s32 @p1 $0x1  }
0x15: {  	[smem:$0x3FB5] =	sst s0;
	s0 =	simm.s32 @!p2 $0x0  }
0x16: {  	s3 =	sld [smem:$0x3FDB];
	s0 =	simm.s32 @p2 $0x1  }
0x17: {  	s4 =	simm.s32 $0x1BF5;
	[smem:$0x3FB7] =	sst s0  }
0x18: {  	s0 =	sld [smem:$0x3F9A];
	_ =	swait.ge [sflag:s4], $0x0  }
0x19: {  	s7 =	sld [smem:$0x3F9B]  }
0x1a: {  	s8 =	sadd.s32 $0xFFFFE003, lr  }
0x1b: {  	s9 =	sadd.s32 $0xFFFFFEF7, lr;
	s5 =	simm.s32 $0xFFFFFFFF;
	p2 =	slt.u32 s8, $0xFFFFF086  }
0x1c: {  	p1 =	slt.u32 s9, $0xF7A;
	s5 =	simm.s32 @!p2 $0x0  }
0x1d: {  	s5 =	simm.s32 @p1 $0x1;
	p0 =	seq.s32 s7, s2  }
0x1e: {  	s7 =	smul.u32 @!p0 $0xF7A, s2;
	p2 =	seq.s32 @!p0 s5, $0x0  }
0x1f: {  	s9 =	smul.u32 $0xF7A, s1;
	s8 =	simm.s32 @!p0 $0x1BF5;
	p2 =	por !p2, p0  }
0x20: {  	[sflag:s8] =	ssyncset.s32 @!p0 $0xFFFFF086;
	s6 =	sadd.s32 @!p0 s3, s7;
	s7 =	simm.s32 @!p0 $0x108  }
0x21: {  	s3 =	sadd.s32 s3, s9;
	s6 =	sadd.s32 @!p0 $0x88, s6;
	s7 =	simm.s32 @p2 $0x1082  }
0x22: {  	[simem:s7], [sflag:s8] =	dma.local @!p0 [hbm:s6], $0xF7A  }
0x23: {  	s9 =	sor.u32 $0xD0000000, s2;
	s6 =	simm.s32 $0x108;
	_ =	swait.ge @!p0 [sflag:s8], $0x0  }
0x24: {  	s3 =	sadd.s32 $0x88, s3;
	s6 =	simm.s32 @!p1 $0x1082;
	[sflag:s4] =	ssyncset.s32 $0xFFFFF086  }
0x25: {  	[simem:s6], [sflag:s4] =	dma.local [hbm:s3], $0xF7A  }
0x26: {  	[smem:$0x3F9B] =	sst s1;
	(tag) =	ssettag s2;
	_ =	strace s9  }
0x27: {  	s1 =	sld [smem:$0x3FAB]  }
0x28: {  	s2 =	sld [smem:$0x3FAC]  }
0x29: {  	s4 =	sld [smem:$0x3FAE]  }
0x2a: {  	p0 =	seq.s32 s5, $0x0;
	s5 =	sld [smem:$0x3FAF]  }
0x2b: {  	s6 =	sld [smem:$0x3FB0]  }
0x2c: {  	s7 =	sld [smem:$0x3FB1]  }
0x2d: {  	s3 =	simm.s32 $0x108;
	s8 =	sld [smem:$0x3FB2]  }
0x2e: {  	s3 =	simm.s32 @!p0 $0x1082;
	s9 =	sld [smem:$0x3FB3]  }
0x2f: {  	lr =	sadd.s32 s0, s3;
	s0 =	sld [smem:$0x3FAA]  }
0x30: {  	s3 =	sld [smem:$0x3FAD]  }
0x31: {  	[smem:$0x3FB6] =	sst s10  }
0x32: {  	s10 =	sld [smem:$0x3FB4];
	_ =	sdelay $0x3  }
0x33: {  	p0 =	seq.s32 s10, $0x1;
	s10 =	sld [smem:$0x3FB6];
	_ =	sdelay $0x3  }
0x34: {  	[smem:$0x3FB6] =	sst s10  }
0x35: {  	s10 =	sld [smem:$0x3FB5];
	_ =	sdelay $0x3  }
0x36: {  	p1 =	seq.s32 s10, $0x1;
	s10 =	sld [smem:$0x3FB6];
	_ =	sdelay $0x3  }
0x37: {  	[smem:$0x3FB6] =	sst s10  }
0x38: {  	s10 =	sld [smem:$0x3FB7]  }
0x39: {  	_ = 	snop;
	(pc) =	sbr.ind lr, $3  }
0x3a: {  	_ = 	snop  }
0x3b: {  	_ = 	snop  }
0x3c: {  	p2 =	seq.s32 s10, $0x1;
	s10 =	sld [smem:$0x3FB6]  }
0x3d: {  	_ =	shalt  }
0x3e: {  	_ =	shalt  }
0x3f: {  	_ =	shalt  }
0x40: {  	_ =	shalt  }
0x41: {  	_ =	shalt  }
0x42: {  	_ =	shalt  }
0x43: {  	_ =	shalt  }
0x44: {  	_ =	shalt  }
0x45: {  	_ =	shalt  }
0x46: {  	_ =	shalt  }
0x47: {  	_ =	shalt  }
0x48: {  	_ =	shalt  }
0x49: {  	_ =	shalt  }
0x4a: {  	_ =	shalt  }
0x4b: {  	_ =	shalt  }
0x4c: {  	_ =	shalt  }
0x4d: {  	_ =	shalt  }
0x4e: {  	_ =	shalt  }
0x4f: {  	_ =	shalt  }
0x50: {  	_ =	shalt  }
0x51: {  	_ =	shalt  }
0x52: {  	_ =	shalt  }
0x53: {  	_ =	shalt  }
0x54: {  	_ =	shalt  }
0x55: {  	_ =	shalt  }
0x56: {  	_ =	shalt  }
0x57: {  	_ =	shalt  }
0x58: {  	_ =	shalt  }
0x59: {  	_ =	shalt  }
0x5a: {  	_ =	shalt  }
0x5b: {  	_ =	shalt  }
0x5c: {  	_ =	shalt  }
0x5d: {  	_ =	shalt  }
0x5e: {  	_ =	shalt  }
0x5f: {  	_ =	shalt  }
0x60: {  	_ =	shalt  }
0x61: {  	_ =	shalt  }
0x62: {  	_ =	shalt  }
0x63: {  	_ =	shalt  }
0x64: {  	_ =	shalt  }
0x65: {  	_ =	shalt  }
0x66: {  	_ =	shalt  }
0x67: {  	_ =	shalt  }
0x68: {  	_ =	shalt  }
0x69: {  	_ =	shalt  }
0x6a: {  	_ =	shalt  }
0x6b: {  	_ =	shalt  }
0x6c: {  	_ =	shalt  }
0x6d: {  	_ =	shalt  }
0x6e: {  	_ =	shalt  }
0x6f: {  	_ =	shalt  }
0x70: {  	_ =	shalt  }
0x71: {  	_ =	shalt  }
0x72: {  	_ =	shalt  }
0x73: {  	_ =	shalt  }
0x74: {  	_ =	shalt  }
0x75: {  	_ =	shalt  }
0x76: {  	_ =	shalt  }
0x77: {  	_ =	shalt  }
0x78: {  	_ =	shalt  }
0x79: {  	_ =	shalt  }
0x7a: {  	_ =	shalt  }
0x7b: {  	_ =	shalt  }
0x7c: {  	_ =	shalt  }
0x7d: {  	_ =	shalt  }
0x7e: {  	_ =	shalt  }
0x7f: {  	_ =	shalt  }
0x80: {  	_ =	shalt  }
0x81: {  	_ =	shalt  }
0x82: {  	_ =	shalt  }
0x83: {  	_ =	shalt  }
0x84: {  	_ =	shalt  }
0x85: {  	_ =	shalt  }
0x86: {  	_ =	shalt  }
0x87: {  	_ =	shalt  }
.Lfunc_end0:
.L_simem_size_0:
called_computation_lowered:
.L_overlay_start_0:
0x88: {  	s2 =	sld [smem:$0x3FD9]  }
0x89: {  	s3 =	sld [smem:$0x3FFE];
	_ =	sdelay $0x1  }
0x8a: {  	s1 =	srdreg.scid  }
0x8b: {  	s0 =	sand.u32 $0x1, s1  }
0x8c: {  	s14 =	sshll.u32 s0, $0xA;
	s2 =	sadd.s32 s3, s2  }
0x8d: {  	s2 =	sadd.s32 s2, s14  }
0x8e: {  	[smem:$0x3FC2] =	sst s2  }
0x8f: {  	_ = 	snop  }
0x90: {  	s2 =	sld [smem:$0x3FD0];
	_ =	sdelay $0x2  }
0x91: {  	s15 =	simm.s32 $0xA;
	s4 =	simm.s32 $0x10  }
0x92: {  	[smem:s4], [sflag:s15] =	dma.local [hbm:s2], $0x1  }
0x93: {  	_ =	swait.eq [sflag:s15], $0x1  }
0x94: {  	[sflag:s15] =	ssyncset.done $0x0  }
0x95: {  	[sflag:s15] =	ssyncadd.s32 $0xFFFFFFFF  }
0x96: {  	s16 =	sld [smem:$0x11];
	(tm) =	ssettm $0x1  }
0x97: {  	s17 =	sld [smem:$0x3FFB];
	_ =	sdelay $0x3  }
0x98: {  	_ =	strace s17  }
0x99: {  	s3 =	sld [smem:$0x3FFC];
	_ =	sdelay $0x3  }
0x9a: {  	_ =	strace s3  }
0x9b: {  	s3 =	sld [smem:$0x3FFD];
	_ =	sdelay $0x3  }
0x9c: {  	_ =	strace s3  }
0x9d: {  	_ =	strace $0x8FFFFFFF  }
0x9e: {  	s18 =	sld [smem:$0x3FDB];
	_ =	sdelay $0x1  }
0x9f: {  	s19 =	simm.s32 $_scs_section_size  }
0xa0: {  	s5 =	simm.s32 $_size__tile_overlayer_lowered;
	s6 =	simm.s32 $_tile_overlayer_lowered  }
0xa1: {  	s22 =	simm.s32 $0x1BFF;
	s21 =	sshll.u32 s6, $0x1;
	s3 =	sadd.s32 s19, s18  }
0xa2: {  	s7 =	simm.s32 $0x0;
	s20 =	sshll.u32 s5, $0x1;
	s5 =	sadd.s32 s21, s3  }
0xa3: {  	[timem:s7], [sflag:s22] =	dma.local [hbm:s5], s20  }
0xa4: {  	_ =	swait.ge [sflag:s22], s20  }
0xa5: {  	s4 =	ssub.s32 $0x0, s20;
	[sflag:s22] =	ssyncset.done $0x0  }
0xa6: {  	[sflag:s22] =	ssyncadd.s32 s4;
	_ =	sdelay $0x1  }
0xa7: {  	s23 =	simm.s32 $0x1B8B  }
0xa8: {  	_ =	swait.ge [sflag:s23], $0x1  }
0xa9: {  	[sflag:s23] =	ssyncset.done $0x0  }
0xaa: {  	s25 =	simm.s32 $0x1B8E;
	s24 =	sld [smem:$0x3FFE];
	[sflag:s23] =	ssyncadd.s32 $0xFFFFFFFF  }
0xab: {  	s26 =	simm.s32 $execute0_lowered;
	[smem:$0x3FD2] =	sst s25  }
0xac: {  	s5 =	sshll.u32 s26, $0x1;
	_ =	strace $0x80000046;
	[dreg:$0x1] =	wrdreg $0xFFFFFFFF  }
0xad: {  	s28 =	simm.s32 $_size_execute0_lowered;
	s3 =	sadd.s32 s3, s5;
	[dreg:$0x0] =	wrdreg $0x0  }
0xae: {  	s5 =	sshll.u32 s28, $0x1;
	[dreg:$0x2] =	wrdreg s3  }
0xaf: {  	[dreg:$0x3] =	wrdreg s5  }
0xb0: {  	[dreg:$0x4] =	wrdreg $0xC0  }
0xb1: {  	_ =	task [dreg:s7], $0x5FFFF  }
0xb2: {  	[dreg:$0x1] =	wrdreg $0xFFFFFFFF  }
0xb3: {  	[dreg:$0x0] =	wrdreg $0x60  }
0xb4: {  	[dreg:$0x2] =	wrdreg s16  }
0xb5: {  	[dreg:$0x3] =	wrdreg s24  }
0xb6: {  	[dreg:$0x4] =	wrdreg $0xA8000  }
0xb7: {  	[dreg:$0x5] =	wrdreg $0x9  }
0xb8: {  	_ =	task.clear_ibuf [dreg:s7], $0x6FFFF;
	_ =	strace $0x90000046  }
0xb9: {  	s29 =	simm.s32 $0x9;
	_ =	strace $0x80000048  }
0xba: {  	_ =	swait.ge [sflag:s29], $0x1  }
0xbb: {  	[sflag:s29] =	ssyncadd.s32 $0xFFFFFFFF  }
0xbc: {  	_ =	strace $0x90000048  }
0xbd: {  	_ =	sfence  }
0xbe: {  	s30 =	sld [smem:$0x0];
	_ =	sdelay $0x2  }
0xbf: {  	s31 =	sshll.u32 s1, $0xD;
	s1 =	sshrl.u32 s1, $0x2  }
0xc0: {  	s3 =	sand.u32 $0x4000, s31;
	s1 =	sadd.s32 s1, s30  }
0xc1: {  	s0 =	sor.u32 s3, s0;
	s1 =	sshll.u32 s1, $0x11  }
0xc2: {  	s0 =	sor.u32 s1, s0  }
0xc3: {  	s0 =	sadd.s32 $0x8F2B, s0  }
0xc4: {  	[sflag:s0] =	ssyncadd.remote.s32 $0x1  }
0xc5: {  	_ =	sfence.sel $0xFFFF  }
0xc6: {  	[dreg:$0x0] =	wrdreg $0xFFFFFFFF;
	(pc) =	sbr.abs _section_cstart, $3  }
0xc7: {  	[dreg:$0x1] =	wrdreg $0xFFFFFFFF  }
0xc8: {  	_ =	task.clear_ibuf [dreg:s7], $0x2FFFF;
	_ =	strace $0x9FFFFFFF  }
0xc9: {  	(tm) =	ssettm $0x7FFFFFFF  }
tec
execute0_lowered:
.L_overlay_start_1:
0x0: {  	(tag) =	ssettag $0x1  }
0x1: {  	s8 =	rddreg [dreg:$0x0]  }
0x2: {  	s4 =	rddreg [dreg:$0x1];
	s1 =	srdreg.scid  }
0x3: {  	s0 =	stileid.u32;
	s2 =	rddreg [dreg:$0x2]  }
0x4: {  	s3 =	simm.s32 $0x0;
	s13 =	simm.s32 $0x2;
	s14 =	simm.s32 $0x1  }
0x5: {  	s15 =	simm.s32 $0x50;
	s9 =	sand.u32 $0x1, s1;
	s1 =	rddreg [dreg:$0x3]  }
0x6: {  	s16 =	simm.s32 $0x4000;
	s5 =	smul.u32 $0x2800, s0;
	[smem:$0x7FF] =	sst s3  }
0x7: {  	s7 =	smul.u32 $0x50000, s0;
	s31 =	sshll.u32 s0, $0xB;
	s17 =	sshll.u32 s0, $0x6  }
0x8: {  	s6 =	smul.u32 $0x28000, s9;
	_ =	strace $0x80000047;
	s10 =	ssub.s32 $0x2, s9  }
0x9: {  	s9 =	sshll.u32 s9, $0xF;
	s17 =	sor.u32 $0x1C02, s17;
	s30 =	sshrl.u32 s10, $0x1  }
0xa: {  	s7 =	sshrl.u32 s7, $0x2;
	s5 =	sadd.s32 s5, s6;
	s12 =	ssub.s32 s10, s30  }
0xb: {  	s10 =	sadd.s32 s8, s31;
	s11 =	sadd.s32 s5, s4;
	s4 =	sadd.s32 s7, s2  }
0xc: {  	s9 =	sadd.s32 s9, s10;
	s5 =	sadd.s32 $0x4000, s4;
	s6 =	sadd.s32 $0x8000, s4  }
0xd: {  	v0 =	vimm.f32 $0.0e+00;
	vm0 =	vcmask $0x300;
	s7 =	sadd.s32 $0xC000, s4;
	s8 =	sadd.s32 $0x10000, s4;
	s10 =	sadd.s32 $0x3200, s11  }
0xe: {  	v1 =	vsel vm0, $0x3F800000, v0;
	s11 =	smax.u32 s12, $0x1;
	s12 =	simm.s32 $0x6800;
	s18 =	sshrl.u32 s4, $0x3  }
.LBB2_1:
0xf: {  	s19 =	simm.s32 $0x0  }
.LBB2_2:
0x10: {  	p0 =	sne.s32 s19, $0xFE00  }
.Ltmp0:
0x11: {  	_ = 	snop;
	(pc) =	sbr.rel @p0 .LBB2_2-.Ltmp0, $3  }
0x12: {  	_ =	sdelay $0x1  }
0x13: {  	s20 =	sshra.s32 s19, $0x2  }
0x14: {  	s19 =	sadd.s32 $0x200, s19;
	[tilespmem:s20+$0x6800] =	vst v0  }
0x15: {  	s19 =	simm.s32 $0x200;
	s20 =	simm.s32 $0x0  }
.LBB2_4:
0x16: {  	p0 =	sne.s32 s19, $0x9E00;
	[tilespmem:s20+$0x4000] =	vst v1;
	s20 =	smov.u32 s19;
	s19 =	sadd.s32 $0x200, s19  }
.Ltmp1:
0x17: {  	(pc) =	sbr.rel @p0 .LBB2_4-.Ltmp1, $2  }
0x18: {  	_ =	sdelay $0x2  }
0x19: {  	s20 =	sshra.s32 s20, $0x2  }
0x1a: {  	[tilespmem:s20+$0x4000] =	vst v1  }
0x1b: {  	[spmem:s4] =	stream.linear.scatter [tilespmem:s12], [sflag:$0x2], $0x4000, $0x38;
	[tilespmem:$0xD000] =	vst v63  }
0x1c: {  	_ =	swait.ge [sflag:s13], $0x4000  }
0x1d: {  	[sflag:s13] =	ssyncset.done $0x0  }
0x1e: {  	[sflag:s13] =	ssyncadd.s32 $0xFFFFC000  }
0x1f: {  	[spmem:s5] =	stream.linear.scatter [tilespmem:s12], [sflag:$0x2], $0x4000, $0x38;
	[tilespmem:$0xD000] =	vst v63  }
0x20: {  	_ =	swait.ge [sflag:s13], $0x4000  }
0x21: {  	[sflag:s13] =	ssyncset.done $0x0  }
0x22: {  	[sflag:s13] =	ssyncadd.s32 $0xFFFFC000  }
0x23: {  	[spmem:s6] =	stream.linear.scatter [tilespmem:s12], [sflag:$0x2], $0x4000, $0x38;
	[tilespmem:$0xD000] =	vst v63  }
0x24: {  	_ =	swait.ge [sflag:s13], $0x4000  }
0x25: {  	[sflag:s13] =	ssyncset.done $0x0  }
0x26: {  	[sflag:s13] =	ssyncadd.s32 $0xFFFFC000  }
0x27: {  	[spmem:s7] =	stream.linear.scatter [tilespmem:s12], [sflag:$0x2], $0x4000, $0x38;
	[tilespmem:$0xD000] =	vst v63  }
0x28: {  	_ =	swait.ge [sflag:s13], $0x4000  }
0x29: {  	[sflag:s13] =	ssyncset.done $0x0  }
0x2a: {  	[sflag:s13] =	ssyncadd.s32 $0xFFFFC000  }
0x2b: {  	[spmem:s8] =	stream.linear.scatter [tilespmem:s12], [sflag:$0x2], $0x4000, $0x38;
	[tilespmem:$0xD000] =	vst v63  }
0x2c: {  	_ =	swait.ge [sflag:s13], $0x4000  }
0x2d: {  	[sflag:s13] =	ssyncset.done $0x0  }
0x2e: {  	[sflag:s13] =	ssyncadd.s32 $0xFFFFC000  }
0x2f: {  	s19 =	simm.s32 $0x0;
	[bflag:$0x0] =	sbarrier.arrive $0xFFFF  }
0x30: {  	[tilespmem:s19], [sflag:$0x1] =	stream.linear.gather [hbm4b:s9+s19], $0x3E80, $0x38;
	[tilespmem:$0xD000] =	vst v63  }
0x31: {  	_ =	swait.ge [sflag:s14], $0x3E80  }
0x32: {  	[sflag:s14] =	ssyncset.done $0x0  }
0x33: {  	s29 =	simm.s32 $0x0;
	[sflag:s14] =	ssyncadd.s32 $0xFFFFC180  }
0x34: {  	[spmem:s2] =	stream.indirect.scatter.add.f32 [tilespmem:s16], [sflag:$0x1], $0x10, s29, s15, $0xb8;
	[tilespmem:$0xD000] =	vst v63  }
0x35: {  	s30 =	simm.s32 $0x80  }
0x36: {  	[spmem:s2] =	stream.indirect.scatter.add.f32 [tilespmem:s16], [sflag:$0x1], $0x10, s30, s15, $0xb8;
	[tilespmem:$0xD000] =	vst v63  }
0x37: {  	s31 =	simm.s32 $0x100  }
0x38: {  	[spmem:s2] =	stream.indirect.scatter.add.f32 [tilespmem:s16], [sflag:$0x1], $0x10, s31, s15, $0xb8;
	[tilespmem:$0xD000] =	vst v63  }
0x39: {  	s20 =	simm.s32 $0x180  }
0x3a: {  	[spmem:s2] =	stream.indirect.scatter.add.f32 [tilespmem:s16], [sflag:$0x1], $0x10, s20, s15, $0xb8;
	[tilespmem:$0xD000] =	vst v63  }
0x3b: {  	s21 =	simm.s32 $0x200  }
0x3c: {  	[spmem:s2] =	stream.indirect.scatter.add.f32 [tilespmem:s16], [sflag:$0x1], $0x10, s21, s15, $0xb8;
	[tilespmem:$0xD000] =	vst v63  }
0x3d: {  	s22 =	simm.s32 $0x280  }
0x3e: {  	[spmem:s2] =	stream.indirect.scatter.add.f32 [tilespmem:s16], [sflag:$0x1], $0x10, s22, s15, $0xb8;
	[tilespmem:$0xD000] =	vst v63  }
0x3f: {  	s23 =	simm.s32 $0x300  }
0x40: {  	[spmem:s2] =	stream.indirect.scatter.add.f32 [tilespmem:s16], [sflag:$0x1], $0x10, s23, s15, $0xb8;
	[tilespmem:$0xD000] =	vst v63  }
0x41: {  	s24 =	simm.s32 $0x380  }
0x42: {  	[spmem:s2] =	stream.indirect.scatter.add.f32 [tilespmem:s16], [sflag:$0x1], $0x10, s24, s15, $0xb8;
	[tilespmem:$0xD000] =	vst v63  }
0x43: {  	s25 =	simm.s32 $0x400  }
0x44: {  	[spmem:s2] =	stream.indirect.scatter.add.f32 [tilespmem:s16], [sflag:$0x1], $0x10, s25, s15, $0xb8;
	[tilespmem:$0xD000] =	vst v63  }
0x45: {  	s26 =	simm.s32 $0x480  }
0x46: {  	[spmem:s2] =	stream.indirect.scatter.add.f32 [tilespmem:s16], [sflag:$0x1], $0x10, s26, s15, $0xb8;
	[tilespmem:$0xD000] =	vst v63  }
0x47: {  	s28 =	simm.s32 $0x500  }
0x48: {  	[spmem:s2] =	stream.indirect.scatter.add.f32 [tilespmem:s16], [sflag:$0x1], $0x10, s28, s15, $0xb8;
	[tilespmem:$0xD000] =	vst v63  }
0x49: {  	s29 =	simm.s32 $0x580  }
0x4a: {  	[spmem:s2] =	stream.indirect.scatter.add.f32 [tilespmem:s16], [sflag:$0x1], $0x10, s29, s15, $0xb8;
	[tilespmem:$0xD000] =	vst v63  }
0x4b: {  	s30 =	simm.s32 $0x600  }
0x4c: {  	[spmem:s2] =	stream.indirect.scatter.add.f32 [tilespmem:s16], [sflag:$0x1], $0x10, s30, s15, $0xb8;
	[tilespmem:$0xD000] =	vst v63  }
0x4d: {  	s31 =	simm.s32 $0x680  }
0x4e: {  	[spmem:s2] =	stream.indirect.scatter.add.f32 [tilespmem:s16], [sflag:$0x1], $0x10, s31, s15, $0xb8;
	[tilespmem:$0xD000] =	vst v63  }
0x4f: {  	s20 =	simm.s32 $0x700  }
0x50: {  	[spmem:s2] =	stream.indirect.scatter.add.f32 [tilespmem:s16], [sflag:$0x1], $0x10, s20, s15, $0xb8;
	[tilespmem:$0xD000] =	vst v63  }
0x51: {  	s21 =	simm.s32 $0x780  }
0x52: {  	[spmem:s2] =	stream.indirect.scatter.add.f32 [tilespmem:s16], [sflag:$0x1], $0x10, s21, s15, $0xb8;
	[tilespmem:$0xD000] =	vst v63  }
0x53: {  	s22 =	simm.s32 $0x800  }
0x54: {  	[spmem:s2] =	stream.indirect.scatter.add.f32 [tilespmem:s16], [sflag:$0x1], $0x10, s22, s15, $0xb8;
	[tilespmem:$0xD000] =	vst v63  }
0x55: {  	s23 =	simm.s32 $0x880  }
0x56: {  	[spmem:s2] =	stream.indirect.scatter.add.f32 [tilespmem:s16], [sflag:$0x1], $0x10, s23, s15, $0xb8;
	[tilespmem:$0xD000] =	vst v63  }
0x57: {  	s24 =	simm.s32 $0x900  }
0x58: {  	[spmem:s2] =	stream.indirect.scatter.add.f32 [tilespmem:s16], [sflag:$0x1], $0x10, s24, s15, $0xb8;
	[tilespmem:$0xD000] =	vst v63  }
0x59: {  	s25 =	simm.s32 $0x980  }
0x5a: {  	[spmem:s2] =	stream.indirect.scatter.add.f32 [tilespmem:s16], [sflag:$0x1], $0x10, s25, s15, $0xb8;
	[tilespmem:$0xD000] =	vst v63  }
0x5b: {  	s26 =	simm.s32 $0xA00  }
0x5c: {  	[spmem:s2] =	stream.indirect.scatter.add.f32 [tilespmem:s16], [sflag:$0x1], $0x10, s26, s15, $0xb8;
	[tilespmem:$0xD000] =	vst v63  }
0x5d: {  	s28 =	simm.s32 $0xA80  }
0x5e: {  	[spmem:s2] =	stream.indirect.scatter.add.f32 [tilespmem:s16], [sflag:$0x1], $0x10, s28, s15, $0xb8;
	[tilespmem:$0xD000] =	vst v63  }
0x5f: {  	s29 =	simm.s32 $0xB00  }
0x60: {  	[spmem:s2] =	stream.indirect.scatter.add.f32 [tilespmem:s16], [sflag:$0x1], $0x10, s29, s15, $0xb8;
	[tilespmem:$0xD000] =	vst v63  }
0x61: {  	s30 =	simm.s32 $0xB80  }
0x62: {  	[spmem:s2] =	stream.indirect.scatter.add.f32 [tilespmem:s16], [sflag:$0x1], $0x10, s30, s15, $0xb8;
	[tilespmem:$0xD000] =	vst v63  }
0x63: {  	s31 =	simm.s32 $0xC00  }
0x64: {  	[spmem:s2] =	stream.indirect.scatter.add.f32 [tilespmem:s16], [sflag:$0x1], $0x10, s31, s15, $0xb8;
	[tilespmem:$0xD000] =	vst v63  }
0x65: {  	_ =	swait.ge [sflag:s14], $0x500  }
0x66: {  	[sflag:s14] =	ssyncset.done $0x0  }
0x67: {  	[sflag:s14] =	ssyncadd.s32 $0xFFFFFB00  }
0x68: {  	_ =	swait.ge [sflag:s14], $0x500  }
0x69: {  	[sflag:s14] =	ssyncset.done $0x0  }
0x6a: {  	[sflag:s14] =	ssyncadd.s32 $0xFFFFFB00  }
0x6b: {  	_ =	swait.ge [sflag:s14], $0x500  }
0x6c: {  	[sflag:s14] =	ssyncset.done $0x0  }
0x6d: {  	[sflag:s14] =	ssyncadd.s32 $0xFFFFFB00  }
0x6e: {  	_ =	swait.ge [sflag:s14], $0x500  }
0x6f: {  	[sflag:s14] =	ssyncset.done $0x0  }
0x70: {  	[sflag:s14] =	ssyncadd.s32 $0xFFFFFB00  }
0x71: {  	_ =	swait.ge [sflag:s14], $0x500  }
0x72: {  	[sflag:s14] =	ssyncset.done $0x0  }
0x73: {  	[sflag:s14] =	ssyncadd.s32 $0xFFFFFB00  }
0x74: {  	_ =	swait.ge [sflag:s14], $0x500  }
0x75: {  	[sflag:s14] =	ssyncset.done $0x0  }
0x76: {  	[sflag:s14] =	ssyncadd.s32 $0xFFFFFB00  }
0x77: {  	_ =	swait.ge [sflag:s14], $0x500  }
0x78: {  	[sflag:s14] =	ssyncset.done $0x0  }
0x79: {  	[sflag:s14] =	ssyncadd.s32 $0xFFFFFB00  }
0x7a: {  	_ =	swait.ge [sflag:s14], $0x500  }
0x7b: {  	[sflag:s14] =	ssyncset.done $0x0  }
0x7c: {  	[sflag:s14] =	ssyncadd.s32 $0xFFFFFB00  }
0x7d: {  	_ =	swait.ge [sflag:s14], $0x500  }
0x7e: {  	[sflag:s14] =	ssyncset.done $0x0  }
0x7f: {  	[sflag:s14] =	ssyncadd.s32 $0xFFFFFB00  }
0x80: {  	_ =	swait.ge [sflag:s14], $0x500  }
0x81: {  	[sflag:s14] =	ssyncset.done $0x0  }
0x82: {  	[sflag:s14] =	ssyncadd.s32 $0xFFFFFB00  }
0x83: {  	_ =	swait.ge [sflag:s14], $0x500  }
0x84: {  	[sflag:s14] =	ssyncset.done $0x0  }
0x85: {  	[sflag:s14] =	ssyncadd.s32 $0xFFFFFB00  }
0x86: {  	_ =	swait.ge [sflag:s14], $0x500  }
0x87: {  	[sflag:s14] =	ssyncset.done $0x0  }
0x88: {  	[sflag:s14] =	ssyncadd.s32 $0xFFFFFB00  }
0x89: {  	_ =	swait.ge [sflag:s14], $0x500  }
0x8a: {  	[sflag:s14] =	ssyncset.done $0x0  }
0x8b: {  	[sflag:s14] =	ssyncadd.s32 $0xFFFFFB00  }
0x8c: {  	_ =	swait.ge [sflag:s14], $0x500  }
0x8d: {  	[sflag:s14] =	ssyncset.done $0x0  }
0x8e: {  	[sflag:s14] =	ssyncadd.s32 $0xFFFFFB00  }
0x8f: {  	_ =	swait.ge [sflag:s14], $0x500  }
0x90: {  	[sflag:s14] =	ssyncset.done $0x0  }
0x91: {  	[sflag:s14] =	ssyncadd.s32 $0xFFFFFB00  }
0x92: {  	_ =	swait.ge [sflag:s14], $0x500  }
0x93: {  	[sflag:s14] =	ssyncset.done $0x0  }
0x94: {  	[sflag:s14] =	ssyncadd.s32 $0xFFFFFB00  }
0x95: {  	_ =	swait.ge [sflag:s14], $0x500  }
0x96: {  	[sflag:s14] =	ssyncset.done $0x0  }
0x97: {  	[sflag:s14] =	ssyncadd.s32 $0xFFFFFB00  }
0x98: {  	_ =	swait.ge [sflag:s14], $0x500  }
0x99: {  	[sflag:s14] =	ssyncset.done $0x0  }
0x9a: {  	[sflag:s14] =	ssyncadd.s32 $0xFFFFFB00  }
0x9b: {  	_ =	swait.ge [sflag:s14], $0x500  }
0x9c: {  	[sflag:s14] =	ssyncset.done $0x0  }
0x9d: {  	[sflag:s14] =	ssyncadd.s32 $0xFFFFFB00  }
0x9e: {  	_ =	swait.ge [sflag:s14], $0x500  }
0x9f: {  	[sflag:s14] =	ssyncset.done $0x0  }
0xa0: {  	[sflag:s14] =	ssyncadd.s32 $0xFFFFFB00  }
0xa1: {  	_ =	swait.ge [sflag:s14], $0x500  }
0xa2: {  	[sflag:s14] =	ssyncset.done $0x0  }
0xa3: {  	[sflag:s14] =	ssyncadd.s32 $0xFFFFFB00  }
0xa4: {  	_ =	swait.ge [sflag:s14], $0x500  }
0xa5: {  	[sflag:s14] =	ssyncset.done $0x0  }
0xa6: {  	[sflag:s14] =	ssyncadd.s32 $0xFFFFFB00  }
0xa7: {  	_ =	swait.ge [sflag:s14], $0x500  }
0xa8: {  	[sflag:s14] =	ssyncset.done $0x0  }
0xa9: {  	[sflag:s14] =	ssyncadd.s32 $0xFFFFFB00  }
0xaa: {  	_ =	swait.ge [sflag:s14], $0x500  }
0xab: {  	[sflag:s14] =	ssyncset.done $0x0  }
0xac: {  	[sflag:s14] =	ssyncadd.s32 $0xFFFFFB00  }
0xad: {  	_ =	swait.ge [sflag:s14], $0x500  }
0xae: {  	s19 =	simm.s32 $0x3200;
	s22 =	simm.s32 $0x6400;
	[sflag:s14] =	ssyncset.done $0x0  }
.LBB2_6:
0xaf: {  	s21 =	sshra.s32 s19, $0x2  }
0xb0: {  	[sflag:s14] =	ssyncadd.s32 $0xFFFFFB00;
	s19 =	smov.u32 s22;
	s20 =	sadd.s32 $0x3200, s22  }
0xb1: {  	[spmem:s2] =	stream.indirect.scatter.add.f32 [tilespmem:s16], [sflag:$0x1], $0x10, s21, s15, $0xb8;
	[tilespmem:$0xD000] =	vst v63  }
0xb2: {  	p0 =	sne.s32 s22, $0xC800;
	s22 =	sadd.s32 $0x80, s21  }
0xb3: {  	[spmem:s2] =	stream.indirect.scatter.add.f32 [tilespmem:s16], [sflag:$0x1], $0x10, s22, s15, $0xb8;
	[tilespmem:$0xD000] =	vst v63  }
0xb4: {  	s22 =	sadd.s32 $0x100, s21  }
0xb5: {  	[spmem:s2] =	stream.indirect.scatter.add.f32 [tilespmem:s16], [sflag:$0x1], $0x10, s22, s15, $0xb8;
	[tilespmem:$0xD000] =	vst v63  }
0xb6: {  	s22 =	sadd.s32 $0x180, s21  }
0xb7: {  	[spmem:s2] =	stream.indirect.scatter.add.f32 [tilespmem:s16], [sflag:$0x1], $0x10, s22, s15, $0xb8;
	[tilespmem:$0xD000] =	vst v63  }
0xb8: {  	s22 =	sadd.s32 $0x200, s21  }
0xb9: {  	[spmem:s2] =	stream.indirect.scatter.add.f32 [tilespmem:s16], [sflag:$0x1], $0x10, s22, s15, $0xb8;
	[tilespmem:$0xD000] =	vst v63  }
0xba: {  	s22 =	sadd.s32 $0x280, s21  }
0xbb: {  	[spmem:s2] =	stream.indirect.scatter.add.f32 [tilespmem:s16], [sflag:$0x1], $0x10, s22, s15, $0xb8;
	[tilespmem:$0xD000] =	vst v63  }
0xbc: {  	s22 =	sadd.s32 $0x300, s21  }
0xbd: {  	[spmem:s2] =	stream.indirect.scatter.add.f32 [tilespmem:s16], [sflag:$0x1], $0x10, s22, s15, $0xb8;
	[tilespmem:$0xD000] =	vst v63  }
0xbe: {  	s22 =	sadd.s32 $0x380, s21  }
0xbf: {  	[spmem:s2] =	stream.indirect.scatter.add.f32 [tilespmem:s16], [sflag:$0x1], $0x10, s22, s15, $0xb8;
	[tilespmem:$0xD000] =	vst v63  }
0xc0: {  	s22 =	sadd.s32 $0x400, s21  }
0xc1: {  	[spmem:s2] =	stream.indirect.scatter.add.f32 [tilespmem:s16], [sflag:$0x1], $0x10, s22, s15, $0xb8;
	[tilespmem:$0xD000] =	vst v63  }
0xc2: {  	s22 =	sadd.s32 $0x480, s21  }
0xc3: {  	[spmem:s2] =	stream.indirect.scatter.add.f32 [tilespmem:s16], [sflag:$0x1], $0x10, s22, s15, $0xb8;
	[tilespmem:$0xD000] =	vst v63  }
0xc4: {  	s22 =	sadd.s32 $0x500, s21  }
0xc5: {  	[spmem:s2] =	stream.indirect.scatter.add.f32 [tilespmem:s16], [sflag:$0x1], $0x10, s22, s15, $0xb8;
	[tilespmem:$0xD000] =	vst v63  }
0xc6: {  	s22 =	sadd.s32 $0x580, s21  }
0xc7: {  	[spmem:s2] =	stream.indirect.scatter.add.f32 [tilespmem:s16], [sflag:$0x1], $0x10, s22, s15, $0xb8;
	[tilespmem:$0xD000] =	vst v63  }
0xc8: {  	s22 =	sadd.s32 $0x600, s21  }
0xc9: {  	[spmem:s2] =	stream.indirect.scatter.add.f32 [tilespmem:s16], [sflag:$0x1], $0x10, s22, s15, $0xb8;
	[tilespmem:$0xD000] =	vst v63  }
0xca: {  	s22 =	sadd.s32 $0x680, s21  }
0xcb: {  	[spmem:s2] =	stream.indirect.scatter.add.f32 [tilespmem:s16], [sflag:$0x1], $0x10, s22, s15, $0xb8;
	[tilespmem:$0xD000] =	vst v63  }
0xcc: {  	s22 =	sadd.s32 $0x700, s21  }
0xcd: {  	[spmem:s2] =	stream.indirect.scatter.add.f32 [tilespmem:s16], [sflag:$0x1], $0x10, s22, s15, $0xb8;
	[tilespmem:$0xD000] =	vst v63  }
0xce: {  	s22 =	sadd.s32 $0x780, s21  }
0xcf: {  	[spmem:s2] =	stream.indirect.scatter.add.f32 [tilespmem:s16], [sflag:$0x1], $0x10, s22, s15, $0xb8;
	[tilespmem:$0xD000] =	vst v63  }
0xd0: {  	s22 =	sadd.s32 $0x800, s21  }
0xd1: {  	[spmem:s2] =	stream.indirect.scatter.add.f32 [tilespmem:s16], [sflag:$0x1], $0x10, s22, s15, $0xb8;
	[tilespmem:$0xD000] =	vst v63  }
0xd2: {  	s22 =	sadd.s32 $0x880, s21  }
0xd3: {  	[spmem:s2] =	stream.indirect.scatter.add.f32 [tilespmem:s16], [sflag:$0x1], $0x10, s22, s15, $0xb8;
	[tilespmem:$0xD000] =	vst v63  }
0xd4: {  	s22 =	sadd.s32 $0x900, s21  }
0xd5: {  	[spmem:s2] =	stream.indirect.scatter.add.f32 [tilespmem:s16], [sflag:$0x1], $0x10, s22, s15, $0xb8;
	[tilespmem:$0xD000] =	vst v63  }
0xd6: {  	s22 =	sadd.s32 $0x980, s21  }
0xd7: {  	[spmem:s2] =	stream.indirect.scatter.add.f32 [tilespmem:s16], [sflag:$0x1], $0x10, s22, s15, $0xb8;
	[tilespmem:$0xD000] =	vst v63  }
0xd8: {  	s22 =	sadd.s32 $0xA00, s21  }
0xd9: {  	[spmem:s2] =	stream.indirect.scatter.add.f32 [tilespmem:s16], [sflag:$0x1], $0x10, s22, s15, $0xb8;
	[tilespmem:$0xD000] =	vst v63  }
0xda: {  	s22 =	sadd.s32 $0xA80, s21  }
0xdb: {  	[spmem:s2] =	stream.indirect.scatter.add.f32 [tilespmem:s16], [sflag:$0x1], $0x10, s22, s15, $0xb8;
	[tilespmem:$0xD000] =	vst v63  }
0xdc: {  	s22 =	sadd.s32 $0xB00, s21  }
0xdd: {  	[spmem:s2] =	stream.indirect.scatter.add.f32 [tilespmem:s16], [sflag:$0x1], $0x10, s22, s15, $0xb8;
	[tilespmem:$0xD000] =	vst v63  }
0xde: {  	s22 =	sadd.s32 $0xB80, s21  }
0xdf: {  	[spmem:s2] =	stream.indirect.scatter.add.f32 [tilespmem:s16], [sflag:$0x1], $0x10, s22, s15, $0xb8;
	[tilespmem:$0xD000] =	vst v63  }
0xe0: {  	s21 =	sadd.s32 $0xC00, s21  }
0xe1: {  	[spmem:s2] =	stream.indirect.scatter.add.f32 [tilespmem:s16], [sflag:$0x1], $0x10, s21, s15, $0xb8;
	[tilespmem:$0xD000] =	vst v63  }
0xe2: {  	_ =	swait.ge [sflag:s14], $0x500  }
0xe3: {  	[sflag:s14] =	ssyncset.done $0x0  }
0xe4: {  	[sflag:s14] =	ssyncadd.s32 $0xFFFFFB00  }
0xe5: {  	_ =	swait.ge [sflag:s14], $0x500  }
0xe6: {  	[sflag:s14] =	ssyncset.done $0x0  }
0xe7: {  	[sflag:s14] =	ssyncadd.s32 $0xFFFFFB00  }
0xe8: {  	_ =	swait.ge [sflag:s14], $0x500  }
0xe9: {  	[sflag:s14] =	ssyncset.done $0x0  }
0xea: {  	[sflag:s14] =	ssyncadd.s32 $0xFFFFFB00  }
0xeb: {  	_ =	swait.ge [sflag:s14], $0x500  }
0xec: {  	[sflag:s14] =	ssyncset.done $0x0  }
0xed: {  	[sflag:s14] =	ssyncadd.s32 $0xFFFFFB00  }
0xee: {  	_ =	swait.ge [sflag:s14], $0x500  }
0xef: {  	[sflag:s14] =	ssyncset.done $0x0  }
0xf0: {  	[sflag:s14] =	ssyncadd.s32 $0xFFFFFB00  }
0xf1: {  	_ =	swait.ge [sflag:s14], $0x500  }
0xf2: {  	[sflag:s14] =	ssyncset.done $0x0  }
0xf3: {  	[sflag:s14] =	ssyncadd.s32 $0xFFFFFB00  }
0xf4: {  	_ =	swait.ge [sflag:s14], $0x500  }
0xf5: {  	[sflag:s14] =	ssyncset.done $0x0  }
0xf6: {  	[sflag:s14] =	ssyncadd.s32 $0xFFFFFB00  }
0xf7: {  	_ =	swait.ge [sflag:s14], $0x500  }
0xf8: {  	[sflag:s14] =	ssyncset.done $0x0  }
0xf9: {  	[sflag:s14] =	ssyncadd.s32 $0xFFFFFB00  }
0xfa: {  	_ =	swait.ge [sflag:s14], $0x500  }
0xfb: {  	[sflag:s14] =	ssyncset.done $0x0  }
0xfc: {  	[sflag:s14] =	ssyncadd.s32 $0xFFFFFB00  }
0xfd: {  	_ =	swait.ge [sflag:s14], $0x500  }
0xfe: {  	[sflag:s14] =	ssyncset.done $0x0  }
0xff: {  	[sflag:s14] =	ssyncadd.s32 $0xFFFFFB00  }
0x100: {  	_ =	swait.ge [sflag:s14], $0x500  }
0x101: {  	[sflag:s14] =	ssyncset.done $0x0  }
0x102: {  	[sflag:s14] =	ssyncadd.s32 $0xFFFFFB00  }
0x103: {  	_ =	swait.ge [sflag:s14], $0x500  }
0x104: {  	[sflag:s14] =	ssyncset.done $0x0  }
0x105: {  	[sflag:s14] =	ssyncadd.s32 $0xFFFFFB00  }
0x106: {  	_ =	swait.ge [sflag:s14], $0x500  }
0x107: {  	[sflag:s14] =	ssyncset.done $0x0  }
0x108: {  	[sflag:s14] =	ssyncadd.s32 $0xFFFFFB00  }
0x109: {  	_ =	swait.ge [sflag:s14], $0x500  }
0x10a: {  	[sflag:s14] =	ssyncset.done $0x0  }
0x10b: {  	[sflag:s14] =	ssyncadd.s32 $0xFFFFFB00  }
0x10c: {  	_ =	swait.ge [sflag:s14], $0x500  }
0x10d: {  	[sflag:s14] =	ssyncset.done $0x0  }
0x10e: {  	[sflag:s14] =	ssyncadd.s32 $0xFFFFFB00  }
0x10f: {  	_ =	swait.ge [sflag:s14], $0x500  }
0x110: {  	[sflag:s14] =	ssyncset.done $0x0  }
0x111: {  	[sflag:s14] =	ssyncadd.s32 $0xFFFFFB00  }
0x112: {  	_ =	swait.ge [sflag:s14], $0x500  }
0x113: {  	[sflag:s14] =	ssyncset.done $0x0  }
0x114: {  	[sflag:s14] =	ssyncadd.s32 $0xFFFFFB00  }
0x115: {  	_ =	swait.ge [sflag:s14], $0x500  }
0x116: {  	[sflag:s14] =	ssyncset.done $0x0  }
0x117: {  	[sflag:s14] =	ssyncadd.s32 $0xFFFFFB00  }
0x118: {  	_ =	swait.ge [sflag:s14], $0x500  }
0x119: {  	[sflag:s14] =	ssyncset.done $0x0  }
0x11a: {  	[sflag:s14] =	ssyncadd.s32 $0xFFFFFB00  }
0x11b: {  	_ =	swait.ge [sflag:s14], $0x500  }
0x11c: {  	[sflag:s14] =	ssyncset.done $0x0  }
0x11d: {  	[sflag:s14] =	ssyncadd.s32 $0xFFFFFB00  }
0x11e: {  	_ =	swait.ge [sflag:s14], $0x500  }
0x11f: {  	[sflag:s14] =	ssyncset.done $0x0  }
0x120: {  	[sflag:s14] =	ssyncadd.s32 $0xFFFFFB00  }
0x121: {  	_ =	swait.ge [sflag:s14], $0x500  }
0x122: {  	[sflag:s14] =	ssyncset.done $0x0  }
0x123: {  	[sflag:s14] =	ssyncadd.s32 $0xFFFFFB00  }
0x124: {  	_ =	swait.ge [sflag:s14], $0x500  }
0x125: {  	[sflag:s14] =	ssyncset.done $0x0  }
0x126: {  	[sflag:s14] =	ssyncadd.s32 $0xFFFFFB00  }
.Ltmp2:
0x127: {  	_ =	swait.ge [sflag:s14], $0x500;
	(pc) =	sbr.rel @p0 .LBB2_6-.Ltmp2, $4  }
0x128: {  	[sflag:s14] =	ssyncset.done $0x0  }
0x129: {  	[sflag:s14] =	ssyncadd.s32 $0xFFFFFB00  }
0x12a: {  	_ =	swait.ge [sflag:s14], $0x500  }
0x12b: {  	s22 =	smov.u32 s20;
	[sflag:s14] =	ssyncset.done $0x0  }
0x12c: {  	s19 =	sshra.s32 s19, $0x2;
	[sflag:s14] =	ssyncadd.s32 $0xFFFFFB00  }
0x12d: {  	[spmem:s2] =	stream.indirect.scatter.add.f32 [tilespmem:s16], [sflag:$0x1], $0x10, s19, s15, $0xb8;
	[tilespmem:$0xD000] =	vst v63  }
0x12e: {  	s20 =	sadd.s32 $0x80, s19  }
0x12f: {  	[spmem:s2] =	stream.indirect.scatter.add.f32 [tilespmem:s16], [sflag:$0x1], $0x10, s20, s15, $0xb8;
	[tilespmem:$0xD000] =	vst v63  }
0x130: {  	s30 =	sadd.s32 $0x100, s19  }
0x131: {  	[spmem:s2] =	stream.indirect.scatter.add.f32 [tilespmem:s16], [sflag:$0x1], $0x10, s30, s15, $0xb8;
	[tilespmem:$0xD000] =	vst v63  }
0x132: {  	s31 =	sadd.s32 $0x180, s19  }
0x133: {  	[spmem:s2] =	stream.indirect.scatter.add.f32 [tilespmem:s16], [sflag:$0x1], $0x10, s31, s15, $0xb8;
	[tilespmem:$0xD000] =	vst v63  }
0x134: {  	s21 =	sadd.s32 $0x200, s19  }
0x135: {  	[spmem:s2] =	stream.indirect.scatter.add.f32 [tilespmem:s16], [sflag:$0x1], $0x10, s21, s15, $0xb8;
	[tilespmem:$0xD000] =	vst v63  }
0x136: {  	s22 =	sadd.s32 $0x280, s19  }
0x137: {  	[spmem:s2] =	stream.indirect.scatter.add.f32 [tilespmem:s16], [sflag:$0x1], $0x10, s22, s15, $0xb8;
	[tilespmem:$0xD000] =	vst v63  }
0x138: {  	s23 =	sadd.s32 $0x300, s19  }
0x139: {  	[spmem:s2] =	stream.indirect.scatter.add.f32 [tilespmem:s16], [sflag:$0x1], $0x10, s23, s15, $0xb8;
	[tilespmem:$0xD000] =	vst v63  }
0x13a: {  	s24 =	sadd.s32 $0x380, s19  }
0x13b: {  	[spmem:s2] =	stream.indirect.scatter.add.f32 [tilespmem:s16], [sflag:$0x1], $0x10, s24, s15, $0xb8;
	[tilespmem:$0xD000] =	vst v63  }
0x13c: {  	s25 =	sadd.s32 $0x400, s19  }
0x13d: {  	[spmem:s2] =	stream.indirect.scatter.add.f32 [tilespmem:s16], [sflag:$0x1], $0x10, s25, s15, $0xb8;
	[tilespmem:$0xD000] =	vst v63  }
0x13e: {  	s26 =	sadd.s32 $0x480, s19  }
0x13f: {  	[spmem:s2] =	stream.indirect.scatter.add.f32 [tilespmem:s16], [sflag:$0x1], $0x10, s26, s15, $0xb8;
	[tilespmem:$0xD000] =	vst v63  }
0x140: {  	s28 =	sadd.s32 $0x500, s19  }
0x141: {  	[spmem:s2] =	stream.indirect.scatter.add.f32 [tilespmem:s16], [sflag:$0x1], $0x10, s28, s15, $0xb8;
	[tilespmem:$0xD000] =	vst v63  }
0x142: {  	s29 =	sadd.s32 $0x580, s19  }
0x143: {  	[spmem:s2] =	stream.indirect.scatter.add.f32 [tilespmem:s16], [sflag:$0x1], $0x10, s29, s15, $0xb8;
	[tilespmem:$0xD000] =	vst v63  }
0x144: {  	s30 =	sadd.s32 $0x600, s19  }
0x145: {  	[spmem:s2] =	stream.indirect.scatter.add.f32 [tilespmem:s16], [sflag:$0x1], $0x10, s30, s15, $0xb8;
	[tilespmem:$0xD000] =	vst v63  }
0x146: {  	s31 =	sadd.s32 $0x680, s19  }
0x147: {  	[spmem:s2] =	stream.indirect.scatter.add.f32 [tilespmem:s16], [sflag:$0x1], $0x10, s31, s15, $0xb8;
	[tilespmem:$0xD000] =	vst v63  }
0x148: {  	s21 =	sadd.s32 $0x700, s19  }
0x149: {  	[spmem:s2] =	stream.indirect.scatter.add.f32 [tilespmem:s16], [sflag:$0x1], $0x10, s21, s15, $0xb8;
	[tilespmem:$0xD000] =	vst v63  }
0x14a: {  	s22 =	sadd.s32 $0x780, s19  }
0x14b: {  	[spmem:s2] =	stream.indirect.scatter.add.f32 [tilespmem:s16], [sflag:$0x1], $0x10, s22, s15, $0xb8;
	[tilespmem:$0xD000] =	vst v63  }
0x14c: {  	s23 =	sadd.s32 $0x800, s19  }
0x14d: {  	[spmem:s2] =	stream.indirect.scatter.add.f32 [tilespmem:s16], [sflag:$0x1], $0x10, s23, s15, $0xb8;
	[tilespmem:$0xD000] =	vst v63  }
0x14e: {  	s24 =	sadd.s32 $0x880, s19  }
0x14f: {  	[spmem:s2] =	stream.indirect.scatter.add.f32 [tilespmem:s16], [sflag:$0x1], $0x10, s24, s15, $0xb8;
	[tilespmem:$0xD000] =	vst v63  }
0x150: {  	s25 =	sadd.s32 $0x900, s19  }
0x151: {  	[spmem:s2] =	stream.indirect.scatter.add.f32 [tilespmem:s16], [sflag:$0x1], $0x10, s25, s15, $0xb8;
	[tilespmem:$0xD000] =	vst v63  }
0x152: {  	s26 =	sadd.s32 $0x980, s19  }
0x153: {  	[spmem:s2] =	stream.indirect.scatter.add.f32 [tilespmem:s16], [sflag:$0x1], $0x10, s26, s15, $0xb8;
	[tilespmem:$0xD000] =	vst v63  }
0x154: {  	s28 =	sadd.s32 $0xA00, s19  }
0x155: {  	[spmem:s2] =	stream.indirect.scatter.add.f32 [tilespmem:s16], [sflag:$0x1], $0x10, s28, s15, $0xb8;
	[tilespmem:$0xD000] =	vst v63  }
0x156: {  	s29 =	sadd.s32 $0xA80, s19  }
0x157: {  	[spmem:s2] =	stream.indirect.scatter.add.f32 [tilespmem:s16], [sflag:$0x1], $0x10, s29, s15, $0xb8;
	[tilespmem:$0xD000] =	vst v63  }
0x158: {  	s30 =	sadd.s32 $0xB00, s19  }
0x159: {  	[spmem:s2] =	stream.indirect.scatter.add.f32 [tilespmem:s16], [sflag:$0x1], $0x10, s30, s15, $0xb8;
	[tilespmem:$0xD000] =	vst v63  }
0x15a: {  	s31 =	sadd.s32 $0xB80, s19  }
0x15b: {  	[spmem:s2] =	stream.indirect.scatter.add.f32 [tilespmem:s16], [sflag:$0x1], $0x10, s31, s15, $0xb8;
	[tilespmem:$0xD000] =	vst v63  }
0x15c: {  	s19 =	sadd.s32 $0xC00, s19  }
0x15d: {  	[spmem:s2] =	stream.indirect.scatter.add.f32 [tilespmem:s16], [sflag:$0x1], $0x10, s19, s15, $0xb8;
	[tilespmem:$0xD000] =	vst v63  }
0x15e: {  	_ =	swait.ge [sflag:s14], $0x500  }
0x15f: {  	[sflag:s14] =	ssyncset.done $0x0  }
0x160: {  	[sflag:s14] =	ssyncadd.s32 $0xFFFFFB00  }
0x161: {  	_ =	swait.ge [sflag:s14], $0x500  }
0x162: {  	[sflag:s14] =	ssyncset.done $0x0  }
0x163: {  	[sflag:s14] =	ssyncadd.s32 $0xFFFFFB00  }
0x164: {  	_ =	swait.ge [sflag:s14], $0x500  }
0x165: {  	[sflag:s14] =	ssyncset.done $0x0  }
0x166: {  	[sflag:s14] =	ssyncadd.s32 $0xFFFFFB00  }
0x167: {  	_ =	swait.ge [sflag:s14], $0x500  }
0x168: {  	[sflag:s14] =	ssyncset.done $0x0  }
0x169: {  	[sflag:s14] =	ssyncadd.s32 $0xFFFFFB00  }
0x16a: {  	_ =	swait.ge [sflag:s14], $0x500  }
0x16b: {  	[sflag:s14] =	ssyncset.done $0x0  }
0x16c: {  	[sflag:s14] =	ssyncadd.s32 $0xFFFFFB00  }
0x16d: {  	_ =	swait.ge [sflag:s14], $0x500  }
0x16e: {  	[sflag:s14] =	ssyncset.done $0x0  }
0x16f: {  	[sflag:s14] =	ssyncadd.s32 $0xFFFFFB00  }
0x170: {  	_ =	swait.ge [sflag:s14], $0x500  }
0x171: {  	[sflag:s14] =	ssyncset.done $0x0  }
0x172: {  	[sflag:s14] =	ssyncadd.s32 $0xFFFFFB00  }
0x173: {  	_ =	swait.ge [sflag:s14], $0x500  }
0x174: {  	[sflag:s14] =	ssyncset.done $0x0  }
0x175: {  	[sflag:s14] =	ssyncadd.s32 $0xFFFFFB00  }
0x176: {  	_ =	swait.ge [sflag:s14], $0x500  }
0x177: {  	[sflag:s14] =	ssyncset.done $0x0  }
0x178: {  	[sflag:s14] =	ssyncadd.s32 $0xFFFFFB00  }
0x179: {  	_ =	swait.ge [sflag:s14], $0x500  }
0x17a: {  	[sflag:s14] =	ssyncset.done $0x0  }
0x17b: {  	[sflag:s14] =	ssyncadd.s32 $0xFFFFFB00  }
0x17c: {  	_ =	swait.ge [sflag:s14], $0x500  }
0x17d: {  	[sflag:s14] =	ssyncset.done $0x0  }
0x17e: {  	[sflag:s14] =	ssyncadd.s32 $0xFFFFFB00  }
0x17f: {  	_ =	swait.ge [sflag:s14], $0x500  }
0x180: {  	[sflag:s14] =	ssyncset.done $0x0  }
0x181: {  	[sflag:s14] =	ssyncadd.s32 $0xFFFFFB00  }
0x182: {  	_ =	swait.ge [sflag:s14], $0x500  }
0x183: {  	[sflag:s14] =	ssyncset.done $0x0  }
0x184: {  	[sflag:s14] =	ssyncadd.s32 $0xFFFFFB00  }
0x185: {  	_ =	swait.ge [sflag:s14], $0x500  }
0x186: {  	[sflag:s14] =	ssyncset.done $0x0  }
0x187: {  	[sflag:s14] =	ssyncadd.s32 $0xFFFFFB00  }
0x188: {  	_ =	swait.ge [sflag:s14], $0x500  }
0x189: {  	[sflag:s14] =	ssyncset.done $0x0  }
0x18a: {  	[sflag:s14] =	ssyncadd.s32 $0xFFFFFB00  }
0x18b: {  	_ =	swait.ge [sflag:s14], $0x500  }
0x18c: {  	[sflag:s14] =	ssyncset.done $0x0  }
0x18d: {  	[sflag:s14] =	ssyncadd.s32 $0xFFFFFB00  }
0x18e: {  	_ =	swait.ge [sflag:s14], $0x500  }
0x18f: {  	[sflag:s14] =	ssyncset.done $0x0  }
0x190: {  	[sflag:s14] =	ssyncadd.s32 $0xFFFFFB00  }
0x191: {  	_ =	swait.ge [sflag:s14], $0x500  }
0x192: {  	[sflag:s14] =	ssyncset.done $0x0  }
0x193: {  	[sflag:s14] =	ssyncadd.s32 $0xFFFFFB00  }
0x194: {  	_ =	swait.ge [sflag:s14], $0x500  }
0x195: {  	[sflag:s14] =	ssyncset.done $0x0  }
0x196: {  	[sflag:s14] =	ssyncadd.s32 $0xFFFFFB00  }
0x197: {  	_ =	swait.ge [sflag:s14], $0x500  }
0x198: {  	[sflag:s14] =	ssyncset.done $0x0  }
0x199: {  	[sflag:s14] =	ssyncadd.s32 $0xFFFFFB00  }
0x19a: {  	_ =	swait.ge [sflag:s14], $0x500  }
0x19b: {  	[sflag:s14] =	ssyncset.done $0x0  }
0x19c: {  	[sflag:s14] =	ssyncadd.s32 $0xFFFFFB00  }
0x19d: {  	_ =	swait.ge [sflag:s14], $0x500  }
0x19e: {  	[sflag:s14] =	ssyncset.done $0x0  }
0x19f: {  	[sflag:s14] =	ssyncadd.s32 $0xFFFFFB00  }
0x1a0: {  	_ =	swait.ge [sflag:s14], $0x500  }
0x1a1: {  	[sflag:s14] =	ssyncset.done $0x0  }
0x1a2: {  	[sflag:s14] =	ssyncadd.s32 $0xFFFFFB00  }
0x1a3: {  	_ =	swait.ge [sflag:s14], $0x500  }
0x1a4: {  	[sflag:s14] =	ssyncset.done $0x0  }
0x1a5: {  	[sflag:s14] =	ssyncadd.s32 $0xFFFFFB00  }
0x1a6: {  	_ =	swait.ge [sflag:s14], $0x500  }
0x1a7: {  	s3 =	sadd.s32 $0x1, s3;
	[sflag:s14] =	ssyncset.done $0x0  }
0x1a8: {  	p0 =	sne.s32 s3, s11;
	[sflag:s14] =	ssyncadd.s32 $0xFFFFFB00  }
.Ltmp3:
0x1a9: {  	[bflag:$0x0] =	sbarrier.arrive $0xFFFF;
	(pc) =	sbr.rel @p0 .LBB2_1-.Ltmp3, $4  }
0x1aa: {  	[hbm:s10], [sflag:s17] =	dma.local [spmem:s18], $0x2800  }
0x1ab: {  	_ =	swait.ge [sflag:s13], $0x2800  }
0x1ac: {  	[sflag:s13] =	ssyncset.done $0x0  }
0x1ad: {  	[sflag:s13] =	ssyncadd.s32 $0xFFFFD800  }
0x1ae: {  	_ =	sfence.sel $0x180000  }
0x1af: {  	[bflag:$0x0] =	sbarrier.arrive $0xFFFF  }
0x1b0: {  	p0 =	sne.s32 s0, $0x0;
	_ =	strace $0x90000047  }
0x1b1: {  	s0 =	sadd.s32 @!p0 $0x100000, s1;
	[bflag:$0x2] =	sbarrier.arrive $0xFFFF  }
0x1b2: {  	[sflag:s0] =	ssyncadd.tile.s32 @!p0 $0x1;
	_ =	shalt  }
.Lfunc_end2:
_tile_overlayer_lowered:
.L_overlay_start_2:
0x1b3: {  	(tag) =	ssettag $0x2  }
0x1b4: {  	s0 =	rddreg [dreg:$0x0];
	s2 =	stileid.u32  }
0x1b5: {  	s1 =	rddreg [dreg:$0x1];
	p0 =	sne.s32 s2, $0x0  }
0x1b6: {  	s3 =	rddreg [dreg:$0x2];
	[bflag:$0x3] =	sbarrier.arrive $0xFFFF;
	s2 =	simm.s32 @!p0 $0x1C02  }
0x1b7: {  	[timem:s3], [sflag:s2] =	dma.local @!p0 [hbm:s0], s1  }
0x1b8: {  	s0 =	simm.s32 @!p0 $0x2  }
0x1b9: {  	_ =	swait.ge @!p0 [sflag:s0], s1  }
0x1ba: {  	s1 =	ssub.s32 @!p0 $0x0, s1;
	[sflag:s0] =	ssyncset.done @!p0 $0x0  }
0x1bb: {  	[sflag:s0] =	ssyncadd.s32 @!p0 s1  }
0x1bc: {  	[bflag:$0x3] =	sbarrier.arrive $0xFFFF  }
0x1bd: {  	_ =	shalt  }

</sc_bundles>
